<compile_context>
chip_gen: v7x
topology: tpu7x:2x2x1
jax: 0.10.2.dev20260603
libtpu: 0.0.44.dev20260713+nightly
codegen_flags: <defaults>
</compile_context>

<pallas_src>
import functools

import jax
import jax.numpy as jnp
from jax import lax
from jax.experimental import pallas as pl
from jax.experimental.pallas import tpu as pltpu
from jax.experimental.pallas import tpu_sc as plsc

N = 10000
N0 = 5000
NINF = 5000
E = 160000
HID = 128
DOF = 16
ZD = HID + DOF
LH = 2 * ZD
PADLH = 384
NUM_ELEMENTS = 100
MAX_NUM_ATOMS = 20

NC = 2
NS = 16
NW = NC * NS

PAD0 = 5120
W0 = PAD0 // NW
PADN = 10240
WN = PADN // NW
GC = 80

EC = 40
EPAD = E
EPW = EPAD // NW
NCHUNK = EPW // EC
ROWS_PER_TILE = PADN // NS
ZCH = 128
F32 = jnp.float32

_mesh = plsc.VectorSubcoreMesh(core_axis_name="c", subcore_axis_name="s")


_GD = lax.GatherDimensionNumbers(
    offset_dims=(), collapsed_slice_dims=(0,), start_index_map=(0,))


def _lane_sum(v):
    i = lax.iota(jnp.int32, 16)
    for step in (8, 4, 2, 1):
        idx = jnp.bitwise_xor(i, step).reshape(16, 1)
        v = v + lax.gather(v, idx, _GD, (1,),
                           mode=lax.GatherScatterMode.PROMISE_IN_BOUNDS)
    return v


@functools.partial(
    pl.kernel,
    mesh=_mesh,
    out_type=(
        jax.ShapeDtypeStruct((PAD0, HID), F32),
        jax.ShapeDtypeStruct((PADN, DOF), F32),
    ),
    scratch_types=[
        pltpu.VMEM((GC,), jnp.int32),
        pltpu.VMEM((GC, HID), F32),
        pltpu.VMEM((GC,), jnp.int32),
        pltpu.VMEM((GC,), jnp.int32),
        pltpu.VMEM((GC,), jnp.int32),
        pltpu.VMEM((GC,), jnp.int32),
        pltpu.VMEM((GC, HID), F32),
        pltpu.VMEM((GC, HID), F32),
        pltpu.VMEM((GC, HID), F32),
        pltpu.VMEM((GC, HID), F32),
        pltpu.VMEM((GC, DOF), F32),
        pltpu.SemaphoreType.DMA,
    ],
)
def _init_gather_kernel(x0_hbm, zd_hbm, wp_hbm, sg_hbm, t_hbm,
                        zemb_hbm, demb_hbm, pemb_hbm, semb_hbm,
                        temb_hbm, he_hbm, hdof_hbm,
                        x0i, hebuf,
                        i1, i2, i3, i4, g1, g2, g3, g4, ob, sem):
    c = lax.axis_index("c")
    s = lax.axis_index("s")
    wid = s * NC + c

    def he_body(k, _):
        b0 = wid * W0 + k * GC
        pltpu.sync_copy(x0_hbm.at[pl.ds(b0, GC)], x0i)
        pltpu.async_copy(zemb_hbm.at[x0i], hebuf, sem).wait()
        pltpu.sync_copy(hebuf, he_hbm.at[pl.ds(b0, GC)])
        return 0
    lax.fori_loop(0, W0 // GC, he_body, 0)

    def hd_body(k, _):
        bn = wid * WN + k * GC
        pltpu.sync_copy(zd_hbm.at[pl.ds(bn, GC)], i1)
        pltpu.sync_copy(wp_hbm.at[pl.ds(bn, GC)], i2)
        pltpu.sync_copy(sg_hbm.at[pl.ds(bn, GC)], i3)
        pltpu.sync_copy(t_hbm.at[pl.ds(bn, GC)], i4)
        cp1 = pltpu.async_copy(demb_hbm.at[i1], g1, sem)
        cp2 = pltpu.async_copy(pemb_hbm.at[i2], g2, sem)
        cp3 = pltpu.async_copy(semb_hbm.at[i3], g3, sem)
        cp4 = pltpu.async_copy(temb_hbm.at[i4], g4, sem)
        cp1.wait(); cp2.wait(); cp3.wait(); cp4.wait()

        def add_body(i, _):
            ob[i, pl.ds(0, 16)] = (g1[i, pl.ds(0, 16)] + g2[i, pl.ds(0, 16)]
                                   + g3[i, pl.ds(0, 16)] + g4[i, pl.ds(0, 16)])
            return 0
        lax.fori_loop(0, GC, add_body, 0)
        pltpu.sync_copy(ob, hdof_hbm.at[pl.ds(bn, GC)])
        return 0
    lax.fori_loop(0, WN // GC, hd_body, 0)


@functools.partial(
    pl.kernel,
    mesh=_mesh,
    out_type=jax.ShapeDtypeStruct((NC, PADN, HID), F32),
    scratch_types=[
        pltpu.VMEM((EC,), jnp.int32),
        pltpu.VMEM((EC,), jnp.int32),
        pltpu.VMEM((EC, PADLH), F32),
        pltpu.VMEM((EC, PADLH), F32),
        pltpu.VMEM((EC, HID), F32),
        pltpu.VMEM((EC, HID), F32),
        pltpu.VMEM((LH,), F32),
        pltpu.VMEM((16,), F32),
        pltpu.VMEM_SHARED((PADN, HID), F32),
        pltpu.SemaphoreType.DMA,
    ],
)
def _edge_kernel(src_hbm, dst_hbm, ud_hbm, us_hbm, psi_hbm, w2_hbm, ab2_hbm,
                 zrows_hbm, agg_hbm,
                 sidx, didx, Db, Sb, Pb, Ob, w2s, ab2s, shared, sem):
    c = lax.axis_index("c")
    s = lax.axis_index("s")

    def z_body(k, _):
        pltpu.sync_copy(zrows_hbm, shared.at[pl.ds(s * ROWS_PER_TILE + k * ZCH, ZCH)])
        return 0
    lax.fori_loop(0, ROWS_PER_TILE // ZCH, z_body, 0)
    pltpu.sync_copy(w2_hbm, w2s)
    pltpu.sync_copy(ab2_hbm, ab2s)
    plsc.subcore_barrier()

    w2v = [w2s[pl.ds(16 * j, 16)] for j in range(LH // 16)]
    ab2v = ab2s[pl.ds(0, 16)]
    base = (c * NS + s) * EPW

    def chunk_body(k, _):
        b = base + k * EC
        pltpu.sync_copy(src_hbm.at[pl.ds(b, EC)], sidx)
        pltpu.sync_copy(dst_hbm.at[pl.ds(b, EC)], didx)
        cp1 = pltpu.async_copy(ud_hbm.at[didx], Db, sem)
        cp2 = pltpu.async_copy(us_hbm.at[sidx], Sb, sem)
        cp3 = pltpu.async_copy(psi_hbm.at[sidx], Pb, sem)
        cp1.wait(); cp2.wait(); cp3.wait()

        def edge_body(e, _):
            acc = w2v[0] * jnp.maximum(Db[e, pl.ds(0, 16)] + Sb[e, pl.ds(0, 16)], 0.0)
            for j in range(1, LH // 16):
                acc = acc + w2v[j] * jnp.maximum(
                    Db[e, pl.ds(16 * j, 16)] + Sb[e, pl.ds(16 * j, 16)], 0.0)
            av = _lane_sum(acc) + ab2v
            for j in range(HID // 16):
                Ob[e, pl.ds(16 * j, 16)] = Pb[e, pl.ds(16 * j, 16)] * av
            return 0
        lax.fori_loop(0, EC, edge_body, 0)
        pltpu.sync_copy(Ob, shared.at[didx], add=True)
        return 0
    lax.fori_loop(0, NCHUNK, chunk_body, 0)
    plsc.subcore_barrier()

    def wb_body(k, _):
        r = s * ROWS_PER_TILE + k * ZCH
        pltpu.sync_copy(shared.at[pl.ds(r, ZCH)], agg_hbm.at[c, pl.ds(r, ZCH)])
        return 0
    lax.fori_loop(0, ROWS_PER_TILE // ZCH, wb_body, 0)


def _inf_lin_body(x_ref, tab_ref, w_ref, b_ref, o_ref):
    x = x_ref[...]
    feat = jnp.zeros(x.shape, F32)
    for v in range(MAX_NUM_ATOMS + 1):
        feat = jnp.where(x == v, tab_ref[0, v], feat)
    o_ref[...] = jnp.dot(feat, w_ref[...],
                         preferred_element_type=F32) + b_ref[...]


def _psi_mask(i, psi):
    row = i * psi.shape[0] + lax.broadcasted_iota(jnp.int32, (psi.shape[0], 1), 0)
    return jnp.where(row < N, psi, 0.0)


def _dense_body(h_ref, hd_ref, w1h_ref, w1d_ref, b1_ref, pw2_ref, pb2_ref,
                ud_ref, us_ref, psi_ref):
    t = (jnp.dot(h_ref[...], w1h_ref[...], preferred_element_type=F32)
         + jnp.dot(hd_ref[...], w1d_ref[...], preferred_element_type=F32)
         + b1_ref[...])
    z96 = jnp.zeros((t.shape[0], PADLH - LH), F32)
    ud_ref[...] = jnp.concatenate([t[:, :LH], z96], axis=1)
    us_ref[...] = jnp.concatenate([t[:, LH:2 * LH], z96], axis=1)
    psi = jnp.dot(jnp.maximum(t[:, 2 * LH:], 0.0), pw2_ref[...],
                  preferred_element_type=F32) + pb2_ref[...]
    psi_ref[...] = _psi_mask(pl.program_id(0), psi)


def _dense_agg_body(h_ref, a_ref, hd_ref, w1h_ref, w1d_ref, b1_ref,
                    pw2_ref, pb2_ref, ud_ref, us_ref, psi_ref, hout_ref):
    hb = jnp.maximum(h_ref[...] + a_ref[0] + a_ref[1], 0.0)
    hout_ref[...] = hb
    t = (jnp.dot(hb, w1h_ref[...], preferred_element_type=F32)
         + jnp.dot(hd_ref[...], w1d_ref[...], preferred_element_type=F32)
         + b1_ref[...])
    z96 = jnp.zeros((t.shape[0], PADLH - LH), F32)
    ud_ref[...] = jnp.concatenate([t[:, :LH], z96], axis=1)
    us_ref[...] = jnp.concatenate([t[:, LH:2 * LH], z96], axis=1)
    psi = jnp.dot(jnp.maximum(t[:, 2 * LH:], 0.0), pw2_ref[...],
                  preferred_element_type=F32) + pb2_ref[...]
    psi_ref[...] = _psi_mask(pl.program_id(0), psi)


def _final_body(h_ref, a_ref, zw1_ref, zb1_ref, zw2_ref, zb2_ref,
                iw1_ref, ib1_ref, iw2_ref, ib2_ref, oz_ref, oi_ref):
    hb = jnp.maximum(h_ref[...] + a_ref[0] + a_ref[1], 0.0)
    he = hb[:, 0, :]
    ho = hb[:, 1, :]
    zh = jnp.maximum(jnp.dot(he, zw1_ref[...], preferred_element_type=F32)
                     + zb1_ref[...], 0.0)
    oz_ref[...] = jnp.dot(zh, zw2_ref[...], preferred_element_type=F32) + zb2_ref[...]
    ih = jnp.maximum(jnp.dot(ho, iw1_ref[...], preferred_element_type=F32)
                     + ib1_ref[...], 0.0)
    oi_ref[...] = jnp.dot(ih, iw2_ref[...], preferred_element_type=F32) + ib2_ref[...]


def _full(shape):
    return pl.BlockSpec(shape, lambda i: (0,) * len(shape))


def _rows(block, width):
    return pl.BlockSpec((block, width), lambda i: (i, 0))


def _inf_lin(x, tab, w, b):
    B = 1000
    return pl.pallas_call(
        _inf_lin_body,
        grid=(NINF // B,),
        in_specs=[_rows(B, NUM_ELEMENTS), _full((1, MAX_NUM_ATOMS + 1)),
                  _full((NUM_ELEMENTS, HID)), _full((1, HID))],
        out_specs=_rows(B, HID),
        out_shape=jax.ShapeDtypeStruct((NINF, HID), F32),
    )(x, tab, w, b)


def _dense(h, hdof, w1h, w1d, b1, pw2, pb2):
    B = 1024
    return pl.pallas_call(
        _dense_body,
        grid=(PADN // B,),
        in_specs=[_rows(B, HID), _rows(B, DOF), _full((HID, 3 * LH)),
                  _full((DOF, 3 * LH)), _full((1, 3 * LH)),
                  _full((LH, HID)), _full((1, HID))],
        out_specs=[_rows(B, PADLH), _rows(B, PADLH), _rows(B, HID)],
        out_shape=[jax.ShapeDtypeStruct((PADN, PADLH), F32),
                   jax.ShapeDtypeStruct((PADN, PADLH), F32),
                   jax.ShapeDtypeStruct((PADN, HID), F32)],
    )(h, hdof, w1h, w1d, b1, pw2, pb2)


def _dense_agg(h, agg, hdof, w1h, w1d, b1, pw2, pb2):
    B = 1024
    return pl.pallas_call(
        _dense_agg_body,
        grid=(PADN // B,),
        in_specs=[_rows(B, HID),
                  pl.BlockSpec((NC, B, HID), lambda i: (0, i, 0)),
                  _rows(B, DOF), _full((HID, 3 * LH)),
                  _full((DOF, 3 * LH)), _full((1, 3 * LH)),
                  _full((LH, HID)), _full((1, HID))],
        out_specs=[_rows(B, PADLH), _rows(B, PADLH), _rows(B, HID), _rows(B, HID)],
        out_shape=[jax.ShapeDtypeStruct((PADN, PADLH), F32),
                   jax.ShapeDtypeStruct((PADN, PADLH), F32),
                   jax.ShapeDtypeStruct((PADN, HID), F32),
                   jax.ShapeDtypeStruct((PADN, HID), F32)],
    )(h, agg, hdof, w1h, w1d, b1, pw2, pb2)


def _final(h, agg, p):
    B = 1000
    G = NUM_ELEMENTS * (MAX_NUM_ATOMS + 1)
    h3 = h[:N].reshape(N0, 2, HID)
    a3 = agg.reshape(NC, PADN // 2, 2, HID)
    return pl.pallas_call(
        _final_body,
        grid=(N0 // B,),
        in_specs=[pl.BlockSpec((B, 2, HID), lambda i: (i, 0, 0)),
                  pl.BlockSpec((NC, B, 2, HID), lambda i: (0, i, 0, 0)),
                  _full((HID, 2 * HID)), _full((1, 2 * HID)),
                  _full((2 * HID, NUM_ELEMENTS + 1)), _full((1, NUM_ELEMENTS + 1)),
                  _full((HID, 2 * HID)), _full((1, 2 * HID)),
                  _full((2 * HID, G)), _full((1, G))],
        out_specs=[_rows(B, NUM_ELEMENTS + 1), _rows(B, G)],
        out_shape=[jax.ShapeDtypeStruct((N0, NUM_ELEMENTS + 1), F32),
                   jax.ShapeDtypeStruct((N0, G), F32)],
    )(h3, a3,
      p['zW1'], p['zb1'][None], p['zW2'], p['zb2'][None],
      p['iW1'], p['ib1'][None], p['iW2'], p['ib2'][None])


def kernel(zero_dof, x_0_dof, x_inf_dof, wyckoff_pos_idx, space_group,
           num_pos, t, edge_index, params):
    p = params

    x0p = jnp.zeros((PAD0,), jnp.int32).at[:N0].set(x_0_dof.astype(jnp.int32))
    zdp = jnp.zeros((PADN,), jnp.int32).at[:N].set(zero_dof.astype(jnp.int32))
    wpp = jnp.zeros((PADN,), jnp.int32).at[:N].set(wyckoff_pos_idx.astype(jnp.int32))
    sgp = jnp.zeros((PADN,), jnp.int32).at[:N].set(space_group.astype(jnp.int32))
    tp = jnp.zeros((PADN,), jnp.int32).at[:N].set(t.astype(jnp.int32))

    def _padw(tab):
        return jnp.pad(tab, ((0, 0), (0, HID - DOF)))

    hep, hdofp = _init_gather_kernel(
        x0p, zdp, wpp, sgp, tp,
        p['zero_dof_emb'], _padw(p['dof_emb']), _padw(p['pos_emb']),
        _padw(p['sg_emb']), _padw(p['time_emb']))
    he = hep[:N0]
    hdof = hdofp

    itab = p['inf_dof_emb'][:, 0][None]
    ho = _inf_lin(x_inf_dof.astype(jnp.int32), itab,
                  p['inf_lin_W'], p['inf_lin_b'][None])
    h = jnp.zeros((PADN, HID), F32).at[:N].set(
        jnp.stack([he, ho], axis=1).reshape(N, HID))

    epad = N + (jnp.arange(EPAD - E, dtype=jnp.int32) % (PADN - N))
    src2 = jnp.concatenate([edge_index[0].astype(jnp.int32), epad])
    dst2 = jnp.concatenate([edge_index[1].astype(jnp.int32), epad])
    zrows = jnp.zeros((ZCH, HID), F32)

    agg = None
    for li, lp in enumerate(p['layers']):
        w1 = jnp.concatenate([lp['aW1'][:ZD], lp['aW1'][ZD:], lp['pW1']], axis=1)
        b1 = jnp.concatenate([lp['ab1'], jnp.zeros((LH,), F32), lp['pb1']])[None]
        w1h, w1d = w1[:HID], w1[HID:]
        if li == 0:
            ud, us, psi = _dense(h, hdof, w1h, w1d, b1, lp['pW2'], lp['pb2'][None])
        else:
            ud, us, psi, h = _dense_agg(h, agg, hdof, w1h, w1d, b1,
                                        lp['pW2'], lp['pb2'][None])
        ab2v = jnp.full((16,), lp['ab2'][0], F32)
        agg = _edge_kernel(src2, dst2, ud, us, psi, lp['aW2'][:, 0], ab2v, zrows)

    out_zero, oi = _final(h, agg, p)
    return (out_zero, oi.reshape(NINF, NUM_ELEMENTS, MAX_NUM_ATOMS + 1))

# --- scband reference (transcript-rebuilt; emitter-appended) ---
"""Pipeline reference for scband-wyckoff-gnn-84610855731761 (READ-ONLY COPY).

The authoritative reference and input builder live on the scoring server;
editing this copy changes nothing except your own understanding.
"""

import jax, jax.numpy as jnp
import numpy as np

N = 10000
N0 = 5000
NINF = 5000
E = 160000
HID = 128
DOF = 16
NUM_ELEMENTS = 100
MAX_NUM_ATOMS = 20
TMAX = 1000
LAYER_HID = 2 * (HID + DOF)
NUM_LAYERS = 2


def _mlp(x, W1, b1, W2, b2):
    h = jax.nn.relu(x @ W1 + b1)
    return h @ W2 + b2


def setup_inputs(seed: int = 0):
    key = jax.random.key(seed)
    ks = jax.random.split(key, 64)
    s = 0.05

    def rn(k, shape):
        return jax.random.normal(k, shape, dtype=jnp.float32) * s

    zero_dof = (jnp.arange(N) % 2) == 0
    x_0_dof = jax.random.randint(ks[0], (N0,), 0, NUM_ELEMENTS + 1)
    x_inf_dof = jax.random.randint(ks[1], (NINF, NUM_ELEMENTS), 0, MAX_NUM_ATOMS + 1)
    wyckoff_pos_idx = jax.random.randint(ks[2], (N,), 0, 27)
    space_group = jax.random.randint(ks[3], (N,), 0, 231)
    num_pos = jnp.ones((N,), dtype=jnp.int32)
    t = jax.random.randint(ks[4], (N,), 0, TMAX)
    edge_index = jax.random.randint(ks[5], (2, E), 0, N)
    layers = []
    for i in range(NUM_LAYERS):
        k = 6 + 8 * i
        layers.append({
            'aW1': rn(ks[k], (2 * (HID + DOF), LAYER_HID)),
            'ab1': jnp.zeros((LAYER_HID,), jnp.float32),
            'aW2': rn(ks[k + 1], (LAYER_HID, 1)),
            'ab2': jnp.zeros((1,), jnp.float32),
            'pW1': rn(ks[k + 2], (HID + DOF, LAYER_HID)),
            'pb1': jnp.zeros((LAYER_HID,), jnp.float32),
            'pW2': rn(ks[k + 3], (LAYER_HID, HID)),
            'pb2': jnp.zeros((HID,), jnp.float32)})
    params = {
        'zero_dof_emb': rn(ks[30], (NUM_ELEMENTS + 1, HID)),
        'inf_dof_emb': rn(ks[31], (MAX_NUM_ATOMS + 1, 1)),
        'inf_lin_W': rn(ks[32], (NUM_ELEMENTS, HID)),
        'inf_lin_b': jnp.zeros((HID,), jnp.float32),
        'dof_emb': rn(ks[33], (2, DOF)),
        'pos_emb': rn(ks[34], (27, DOF)),
        'sg_emb': rn(ks[35], (231, DOF)),
        'time_emb': rn(ks[36], (TMAX, DOF)),
        'layers': layers,
        'zW1': rn(ks[37], (HID, 2 * HID)),
        'zb1': jnp.zeros((2 * HID,), jnp.float32),
        'zW2': rn(ks[38], (2 * HID, NUM_ELEMENTS + 1)),
        'zb2': jnp.zeros((NUM_ELEMENTS + 1,), jnp.float32),
        'iW1': rn(ks[39], (HID, 2 * HID)),
        'ib1': jnp.zeros((2 * HID,), jnp.float32),
        'iW2': rn(ks[40], (2 * HID, NUM_ELEMENTS * (MAX_NUM_ATOMS + 1))),
        'ib2': jnp.zeros((NUM_ELEMENTS * (MAX_NUM_ATOMS + 1),), jnp.float32)}
    return {'zero_dof': zero_dof, 'x_0_dof': x_0_dof, 'x_inf_dof': x_inf_dof,
            'wyckoff_pos_idx': wyckoff_pos_idx, 'space_group': space_group,
            'num_pos': num_pos, 't': t, 'edge_index': edge_index, 'params': params}


def _forward(params, zero_dof, x_0_dof, x_inf_dof, wyckoff_pos_idx, space_group, num_pos, t, edge_index):
    # node init: h[zero_dof] = zero_dof_embedding(x_0_dof); h[~zero_dof] = inf branch
    zero_dof_h = params['zero_dof_emb'][x_0_dof]
    inf_feat = params['inf_dof_emb'][x_inf_dof][..., 0]  # Embedding(.,1) then squeeze
    inf_dof_h = inf_feat @ params['inf_lin_W'] + params['inf_lin_b']
    idx0 = jnp.nonzero(zero_dof, size=N0)[0]
    idx1 = jnp.nonzero(jnp.logical_not(zero_dof), size=NINF)[0]
    h = jnp.zeros((N, HID), jnp.float32)
    h = h.at[idx0].set(zero_dof_h)
    h = h.at[idx1].set(inf_dof_h)
    h_dof = (params['dof_emb'][zero_dof.astype(jnp.int32)]
             + params['pos_emb'][wyckoff_pos_idx]
             + jnp.repeat(params['sg_emb'][space_group], num_pos, axis=0, total_repeat_length=N)
             + jnp.repeat(params['time_emb'][t], num_pos, axis=0, total_repeat_length=N))
    for lp in params['layers']:
        z = jnp.concatenate([h, h_dof], axis=1)
        src = edge_index[0]
        dst = edge_index[1]
        h_j = z[src]
        h_i = z[dst]
        a = _mlp(jnp.concatenate([h_i, h_j], axis=1), lp['aW1'], lp['ab1'], lp['aW2'], lp['ab2'])
        psi = _mlp(h_j, lp['pW1'], lp['pb1'], lp['pW2'], lp['pb2'])
        agg = jax.ops.segment_sum(a * psi, dst, num_segments=N)
        h = jax.nn.relu(h + agg)
    out_zero_df = _mlp(h[idx0], params['zW1'], params['zb1'], params['zW2'], params['zb2'])
    out_inf_df = _mlp(h[idx1], params['iW1'], params['ib1'], params['iW2'], params['ib2'])
    out_inf_df = out_inf_df.reshape(NINF, NUM_ELEMENTS, MAX_NUM_ATOMS + 1)
    return (out_zero_df, out_inf_df)


def reference(zero_dof, x_0_dof, x_inf_dof, wyckoff_pos_idx, space_group, num_pos, t, edge_index, params):
    return _forward(params, zero_dof, x_0_dof, x_inf_dof, wyckoff_pos_idx, space_group, num_pos, t, edge_index)

if __name__ == "__main__":
    import jax
    _d = setup_inputs()
    print(jax.jit(kernel)(*tuple(_d.values())))

</pallas_src>

<mosaic_0001>
#map = affine_map<(d0, d1) -> (0)>
#map1 = affine_map<(d0, d1) -> (0, 0)>
#map2 = affine_map<(d0, d1) -> (0, 0, 0)>
module attributes {stable_mosaic.version = 14 : i64} {
  func.func @_edge_kernel(%arg0: i32, %arg1: i32, %arg2: memref<160000xi32, #tpu.memory_space<hbm>>, %arg3: memref<160000xi32, #tpu.memory_space<hbm>>, %arg4: memref<10240x384xf32, #tpu.memory_space<hbm>>, %arg5: memref<10240x384xf32, #tpu.memory_space<hbm>>, %arg6: memref<10240x128xf32, #tpu.memory_space<hbm>>, %arg7: memref<288xf32, #tpu.memory_space<hbm>>, %arg8: memref<16xf32, #tpu.memory_space<hbm>>, %arg9: memref<128x128xf32, #tpu.memory_space<hbm>>, %arg10: memref<2x10240x128xf32, #tpu.memory_space<hbm>>, %arg11: memref<40xi32, #tpu.memory_space<vmem>>, %arg12: memref<40xi32, #tpu.memory_space<vmem>>, %arg13: memref<40x384xf32, #tpu.memory_space<vmem>>, %arg14: memref<40x384xf32, #tpu.memory_space<vmem>>, %arg15: memref<40x128xf32, #tpu.memory_space<vmem>>, %arg16: memref<40x128xf32, #tpu.memory_space<vmem>>, %arg17: memref<288xf32, #tpu.memory_space<vmem>>, %arg18: memref<16xf32, #tpu.memory_space<vmem>>, %arg19: memref<10240x128xf32, #tpu.memory_space<vmem_shared>>, %arg20: memref<!tpu.dma_semaphore, #tpu.memory_space<semaphore_mem>>) attributes {dimension_semantics = [#tpu.dimension_semantics<core_parallel>, #tpu.dimension_semantics<subcore_parallel>], iteration_bounds = array<i64: 2, 16>, scalar_prefetch = 0 : i64, scratch_operands = 10 : i64, tpu.core_type = #tpu.core_type<sc_vector_subcore>, window_params = [{transform_indices = #map}, {transform_indices = #map}, {transform_indices = #map1}, {transform_indices = #map1}, {transform_indices = #map1}, {transform_indices = #map}, {transform_indices = #map}, {transform_indices = #map1}, {transform_indices = #map2}]} {
    %scan3A = arith.constant 0 : i32
    %scan3A_0 = arith.constant 0 : i32
    %scan3A_1 = arith.constant 5 : i32
    %scan3A_2 = arith.addi %scan3A_0, %scan3A_1 : i32
    %scan3A_3 = arith.constant 1 : i32
    %scan3A_4 = scf.for %scan3A_80 = %scan3A_0 to %scan3A_2 step %scan3A_3 iter_args(%scan3A_81 = %scan3A) -> (i32)  : i32 {
      %mul3A_82 = arith.constant 640 : i32
      %mul3A_83 = arith.muli %arg1, %mul3A_82 : i32
      %mul3A_84 = arith.constant 128 : i32
      %mul3A_85 = arith.muli %scan3A_80, %mul3A_84 : i32
      %add3A_86 = arith.addi %mul3A_83, %mul3A_85 : i32
      "tpu.region"() ({
        %run_scoped3A = tpu.sem_alloc : memref<!tpu.dma_semaphore, #tpu.memory_space<semaphore_mem>>
        %dma_start3A = arith.constant 0 : i32
        %dma_start3A_88 = tpu.memref_slice %arg19[%add3A_86, %dma_start3A] : memref<10240x128xf32, #tpu.memory_space<vmem_shared>> -> memref<128x128xf32, #tpu.memory_space<vmem_shared>>
        tpu.enqueue_dma source(%arg9 : memref<128x128xf32, #tpu.memory_space<hbm>>) target(%dma_start3A_88 : memref<128x128xf32, #tpu.memory_space<vmem_shared>>) target_semaphore(%run_scoped3A : memref<!tpu.dma_semaphore, #tpu.memory_space<semaphore_mem>>)
        %dma_wait3A = arith.constant 0 : i32
        %dma_wait3A_89 = tpu.memref_slice %arg19[%add3A_86, %dma_wait3A] : memref<10240x128xf32, #tpu.memory_space<vmem_shared>> -> memref<128x128xf32, #tpu.memory_space<vmem_shared>>
        tpu.wait_dma2 semaphore(%run_scoped3A : memref<!tpu.dma_semaphore, #tpu.memory_space<semaphore_mem>>) src(%arg9 : memref<128x128xf32, #tpu.memory_space<hbm>>) dst(%dma_wait3A_89 : memref<128x128xf32, #tpu.memory_space<vmem_shared>>)
        tpu.yield
      }) : () -> ()
      %scan3A_87 = arith.constant 0 : i32
      scf.yield %scan3A_87 : i32
    }
    %scan3A_5 = arith.constant 5 : i32
    "tpu.region"() ({
      %run_scoped3A = tpu.sem_alloc : memref<!tpu.dma_semaphore, #tpu.memory_space<semaphore_mem>>
      tpu.enqueue_dma source(%arg7 : memref<288xf32, #tpu.memory_space<hbm>>) target(%arg17 : memref<288xf32, #tpu.memory_space<vmem>>) target_semaphore(%run_scoped3A : memref<!tpu.dma_semaphore, #tpu.memory_space<semaphore_mem>>)
      tpu.wait_dma2 semaphore(%run_scoped3A : memref<!tpu.dma_semaphore, #tpu.memory_space<semaphore_mem>>) src(%arg7 : memref<288xf32, #tpu.memory_space<hbm>>) dst(%arg17 : memref<288xf32, #tpu.memory_space<vmem>>)
      tpu.yield
    }) : () -> ()
    "tpu.region"() ({
      %run_scoped3A = tpu.sem_alloc : memref<!tpu.dma_semaphore, #tpu.memory_space<semaphore_mem>>
      tpu.enqueue_dma source(%arg8 : memref<16xf32, #tpu.memory_space<hbm>>) target(%arg18 : memref<16xf32, #tpu.memory_space<vmem>>) target_semaphore(%run_scoped3A : memref<!tpu.dma_semaphore, #tpu.memory_space<semaphore_mem>>)
      tpu.wait_dma2 semaphore(%run_scoped3A : memref<!tpu.dma_semaphore, #tpu.memory_space<semaphore_mem>>) src(%arg8 : memref<16xf32, #tpu.memory_space<hbm>>) dst(%arg18 : memref<16xf32, #tpu.memory_space<vmem>>)
      tpu.yield
    }) : () -> ()
    %barrier3A = arith.constant 0 : index
    tpu.barrier barrier_id(%barrier3A)
    %get3A = arith.constant 0 : index
    %get3A_6 = tpu.vector_load %arg17[%get3A] {strides = array<i32>} : memref<288xf32, #tpu.memory_space<vmem>>, vector<16xf32>,
    %get3A_7 = vector.shape_cast %get3A_6 : vector<16xf32> to vector<16xf32>
    %get3A_8 = arith.constant 16 : index
    %get3A_9 = tpu.vector_load %arg17[%get3A_8] {strides = array<i32>} : memref<288xf32, #tpu.memory_space<vmem>>, vector<16xf32>,
    %get3A_10 = vector.shape_cast %get3A_9 : vector<16xf32> to vector<16xf32>
    %get3A_11 = arith.constant 32 : index
    %get3A_12 = tpu.vector_load %arg17[%get3A_11] {strides = array<i32>} : memref<288xf32, #tpu.memory_space<vmem>>, vector<16xf32>,
    %get3A_13 = vector.shape_cast %get3A_12 : vector<16xf32> to vector<16xf32>
    %get3A_14 = arith.constant 48 : index
    %get3A_15 = tpu.vector_load %arg17[%get3A_14] {strides = array<i32>} : memref<288xf32, #tpu.memory_space<vmem>>, vector<16xf32>,
    %get3A_16 = vector.shape_cast %get3A_15 : vector<16xf32> to vector<16xf32>
    %get3A_17 = arith.constant 64 : index
    %get3A_18 = tpu.vector_load %arg17[%get3A_17] {strides = array<i32>} : memref<288xf32, #tpu.memory_space<vmem>>, vector<16xf32>,
    %get3A_19 = vector.shape_cast %get3A_18 : vector<16xf32> to vector<16xf32>
    %get3A_20 = arith.constant 80 : index
    %get3A_21 = tpu.vector_load %arg17[%get3A_20] {strides = array<i32>} : memref<288xf32, #tpu.memory_space<vmem>>, vector<16xf32>,
    %get3A_22 = vector.shape_cast %get3A_21 : vector<16xf32> to vector<16xf32>
    %get3A_23 = arith.constant 96 : index
    %get3A_24 = tpu.vector_load %arg17[%get3A_23] {strides = array<i32>} : memref<288xf32, #tpu.memory_space<vmem>>, vector<16xf32>,
    %get3A_25 = vector.shape_cast %get3A_24 : vector<16xf32> to vector<16xf32>
    %get3A_26 = arith.constant 112 : index
    %get3A_27 = tpu.vector_load %arg17[%get3A_26] {strides = array<i32>} : memref<288xf32, #tpu.memory_space<vmem>>, vector<16xf32>,
    %get3A_28 = vector.shape_cast %get3A_27 : vector<16xf32> to vector<16xf32>
    %get3A_29 = arith.constant 128 : index
    %get3A_30 = tpu.vector_load %arg17[%get3A_29] {strides = array<i32>} : memref<288xf32, #tpu.memory_space<vmem>>, vector<16xf32>,
    %get3A_31 = vector.shape_cast %get3A_30 : vector<16xf32> to vector<16xf32>
    %get3A_32 = arith.constant 144 : index
    %get3A_33 = tpu.vector_load %arg17[%get3A_32] {strides = array<i32>} : memref<288xf32, #tpu.memory_space<vmem>>, vector<16xf32>,
    %get3A_34 = vector.shape_cast %get3A_33 : vector<16xf32> to vector<16xf32>
    %get3A_35 = arith.constant 160 : index
    %get3A_36 = tpu.vector_load %arg17[%get3A_35] {strides = array<i32>} : memref<288xf32, #tpu.memory_space<vmem>>, vector<16xf32>,
    %get3A_37 = vector.shape_cast %get3A_36 : vector<16xf32> to vector<16xf32>
    %get3A_38 = arith.constant 176 : index
    %get3A_39 = tpu.vector_load %arg17[%get3A_38] {strides = array<i32>} : memref<288xf32, #tpu.memory_space<vmem>>, vector<16xf32>,
    %get3A_40 = vector.shape_cast %get3A_39 : vector<16xf32> to vector<16xf32>
    %get3A_41 = arith.constant 192 : index
    %get3A_42 = tpu.vector_load %arg17[%get3A_41] {strides = array<i32>} : memref<288xf32, #tpu.memory_space<vmem>>, vector<16xf32>,
    %get3A_43 = vector.shape_cast %get3A_42 : vector<16xf32> to vector<16xf32>
    %get3A_44 = arith.constant 208 : index
    %get3A_45 = tpu.vector_load %arg17[%get3A_44] {strides = array<i32>} : memref<288xf32, #tpu.memory_space<vmem>>, vector<16xf32>,
    %get3A_46 = vector.shape_cast %get3A_45 : vector<16xf32> to vector<16xf32>
    %get3A_47 = arith.constant 224 : index
    %get3A_48 = tpu.vector_load %arg17[%get3A_47] {strides = array<i32>} : memref<288xf32, #tpu.memory_space<vmem>>, vector<16xf32>,
    %get3A_49 = vector.shape_cast %get3A_48 : vector<16xf32> to vector<16xf32>
    %get3A_50 = arith.constant 240 : index
    %get3A_51 = tpu.vector_load %arg17[%get3A_50] {strides = array<i32>} : memref<288xf32, #tpu.memory_space<vmem>>, vector<16xf32>,
    %get3A_52 = vector.shape_cast %get3A_51 : vector<16xf32> to vector<16xf32>
    %get3A_53 = arith.constant 256 : index
    %get3A_54 = tpu.vector_load %arg17[%get3A_53] {strides = array<i32>} : memref<288xf32, #tpu.memory_space<vmem>>, vector<16xf32>,
    %get3A_55 = vector.shape_cast %get3A_54 : vector<16xf32> to vector<16xf32>
    %get3A_56 = arith.constant 272 : index
    %get3A_57 = tpu.vector_load %arg17[%get3A_56] {strides = array<i32>} : memref<288xf32, #tpu.memory_space<vmem>>, vector<16xf32>,
    %get3A_58 = vector.shape_cast %get3A_57 : vector<16xf32> to vector<16xf32>
    %get3A_59 = arith.constant 0 : index
    %get3A_60 = tpu.vector_load %arg18[%get3A_59] {strides = array<i32>} : memref<16xf32, #tpu.memory_space<vmem>>, vector<16xf32>,
    %get3A_61 = vector.shape_cast %get3A_60 : vector<16xf32> to vector<16xf32>
    %mul3A = arith.constant 16 : i32
    %mul3A_62 = arith.muli %arg0, %mul3A : i32
    %add3A = arith.addi %mul3A_62, %arg1 : i32
    %mul3A_63 = arith.constant 5000 : i32
    %mul3A_64 = arith.muli %add3A, %mul3A_63 : i32
    %scan3A_65 = arith.constant 0 : i32
    %scan3A_66 = arith.constant 0 : i32
    %scan3A_67 = arith.constant 125 : i32
    %scan3A_68 = arith.addi %scan3A_66, %scan3A_67 : i32
    %scan3A_69 = arith.constant 1 : i32
    %scan3A_70 = scf.for %scan3A_80 = %scan3A_66 to %scan3A_68 step %scan3A_69 iter_args(%scan3A_81 = %scan3A_65) -> (i32)  : i32 {
      %mul3A_82 = arith.constant 40 : i32
      %mul3A_83 = arith.muli %scan3A_80, %mul3A_82 : i32
      %add3A_84 = arith.addi %mul3A_64, %mul3A_83 : i32
      "tpu.region"() ({
        %run_scoped3A = tpu.sem_alloc : memref<!tpu.dma_semaphore, #tpu.memory_space<semaphore_mem>>
        %dma_start3A_109 = tpu.memref_slice %arg2[%add3A_84] : memref<160000xi32, #tpu.memory_space<hbm>> -> memref<40xi32, #tpu.memory_space<hbm>>
        %dma_start3A_110 = tpu.memref_slice %arg2[%add3A_84] : memref<160000xi32, #tpu.memory_space<hbm>> -> memref<40xi32, #tpu.memory_space<hbm>>
        tpu.enqueue_dma source(%dma_start3A_110 : memref<40xi32, #tpu.memory_space<hbm>>) target(%arg11 : memref<40xi32, #tpu.memory_space<vmem>>) target_semaphore(%run_scoped3A : memref<!tpu.dma_semaphore, #tpu.memory_space<semaphore_mem>>)
        %dma_wait3A_111 = tpu.memref_slice %arg2[%add3A_84] : memref<160000xi32, #tpu.memory_space<hbm>> -> memref<40xi32, #tpu.memory_space<hbm>>
        %dma_wait3A_112 = tpu.memref_slice %arg2[%add3A_84] : memref<160000xi32, #tpu.memory_space<hbm>> -> memref<40xi32, #tpu.memory_space<hbm>>
        tpu.wait_dma2 semaphore(%run_scoped3A : memref<!tpu.dma_semaphore, #tpu.memory_space<semaphore_mem>>) src(%dma_wait3A_112 : memref<40xi32, #tpu.memory_space<hbm>>) dst(%arg11 : memref<40xi32, #tpu.memory_space<vmem>>)
        tpu.yield
      }) : () -> ()
      "tpu.region"() ({
        %run_scoped3A = tpu.sem_alloc : memref<!tpu.dma_semaphore, #tpu.memory_space<semaphore_mem>>
        %dma_start3A_109 = tpu.memref_slice %arg3[%add3A_84] : memref<160000xi32, #tpu.memory_space<hbm>> -> memref<40xi32, #tpu.memory_space<hbm>>
        %dma_start3A_110 = tpu.memref_slice %arg3[%add3A_84] : memref<160000xi32, #tpu.memory_space<hbm>> -> memref<40xi32, #tpu.memory_space<hbm>>
        tpu.enqueue_dma source(%dma_start3A_110 : memref<40xi32, #tpu.memory_space<hbm>>) target(%arg12 : memref<40xi32, #tpu.memory_space<vmem>>) target_semaphore(%run_scoped3A : memref<!tpu.dma_semaphore, #tpu.memory_space<semaphore_mem>>)
        %dma_wait3A_111 = tpu.memref_slice %arg3[%add3A_84] : memref<160000xi32, #tpu.memory_space<hbm>> -> memref<40xi32, #tpu.memory_space<hbm>>
        %dma_wait3A_112 = tpu.memref_slice %arg3[%add3A_84] : memref<160000xi32, #tpu.memory_space<hbm>> -> memref<40xi32, #tpu.memory_space<hbm>>
        tpu.wait_dma2 semaphore(%run_scoped3A : memref<!tpu.dma_semaphore, #tpu.memory_space<semaphore_mem>>) src(%dma_wait3A_112 : memref<40xi32, #tpu.memory_space<hbm>>) dst(%arg12 : memref<40xi32, #tpu.memory_space<vmem>>)
        tpu.yield
      }) : () -> ()
      %dma_start3A = arith.constant 0 : i32
      %dma_start3A_85 = arith.constant 0 : i32
      %dma_start3A_86 = tpu.memref_slice %arg4[%dma_start3A, %dma_start3A_85] : memref<10240x384xf32, #tpu.memory_space<hbm>> -> memref<10240x384xf32, #tpu.memory_space<hbm>>
      tpu.enqueue_indirect_dma source(%dma_start3A_86 : memref<10240x384xf32, #tpu.memory_space<hbm>>) target(%arg13 : memref<40x384xf32, #tpu.memory_space<vmem>>) offsets(%arg12 : memref<40xi32, #tpu.memory_space<vmem>>) semaphore(%arg20 : memref<!tpu.dma_semaphore, #tpu.memory_space<semaphore_mem>>)
      %dma_start3A_87 = arith.constant 0 : i32
      %dma_start3A_88 = arith.constant 0 : i32
      %dma_start3A_89 = tpu.memref_slice %arg5[%dma_start3A_87, %dma_start3A_88] : memref<10240x384xf32, #tpu.memory_space<hbm>> -> memref<10240x384xf32, #tpu.memory_space<hbm>>
      tpu.enqueue_indirect_dma source(%dma_start3A_89 : memref<10240x384xf32, #tpu.memory_space<hbm>>) target(%arg14 : memref<40x384xf32, #tpu.memory_space<vmem>>) offsets(%arg11 : memref<40xi32, #tpu.memory_space<vmem>>) semaphore(%arg20 : memref<!tpu.dma_semaphore, #tpu.memory_space<semaphore_mem>>)
      %dma_start3A_90 = arith.constant 0 : i32
      %dma_start3A_91 = arith.constant 0 : i32
      %dma_start3A_92 = tpu.memref_slice %arg6[%dma_start3A_90, %dma_start3A_91] : memref<10240x128xf32, #tpu.memory_space<hbm>> -> memref<10240x128xf32, #tpu.memory_space<hbm>>
      tpu.enqueue_indirect_dma source(%dma_start3A_92 : memref<10240x128xf32, #tpu.memory_space<hbm>>) target(%arg15 : memref<40x128xf32, #tpu.memory_space<vmem>>) offsets(%arg11 : memref<40xi32, #tpu.memory_space<vmem>>) semaphore(%arg20 : memref<!tpu.dma_semaphore, #tpu.memory_space<semaphore_mem>>)
      %dma_wait3A = arith.constant 0 : i32
      %dma_wait3A_93 = arith.constant 0 : i32
      %dma_wait3A_94 = tpu.memref_slice %arg4[%dma_wait3A, %dma_wait3A_93] : memref<10240x384xf32, #tpu.memory_space<hbm>> -> memref<10240x384xf32, #tpu.memory_space<hbm>>
      tpu.wait_indirect_dma semaphore(%arg20 : memref<!tpu.dma_semaphore, #tpu.memory_space<semaphore_mem>>) src(%dma_wait3A_94 : memref<10240x384xf32, #tpu.memory_space<hbm>>) dst(%arg13 : memref<40x384xf32, #tpu.memory_space<vmem>>)
      %dma_wait3A_95 = arith.constant 0 : i32
      %dma_wait3A_96 = arith.constant 0 : i32
      %dma_wait3A_97 = tpu.memref_slice %arg5[%dma_wait3A_95, %dma_wait3A_96] : memref<10240x384xf32, #tpu.memory_space<hbm>> -> memref<10240x384xf32, #tpu.memory_space<hbm>>
      tpu.wait_indirect_dma semaphore(%arg20 : memref<!tpu.dma_semaphore, #tpu.memory_space<semaphore_mem>>) src(%dma_wait3A_97 : memref<10240x384xf32, #tpu.memory_space<hbm>>) dst(%arg14 : memref<40x384xf32, #tpu.memory_space<vmem>>)
      %dma_wait3A_98 = arith.constant 0 : i32
      %dma_wait3A_99 = arith.constant 0 : i32
      %dma_wait3A_100 = tpu.memref_slice %arg6[%dma_wait3A_98, %dma_wait3A_99] : memref<10240x128xf32, #tpu.memory_space<hbm>> -> memref<10240x128xf32, #tpu.memory_space<hbm>>
      tpu.wait_indirect_dma semaphore(%arg20 : memref<!tpu.dma_semaphore, #tpu.memory_space<semaphore_mem>>) src(%dma_wait3A_100 : memref<10240x128xf32, #tpu.memory_space<hbm>>) dst(%arg15 : memref<40x128xf32, #tpu.memory_space<vmem>>)
      %scan3A_101 = arith.constant 0 : i32
      %scan3A_102 = arith.constant 0 : i32
      %scan3A_103 = arith.constant 40 : i32
      %scan3A_104 = arith.addi %scan3A_102, %scan3A_103 : i32
      %scan3A_105 = arith.constant 1 : i32
      %scan3A_106 = scf.for %scan3A_109 = %scan3A_102 to %scan3A_104 step %scan3A_105 iter_args(%scan3A_110 = %scan3A_101) -> (i32)  : i32 {
        %get3A_111 = arith.index_cast %scan3A_109 : i32 to index
        %get3A_112 = arith.constant 0 : index
        %get3A_113 = tpu.vector_load %arg13[%get3A_111, %get3A_112] {strides = array<i32>} : memref<40x384xf32, #tpu.memory_space<vmem>>, vector<1x16xf32>,
        %get3A_114 = vector.shape_cast %get3A_113 : vector<1x16xf32> to vector<16xf32>
        %get3A_115 = arith.index_cast %scan3A_109 : i32 to index
        %get3A_116 = arith.constant 0 : index
        %get3A_117 = tpu.vector_load %arg14[%get3A_115, %get3A_116] {strides = array<i32>} : memref<40x384xf32, #tpu.memory_space<vmem>>, vector<1x16xf32>,
        %get3A_118 = vector.shape_cast %get3A_117 : vector<1x16xf32> to vector<16xf32>
        %add3A_119 = arith.addf %get3A_114, %get3A_118 : vector<16xf32>
        %max3A = arith.constant 0.000000e+00 : f32
        %max3A_120 = vector.broadcast %max3A : f32 to vector<16xf32>
        %max3A_121 = arith.maximumf %add3A_119, %max3A_120 : vector<16xf32>
        %mul3A_122 = arith.mulf %get3A_7, %max3A_121 : vector<16xf32>
        %get3A_123 = arith.index_cast %scan3A_109 : i32 to index
        %get3A_124 = arith.constant 16 : index
        %get3A_125 = tpu.vector_load %arg13[%get3A_123, %get3A_124] {strides = array<i32>} : memref<40x384xf32, #tpu.memory_space<vmem>>, vector<1x16xf32>,
        %get3A_126 = vector.shape_cast %get3A_125 : vector<1x16xf32> to vector<16xf32>
        %get3A_127 = arith.index_cast %scan3A_109 : i32 to index
        %get3A_128 = arith.constant 16 : index
        %get3A_129 = tpu.vector_load %arg14[%get3A_127, %get3A_128] {strides = array<i32>} : memref<40x384xf32, #tpu.memory_space<vmem>>, vector<1x16xf32>,
        %get3A_130 = vector.shape_cast %get3A_129 : vector<1x16xf32> to vector<16xf32>
        %add3A_131 = arith.addf %get3A_126, %get3A_130 : vector<16xf32>
        %max3A_132 = arith.constant 0.000000e+00 : f32
        %max3A_133 = vector.broadcast %max3A_132 : f32 to vector<16xf32>
        %max3A_134 = arith.maximumf %add3A_131, %max3A_133 : vector<16xf32>
        %mul3A_135 = arith.mulf %get3A_10, %max3A_134 : vector<16xf32>
        %add3A_136 = arith.addf %mul3A_122, %mul3A_135 : vector<16xf32>
        %get3A_137 = arith.index_cast %scan3A_109 : i32 to index
        %get3A_138 = arith.constant 32 : index
        %get3A_139 = tpu.vector_load %arg13[%get3A_137, %get3A_138] {strides = array<i32>} : memref<40x384xf32, #tpu.memory_space<vmem>>, vector<1x16xf32>,
        %get3A_140 = vector.shape_cast %get3A_139 : vector<1x16xf32> to vector<16xf32>
        %get3A_141 = arith.index_cast %scan3A_109 : i32 to index
        %get3A_142 = arith.constant 32 : index
        %get3A_143 = tpu.vector_load %arg14[%get3A_141, %get3A_142] {strides = array<i32>} : memref<40x384xf32, #tpu.memory_space<vmem>>, vector<1x16xf32>,
        %get3A_144 = vector.shape_cast %get3A_143 : vector<1x16xf32> to vector<16xf32>
        %add3A_145 = arith.addf %get3A_140, %get3A_144 : vector<16xf32>
        %max3A_146 = arith.constant 0.000000e+00 : f32
        %max3A_147 = vector.broadcast %max3A_146 : f32 to vector<16xf32>
        %max3A_148 = arith.maximumf %add3A_145, %max3A_147 : vector<16xf32>
        %mul3A_149 = arith.mulf %get3A_13, %max3A_148 : vector<16xf32>
        %add3A_150 = arith.addf %add3A_136, %mul3A_149 : vector<16xf32>
        %get3A_151 = arith.index_cast %scan3A_109 : i32 to index
        %get3A_152 = arith.constant 48 : index
        %get3A_153 = tpu.vector_load %arg13[%get3A_151, %get3A_152] {strides = array<i32>} : memref<40x384xf32, #tpu.memory_space<vmem>>, vector<1x16xf32>,
        %get3A_154 = vector.shape_cast %get3A_153 : vector<1x16xf32> to vector<16xf32>
        %get3A_155 = arith.index_cast %scan3A_109 : i32 to index
        %get3A_156 = arith.constant 48 : index
        %get3A_157 = tpu.vector_load %arg14[%get3A_155, %get3A_156] {strides = array<i32>} : memref<40x384xf32, #tpu.memory_space<vmem>>, vector<1x16xf32>,
        %get3A_158 = vector.shape_cast %get3A_157 : vector<1x16xf32> to vector<16xf32>
        %add3A_159 = arith.addf %get3A_154, %get3A_158 : vector<16xf32>
        %max3A_160 = arith.constant 0.000000e+00 : f32
        %max3A_161 = vector.broadcast %max3A_160 : f32 to vector<16xf32>
        %max3A_162 = arith.maximumf %add3A_159, %max3A_161 : vector<16xf32>
        %mul3A_163 = arith.mulf %get3A_16, %max3A_162 : vector<16xf32>
        %add3A_164 = arith.addf %add3A_150, %mul3A_163 : vector<16xf32>
        %get3A_165 = arith.index_cast %scan3A_109 : i32 to index
        %get3A_166 = arith.constant 64 : index
        %get3A_167 = tpu.vector_load %arg13[%get3A_165, %get3A_166] {strides = array<i32>} : memref<40x384xf32, #tpu.memory_space<vmem>>, vector<1x16xf32>,
        %get3A_168 = vector.shape_cast %get3A_167 : vector<1x16xf32> to vector<16xf32>
        %get3A_169 = arith.index_cast %scan3A_109 : i32 to index
        %get3A_170 = arith.constant 64 : index
        %get3A_171 = tpu.vector_load %arg14[%get3A_169, %get3A_170] {strides = array<i32>} : memref<40x384xf32, #tpu.memory_space<vmem>>, vector<1x16xf32>,
        %get3A_172 = vector.shape_cast %get3A_171 : vector<1x16xf32> to vector<16xf32>
        %add3A_173 = arith.addf %get3A_168, %get3A_172 : vector<16xf32>
        %max3A_174 = arith.constant 0.000000e+00 : f32
        %max3A_175 = vector.broadcast %max3A_174 : f32 to vector<16xf32>
        %max3A_176 = arith.maximumf %add3A_173, %max3A_175 : vector<16xf32>
        %mul3A_177 = arith.mulf %get3A_19, %max3A_176 : vector<16xf32>
        %add3A_178 = arith.addf %add3A_164, %mul3A_177 : vector<16xf32>
        %get3A_179 = arith.index_cast %scan3A_109 : i32 to index
        %get3A_180 = arith.constant 80 : index
        %get3A_181 = tpu.vector_load %arg13[%get3A_179, %get3A_180] {strides = array<i32>} : memref<40x384xf32, #tpu.memory_space<vmem>>, vector<1x16xf32>,
        %get3A_182 = vector.shape_cast %get3A_181 : vector<1x16xf32> to vector<16xf32>
        %get3A_183 = arith.index_cast %scan3A_109 : i32 to index
        %get3A_184 = arith.constant 80 : index
        %get3A_185 = tpu.vector_load %arg14[%get3A_183, %get3A_184] {strides = array<i32>} : memref<40x384xf32, #tpu.memory_space<vmem>>, vector<1x16xf32>,
        %get3A_186 = vector.shape_cast %get3A_185 : vector<1x16xf32> to vector<16xf32>
        %add3A_187 = arith.addf %get3A_182, %get3A_186 : vector<16xf32>
        %max3A_188 = arith.constant 0.000000e+00 : f32
        %max3A_189 = vector.broadcast %max3A_188 : f32 to vector<16xf32>
        %max3A_190 = arith.maximumf %add3A_187, %max3A_189 : vector<16xf32>
        %mul3A_191 = arith.mulf %get3A_22, %max3A_190 : vector<16xf32>
        %add3A_192 = arith.addf %add3A_178, %mul3A_191 : vector<16xf32>
        %get3A_193 = arith.index_cast %scan3A_109 : i32 to index
        %get3A_194 = arith.constant 96 : index
        %get3A_195 = tpu.vector_load %arg13[%get3A_193, %get3A_194] {strides = array<i32>} : memref<40x384xf32, #tpu.memory_space<vmem>>, vector<1x16xf32>,
        %get3A_196 = vector.shape_cast %get3A_195 : vector<1x16xf32> to vector<16xf32>
        %get3A_197 = arith.index_cast %scan3A_109 : i32 to index
        %get3A_198 = arith.constant 96 : index
        %get3A_199 = tpu.vector_load %arg14[%get3A_197, %get3A_198] {strides = array<i32>} : memref<40x384xf32, #tpu.memory_space<vmem>>, vector<1x16xf32>,
        %get3A_200 = vector.shape_cast %get3A_199 : vector<1x16xf32> to vector<16xf32>
        %add3A_201 = arith.addf %get3A_196, %get3A_200 : vector<16xf32>
        %max3A_202 = arith.constant 0.000000e+00 : f32
        %max3A_203 = vector.broadcast %max3A_202 : f32 to vector<16xf32>
        %max3A_204 = arith.maximumf %add3A_201, %max3A_203 : vector<16xf32>
        %mul3A_205 = arith.mulf %get3A_25, %max3A_204 : vector<16xf32>
        %add3A_206 = arith.addf %add3A_192, %mul3A_205 : vector<16xf32>
        %get3A_207 = arith.index_cast %scan3A_109 : i32 to index
        %get3A_208 = arith.constant 112 : index
        %get3A_209 = tpu.vector_load %arg13[%get3A_207, %get3A_208] {strides = array<i32>} : memref<40x384xf32, #tpu.memory_space<vmem>>, vector<1x16xf32>,
        %get3A_210 = vector.shape_cast %get3A_209 : vector<1x16xf32> to vector<16xf32>
        %get3A_211 = arith.index_cast %scan3A_109 : i32 to index
        %get3A_212 = arith.constant 112 : index
        %get3A_213 = tpu.vector_load %arg14[%get3A_211, %get3A_212] {strides = array<i32>} : memref<40x384xf32, #tpu.memory_space<vmem>>, vector<1x16xf32>,
        %get3A_214 = vector.shape_cast %get3A_213 : vector<1x16xf32> to vector<16xf32>
        %add3A_215 = arith.addf %get3A_210, %get3A_214 : vector<16xf32>
        %max3A_216 = arith.constant 0.000000e+00 : f32
        %max3A_217 = vector.broadcast %max3A_216 : f32 to vector<16xf32>
        %max3A_218 = arith.maximumf %add3A_215, %max3A_217 : vector<16xf32>
        %mul3A_219 = arith.mulf %get3A_28, %max3A_218 : vector<16xf32>
        %add3A_220 = arith.addf %add3A_206, %mul3A_219 : vector<16xf32>
        %get3A_221 = arith.index_cast %scan3A_109 : i32 to index
        %get3A_222 = arith.constant 128 : index
        %get3A_223 = tpu.vector_load %arg13[%get3A_221, %get3A_222] {strides = array<i32>} : memref<40x384xf32, #tpu.memory_space<vmem>>, vector<1x16xf32>,
        %get3A_224 = vector.shape_cast %get3A_223 : vector<1x16xf32> to vector<16xf32>
        %get3A_225 = arith.index_cast %scan3A_109 : i32 to index
        %get3A_226 = arith.constant 128 : index
        %get3A_227 = tpu.vector_load %arg14[%get3A_225, %get3A_226] {strides = array<i32>} : memref<40x384xf32, #tpu.memory_space<vmem>>, vector<1x16xf32>,
        %get3A_228 = vector.shape_cast %get3A_227 : vector<1x16xf32> to vector<16xf32>
        %add3A_229 = arith.addf %get3A_224, %get3A_228 : vector<16xf32>
        %max3A_230 = arith.constant 0.000000e+00 : f32
        %max3A_231 = vector.broadcast %max3A_230 : f32 to vector<16xf32>
        %max3A_232 = arith.maximumf %add3A_229, %max3A_231 : vector<16xf32>
        %mul3A_233 = arith.mulf %get3A_31, %max3A_232 : vector<16xf32>
        %add3A_234 = arith.addf %add3A_220, %mul3A_233 : vector<16xf32>
        %get3A_235 = arith.index_cast %scan3A_109 : i32 to index
        %get3A_236 = arith.constant 144 : index
        %get3A_237 = tpu.vector_load %arg13[%get3A_235, %get3A_236] {strides = array<i32>} : memref<40x384xf32, #tpu.memory_space<vmem>>, vector<1x16xf32>,
        %get3A_238 = vector.shape_cast %get3A_237 : vector<1x16xf32> to vector<16xf32>
        %get3A_239 = arith.index_cast %scan3A_109 : i32 to index
        %get3A_240 = arith.constant 144 : index
        %get3A_241 = tpu.vector_load %arg14[%get3A_239, %get3A_240] {strides = array<i32>} : memref<40x384xf32, #tpu.memory_space<vmem>>, vector<1x16xf32>,
        %get3A_242 = vector.shape_cast %get3A_241 : vector<1x16xf32> to vector<16xf32>
        %add3A_243 = arith.addf %get3A_238, %get3A_242 : vector<16xf32>
        %max3A_244 = arith.constant 0.000000e+00 : f32
        %max3A_245 = vector.broadcast %max3A_244 : f32 to vector<16xf32>
        %max3A_246 = arith.maximumf %add3A_243, %max3A_245 : vector<16xf32>
        %mul3A_247 = arith.mulf %get3A_34, %max3A_246 : vector<16xf32>
        %add3A_248 = arith.addf %add3A_234, %mul3A_247 : vector<16xf32>
        %get3A_249 = arith.index_cast %scan3A_109 : i32 to index
        %get3A_250 = arith.constant 160 : index
        %get3A_251 = tpu.vector_load %arg13[%get3A_249, %get3A_250] {strides = array<i32>} : memref<40x384xf32, #tpu.memory_space<vmem>>, vector<1x16xf32>,
        %get3A_252 = vector.shape_cast %get3A_251 : vector<1x16xf32> to vector<16xf32>
        %get3A_253 = arith.index_cast %scan3A_109 : i32 to index
        %get3A_254 = arith.constant 160 : index
        %get3A_255 = tpu.vector_load %arg14[%get3A_253, %get3A_254] {strides = array<i32>} : memref<40x384xf32, #tpu.memory_space<vmem>>, vector<1x16xf32>,
        %get3A_256 = vector.shape_cast %get3A_255 : vector<1x16xf32> to vector<16xf32>
        %add3A_257 = arith.addf %get3A_252, %get3A_256 : vector<16xf32>
        %max3A_258 = arith.constant 0.000000e+00 : f32
        %max3A_259 = vector.broadcast %max3A_258 : f32 to vector<16xf32>
        %max3A_260 = arith.maximumf %add3A_257, %max3A_259 : vector<16xf32>
        %mul3A_261 = arith.mulf %get3A_37, %max3A_260 : vector<16xf32>
        %add3A_262 = arith.addf %add3A_248, %mul3A_261 : vector<16xf32>
        %get3A_263 = arith.index_cast %scan3A_109 : i32 to index
        %get3A_264 = arith.constant 176 : index
        %get3A_265 = tpu.vector_load %arg13[%get3A_263, %get3A_264] {strides = array<i32>} : memref<40x384xf32, #tpu.memory_space<vmem>>, vector<1x16xf32>,
        %get3A_266 = vector.shape_cast %get3A_265 : vector<1x16xf32> to vector<16xf32>
        %get3A_267 = arith.index_cast %scan3A_109 : i32 to index
        %get3A_268 = arith.constant 176 : index
        %get3A_269 = tpu.vector_load %arg14[%get3A_267, %get3A_268] {strides = array<i32>} : memref<40x384xf32, #tpu.memory_space<vmem>>, vector<1x16xf32>,
        %get3A_270 = vector.shape_cast %get3A_269 : vector<1x16xf32> to vector<16xf32>
        %add3A_271 = arith.addf %get3A_266, %get3A_270 : vector<16xf32>
        %max3A_272 = arith.constant 0.000000e+00 : f32
        %max3A_273 = vector.broadcast %max3A_272 : f32 to vector<16xf32>
        %max3A_274 = arith.maximumf %add3A_271, %max3A_273 : vector<16xf32>
        %mul3A_275 = arith.mulf %get3A_40, %max3A_274 : vector<16xf32>
        %add3A_276 = arith.addf %add3A_262, %mul3A_275 : vector<16xf32>
        %get3A_277 = arith.index_cast %scan3A_109 : i32 to index
        %get3A_278 = arith.constant 192 : index
        %get3A_279 = tpu.vector_load %arg13[%get3A_277, %get3A_278] {strides = array<i32>} : memref<40x384xf32, #tpu.memory_space<vmem>>, vector<1x16xf32>,
        %get3A_280 = vector.shape_cast %get3A_279 : vector<1x16xf32> to vector<16xf32>
        %get3A_281 = arith.index_cast %scan3A_109 : i32 to index
        %get3A_282 = arith.constant 192 : index
        %get3A_283 = tpu.vector_load %arg14[%get3A_281, %get3A_282] {strides = array<i32>} : memref<40x384xf32, #tpu.memory_space<vmem>>, vector<1x16xf32>,
        %get3A_284 = vector.shape_cast %get3A_283 : vector<1x16xf32> to vector<16xf32>
        %add3A_285 = arith.addf %get3A_280, %get3A_284 : vector<16xf32>
        %max3A_286 = arith.constant 0.000000e+00 : f32
        %max3A_287 = vector.broadcast %max3A_286 : f32 to vector<16xf32>
        %max3A_288 = arith.maximumf %add3A_285, %max3A_287 : vector<16xf32>
        %mul3A_289 = arith.mulf %get3A_43, %max3A_288 : vector<16xf32>
        %add3A_290 = arith.addf %add3A_276, %mul3A_289 : vector<16xf32>
        %get3A_291 = arith.index_cast %scan3A_109 : i32 to index
        %get3A_292 = arith.constant 208 : index
        %get3A_293 = tpu.vector_load %arg13[%get3A_291, %get3A_292] {strides = array<i32>} : memref<40x384xf32, #tpu.memory_space<vmem>>, vector<1x16xf32>,
        %get3A_294 = vector.shape_cast %get3A_293 : vector<1x16xf32> to vector<16xf32>
        %get3A_295 = arith.index_cast %scan3A_109 : i32 to index
        %get3A_296 = arith.constant 208 : index
        %get3A_297 = tpu.vector_load %arg14[%get3A_295, %get3A_296] {strides = array<i32>} : memref<40x384xf32, #tpu.memory_space<vmem>>, vector<1x16xf32>,
        %get3A_298 = vector.shape_cast %get3A_297 : vector<1x16xf32> to vector<16xf32>
        %add3A_299 = arith.addf %get3A_294, %get3A_298 : vector<16xf32>
        %max3A_300 = arith.constant 0.000000e+00 : f32
        %max3A_301 = vector.broadcast %max3A_300 : f32 to vector<16xf32>
        %max3A_302 = arith.maximumf %add3A_299, %max3A_301 : vector<16xf32>
        %mul3A_303 = arith.mulf %get3A_46, %max3A_302 : vector<16xf32>
        %add3A_304 = arith.addf %add3A_290, %mul3A_303 : vector<16xf32>
        %get3A_305 = arith.index_cast %scan3A_109 : i32 to index
        %get3A_306 = arith.constant 224 : index
        %get3A_307 = tpu.vector_load %arg13[%get3A_305, %get3A_306] {strides = array<i32>} : memref<40x384xf32, #tpu.memory_space<vmem>>, vector<1x16xf32>,
        %get3A_308 = vector.shape_cast %get3A_307 : vector<1x16xf32> to vector<16xf32>
        %get3A_309 = arith.index_cast %scan3A_109 : i32 to index
        %get3A_310 = arith.constant 224 : index
        %get3A_311 = tpu.vector_load %arg14[%get3A_309, %get3A_310] {strides = array<i32>} : memref<40x384xf32, #tpu.memory_space<vmem>>, vector<1x16xf32>,
        %get3A_312 = vector.shape_cast %get3A_311 : vector<1x16xf32> to vector<16xf32>
        %add3A_313 = arith.addf %get3A_308, %get3A_312 : vector<16xf32>
        %max3A_314 = arith.constant 0.000000e+00 : f32
        %max3A_315 = vector.broadcast %max3A_314 : f32 to vector<16xf32>
        %max3A_316 = arith.maximumf %add3A_313, %max3A_315 : vector<16xf32>
        %mul3A_317 = arith.mulf %get3A_49, %max3A_316 : vector<16xf32>
        %add3A_318 = arith.addf %add3A_304, %mul3A_317 : vector<16xf32>
        %get3A_319 = arith.index_cast %scan3A_109 : i32 to index
        %get3A_320 = arith.constant 240 : index
        %get3A_321 = tpu.vector_load %arg13[%get3A_319, %get3A_320] {strides = array<i32>} : memref<40x384xf32, #tpu.memory_space<vmem>>, vector<1x16xf32>,
        %get3A_322 = vector.shape_cast %get3A_321 : vector<1x16xf32> to vector<16xf32>
        %get3A_323 = arith.index_cast %scan3A_109 : i32 to index
        %get3A_324 = arith.constant 240 : index
        %get3A_325 = tpu.vector_load %arg14[%get3A_323, %get3A_324] {strides = array<i32>} : memref<40x384xf32, #tpu.memory_space<vmem>>, vector<1x16xf32>,
        %get3A_326 = vector.shape_cast %get3A_325 : vector<1x16xf32> to vector<16xf32>
        %add3A_327 = arith.addf %get3A_322, %get3A_326 : vector<16xf32>
        %max3A_328 = arith.constant 0.000000e+00 : f32
        %max3A_329 = vector.broadcast %max3A_328 : f32 to vector<16xf32>
        %max3A_330 = arith.maximumf %add3A_327, %max3A_329 : vector<16xf32>
        %mul3A_331 = arith.mulf %get3A_52, %max3A_330 : vector<16xf32>
        %add3A_332 = arith.addf %add3A_318, %mul3A_331 : vector<16xf32>
        %get3A_333 = arith.index_cast %scan3A_109 : i32 to index
        %get3A_334 = arith.constant 256 : index
        %get3A_335 = tpu.vector_load %arg13[%get3A_333, %get3A_334] {strides = array<i32>} : memref<40x384xf32, #tpu.memory_space<vmem>>, vector<1x16xf32>,
        %get3A_336 = vector.shape_cast %get3A_335 : vector<1x16xf32> to vector<16xf32>
        %get3A_337 = arith.index_cast %scan3A_109 : i32 to index
        %get3A_338 = arith.constant 256 : index
        %get3A_339 = tpu.vector_load %arg14[%get3A_337, %get3A_338] {strides = array<i32>} : memref<40x384xf32, #tpu.memory_space<vmem>>, vector<1x16xf32>,
        %get3A_340 = vector.shape_cast %get3A_339 : vector<1x16xf32> to vector<16xf32>
        %add3A_341 = arith.addf %get3A_336, %get3A_340 : vector<16xf32>
        %max3A_342 = arith.constant 0.000000e+00 : f32
        %max3A_343 = vector.broadcast %max3A_342 : f32 to vector<16xf32>
        %max3A_344 = arith.maximumf %add3A_341, %max3A_343 : vector<16xf32>
        %mul3A_345 = arith.mulf %get3A_55, %max3A_344 : vector<16xf32>
        %add3A_346 = arith.addf %add3A_332, %mul3A_345 : vector<16xf32>
        %get3A_347 = arith.index_cast %scan3A_109 : i32 to index
        %get3A_348 = arith.constant 272 : index
        %get3A_349 = tpu.vector_load %arg13[%get3A_347, %get3A_348] {strides = array<i32>} : memref<40x384xf32, #tpu.memory_space<vmem>>, vector<1x16xf32>,
        %get3A_350 = vector.shape_cast %get3A_349 : vector<1x16xf32> to vector<16xf32>
        %get3A_351 = arith.index_cast %scan3A_109 : i32 to index
        %get3A_352 = arith.constant 272 : index
        %get3A_353 = tpu.vector_load %arg14[%get3A_351, %get3A_352] {strides = array<i32>} : memref<40x384xf32, #tpu.memory_space<vmem>>, vector<1x16xf32>,
        %get3A_354 = vector.shape_cast %get3A_353 : vector<1x16xf32> to vector<16xf32>
        %add3A_355 = arith.addf %get3A_350, %get3A_354 : vector<16xf32>
        %max3A_356 = arith.constant 0.000000e+00 : f32
        %max3A_357 = vector.broadcast %max3A_356 : f32 to vector<16xf32>
        %max3A_358 = arith.maximumf %add3A_355, %max3A_357 : vector<16xf32>
        %mul3A_359 = arith.mulf %get3A_58, %max3A_358 : vector<16xf32>
        %add3A_360 = arith.addf %add3A_346, %mul3A_359 : vector<16xf32>
        %iota3A = tpu.iota {dimensions = array<i32: 0>} : vector<16xi32>
        %xor3A = arith.constant 8 : i32
        %xor3A_361 = vector.broadcast %xor3A : i32 to vector<16xi32>
        %xor3A_362 = arith.xori %iota3A, %xor3A_361 : vector<16xi32>
        %reshape3A = vector.shape_cast %xor3A_362 : vector<16xi32> to vector<16x1xi32>
        %gather3A = vector.shape_cast %reshape3A : vector<16x1xi32> to vector<16xi32>
        %gather3A_363 = tpu.dynamic_gather %add3A_360[%gather3A] in [0] : vector<16xf32>, vector<16xi32> -> vector<16xf32>
        %add3A_364 = arith.addf %add3A_360, %gather3A_363 : vector<16xf32>
        %xor3A_365 = arith.constant 4 : i32
        %xor3A_366 = vector.broadcast %xor3A_365 : i32 to vector<16xi32>
        %xor3A_367 = arith.xori %iota3A, %xor3A_366 : vector<16xi32>
        %reshape3A_368 = vector.shape_cast %xor3A_367 : vector<16xi32> to vector<16x1xi32>
        %gather3A_369 = vector.shape_cast %reshape3A_368 : vector<16x1xi32> to vector<16xi32>
        %gather3A_370 = tpu.dynamic_gather %add3A_364[%gather3A_369] in [0] : vector<16xf32>, vector<16xi32> -> vector<16xf32>
        %add3A_371 = arith.addf %add3A_364, %gather3A_370 : vector<16xf32>
        %xor3A_372 = arith.constant 2 : i32
        %xor3A_373 = vector.broadcast %xor3A_372 : i32 to vector<16xi32>
        %xor3A_374 = arith.xori %iota3A, %xor3A_373 : vector<16xi32>
        %reshape3A_375 = vector.shape_cast %xor3A_374 : vector<16xi32> to vector<16x1xi32>
        %gather3A_376 = vector.shape_cast %reshape3A_375 : vector<16x1xi32> to vector<16xi32>
        %gather3A_377 = tpu.dynamic_gather %add3A_371[%gather3A_376] in [0] : vector<16xf32>, vector<16xi32> -> vector<16xf32>
        %add3A_378 = arith.addf %add3A_371, %gather3A_377 : vector<16xf32>
        %xor3A_379 = arith.constant 1 : i32
        %xor3A_380 = vector.broadcast %xor3A_379 : i32 to vector<16xi32>
        %xor3A_381 = arith.xori %iota3A, %xor3A_380 : vector<16xi32>
        %reshape3A_382 = vector.shape_cast %xor3A_381 : vector<16xi32> to vector<16x1xi32>
        %gather3A_383 = vector.shape_cast %reshape3A_382 : vector<16x1xi32> to vector<16xi32>
        %gather3A_384 = tpu.dynamic_gather %add3A_378[%gather3A_383] in [0] : vector<16xf32>, vector<16xi32> -> vector<16xf32>
        %add3A_385 = arith.addf %add3A_378, %gather3A_384 : vector<16xf32>
        %add3A_386 = arith.addf %add3A_385, %get3A_61 : vector<16xf32>
        %get3A_387 = arith.index_cast %scan3A_109 : i32 to index
        %get3A_388 = arith.constant 0 : index
        %get3A_389 = tpu.vector_load %arg15[%get3A_387, %get3A_388] {strides = array<i32>} : memref<40x128xf32, #tpu.memory_space<vmem>>, vector<1x16xf32>,
        %get3A_390 = vector.shape_cast %get3A_389 : vector<1x16xf32> to vector<16xf32>
        %mul3A_391 = arith.mulf %get3A_390, %add3A_386 : vector<16xf32>
        %swap3A = arith.index_cast %scan3A_109 : i32 to index
        %swap3A_392 = arith.constant 0 : index
        %swap3A_393 = tpu.vector_load %arg16[%swap3A, %swap3A_392] {strides = array<i32>} : memref<40x128xf32, #tpu.memory_space<vmem>>, vector<1x16xf32>,
        %swap3A_394 = vector.shape_cast %swap3A_393 : vector<1x16xf32> to vector<16xf32>
        %swap3A_395 = vector.shape_cast %mul3A_391 : vector<16xf32> to vector<1x16xf32>
        tpu.vector_store %arg16[%swap3A, %swap3A_392], %swap3A_395 {strides = array<i32>} : memref<40x128xf32, #tpu.memory_space<vmem>>, vector<1x16xf32>,
        %get3A_396 = arith.index_cast %scan3A_109 : i32 to index
        %get3A_397 = arith.constant 16 : index
        %get3A_398 = tpu.vector_load %arg15[%get3A_396, %get3A_397] {strides = array<i32>} : memref<40x128xf32, #tpu.memory_space<vmem>>, vector<1x16xf32>,
        %get3A_399 = vector.shape_cast %get3A_398 : vector<1x16xf32> to vector<16xf32>
        %mul3A_400 = arith.mulf %get3A_399, %add3A_386 : vector<16xf32>
        %swap3A_401 = arith.index_cast %scan3A_109 : i32 to index
        %swap3A_402 = arith.constant 16 : index
        %swap3A_403 = tpu.vector_load %arg16[%swap3A_401, %swap3A_402] {strides = array<i32>} : memref<40x128xf32, #tpu.memory_space<vmem>>, vector<1x16xf32>,
        %swap3A_404 = vector.shape_cast %swap3A_403 : vector<1x16xf32> to vector<16xf32>
        %swap3A_405 = vector.shape_cast %mul3A_400 : vector<16xf32> to vector<1x16xf32>
        tpu.vector_store %arg16[%swap3A_401, %swap3A_402], %swap3A_405 {strides = array<i32>} : memref<40x128xf32, #tpu.memory_space<vmem>>, vector<1x16xf32>,
        %get3A_406 = arith.index_cast %scan3A_109 : i32 to index
        %get3A_407 = arith.constant 32 : index
        %get3A_408 = tpu.vector_load %arg15[%get3A_406, %get3A_407] {strides = array<i32>} : memref<40x128xf32, #tpu.memory_space<vmem>>, vector<1x16xf32>,
        %get3A_409 = vector.shape_cast %get3A_408 : vector<1x16xf32> to vector<16xf32>
        %mul3A_410 = arith.mulf %get3A_409, %add3A_386 : vector<16xf32>
        %swap3A_411 = arith.index_cast %scan3A_109 : i32 to index
        %swap3A_412 = arith.constant 32 : index
        %swap3A_413 = tpu.vector_load %arg16[%swap3A_411, %swap3A_412] {strides = array<i32>} : memref<40x128xf32, #tpu.memory_space<vmem>>, vector<1x16xf32>,
        %swap3A_414 = vector.shape_cast %swap3A_413 : vector<1x16xf32> to vector<16xf32>
        %swap3A_415 = vector.shape_cast %mul3A_410 : vector<16xf32> to vector<1x16xf32>
        tpu.vector_store %arg16[%swap3A_411, %swap3A_412], %swap3A_415 {strides = array<i32>} : memref<40x128xf32, #tpu.memory_space<vmem>>, vector<1x16xf32>,
        %get3A_416 = arith.index_cast %scan3A_109 : i32 to index
        %get3A_417 = arith.constant 48 : index
        %get3A_418 = tpu.vector_load %arg15[%get3A_416, %get3A_417] {strides = array<i32>} : memref<40x128xf32, #tpu.memory_space<vmem>>, vector<1x16xf32>,
        %get3A_419 = vector.shape_cast %get3A_418 : vector<1x16xf32> to vector<16xf32>
        %mul3A_420 = arith.mulf %get3A_419, %add3A_386 : vector<16xf32>
        %swap3A_421 = arith.index_cast %scan3A_109 : i32 to index
        %swap3A_422 = arith.constant 48 : index
        %swap3A_423 = tpu.vector_load %arg16[%swap3A_421, %swap3A_422] {strides = array<i32>} : memref<40x128xf32, #tpu.memory_space<vmem>>, vector<1x16xf32>,
        %swap3A_424 = vector.shape_cast %swap3A_423 : vector<1x16xf32> to vector<16xf32>
        %swap3A_425 = vector.shape_cast %mul3A_420 : vector<16xf32> to vector<1x16xf32>
        tpu.vector_store %arg16[%swap3A_421, %swap3A_422], %swap3A_425 {strides = array<i32>} : memref<40x128xf32, #tpu.memory_space<vmem>>, vector<1x16xf32>,
        %get3A_426 = arith.index_cast %scan3A_109 : i32 to index
        %get3A_427 = arith.constant 64 : index
        %get3A_428 = tpu.vector_load %arg15[%get3A_426, %get3A_427] {strides = array<i32>} : memref<40x128xf32, #tpu.memory_space<vmem>>, vector<1x16xf32>,
        %get3A_429 = vector.shape_cast %get3A_428 : vector<1x16xf32> to vector<16xf32>
        %mul3A_430 = arith.mulf %get3A_429, %add3A_386 : vector<16xf32>
        %swap3A_431 = arith.index_cast %scan3A_109 : i32 to index
        %swap3A_432 = arith.constant 64 : index
        %swap3A_433 = tpu.vector_load %arg16[%swap3A_431, %swap3A_432] {strides = array<i32>} : memref<40x128xf32, #tpu.memory_space<vmem>>, vector<1x16xf32>,
        %swap3A_434 = vector.shape_cast %swap3A_433 : vector<1x16xf32> to vector<16xf32>
        %swap3A_435 = vector.shape_cast %mul3A_430 : vector<16xf32> to vector<1x16xf32>
        tpu.vector_store %arg16[%swap3A_431, %swap3A_432], %swap3A_435 {strides = array<i32>} : memref<40x128xf32, #tpu.memory_space<vmem>>, vector<1x16xf32>,
        %get3A_436 = arith.index_cast %scan3A_109 : i32 to index
        %get3A_437 = arith.constant 80 : index
        %get3A_438 = tpu.vector_load %arg15[%get3A_436, %get3A_437] {strides = array<i32>} : memref<40x128xf32, #tpu.memory_space<vmem>>, vector<1x16xf32>,
        %get3A_439 = vector.shape_cast %get3A_438 : vector<1x16xf32> to vector<16xf32>
        %mul3A_440 = arith.mulf %get3A_439, %add3A_386 : vector<16xf32>
        %swap3A_441 = arith.index_cast %scan3A_109 : i32 to index
        %swap3A_442 = arith.constant 80 : index
        %swap3A_443 = tpu.vector_load %arg16[%swap3A_441, %swap3A_442] {strides = array<i32>} : memref<40x128xf32, #tpu.memory_space<vmem>>, vector<1x16xf32>,
        %swap3A_444 = vector.shape_cast %swap3A_443 : vector<1x16xf32> to vector<16xf32>
        %swap3A_445 = vector.shape_cast %mul3A_440 : vector<16xf32> to vector<1x16xf32>
        tpu.vector_store %arg16[%swap3A_441, %swap3A_442], %swap3A_445 {strides = array<i32>} : memref<40x128xf32, #tpu.memory_space<vmem>>, vector<1x16xf32>,
        %get3A_446 = arith.index_cast %scan3A_109 : i32 to index
        %get3A_447 = arith.constant 96 : index
        %get3A_448 = tpu.vector_load %arg15[%get3A_446, %get3A_447] {strides = array<i32>} : memref<40x128xf32, #tpu.memory_space<vmem>>, vector<1x16xf32>,
        %get3A_449 = vector.shape_cast %get3A_448 : vector<1x16xf32> to vector<16xf32>
        %mul3A_450 = arith.mulf %get3A_449, %add3A_386 : vector<16xf32>
        %swap3A_451 = arith.index_cast %scan3A_109 : i32 to index
        %swap3A_452 = arith.constant 96 : index
        %swap3A_453 = tpu.vector_load %arg16[%swap3A_451, %swap3A_452] {strides = array<i32>} : memref<40x128xf32, #tpu.memory_space<vmem>>, vector<1x16xf32>,
        %swap3A_454 = vector.shape_cast %swap3A_453 : vector<1x16xf32> to vector<16xf32>
        %swap3A_455 = vector.shape_cast %mul3A_450 : vector<16xf32> to vector<1x16xf32>
        tpu.vector_store %arg16[%swap3A_451, %swap3A_452], %swap3A_455 {strides = array<i32>} : memref<40x128xf32, #tpu.memory_space<vmem>>, vector<1x16xf32>,
        %get3A_456 = arith.index_cast %scan3A_109 : i32 to index
        %get3A_457 = arith.constant 112 : index
        %get3A_458 = tpu.vector_load %arg15[%get3A_456, %get3A_457] {strides = array<i32>} : memref<40x128xf32, #tpu.memory_space<vmem>>, vector<1x16xf32>,
        %get3A_459 = vector.shape_cast %get3A_458 : vector<1x16xf32> to vector<16xf32>
        %mul3A_460 = arith.mulf %get3A_459, %add3A_386 : vector<16xf32>
        %swap3A_461 = arith.index_cast %scan3A_109 : i32 to index
        %swap3A_462 = arith.constant 112 : index
        %swap3A_463 = tpu.vector_load %arg16[%swap3A_461, %swap3A_462] {strides = array<i32>} : memref<40x128xf32, #tpu.memory_space<vmem>>, vector<1x16xf32>,
        %swap3A_464 = vector.shape_cast %swap3A_463 : vector<1x16xf32> to vector<16xf32>
        %swap3A_465 = vector.shape_cast %mul3A_460 : vector<16xf32> to vector<1x16xf32>
        tpu.vector_store %arg16[%swap3A_461, %swap3A_462], %swap3A_465 {strides = array<i32>} : memref<40x128xf32, #tpu.memory_space<vmem>>, vector<1x16xf32>,
        %scan3A_466 = arith.constant 0 : i32
        scf.yield %scan3A_466 : i32
      }
      %scan3A_107 = arith.constant 40 : i32
      "tpu.region"() ({
        %run_scoped3A = tpu.sem_alloc : memref<!tpu.dma_semaphore, #tpu.memory_space<semaphore_mem>>
        %dma_start3A_109 = arith.constant 0 : i32
        %dma_start3A_110 = arith.constant 0 : i32
        %dma_start3A_111 = tpu.memref_slice %arg19[%dma_start3A_109, %dma_start3A_110] : memref<10240x128xf32, #tpu.memory_space<vmem_shared>> -> memref<10240x128xf32, #tpu.memory_space<vmem_shared>>
        tpu.enqueue_indirect_dma source(%arg16 : memref<40x128xf32, #tpu.memory_space<vmem>>) target(%dma_start3A_111 : memref<10240x128xf32, #tpu.memory_space<vmem_shared>>) offsets(%arg12 : memref<40xi32, #tpu.memory_space<vmem>>) semaphore(%run_scoped3A : memref<!tpu.dma_semaphore, #tpu.memory_space<semaphore_mem>>) {add = true}
        %dma_wait3A_112 = arith.constant 0 : i32
        %dma_wait3A_113 = arith.constant 0 : i32
        %dma_wait3A_114 = tpu.memref_slice %arg19[%dma_wait3A_112, %dma_wait3A_113] : memref<10240x128xf32, #tpu.memory_space<vmem_shared>> -> memref<10240x128xf32, #tpu.memory_space<vmem_shared>>
        tpu.wait_indirect_dma semaphore(%run_scoped3A : memref<!tpu.dma_semaphore, #tpu.memory_space<semaphore_mem>>) src(%arg16 : memref<40x128xf32, #tpu.memory_space<vmem>>) dst(%dma_wait3A_114 : memref<10240x128xf32, #tpu.memory_space<vmem_shared>>)
        tpu.yield
      }) : () -> ()
      %scan3A_108 = arith.constant 0 : i32
      scf.yield %scan3A_108 : i32
    }
    %scan3A_71 = arith.constant 125 : i32
    %barrier3A_72 = arith.constant 0 : index
    tpu.barrier barrier_id(%barrier3A_72)
    %scan3A_73 = arith.constant 0 : i32
    %scan3A_74 = arith.constant 0 : i32
    %scan3A_75 = arith.constant 5 : i32
    %scan3A_76 = arith.addi %scan3A_74, %scan3A_75 : i32
    %scan3A_77 = arith.constant 1 : i32
    %scan3A_78 = scf.for %scan3A_80 = %scan3A_74 to %scan3A_76 step %scan3A_77 iter_args(%scan3A_81 = %scan3A_73) -> (i32)  : i32 {
      %mul3A_82 = arith.constant 640 : i32
      %mul3A_83 = arith.muli %arg1, %mul3A_82 : i32
      %mul3A_84 = arith.constant 128 : i32
      %mul3A_85 = arith.muli %scan3A_80, %mul3A_84 : i32
      %add3A_86 = arith.addi %mul3A_83, %mul3A_85 : i32
      "tpu.region"() ({
        %run_scoped3A = tpu.sem_alloc : memref<!tpu.dma_semaphore, #tpu.memory_space<semaphore_mem>>
        %dma_start3A = arith.constant 0 : i32
        %dma_start3A_88 = tpu.memref_slice %arg10[%arg0, %add3A_86, %dma_start3A] : memref<2x10240x128xf32, #tpu.memory_space<hbm>> -> memref<1x128x128xf32, #tpu.memory_space<hbm>>
        %dma_start3A_89 = tpu.memref_squeeze %dma_start3A_88 : memref<1x128x128xf32, #tpu.memory_space<hbm>> -> memref<128x128xf32, #tpu.memory_space<hbm>>
        %dma_start3A_90 = arith.constant 0 : i32
        %dma_start3A_91 = tpu.memref_slice %arg19[%add3A_86, %dma_start3A_90] : memref<10240x128xf32, #tpu.memory_space<vmem_shared>> -> memref<128x128xf32, #tpu.memory_space<vmem_shared>>
        tpu.enqueue_dma source(%dma_start3A_91 : memref<128x128xf32, #tpu.memory_space<vmem_shared>>) target(%dma_start3A_89 : memref<128x128xf32, #tpu.memory_space<hbm>>) target_semaphore(%run_scoped3A : memref<!tpu.dma_semaphore, #tpu.memory_space<semaphore_mem>>)
        %dma_wait3A = arith.constant 0 : i32
        %dma_wait3A_92 = tpu.memref_slice %arg10[%arg0, %add3A_86, %dma_wait3A] : memref<2x10240x128xf32, #tpu.memory_space<hbm>> -> memref<1x128x128xf32, #tpu.memory_space<hbm>>
        %dma_wait3A_93 = tpu.memref_squeeze %dma_wait3A_92 : memref<1x128x128xf32, #tpu.memory_space<hbm>> -> memref<128x128xf32, #tpu.memory_space<hbm>>
        %dma_wait3A_94 = arith.constant 0 : i32
        %dma_wait3A_95 = tpu.memref_slice %arg19[%add3A_86, %dma_wait3A_94] : memref<10240x128xf32, #tpu.memory_space<vmem_shared>> -> memref<128x128xf32, #tpu.memory_space<vmem_shared>>
        tpu.wait_dma2 semaphore(%run_scoped3A : memref<!tpu.dma_semaphore, #tpu.memory_space<semaphore_mem>>) src(%dma_wait3A_95 : memref<128x128xf32, #tpu.memory_space<vmem_shared>>) dst(%dma_wait3A_93 : memref<128x128xf32, #tpu.memory_space<hbm>>)
        tpu.yield
      }) : () -> ()
      %scan3A_87 = arith.constant 0 : i32
      scf.yield %scan3A_87 : i32
    }
    %scan3A_79 = arith.constant 5 : i32
    return
  }
}

#map = affine_map<(d0, d1) -> (0)>
#map1 = affine_map<(d0, d1) -> (0, 0)>
#map2 = affine_map<(d0, d1) -> (0, 0, 0)>
module attributes {stable_mosaic.version = 14 : i64} {
  func.func @_edge_kernel(%arg0: i32, %arg1: i32, %arg2: memref<160000xi32, #tpu.memory_space<hbm>>, %arg3: memref<160000xi32, #tpu.memory_space<hbm>>, %arg4: memref<10240x384xf32, #tpu.memory_space<hbm>>, %arg5: memref<10240x384xf32, #tpu.memory_space<hbm>>, %arg6: memref<10240x128xf32, #tpu.memory_space<hbm>>, %arg7: memref<288xf32, #tpu.memory_space<hbm>>, %arg8: memref<16xf32, #tpu.memory_space<hbm>>, %arg9: memref<128x128xf32, #tpu.memory_space<hbm>>, %arg10: memref<2x10240x128xf32, #tpu.memory_space<hbm>>, %arg11: memref<40xi32, #tpu.memory_space<vmem>>, %arg12: memref<40xi32, #tpu.memory_space<vmem>>, %arg13: memref<40x384xf32, #tpu.memory_space<vmem>>, %arg14: memref<40x384xf32, #tpu.memory_space<vmem>>, %arg15: memref<40x128xf32, #tpu.memory_space<vmem>>, %arg16: memref<40x128xf32, #tpu.memory_space<vmem>>, %arg17: memref<288xf32, #tpu.memory_space<vmem>>, %arg18: memref<16xf32, #tpu.memory_space<vmem>>, %arg19: memref<10240x128xf32, #tpu.memory_space<vmem_shared>>, %arg20: memref<!tpu.dma_semaphore, #tpu.memory_space<semaphore_mem>>) attributes {dimension_semantics = [#tpu.dimension_semantics<core_parallel>, #tpu.dimension_semantics<subcore_parallel>], iteration_bounds = array<i64: 2, 16>, scalar_prefetch = 0 : i64, scratch_operands = 10 : i64, tpu.core_type = #tpu.core_type<sc_vector_subcore>, window_params = [{transform_indices = #map}, {transform_indices = #map}, {transform_indices = #map1}, {transform_indices = #map1}, {transform_indices = #map1}, {transform_indices = #map}, {transform_indices = #map}, {transform_indices = #map1}, {transform_indices = #map2}]} {
    %scan3A = arith.constant 0 : i32
    %scan3A_0 = arith.constant 0 : i32
    %scan3A_1 = arith.constant 5 : i32
    %scan3A_2 = arith.addi %scan3A_0, %scan3A_1 : i32
    %scan3A_3 = arith.constant 1 : i32
    %scan3A_4 = scf.for %scan3A_80 = %scan3A_0 to %scan3A_2 step %scan3A_3 iter_args(%scan3A_81 = %scan3A) -> (i32)  : i32 {
      %mul3A_82 = arith.constant 640 : i32
      %mul3A_83 = arith.muli %arg1, %mul3A_82 : i32
      %mul3A_84 = arith.constant 128 : i32
      %mul3A_85 = arith.muli %scan3A_80, %mul3A_84 : i32
      %add3A_86 = arith.addi %mul3A_83, %mul3A_85 : i32
      "tpu.region"() ({
        %run_scoped3A = tpu.sem_alloc : memref<!tpu.dma_semaphore, #tpu.memory_space<semaphore_mem>>
        %dma_start3A = arith.constant 0 : i32
        %dma_start3A_88 = tpu.memref_slice %arg19[%add3A_86, %dma_start3A] : memref<10240x128xf32, #tpu.memory_space<vmem_shared>> -> memref<128x128xf32, #tpu.memory_space<vmem_shared>>
        tpu.enqueue_dma source(%arg9 : memref<128x128xf32, #tpu.memory_space<hbm>>) target(%dma_start3A_88 : memref<128x128xf32, #tpu.memory_space<vmem_shared>>) target_semaphore(%run_scoped3A : memref<!tpu.dma_semaphore, #tpu.memory_space<semaphore_mem>>)
        %dma_wait3A = arith.constant 0 : i32
        %dma_wait3A_89 = tpu.memref_slice %arg19[%add3A_86, %dma_wait3A] : memref<10240x128xf32, #tpu.memory_space<vmem_shared>> -> memref<128x128xf32, #tpu.memory_space<vmem_shared>>
        tpu.wait_dma2 semaphore(%run_scoped3A : memref<!tpu.dma_semaphore, #tpu.memory_space<semaphore_mem>>) src(%arg9 : memref<128x128xf32, #tpu.memory_space<hbm>>) dst(%dma_wait3A_89 : memref<128x128xf32, #tpu.memory_space<vmem_shared>>)
        tpu.yield
      }) : () -> ()
      %scan3A_87 = arith.constant 0 : i32
      scf.yield %scan3A_87 : i32
    }
    %scan3A_5 = arith.constant 5 : i32
    "tpu.region"() ({
      %run_scoped3A = tpu.sem_alloc : memref<!tpu.dma_semaphore, #tpu.memory_space<semaphore_mem>>
      tpu.enqueue_dma source(%arg7 : memref<288xf32, #tpu.memory_space<hbm>>) target(%arg17 : memref<288xf32, #tpu.memory_space<vmem>>) target_semaphore(%run_scoped3A : memref<!tpu.dma_semaphore, #tpu.memory_space<semaphore_mem>>)
      tpu.wait_dma2 semaphore(%run_scoped3A : memref<!tpu.dma_semaphore, #tpu.memory_space<semaphore_mem>>) src(%arg7 : memref<288xf32, #tpu.memory_space<hbm>>) dst(%arg17 : memref<288xf32, #tpu.memory_space<vmem>>)
      tpu.yield
    }) : () -> ()
    "tpu.region"() ({
      %run_scoped3A = tpu.sem_alloc : memref<!tpu.dma_semaphore, #tpu.memory_space<semaphore_mem>>
      tpu.enqueue_dma source(%arg8 : memref<16xf32, #tpu.memory_space<hbm>>) target(%arg18 : memref<16xf32, #tpu.memory_space<vmem>>) target_semaphore(%run_scoped3A : memref<!tpu.dma_semaphore, #tpu.memory_space<semaphore_mem>>)
      tpu.wait_dma2 semaphore(%run_scoped3A : memref<!tpu.dma_semaphore, #tpu.memory_space<semaphore_mem>>) src(%arg8 : memref<16xf32, #tpu.memory_space<hbm>>) dst(%arg18 : memref<16xf32, #tpu.memory_space<vmem>>)
      tpu.yield
    }) : () -> ()
    %barrier3A = arith.constant 0 : index
    tpu.barrier barrier_id(%barrier3A)
    %get3A = arith.constant 0 : index
    %get3A_6 = tpu.vector_load %arg17[%get3A] {strides = array<i32>} : memref<288xf32, #tpu.memory_space<vmem>>, vector<16xf32>,
    %get3A_7 = vector.shape_cast %get3A_6 : vector<16xf32> to vector<16xf32>
    %get3A_8 = arith.constant 16 : index
    %get3A_9 = tpu.vector_load %arg17[%get3A_8] {strides = array<i32>} : memref<288xf32, #tpu.memory_space<vmem>>, vector<16xf32>,
    %get3A_10 = vector.shape_cast %get3A_9 : vector<16xf32> to vector<16xf32>
    %get3A_11 = arith.constant 32 : index
    %get3A_12 = tpu.vector_load %arg17[%get3A_11] {strides = array<i32>} : memref<288xf32, #tpu.memory_space<vmem>>, vector<16xf32>,
    %get3A_13 = vector.shape_cast %get3A_12 : vector<16xf32> to vector<16xf32>
    %get3A_14 = arith.constant 48 : index
    %get3A_15 = tpu.vector_load %arg17[%get3A_14] {strides = array<i32>} : memref<288xf32, #tpu.memory_space<vmem>>, vector<16xf32>,
    %get3A_16 = vector.shape_cast %get3A_15 : vector<16xf32> to vector<16xf32>
    %get3A_17 = arith.constant 64 : index
    %get3A_18 = tpu.vector_load %arg17[%get3A_17] {strides = array<i32>} : memref<288xf32, #tpu.memory_space<vmem>>, vector<16xf32>,
    %get3A_19 = vector.shape_cast %get3A_18 : vector<16xf32> to vector<16xf32>
    %get3A_20 = arith.constant 80 : index
    %get3A_21 = tpu.vector_load %arg17[%get3A_20] {strides = array<i32>} : memref<288xf32, #tpu.memory_space<vmem>>, vector<16xf32>,
    %get3A_22 = vector.shape_cast %get3A_21 : vector<16xf32> to vector<16xf32>
    %get3A_23 = arith.constant 96 : index
    %get3A_24 = tpu.vector_load %arg17[%get3A_23] {strides = array<i32>} : memref<288xf32, #tpu.memory_space<vmem>>, vector<16xf32>,
    %get3A_25 = vector.shape_cast %get3A_24 : vector<16xf32> to vector<16xf32>
    %get3A_26 = arith.constant 112 : index
    %get3A_27 = tpu.vector_load %arg17[%get3A_26] {strides = array<i32>} : memref<288xf32, #tpu.memory_space<vmem>>, vector<16xf32>,
    %get3A_28 = vector.shape_cast %get3A_27 : vector<16xf32> to vector<16xf32>
    %get3A_29 = arith.constant 128 : index
    %get3A_30 = tpu.vector_load %arg17[%get3A_29] {strides = array<i32>} : memref<288xf32, #tpu.memory_space<vmem>>, vector<16xf32>,
    %get3A_31 = vector.shape_cast %get3A_30 : vector<16xf32> to vector<16xf32>
    %get3A_32 = arith.constant 144 : index
    %get3A_33 = tpu.vector_load %arg17[%get3A_32] {strides = array<i32>} : memref<288xf32, #tpu.memory_space<vmem>>, vector<16xf32>,
    %get3A_34 = vector.shape_cast %get3A_33 : vector<16xf32> to vector<16xf32>
    %get3A_35 = arith.constant 160 : index
    %get3A_36 = tpu.vector_load %arg17[%get3A_35] {strides = array<i32>} : memref<288xf32, #tpu.memory_space<vmem>>, vector<16xf32>,
    %get3A_37 = vector.shape_cast %get3A_36 : vector<16xf32> to vector<16xf32>
    %get3A_38 = arith.constant 176 : index
    %get3A_39 = tpu.vector_load %arg17[%get3A_38] {strides = array<i32>} : memref<288xf32, #tpu.memory_space<vmem>>, vector<16xf32>,
    %get3A_40 = vector.shape_cast %get3A_39 : vector<16xf32> to vector<16xf32>
    %get3A_41 = arith.constant 192 : index
    %get3A_42 = tpu.vector_load %arg17[%get3A_41] {strides = array<i32>} : memref<288xf32, #tpu.memory_space<vmem>>, vector<16xf32>,
    %get3A_43 = vector.shape_cast %get3A_42 : vector<16xf32> to vector<16xf32>
    %get3A_44 = arith.constant 208 : index
    %get3A_45 = tpu.vector_load %arg17[%get3A_44] {strides = array<i32>} : memref<288xf32, #tpu.memory_space<vmem>>, vector<16xf32>,
    %get3A_46 = vector.shape_cast %get3A_45 : vector<16xf32> to vector<16xf32>
    %get3A_47 = arith.constant 224 : index
    %get3A_48 = tpu.vector_load %arg17[%get3A_47] {strides = array<i32>} : memref<288xf32, #tpu.memory_space<vmem>>, vector<16xf32>,
    %get3A_49 = vector.shape_cast %get3A_48 : vector<16xf32> to vector<16xf32>
    %get3A_50 = arith.constant 240 : index
    %get3A_51 = tpu.vector_load %arg17[%get3A_50] {strides = array<i32>} : memref<288xf32, #tpu.memory_space<vmem>>, vector<16xf32>,
    %get3A_52 = vector.shape_cast %get3A_51 : vector<16xf32> to vector<16xf32>
    %get3A_53 = arith.constant 256 : index
    %get3A_54 = tpu.vector_load %arg17[%get3A_53] {strides = array<i32>} : memref<288xf32, #tpu.memory_space<vmem>>, vector<16xf32>,
    %get3A_55 = vector.shape_cast %get3A_54 : vector<16xf32> to vector<16xf32>
    %get3A_56 = arith.constant 272 : index
    %get3A_57 = tpu.vector_load %arg17[%get3A_56] {strides = array<i32>} : memref<288xf32, #tpu.memory_space<vmem>>, vector<16xf32>,
    %get3A_58 = vector.shape_cast %get3A_57 : vector<16xf32> to vector<16xf32>
    %get3A_59 = arith.constant 0 : index
    %get3A_60 = tpu.vector_load %arg18[%get3A_59] {strides = array<i32>} : memref<16xf32, #tpu.memory_space<vmem>>, vector<16xf32>,
    %get3A_61 = vector.shape_cast %get3A_60 : vector<16xf32> to vector<16xf32>
    %mul3A = arith.constant 16 : i32
    %mul3A_62 = arith.muli %arg0, %mul3A : i32
    %add3A = arith.addi %mul3A_62, %arg1 : i32
    %mul3A_63 = arith.constant 5000 : i32
    %mul3A_64 = arith.muli %add3A, %mul3A_63 : i32
    %scan3A_65 = arith.constant 0 : i32
    %scan3A_66 = arith.constant 0 : i32
    %scan3A_67 = arith.constant 125 : i32
    %scan3A_68 = arith.addi %scan3A_66, %scan3A_67 : i32
    %scan3A_69 = arith.constant 1 : i32
    %scan3A_70 = scf.for %scan3A_80 = %scan3A_66 to %scan3A_68 step %scan3A_69 iter_args(%scan3A_81 = %scan3A_65) -> (i32)  : i32 {
      %mul3A_82 = arith.constant 40 : i32
      %mul3A_83 = arith.muli %scan3A_80, %mul3A_82 : i32
      %add3A_84 = arith.addi %mul3A_64, %mul3A_83 : i32
      "tpu.region"() ({
        %run_scoped3A = tpu.sem_alloc : memref<!tpu.dma_semaphore, #tpu.memory_space<semaphore_mem>>
        %dma_start3A_109 = tpu.memref_slice %arg2[%add3A_84] : memref<160000xi32, #tpu.memory_space<hbm>> -> memref<40xi32, #tpu.memory_space<hbm>>
        %dma_start3A_110 = tpu.memref_slice %arg2[%add3A_84] : memref<160000xi32, #tpu.memory_space<hbm>> -> memref<40xi32, #tpu.memory_space<hbm>>
        tpu.enqueue_dma source(%dma_start3A_110 : memref<40xi32, #tpu.memory_space<hbm>>) target(%arg11 : memref<40xi32, #tpu.memory_space<vmem>>) target_semaphore(%run_scoped3A : memref<!tpu.dma_semaphore, #tpu.memory_space<semaphore_mem>>)
        %dma_wait3A_111 = tpu.memref_slice %arg2[%add3A_84] : memref<160000xi32, #tpu.memory_space<hbm>> -> memref<40xi32, #tpu.memory_space<hbm>>
        %dma_wait3A_112 = tpu.memref_slice %arg2[%add3A_84] : memref<160000xi32, #tpu.memory_space<hbm>> -> memref<40xi32, #tpu.memory_space<hbm>>
        tpu.wait_dma2 semaphore(%run_scoped3A : memref<!tpu.dma_semaphore, #tpu.memory_space<semaphore_mem>>) src(%dma_wait3A_112 : memref<40xi32, #tpu.memory_space<hbm>>) dst(%arg11 : memref<40xi32, #tpu.memory_space<vmem>>)
        tpu.yield
      }) : () -> ()
      "tpu.region"() ({
        %run_scoped3A = tpu.sem_alloc : memref<!tpu.dma_semaphore, #tpu.memory_space<semaphore_mem>>
        %dma_start3A_109 = tpu.memref_slice %arg3[%add3A_84] : memref<160000xi32, #tpu.memory_space<hbm>> -> memref<40xi32, #tpu.memory_space<hbm>>
        %dma_start3A_110 = tpu.memref_slice %arg3[%add3A_84] : memref<160000xi32, #tpu.memory_space<hbm>> -> memref<40xi32, #tpu.memory_space<hbm>>
        tpu.enqueue_dma source(%dma_start3A_110 : memref<40xi32, #tpu.memory_space<hbm>>) target(%arg12 : memref<40xi32, #tpu.memory_space<vmem>>) target_semaphore(%run_scoped3A : memref<!tpu.dma_semaphore, #tpu.memory_space<semaphore_mem>>)
        %dma_wait3A_111 = tpu.memref_slice %arg3[%add3A_84] : memref<160000xi32, #tpu.memory_space<hbm>> -> memref<40xi32, #tpu.memory_space<hbm>>
        %dma_wait3A_112 = tpu.memref_slice %arg3[%add3A_84] : memref<160000xi32, #tpu.memory_space<hbm>> -> memref<40xi32, #tpu.memory_space<hbm>>
        tpu.wait_dma2 semaphore(%run_scoped3A : memref<!tpu.dma_semaphore, #tpu.memory_space<semaphore_mem>>) src(%dma_wait3A_112 : memref<40xi32, #tpu.memory_space<hbm>>) dst(%arg12 : memref<40xi32, #tpu.memory_space<vmem>>)
        tpu.yield
      }) : () -> ()
      %dma_start3A = arith.constant 0 : i32
      %dma_start3A_85 = arith.constant 0 : i32
      %dma_start3A_86 = tpu.memref_slice %arg4[%dma_start3A, %dma_start3A_85] : memref<10240x384xf32, #tpu.memory_space<hbm>> -> memref<10240x384xf32, #tpu.memory_space<hbm>>
      tpu.enqueue_indirect_dma source(%dma_start3A_86 : memref<10240x384xf32, #tpu.memory_space<hbm>>) target(%arg13 : memref<40x384xf32, #tpu.memory_space<vmem>>) offsets(%arg12 : memref<40xi32, #tpu.memory_space<vmem>>) semaphore(%arg20 : memref<!tpu.dma_semaphore, #tpu.memory_space<semaphore_mem>>)
      %dma_start3A_87 = arith.constant 0 : i32
      %dma_start3A_88 = arith.constant 0 : i32
      %dma_start3A_89 = tpu.memref_slice %arg5[%dma_start3A_87, %dma_start3A_88] : memref<10240x384xf32, #tpu.memory_space<hbm>> -> memref<10240x384xf32, #tpu.memory_space<hbm>>
      tpu.enqueue_indirect_dma source(%dma_start3A_89 : memref<10240x384xf32, #tpu.memory_space<hbm>>) target(%arg14 : memref<40x384xf32, #tpu.memory_space<vmem>>) offsets(%arg11 : memref<40xi32, #tpu.memory_space<vmem>>) semaphore(%arg20 : memref<!tpu.dma_semaphore, #tpu.memory_space<semaphore_mem>>)
      %dma_start3A_90 = arith.constant 0 : i32
      %dma_start3A_91 = arith.constant 0 : i32
      %dma_start3A_92 = tpu.memref_slice %arg6[%dma_start3A_90, %dma_start3A_91] : memref<10240x128xf32, #tpu.memory_space<hbm>> -> memref<10240x128xf32, #tpu.memory_space<hbm>>
      tpu.enqueue_indirect_dma source(%dma_start3A_92 : memref<10240x128xf32, #tpu.memory_space<hbm>>) target(%arg15 : memref<40x128xf32, #tpu.memory_space<vmem>>) offsets(%arg11 : memref<40xi32, #tpu.memory_space<vmem>>) semaphore(%arg20 : memref<!tpu.dma_semaphore, #tpu.memory_space<semaphore_mem>>)
      %dma_wait3A = arith.constant 0 : i32
      %dma_wait3A_93 = arith.constant 0 : i32
      %dma_wait3A_94 = tpu.memref_slice %arg4[%dma_wait3A, %dma_wait3A_93] : memref<10240x384xf32, #tpu.memory_space<hbm>> -> memref<10240x384xf32, #tpu.memory_space<hbm>>
      tpu.wait_indirect_dma semaphore(%arg20 : memref<!tpu.dma_semaphore, #tpu.memory_space<semaphore_mem>>) src(%dma_wait3A_94 : memref<10240x384xf32, #tpu.memory_space<hbm>>) dst(%arg13 : memref<40x384xf32, #tpu.memory_space<vmem>>)
      %dma_wait3A_95 = arith.constant 0 : i32
      %dma_wait3A_96 = arith.constant 0 : i32
      %dma_wait3A_97 = tpu.memref_slice %arg5[%dma_wait3A_95, %dma_wait3A_96] : memref<10240x384xf32, #tpu.memory_space<hbm>> -> memref<10240x384xf32, #tpu.memory_space<hbm>>
      tpu.wait_indirect_dma semaphore(%arg20 : memref<!tpu.dma_semaphore, #tpu.memory_space<semaphore_mem>>) src(%dma_wait3A_97 : memref<10240x384xf32, #tpu.memory_space<hbm>>) dst(%arg14 : memref<40x384xf32, #tpu.memory_space<vmem>>)
      %dma_wait3A_98 = arith.constant 0 : i32
      %dma_wait3A_99 = arith.constant 0 : i32
      %dma_wait3A_100 = tpu.memref_slice %arg6[%dma_wait3A_98, %dma_wait3A_99] : memref<10240x128xf32, #tpu.memory_space<hbm>> -> memref<10240x128xf32, #tpu.memory_space<hbm>>
      tpu.wait_indirect_dma semaphore(%arg20 : memref<!tpu.dma_semaphore, #tpu.memory_space<semaphore_mem>>) src(%dma_wait3A_100 : memref<10240x128xf32, #tpu.memory_space<hbm>>) dst(%arg15 : memref<40x128xf32, #tpu.memory_space<vmem>>)
      %scan3A_101 = arith.constant 0 : i32
      %scan3A_102 = arith.constant 0 : i32
      %scan3A_103 = arith.constant 40 : i32
      %scan3A_104 = arith.addi %scan3A_102, %scan3A_103 : i32
      %scan3A_105 = arith.constant 1 : i32
      %scan3A_106 = scf.for %scan3A_109 = %scan3A_102 to %scan3A_104 step %scan3A_105 iter_args(%scan3A_110 = %scan3A_101) -> (i32)  : i32 {
        %get3A_111 = arith.index_cast %scan3A_109 : i32 to index
        %get3A_112 = arith.constant 0 : index
        %get3A_113 = tpu.vector_load %arg13[%get3A_111, %get3A_112] {strides = array<i32>} : memref<40x384xf32, #tpu.memory_space<vmem>>, vector<1x16xf32>,
        %get3A_114 = vector.shape_cast %get3A_113 : vector<1x16xf32> to vector<16xf32>
        %get3A_115 = arith.index_cast %scan3A_109 : i32 to index
        %get3A_116 = arith.constant 0 : index
        %get3A_117 = tpu.vector_load %arg14[%get3A_115, %get3A_116] {strides = array<i32>} : memref<40x384xf32, #tpu.memory_space<vmem>>, vector<1x16xf32>,
        %get3A_118 = vector.shape_cast %get3A_117 : vector<1x16xf32> to vector<16xf32>
        %add3A_119 = arith.addf %get3A_114, %get3A_118 : vector<16xf32>
        %max3A = arith.constant 0.000000e+00 : f32
        %max3A_120 = vector.broadcast %max3A : f32 to vector<16xf32>
        %max3A_121 = arith.maximumf %add3A_119, %max3A_120 : vector<16xf32>
        %mul3A_122 = arith.mulf %get3A_7, %max3A_121 : vector<16xf32>
        %get3A_123 = arith.index_cast %scan3A_109 : i32 to index
        %get3A_124 = arith.constant 16 : index
        %get3A_125 = tpu.vector_load %arg13[%get3A_123, %get3A_124] {strides = array<i32>} : memref<40x384xf32, #tpu.memory_space<vmem>>, vector<1x16xf32>,
        %get3A_126 = vector.shape_cast %get3A_125 : vector<1x16xf32> to vector<16xf32>
        %get3A_127 = arith.index_cast %scan3A_109 : i32 to index
        %get3A_128 = arith.constant 16 : index
        %get3A_129 = tpu.vector_load %arg14[%get3A_127, %get3A_128] {strides = array<i32>} : memref<40x384xf32, #tpu.memory_space<vmem>>, vector<1x16xf32>,
        %get3A_130 = vector.shape_cast %get3A_129 : vector<1x16xf32> to vector<16xf32>
        %add3A_131 = arith.addf %get3A_126, %get3A_130 : vector<16xf32>
        %max3A_132 = arith.constant 0.000000e+00 : f32
        %max3A_133 = vector.broadcast %max3A_132 : f32 to vector<16xf32>
        %max3A_134 = arith.maximumf %add3A_131, %max3A_133 : vector<16xf32>
        %mul3A_135 = arith.mulf %get3A_10, %max3A_134 : vector<16xf32>
        %add3A_136 = arith.addf %mul3A_122, %mul3A_135 : vector<16xf32>
        %get3A_137 = arith.index_cast %scan3A_109 : i32 to index
        %get3A_138 = arith.constant 32 : index
        %get3A_139 = tpu.vector_load %arg13[%get3A_137, %get3A_138] {strides = array<i32>} : memref<40x384xf32, #tpu.memory_space<vmem>>, vector<1x16xf32>,
        %get3A_140 = vector.shape_cast %get3A_139 : vector<1x16xf32> to vector<16xf32>
        %get3A_141 = arith.index_cast %scan3A_109 : i32 to index
        %get3A_142 = arith.constant 32 : index
        %get3A_143 = tpu.vector_load %arg14[%get3A_141, %get3A_142] {strides = array<i32>} : memref<40x384xf32, #tpu.memory_space<vmem>>, vector<1x16xf32>,
        %get3A_144 = vector.shape_cast %get3A_143 : vector<1x16xf32> to vector<16xf32>
        %add3A_145 = arith.addf %get3A_140, %get3A_144 : vector<16xf32>
        %max3A_146 = arith.constant 0.000000e+00 : f32
        %max3A_147 = vector.broadcast %max3A_146 : f32 to vector<16xf32>
        %max3A_148 = arith.maximumf %add3A_145, %max3A_147 : vector<16xf32>
        %mul3A_149 = arith.mulf %get3A_13, %max3A_148 : vector<16xf32>
        %add3A_150 = arith.addf %add3A_136, %mul3A_149 : vector<16xf32>
        %get3A_151 = arith.index_cast %scan3A_109 : i32 to index
        %get3A_152 = arith.constant 48 : index
        %get3A_153 = tpu.vector_load %arg13[%get3A_151, %get3A_152] {strides = array<i32>} : memref<40x384xf32, #tpu.memory_space<vmem>>, vector<1x16xf32>,
        %get3A_154 = vector.shape_cast %get3A_153 : vector<1x16xf32> to vector<16xf32>
        %get3A_155 = arith.index_cast %scan3A_109 : i32 to index
        %get3A_156 = arith.constant 48 : index
        %get3A_157 = tpu.vector_load %arg14[%get3A_155, %get3A_156] {strides = array<i32>} : memref<40x384xf32, #tpu.memory_space<vmem>>, vector<1x16xf32>,
        %get3A_158 = vector.shape_cast %get3A_157 : vector<1x16xf32> to vector<16xf32>
        %add3A_159 = arith.addf %get3A_154, %get3A_158 : vector<16xf32>
        %max3A_160 = arith.constant 0.000000e+00 : f32
        %max3A_161 = vector.broadcast %max3A_160 : f32 to vector<16xf32>
        %max3A_162 = arith.maximumf %add3A_159, %max3A_161 : vector<16xf32>
        %mul3A_163 = arith.mulf %get3A_16, %max3A_162 : vector<16xf32>
        %add3A_164 = arith.addf %add3A_150, %mul3A_163 : vector<16xf32>
        %get3A_165 = arith.index_cast %scan3A_109 : i32 to index
        %get3A_166 = arith.constant 64 : index
        %get3A_167 = tpu.vector_load %arg13[%get3A_165, %get3A_166] {strides = array<i32>} : memref<40x384xf32, #tpu.memory_space<vmem>>, vector<1x16xf32>,
        %get3A_168 = vector.shape_cast %get3A_167 : vector<1x16xf32> to vector<16xf32>
        %get3A_169 = arith.index_cast %scan3A_109 : i32 to index
        %get3A_170 = arith.constant 64 : index
        %get3A_171 = tpu.vector_load %arg14[%get3A_169, %get3A_170] {strides = array<i32>} : memref<40x384xf32, #tpu.memory_space<vmem>>, vector<1x16xf32>,
        %get3A_172 = vector.shape_cast %get3A_171 : vector<1x16xf32> to vector<16xf32>
        %add3A_173 = arith.addf %get3A_168, %get3A_172 : vector<16xf32>
        %max3A_174 = arith.constant 0.000000e+00 : f32
        %max3A_175 = vector.broadcast %max3A_174 : f32 to vector<16xf32>
        %max3A_176 = arith.maximumf %add3A_173, %max3A_175 : vector<16xf32>
        %mul3A_177 = arith.mulf %get3A_19, %max3A_176 : vector<16xf32>
        %add3A_178 = arith.addf %add3A_164, %mul3A_177 : vector<16xf32>
        %get3A_179 = arith.index_cast %scan3A_109 : i32 to index
        %get3A_180 = arith.constant 80 : index
        %get3A_181 = tpu.vector_load %arg13[%get3A_179, %get3A_180] {strides = array<i32>} : memref<40x384xf32, #tpu.memory_space<vmem>>, vector<1x16xf32>,
        %get3A_182 = vector.shape_cast %get3A_181 : vector<1x16xf32> to vector<16xf32>
        %get3A_183 = arith.index_cast %scan3A_109 : i32 to index
        %get3A_184 = arith.constant 80 : index
        %get3A_185 = tpu.vector_load %arg14[%get3A_183, %get3A_184] {strides = array<i32>} : memref<40x384xf32, #tpu.memory_space<vmem>>, vector<1x16xf32>,
        %get3A_186 = vector.shape_cast %get3A_185 : vector<1x16xf32> to vector<16xf32>
        %add3A_187 = arith.addf %get3A_182, %get3A_186 : vector<16xf32>
        %max3A_188 = arith.constant 0.000000e+00 : f32
        %max3A_189 = vector.broadcast %max3A_188 : f32 to vector<16xf32>
        %max3A_190 = arith.maximumf %add3A_187, %max3A_189 : vector<16xf32>
        %mul3A_191 = arith.mulf %get3A_22, %max3A_190 : vector<16xf32>
        %add3A_192 = arith.addf %add3A_178, %mul3A_191 : vector<16xf32>
        %get3A_193 = arith.index_cast %scan3A_109 : i32 to index
        %get3A_194 = arith.constant 96 : index
        %get3A_195 = tpu.vector_load %arg13[%get3A_193, %get3A_194] {strides = array<i32>} : memref<40x384xf32, #tpu.memory_space<vmem>>, vector<1x16xf32>,
        %get3A_196 = vector.shape_cast %get3A_195 : vector<1x16xf32> to vector<16xf32>
        %get3A_197 = arith.index_cast %scan3A_109 : i32 to index
        %get3A_198 = arith.constant 96 : index
        %get3A_199 = tpu.vector_load %arg14[%get3A_197, %get3A_198] {strides = array<i32>} : memref<40x384xf32, #tpu.memory_space<vmem>>, vector<1x16xf32>,
        %get3A_200 = vector.shape_cast %get3A_199 : vector<1x16xf32> to vector<16xf32>
        %add3A_201 = arith.addf %get3A_196, %get3A_200 : vector<16xf32>
        %max3A_202 = arith.constant 0.000000e+00 : f32
        %max3A_203 = vector.broadcast %max3A_202 : f32 to vector<16xf32>
        %max3A_204 = arith.maximumf %add3A_201, %max3A_203 : vector<16xf32>
        %mul3A_205 = arith.mulf %get3A_25, %max3A_204 : vector<16xf32>
        %add3A_206 = arith.addf %add3A_192, %mul3A_205 : vector<16xf32>
        %get3A_207 = arith.index_cast %scan3A_109 : i32 to index
        %get3A_208 = arith.constant 112 : index
        %get3A_209 = tpu.vector_load %arg13[%get3A_207, %get3A_208] {strides = array<i32>} : memref<40x384xf32, #tpu.memory_space<vmem>>, vector<1x16xf32>,
        %get3A_210 = vector.shape_cast %get3A_209 : vector<1x16xf32> to vector<16xf32>
        %get3A_211 = arith.index_cast %scan3A_109 : i32 to index
        %get3A_212 = arith.constant 112 : index
        %get3A_213 = tpu.vector_load %arg14[%get3A_211, %get3A_212] {strides = array<i32>} : memref<40x384xf32, #tpu.memory_space<vmem>>, vector<1x16xf32>,
        %get3A_214 = vector.shape_cast %get3A_213 : vector<1x16xf32> to vector<16xf32>
        %add3A_215 = arith.addf %get3A_210, %get3A_214 : vector<16xf32>
        %max3A_216 = arith.constant 0.000000e+00 : f32
        %max3A_217 = vector.broadcast %max3A_216 : f32 to vector<16xf32>
        %max3A_218 = arith.maximumf %add3A_215, %max3A_217 : vector<16xf32>
        %mul3A_219 = arith.mulf %get3A_28, %max3A_218 : vector<16xf32>
        %add3A_220 = arith.addf %add3A_206, %mul3A_219 : vector<16xf32>
        %get3A_221 = arith.index_cast %scan3A_109 : i32 to index
        %get3A_222 = arith.constant 128 : index
        %get3A_223 = tpu.vector_load %arg13[%get3A_221, %get3A_222] {strides = array<i32>} : memref<40x384xf32, #tpu.memory_space<vmem>>, vector<1x16xf32>,
        %get3A_224 = vector.shape_cast %get3A_223 : vector<1x16xf32> to vector<16xf32>
        %get3A_225 = arith.index_cast %scan3A_109 : i32 to index
        %get3A_226 = arith.constant 128 : index
        %get3A_227 = tpu.vector_load %arg14[%get3A_225, %get3A_226] {strides = array<i32>} : memref<40x384xf32, #tpu.memory_space<vmem>>, vector<1x16xf32>,
        %get3A_228 = vector.shape_cast %get3A_227 : vector<1x16xf32> to vector<16xf32>
        %add3A_229 = arith.addf %get3A_224, %get3A_228 : vector<16xf32>
        %max3A_230 = arith.constant 0.000000e+00 : f32
        %max3A_231 = vector.broadcast %max3A_230 : f32 to vector<16xf32>
        %max3A_232 = arith.maximumf %add3A_229, %max3A_231 : vector<16xf32>
        %mul3A_233 = arith.mulf %get3A_31, %max3A_232 : vector<16xf32>
        %add3A_234 = arith.addf %add3A_220, %mul3A_233 : vector<16xf32>
        %get3A_235 = arith.index_cast %scan3A_109 : i32 to index
        %get3A_236 = arith.constant 144 : index
        %get3A_237 = tpu.vector_load %arg13[%get3A_235, %get3A_236] {strides = array<i32>} : memref<40x384xf32, #tpu.memory_space<vmem>>, vector<1x16xf32>,
        %get3A_238 = vector.shape_cast %get3A_237 : vector<1x16xf32> to vector<16xf32>
        %get3A_239 = arith.index_cast %scan3A_109 : i32 to index
        %get3A_240 = arith.constant 144 : index
        %get3A_241 = tpu.vector_load %arg14[%get3A_239, %get3A_240] {strides = array<i32>} : memref<40x384xf32, #tpu.memory_space<vmem>>, vector<1x16xf32>,
        %get3A_242 = vector.shape_cast %get3A_241 : vector<1x16xf32> to vector<16xf32>
        %add3A_243 = arith.addf %get3A_238, %get3A_242 : vector<16xf32>
        %max3A_244 = arith.constant 0.000000e+00 : f32
        %max3A_245 = vector.broadcast %max3A_244 : f32 to vector<16xf32>
        %max3A_246 = arith.maximumf %add3A_243, %max3A_245 : vector<16xf32>
        %mul3A_247 = arith.mulf %get3A_34, %max3A_246 : vector<16xf32>
        %add3A_248 = arith.addf %add3A_234, %mul3A_247 : vector<16xf32>
        %get3A_249 = arith.index_cast %scan3A_109 : i32 to index
        %get3A_250 = arith.constant 160 : index
        %get3A_251 = tpu.vector_load %arg13[%get3A_249, %get3A_250] {strides = array<i32>} : memref<40x384xf32, #tpu.memory_space<vmem>>, vector<1x16xf32>,
        %get3A_252 = vector.shape_cast %get3A_251 : vector<1x16xf32> to vector<16xf32>
        %get3A_253 = arith.index_cast %scan3A_109 : i32 to index
        %get3A_254 = arith.constant 160 : index
        %get3A_255 = tpu.vector_load %arg14[%get3A_253, %get3A_254] {strides = array<i32>} : memref<40x384xf32, #tpu.memory_space<vmem>>, vector<1x16xf32>,
        %get3A_256 = vector.shape_cast %get3A_255 : vector<1x16xf32> to vector<16xf32>
        %add3A_257 = arith.addf %get3A_252, %get3A_256 : vector<16xf32>
        %max3A_258 = arith.constant 0.000000e+00 : f32
        %max3A_259 = vector.broadcast %max3A_258 : f32 to vector<16xf32>
        %max3A_260 = arith.maximumf %add3A_257, %max3A_259 : vector<16xf32>
        %mul3A_261 = arith.mulf %get3A_37, %max3A_260 : vector<16xf32>
        %add3A_262 = arith.addf %add3A_248, %mul3A_261 : vector<16xf32>
        %get3A_263 = arith.index_cast %scan3A_109 : i32 to index
        %get3A_264 = arith.constant 176 : index
        %get3A_265 = tpu.vector_load %arg13[%get3A_263, %get3A_264] {strides = array<i32>} : memref<40x384xf32, #tpu.memory_space<vmem>>, vector<1x16xf32>,
        %get3A_266 = vector.shape_cast %get3A_265 : vector<1x16xf32> to vector<16xf32>
        %get3A_267 = arith.index_cast %scan3A_109 : i32 to index
        %get3A_268 = arith.constant 176 : index
        %get3A_269 = tpu.vector_load %arg14[%get3A_267, %get3A_268] {strides = array<i32>} : memref<40x384xf32, #tpu.memory_space<vmem>>, vector<1x16xf32>,
        %get3A_270 = vector.shape_cast %get3A_269 : vector<1x16xf32> to vector<16xf32>
        %add3A_271 = arith.addf %get3A_266, %get3A_270 : vector<16xf32>
        %max3A_272 = arith.constant 0.000000e+00 : f32
        %max3A_273 = vector.broadcast %max3A_272 : f32 to vector<16xf32>
        %max3A_274 = arith.maximumf %add3A_271, %max3A_273 : vector<16xf32>
        %mul3A_275 = arith.mulf %get3A_40, %max3A_274 : vector<16xf32>
        %add3A_276 = arith.addf %add3A_262, %mul3A_275 : vector<16xf32>
        %get3A_277 = arith.index_cast %scan3A_109 : i32 to index
        %get3A_278 = arith.constant 192 : index
        %get3A_279 = tpu.vector_load %arg13[%get3A_277, %get3A_278] {strides = array<i32>} : memref<40x384xf32, #tpu.memory_space<vmem>>, vector<1x16xf32>,
        %get3A_280 = vector.shape_cast %get3A_279 : vector<1x16xf32> to vector<16xf32>
        %get3A_281 = arith.index_cast %scan3A_109 : i32 to index
        %get3A_282 = arith.constant 192 : index
        %get3A_283 = tpu.vector_load %arg14[%get3A_281, %get3A_282] {strides = array<i32>} : memref<40x384xf32, #tpu.memory_space<vmem>>, vector<1x16xf32>,
        %get3A_284 = vector.shape_cast %get3A_283 : vector<1x16xf32> to vector<16xf32>
        %add3A_285 = arith.addf %get3A_280, %get3A_284 : vector<16xf32>
        %max3A_286 = arith.constant 0.000000e+00 : f32
        %max3A_287 = vector.broadcast %max3A_286 : f32 to vector<16xf32>
        %max3A_288 = arith.maximumf %add3A_285, %max3A_287 : vector<16xf32>
        %mul3A_289 = arith.mulf %get3A_43, %max3A_288 : vector<16xf32>
        %add3A_290 = arith.addf %add3A_276, %mul3A_289 : vector<16xf32>
        %get3A_291 = arith.index_cast %scan3A_109 : i32 to index
        %get3A_292 = arith.constant 208 : index
        %get3A_293 = tpu.vector_load %arg13[%get3A_291, %get3A_292] {strides = array<i32>} : memref<40x384xf32, #tpu.memory_space<vmem>>, vector<1x16xf32>,
        %get3A_294 = vector.shape_cast %get3A_293 : vector<1x16xf32> to vector<16xf32>
        %get3A_295 = arith.index_cast %scan3A_109 : i32 to index
        %get3A_296 = arith.constant 208 : index
        %get3A_297 = tpu.vector_load %arg14[%get3A_295, %get3A_296] {strides = array<i32>} : memref<40x384xf32, #tpu.memory_space<vmem>>, vector<1x16xf32>,
        %get3A_298 = vector.shape_cast %get3A_297 : vector<1x16xf32> to vector<16xf32>
        %add3A_299 = arith.addf %get3A_294, %get3A_298 : vector<16xf32>
        %max3A_300 = arith.constant 0.000000e+00 : f32
        %max3A_301 = vector.broadcast %max3A_300 : f32 to vector<16xf32>
        %max3A_302 = arith.maximumf %add3A_299, %max3A_301 : vector<16xf32>
        %mul3A_303 = arith.mulf %get3A_46, %max3A_302 : vector<16xf32>
        %add3A_304 = arith.addf %add3A_290, %mul3A_303 : vector<16xf32>
        %get3A_305 = arith.index_cast %scan3A_109 : i32 to index
        %get3A_306 = arith.constant 224 : index
        %get3A_307 = tpu.vector_load %arg13[%get3A_305, %get3A_306] {strides = array<i32>} : memref<40x384xf32, #tpu.memory_space<vmem>>, vector<1x16xf32>,
        %get3A_308 = vector.shape_cast %get3A_307 : vector<1x16xf32> to vector<16xf32>
        %get3A_309 = arith.index_cast %scan3A_109 : i32 to index
        %get3A_310 = arith.constant 224 : index
        %get3A_311 = tpu.vector_load %arg14[%get3A_309, %get3A_310] {strides = array<i32>} : memref<40x384xf32, #tpu.memory_space<vmem>>, vector<1x16xf32>,
        %get3A_312 = vector.shape_cast %get3A_311 : vector<1x16xf32> to vector<16xf32>
        %add3A_313 = arith.addf %get3A_308, %get3A_312 : vector<16xf32>
        %max3A_314 = arith.constant 0.000000e+00 : f32
        %max3A_315 = vector.broadcast %max3A_314 : f32 to vector<16xf32>
        %max3A_316 = arith.maximumf %add3A_313, %max3A_315 : vector<16xf32>
        %mul3A_317 = arith.mulf %get3A_49, %max3A_316 : vector<16xf32>
        %add3A_318 = arith.addf %add3A_304, %mul3A_317 : vector<16xf32>
        %get3A_319 = arith.index_cast %scan3A_109 : i32 to index
        %get3A_320 = arith.constant 240 : index
        %get3A_321 = tpu.vector_load %arg13[%get3A_319, %get3A_320] {strides = array<i32>} : memref<40x384xf32, #tpu.memory_space<vmem>>, vector<1x16xf32>,
        %get3A_322 = vector.shape_cast %get3A_321 : vector<1x16xf32> to vector<16xf32>
        %get3A_323 = arith.index_cast %scan3A_109 : i32 to index
        %get3A_324 = arith.constant 240 : index
        %get3A_325 = tpu.vector_load %arg14[%get3A_323, %get3A_324] {strides = array<i32>} : memref<40x384xf32, #tpu.memory_space<vmem>>, vector<1x16xf32>,
        %get3A_326 = vector.shape_cast %get3A_325 : vector<1x16xf32> to vector<16xf32>
        %add3A_327 = arith.addf %get3A_322, %get3A_326 : vector<16xf32>
        %max3A_328 = arith.constant 0.000000e+00 : f32
        %max3A_329 = vector.broadcast %max3A_328 : f32 to vector<16xf32>
        %max3A_330 = arith.maximumf %add3A_327, %max3A_329 : vector<16xf32>
        %mul3A_331 = arith.mulf %get3A_52, %max3A_330 : vector<16xf32>
        %add3A_332 = arith.addf %add3A_318, %mul3A_331 : vector<16xf32>
        %get3A_333 = arith.index_cast %scan3A_109 : i32 to index
        %get3A_334 = arith.constant 256 : index
        %get3A_335 = tpu.vector_load %arg13[%get3A_333, %get3A_334] {strides = array<i32>} : memref<40x384xf32, #tpu.memory_space<vmem>>, vector<1x16xf32>,
        %get3A_336 = vector.shape_cast %get3A_335 : vector<1x16xf32> to vector<16xf32>
        %get3A_337 = arith.index_cast %scan3A_109 : i32 to index
        %get3A_338 = arith.constant 256 : index
        %get3A_339 = tpu.vector_load %arg14[%get3A_337, %get3A_338] {strides = array<i32>} : memref<40x384xf32, #tpu.memory_space<vmem>>, vector<1x16xf32>,
        %get3A_340 = vector.shape_cast %get3A_339 : vector<1x16xf32> to vector<16xf32>
        %add3A_341 = arith.addf %get3A_336, %get3A_340 : vector<16xf32>
        %max3A_342 = arith.constant 0.000000e+00 : f32
        %max3A_343 = vector.broadcast %max3A_342 : f32 to vector<16xf32>
        %max3A_344 = arith.maximumf %add3A_341, %max3A_343 : vector<16xf32>
        %mul3A_345 = arith.mulf %get3A_55, %max3A_344 : vector<16xf32>
        %add3A_346 = arith.addf %add3A_332, %mul3A_345 : vector<16xf32>
        %get3A_347 = arith.index_cast %scan3A_109 : i32 to index
        %get3A_348 = arith.constant 272 : index
        %get3A_349 = tpu.vector_load %arg13[%get3A_347, %get3A_348] {strides = array<i32>} : memref<40x384xf32, #tpu.memory_space<vmem>>, vector<1x16xf32>,
        %get3A_350 = vector.shape_cast %get3A_349 : vector<1x16xf32> to vector<16xf32>
        %get3A_351 = arith.index_cast %scan3A_109 : i32 to index
        %get3A_352 = arith.constant 272 : index
        %get3A_353 = tpu.vector_load %arg14[%get3A_351, %get3A_352] {strides = array<i32>} : memref<40x384xf32, #tpu.memory_space<vmem>>, vector<1x16xf32>,
        %get3A_354 = vector.shape_cast %get3A_353 : vector<1x16xf32> to vector<16xf32>
        %add3A_355 = arith.addf %get3A_350, %get3A_354 : vector<16xf32>
        %max3A_356 = arith.constant 0.000000e+00 : f32
        %max3A_357 = vector.broadcast %max3A_356 : f32 to vector<16xf32>
        %max3A_358 = arith.maximumf %add3A_355, %max3A_357 : vector<16xf32>
        %mul3A_359 = arith.mulf %get3A_58, %max3A_358 : vector<16xf32>
        %add3A_360 = arith.addf %add3A_346, %mul3A_359 : vector<16xf32>
        %iota3A = tpu.iota {dimensions = array<i32: 0>} : vector<16xi32>
        %xor3A = arith.constant 8 : i32
        %xor3A_361 = vector.broadcast %xor3A : i32 to vector<16xi32>
        %xor3A_362 = arith.xori %iota3A, %xor3A_361 : vector<16xi32>
        %reshape3A = vector.shape_cast %xor3A_362 : vector<16xi32> to vector<16x1xi32>
        %gather3A = vector.shape_cast %reshape3A : vector<16x1xi32> to vector<16xi32>
        %gather3A_363 = tpu.dynamic_gather %add3A_360[%gather3A] in [0] : vector<16xf32>, vector<16xi32> -> vector<16xf32>
        %add3A_364 = arith.addf %add3A_360, %gather3A_363 : vector<16xf32>
        %xor3A_365 = arith.constant 4 : i32
        %xor3A_366 = vector.broadcast %xor3A_365 : i32 to vector<16xi32>
        %xor3A_367 = arith.xori %iota3A, %xor3A_366 : vector<16xi32>
        %reshape3A_368 = vector.shape_cast %xor3A_367 : vector<16xi32> to vector<16x1xi32>
        %gather3A_369 = vector.shape_cast %reshape3A_368 : vector<16x1xi32> to vector<16xi32>
        %gather3A_370 = tpu.dynamic_gather %add3A_364[%gather3A_369] in [0] : vector<16xf32>, vector<16xi32> -> vector<16xf32>
        %add3A_371 = arith.addf %add3A_364, %gather3A_370 : vector<16xf32>
        %xor3A_372 = arith.constant 2 : i32
        %xor3A_373 = vector.broadcast %xor3A_372 : i32 to vector<16xi32>
        %xor3A_374 = arith.xori %iota3A, %xor3A_373 : vector<16xi32>
        %reshape3A_375 = vector.shape_cast %xor3A_374 : vector<16xi32> to vector<16x1xi32>
        %gather3A_376 = vector.shape_cast %reshape3A_375 : vector<16x1xi32> to vector<16xi32>
        %gather3A_377 = tpu.dynamic_gather %add3A_371[%gather3A_376] in [0] : vector<16xf32>, vector<16xi32> -> vector<16xf32>
        %add3A_378 = arith.addf %add3A_371, %gather3A_377 : vector<16xf32>
        %xor3A_379 = arith.constant 1 : i32
        %xor3A_380 = vector.broadcast %xor3A_379 : i32 to vector<16xi32>
        %xor3A_381 = arith.xori %iota3A, %xor3A_380 : vector<16xi32>
        %reshape3A_382 = vector.shape_cast %xor3A_381 : vector<16xi32> to vector<16x1xi32>
        %gather3A_383 = vector.shape_cast %reshape3A_382 : vector<16x1xi32> to vector<16xi32>
        %gather3A_384 = tpu.dynamic_gather %add3A_378[%gather3A_383] in [0] : vector<16xf32>, vector<16xi32> -> vector<16xf32>
        %add3A_385 = arith.addf %add3A_378, %gather3A_384 : vector<16xf32>
        %add3A_386 = arith.addf %add3A_385, %get3A_61 : vector<16xf32>
        %get3A_387 = arith.index_cast %scan3A_109 : i32 to index
        %get3A_388 = arith.constant 0 : index
        %get3A_389 = tpu.vector_load %arg15[%get3A_387, %get3A_388] {strides = array<i32>} : memref<40x128xf32, #tpu.memory_space<vmem>>, vector<1x16xf32>,
        %get3A_390 = vector.shape_cast %get3A_389 : vector<1x16xf32> to vector<16xf32>
        %mul3A_391 = arith.mulf %get3A_390, %add3A_386 : vector<16xf32>
        %swap3A = arith.index_cast %scan3A_109 : i32 to index
        %swap3A_392 = arith.constant 0 : index
        %swap3A_393 = tpu.vector_load %arg16[%swap3A, %swap3A_392] {strides = array<i32>} : memref<40x128xf32, #tpu.memory_space<vmem>>, vector<1x16xf32>,
        %swap3A_394 = vector.shape_cast %swap3A_393 : vector<1x16xf32> to vector<16xf32>
        %swap3A_395 = vector.shape_cast %mul3A_391 : vector<16xf32> to vector<1x16xf32>
        tpu.vector_store %arg16[%swap3A, %swap3A_392], %swap3A_395 {strides = array<i32>} : memref<40x128xf32, #tpu.memory_space<vmem>>, vector<1x16xf32>,
        %get3A_396 = arith.index_cast %scan3A_109 : i32 to index
        %get3A_397 = arith.constant 16 : index
        %get3A_398 = tpu.vector_load %arg15[%get3A_396, %get3A_397] {strides = array<i32>} : memref<40x128xf32, #tpu.memory_space<vmem>>, vector<1x16xf32>,
        %get3A_399 = vector.shape_cast %get3A_398 : vector<1x16xf32> to vector<16xf32>
        %mul3A_400 = arith.mulf %get3A_399, %add3A_386 : vector<16xf32>
        %swap3A_401 = arith.index_cast %scan3A_109 : i32 to index
        %swap3A_402 = arith.constant 16 : index
        %swap3A_403 = tpu.vector_load %arg16[%swap3A_401, %swap3A_402] {strides = array<i32>} : memref<40x128xf32, #tpu.memory_space<vmem>>, vector<1x16xf32>,
        %swap3A_404 = vector.shape_cast %swap3A_403 : vector<1x16xf32> to vector<16xf32>
        %swap3A_405 = vector.shape_cast %mul3A_400 : vector<16xf32> to vector<1x16xf32>
        tpu.vector_store %arg16[%swap3A_401, %swap3A_402], %swap3A_405 {strides = array<i32>} : memref<40x128xf32, #tpu.memory_space<vmem>>, vector<1x16xf32>,
        %get3A_406 = arith.index_cast %scan3A_109 : i32 to index
        %get3A_407 = arith.constant 32 : index
        %get3A_408 = tpu.vector_load %arg15[%get3A_406, %get3A_407] {strides = array<i32>} : memref<40x128xf32, #tpu.memory_space<vmem>>, vector<1x16xf32>,
        %get3A_409 = vector.shape_cast %get3A_408 : vector<1x16xf32> to vector<16xf32>
        %mul3A_410 = arith.mulf %get3A_409, %add3A_386 : vector<16xf32>
        %swap3A_411 = arith.index_cast %scan3A_109 : i32 to index
        %swap3A_412 = arith.constant 32 : index
        %swap3A_413 = tpu.vector_load %arg16[%swap3A_411, %swap3A_412] {strides = array<i32>} : memref<40x128xf32, #tpu.memory_space<vmem>>, vector<1x16xf32>,
        %swap3A_414 = vector.shape_cast %swap3A_413 : vector<1x16xf32> to vector<16xf32>
        %swap3A_415 = vector.shape_cast %mul3A_410 : vector<16xf32> to vector<1x16xf32>
        tpu.vector_store %arg16[%swap3A_411, %swap3A_412], %swap3A_415 {strides = array<i32>} : memref<40x128xf32, #tpu.memory_space<vmem>>, vector<1x16xf32>,
        %get3A_416 = arith.index_cast %scan3A_109 : i32 to index
        %get3A_417 = arith.constant 48 : index
        %get3A_418 = tpu.vector_load %arg15[%get3A_416, %get3A_417] {strides = array<i32>} : memref<40x128xf32, #tpu.memory_space<vmem>>, vector<1x16xf32>,
        %get3A_419 = vector.shape_cast %get3A_418 : vector<1x16xf32> to vector<16xf32>
        %mul3A_420 = arith.mulf %get3A_419, %add3A_386 : vector<16xf32>
        %swap3A_421 = arith.index_cast %scan3A_109 : i32 to index
        %swap3A_422 = arith.constant 48 : index
        %swap3A_423 = tpu.vector_load %arg16[%swap3A_421, %swap3A_422] {strides = array<i32>} : memref<40x128xf32, #tpu.memory_space<vmem>>, vector<1x16xf32>,
        %swap3A_424 = vector.shape_cast %swap3A_423 : vector<1x16xf32> to vector<16xf32>
        %swap3A_425 = vector.shape_cast %mul3A_420 : vector<16xf32> to vector<1x16xf32>
        tpu.vector_store %arg16[%swap3A_421, %swap3A_422], %swap3A_425 {strides = array<i32>} : memref<40x128xf32, #tpu.memory_space<vmem>>, vector<1x16xf32>,
        %get3A_426 = arith.index_cast %scan3A_109 : i32 to index
        %get3A_427 = arith.constant 64 : index
        %get3A_428 = tpu.vector_load %arg15[%get3A_426, %get3A_427] {strides = array<i32>} : memref<40x128xf32, #tpu.memory_space<vmem>>, vector<1x16xf32>,
        %get3A_429 = vector.shape_cast %get3A_428 : vector<1x16xf32> to vector<16xf32>
        %mul3A_430 = arith.mulf %get3A_429, %add3A_386 : vector<16xf32>
        %swap3A_431 = arith.index_cast %scan3A_109 : i32 to index
        %swap3A_432 = arith.constant 64 : index
        %swap3A_433 = tpu.vector_load %arg16[%swap3A_431, %swap3A_432] {strides = array<i32>} : memref<40x128xf32, #tpu.memory_space<vmem>>, vector<1x16xf32>,
        %swap3A_434 = vector.shape_cast %swap3A_433 : vector<1x16xf32> to vector<16xf32>
        %swap3A_435 = vector.shape_cast %mul3A_430 : vector<16xf32> to vector<1x16xf32>
        tpu.vector_store %arg16[%swap3A_431, %swap3A_432], %swap3A_435 {strides = array<i32>} : memref<40x128xf32, #tpu.memory_space<vmem>>, vector<1x16xf32>,
        %get3A_436 = arith.index_cast %scan3A_109 : i32 to index
        %get3A_437 = arith.constant 80 : index
        %get3A_438 = tpu.vector_load %arg15[%get3A_436, %get3A_437] {strides = array<i32>} : memref<40x128xf32, #tpu.memory_space<vmem>>, vector<1x16xf32>,
        %get3A_439 = vector.shape_cast %get3A_438 : vector<1x16xf32> to vector<16xf32>
        %mul3A_440 = arith.mulf %get3A_439, %add3A_386 : vector<16xf32>
        %swap3A_441 = arith.index_cast %scan3A_109 : i32 to index
        %swap3A_442 = arith.constant 80 : index
        %swap3A_443 = tpu.vector_load %arg16[%swap3A_441, %swap3A_442] {strides = array<i32>} : memref<40x128xf32, #tpu.memory_space<vmem>>, vector<1x16xf32>,
        %swap3A_444 = vector.shape_cast %swap3A_443 : vector<1x16xf32> to vector<16xf32>
        %swap3A_445 = vector.shape_cast %mul3A_440 : vector<16xf32> to vector<1x16xf32>
        tpu.vector_store %arg16[%swap3A_441, %swap3A_442], %swap3A_445 {strides = array<i32>} : memref<40x128xf32, #tpu.memory_space<vmem>>, vector<1x16xf32>,
        %get3A_446 = arith.index_cast %scan3A_109 : i32 to index
        %get3A_447 = arith.constant 96 : index
        %get3A_448 = tpu.vector_load %arg15[%get3A_446, %get3A_447] {strides = array<i32>} : memref<40x128xf32, #tpu.memory_space<vmem>>, vector<1x16xf32>,
        %get3A_449 = vector.shape_cast %get3A_448 : vector<1x16xf32> to vector<16xf32>
        %mul3A_450 = arith.mulf %get3A_449, %add3A_386 : vector<16xf32>
        %swap3A_451 = arith.index_cast %scan3A_109 : i32 to index
        %swap3A_452 = arith.constant 96 : index
        %swap3A_453 = tpu.vector_load %arg16[%swap3A_451, %swap3A_452] {strides = array<i32>} : memref<40x128xf32, #tpu.memory_space<vmem>>, vector<1x16xf32>,
        %swap3A_454 = vector.shape_cast %swap3A_453 : vector<1x16xf32> to vector<16xf32>
        %swap3A_455 = vector.shape_cast %mul3A_450 : vector<16xf32> to vector<1x16xf32>
        tpu.vector_store %arg16[%swap3A_451, %swap3A_452], %swap3A_455 {strides = array<i32>} : memref<40x128xf32, #tpu.memory_space<vmem>>, vector<1x16xf32>,
        %get3A_456 = arith.index_cast %scan3A_109 : i32 to index
        %get3A_457 = arith.constant 112 : index
        %get3A_458 = tpu.vector_load %arg15[%get3A_456, %get3A_457] {strides = array<i32>} : memref<40x128xf32, #tpu.memory_space<vmem>>, vector<1x16xf32>,
        %get3A_459 = vector.shape_cast %get3A_458 : vector<1x16xf32> to vector<16xf32>
        %mul3A_460 = arith.mulf %get3A_459, %add3A_386 : vector<16xf32>
        %swap3A_461 = arith.index_cast %scan3A_109 : i32 to index
        %swap3A_462 = arith.constant 112 : index
        %swap3A_463 = tpu.vector_load %arg16[%swap3A_461, %swap3A_462] {strides = array<i32>} : memref<40x128xf32, #tpu.memory_space<vmem>>, vector<1x16xf32>,
        %swap3A_464 = vector.shape_cast %swap3A_463 : vector<1x16xf32> to vector<16xf32>
        %swap3A_465 = vector.shape_cast %mul3A_460 : vector<16xf32> to vector<1x16xf32>
        tpu.vector_store %arg16[%swap3A_461, %swap3A_462], %swap3A_465 {strides = array<i32>} : memref<40x128xf32, #tpu.memory_space<vmem>>, vector<1x16xf32>,
        %scan3A_466 = arith.constant 0 : i32
        scf.yield %scan3A_466 : i32
      }
      %scan3A_107 = arith.constant 40 : i32
      "tpu.region"() ({
        %run_scoped3A = tpu.sem_alloc : memref<!tpu.dma_semaphore, #tpu.memory_space<semaphore_mem>>
        %dma_start3A_109 = arith.constant 0 : i32
        %dma_start3A_110 = arith.constant 0 : i32
        %dma_start3A_111 = tpu.memref_slice %arg19[%dma_start3A_109, %dma_start3A_110] : memref<10240x128xf32, #tpu.memory_space<vmem_shared>> -> memref<10240x128xf32, #tpu.memory_space<vmem_shared>>
        tpu.enqueue_indirect_dma source(%arg16 : memref<40x128xf32, #tpu.memory_space<vmem>>) target(%dma_start3A_111 : memref<10240x128xf32, #tpu.memory_space<vmem_shared>>) offsets(%arg12 : memref<40xi32, #tpu.memory_space<vmem>>) semaphore(%run_scoped3A : memref<!tpu.dma_semaphore, #tpu.memory_space<semaphore_mem>>) {add = true}
        %dma_wait3A_112 = arith.constant 0 : i32
        %dma_wait3A_113 = arith.constant 0 : i32
        %dma_wait3A_114 = tpu.memref_slice %arg19[%dma_wait3A_112, %dma_wait3A_113] : memref<10240x128xf32, #tpu.memory_space<vmem_shared>> -> memref<10240x128xf32, #tpu.memory_space<vmem_shared>>
        tpu.wait_indirect_dma semaphore(%run_scoped3A : memref<!tpu.dma_semaphore, #tpu.memory_space<semaphore_mem>>) src(%arg16 : memref<40x128xf32, #tpu.memory_space<vmem>>) dst(%dma_wait3A_114 : memref<10240x128xf32, #tpu.memory_space<vmem_shared>>)
        tpu.yield
      }) : () -> ()
      %scan3A_108 = arith.constant 0 : i32
      scf.yield %scan3A_108 : i32
    }
    %scan3A_71 = arith.constant 125 : i32
    %barrier3A_72 = arith.constant 0 : index
    tpu.barrier barrier_id(%barrier3A_72)
    %scan3A_73 = arith.constant 0 : i32
    %scan3A_74 = arith.constant 0 : i32
    %scan3A_75 = arith.constant 5 : i32
    %scan3A_76 = arith.addi %scan3A_74, %scan3A_75 : i32
    %scan3A_77 = arith.constant 1 : i32
    %scan3A_78 = scf.for %scan3A_80 = %scan3A_74 to %scan3A_76 step %scan3A_77 iter_args(%scan3A_81 = %scan3A_73) -> (i32)  : i32 {
      %mul3A_82 = arith.constant 640 : i32
      %mul3A_83 = arith.muli %arg1, %mul3A_82 : i32
      %mul3A_84 = arith.constant 128 : i32
      %mul3A_85 = arith.muli %scan3A_80, %mul3A_84 : i32
      %add3A_86 = arith.addi %mul3A_83, %mul3A_85 : i32
      "tpu.region"() ({
        %run_scoped3A = tpu.sem_alloc : memref<!tpu.dma_semaphore, #tpu.memory_space<semaphore_mem>>
        %dma_start3A = arith.constant 0 : i32
        %dma_start3A_88 = tpu.memref_slice %arg10[%arg0, %add3A_86, %dma_start3A] : memref<2x10240x128xf32, #tpu.memory_space<hbm>> -> memref<1x128x128xf32, #tpu.memory_space<hbm>>
        %dma_start3A_89 = tpu.memref_squeeze %dma_start3A_88 : memref<1x128x128xf32, #tpu.memory_space<hbm>> -> memref<128x128xf32, #tpu.memory_space<hbm>>
        %dma_start3A_90 = arith.constant 0 : i32
        %dma_start3A_91 = tpu.memref_slice %arg19[%add3A_86, %dma_start3A_90] : memref<10240x128xf32, #tpu.memory_space<vmem_shared>> -> memref<128x128xf32, #tpu.memory_space<vmem_shared>>
        tpu.enqueue_dma source(%dma_start3A_91 : memref<128x128xf32, #tpu.memory_space<vmem_shared>>) target(%dma_start3A_89 : memref<128x128xf32, #tpu.memory_space<hbm>>) target_semaphore(%run_scoped3A : memref<!tpu.dma_semaphore, #tpu.memory_space<semaphore_mem>>)
        %dma_wait3A = arith.constant 0 : i32
        %dma_wait3A_92 = tpu.memref_slice %arg10[%arg0, %add3A_86, %dma_wait3A] : memref<2x10240x128xf32, #tpu.memory_space<hbm>> -> memref<1x128x128xf32, #tpu.memory_space<hbm>>
        %dma_wait3A_93 = tpu.memref_squeeze %dma_wait3A_92 : memref<1x128x128xf32, #tpu.memory_space<hbm>> -> memref<128x128xf32, #tpu.memory_space<hbm>>
        %dma_wait3A_94 = arith.constant 0 : i32
        %dma_wait3A_95 = tpu.memref_slice %arg19[%add3A_86, %dma_wait3A_94] : memref<10240x128xf32, #tpu.memory_space<vmem_shared>> -> memref<128x128xf32, #tpu.memory_space<vmem_shared>>
        tpu.wait_dma2 semaphore(%run_scoped3A : memref<!tpu.dma_semaphore, #tpu.memory_space<semaphore_mem>>) src(%dma_wait3A_95 : memref<128x128xf32, #tpu.memory_space<vmem_shared>>) dst(%dma_wait3A_93 : memref<128x128xf32, #tpu.memory_space<hbm>>)
        tpu.yield
      }) : () -> ()
      %scan3A_87 = arith.constant 0 : i32
      scf.yield %scan3A_87 : i32
    }
    %scan3A_79 = arith.constant 5 : i32
    return
  }
}

#map = affine_map<(d0, d1) -> (0)>
#map1 = affine_map<(d0, d1) -> (0, 0)>
module attributes {stable_mosaic.version = 14 : i64} {
  func.func @_init_gather_kernel(%arg0: i32, %arg1: i32, %arg2: memref<5120xi32, #tpu.memory_space<hbm>>, %arg3: memref<10240xi32, #tpu.memory_space<hbm>>, %arg4: memref<10240xi32, #tpu.memory_space<hbm>>, %arg5: memref<10240xi32, #tpu.memory_space<hbm>>, %arg6: memref<10240xi32, #tpu.memory_space<hbm>>, %arg7: memref<101x128xf32, #tpu.memory_space<hbm>>, %arg8: memref<2x128xf32, #tpu.memory_space<hbm>>, %arg9: memref<27x128xf32, #tpu.memory_space<hbm>>, %arg10: memref<231x128xf32, #tpu.memory_space<hbm>>, %arg11: memref<1000x128xf32, #tpu.memory_space<hbm>>, %arg12: memref<5120x128xf32, #tpu.memory_space<hbm>>, %arg13: memref<10240x16xf32, #tpu.memory_space<hbm>>, %arg14: memref<80xi32, #tpu.memory_space<vmem>>, %arg15: memref<80x128xf32, #tpu.memory_space<vmem>>, %arg16: memref<80xi32, #tpu.memory_space<vmem>>, %arg17: memref<80xi32, #tpu.memory_space<vmem>>, %arg18: memref<80xi32, #tpu.memory_space<vmem>>, %arg19: memref<80xi32, #tpu.memory_space<vmem>>, %arg20: memref<80x128xf32, #tpu.memory_space<vmem>>, %arg21: memref<80x128xf32, #tpu.memory_space<vmem>>, %arg22: memref<80x128xf32, #tpu.memory_space<vmem>>, %arg23: memref<80x128xf32, #tpu.memory_space<vmem>>, %arg24: memref<80x16xf32, #tpu.memory_space<vmem>>, %arg25: memref<!tpu.dma_semaphore, #tpu.memory_space<semaphore_mem>>) attributes {dimension_semantics = [#tpu.dimension_semantics<core_parallel>, #tpu.dimension_semantics<subcore_parallel>], iteration_bounds = array<i64: 2, 16>, scalar_prefetch = 0 : i64, scratch_operands = 12 : i64, tpu.core_type = #tpu.core_type<sc_vector_subcore>, window_params = [{transform_indices = #map}, {transform_indices = #map}, {transform_indices = #map}, {transform_indices = #map}, {transform_indices = #map}, {transform_indices = #map1}, {transform_indices = #map1}, {transform_indices = #map1}, {transform_indices = #map1}, {transform_indices = #map1}, {transform_indices = #map1}, {transform_indices = #map1}]} {
    %mul3A = arith.constant 2 : i32
    %mul3A_0 = arith.muli %arg1, %mul3A : i32
    %add3A = arith.addi %mul3A_0, %arg0 : i32
    %scan3A = arith.constant 0 : i32
    %scan3A_1 = arith.constant 0 : i32
    %scan3A_2 = arith.constant 2 : i32
    %scan3A_3 = arith.addi %scan3A_1, %scan3A_2 : i32
    %scan3A_4 = arith.constant 1 : i32
    %scan3A_5 = scf.for %scan3A_14 = %scan3A_1 to %scan3A_3 step %scan3A_4 iter_args(%scan3A_15 = %scan3A) -> (i32)  : i32 {
      %mul3A_16 = arith.constant 160 : i32
      %mul3A_17 = arith.muli %add3A, %mul3A_16 : i32
      %mul3A_18 = arith.constant 80 : i32
      %mul3A_19 = arith.muli %scan3A_14, %mul3A_18 : i32
      %add3A_20 = arith.addi %mul3A_17, %mul3A_19 : i32
      "tpu.region"() ({
        %run_scoped3A = tpu.sem_alloc : memref<!tpu.dma_semaphore, #tpu.memory_space<semaphore_mem>>
        %dma_start3A_26 = tpu.memref_slice %arg2[%add3A_20] : memref<5120xi32, #tpu.memory_space<hbm>> -> memref<80xi32, #tpu.memory_space<hbm>>
        %dma_start3A_27 = tpu.memref_slice %arg2[%add3A_20] : memref<5120xi32, #tpu.memory_space<hbm>> -> memref<80xi32, #tpu.memory_space<hbm>>
        tpu.enqueue_dma source(%dma_start3A_27 : memref<80xi32, #tpu.memory_space<hbm>>) target(%arg14 : memref<80xi32, #tpu.memory_space<vmem>>) target_semaphore(%run_scoped3A : memref<!tpu.dma_semaphore, #tpu.memory_space<semaphore_mem>>)
        %dma_wait3A_28 = tpu.memref_slice %arg2[%add3A_20] : memref<5120xi32, #tpu.memory_space<hbm>> -> memref<80xi32, #tpu.memory_space<hbm>>
        %dma_wait3A_29 = tpu.memref_slice %arg2[%add3A_20] : memref<5120xi32, #tpu.memory_space<hbm>> -> memref<80xi32, #tpu.memory_space<hbm>>
        tpu.wait_dma2 semaphore(%run_scoped3A : memref<!tpu.dma_semaphore, #tpu.memory_space<semaphore_mem>>) src(%dma_wait3A_29 : memref<80xi32, #tpu.memory_space<hbm>>) dst(%arg14 : memref<80xi32, #tpu.memory_space<vmem>>)
        tpu.yield
      }) : () -> ()
      %dma_start3A = arith.constant 0 : i32
      %dma_start3A_21 = arith.constant 0 : i32
      %dma_start3A_22 = tpu.memref_slice %arg7[%dma_start3A, %dma_start3A_21] : memref<101x128xf32, #tpu.memory_space<hbm>> -> memref<101x128xf32, #tpu.memory_space<hbm>>
      tpu.enqueue_indirect_dma source(%dma_start3A_22 : memref<101x128xf32, #tpu.memory_space<hbm>>) target(%arg15 : memref<80x128xf32, #tpu.memory_space<vmem>>) offsets(%arg14 : memref<80xi32, #tpu.memory_space<vmem>>) semaphore(%arg25 : memref<!tpu.dma_semaphore, #tpu.memory_space<semaphore_mem>>)
      %dma_wait3A = arith.constant 0 : i32
      %dma_wait3A_23 = arith.constant 0 : i32
      %dma_wait3A_24 = tpu.memref_slice %arg7[%dma_wait3A, %dma_wait3A_23] : memref<101x128xf32, #tpu.memory_space<hbm>> -> memref<101x128xf32, #tpu.memory_space<hbm>>
      tpu.wait_indirect_dma semaphore(%arg25 : memref<!tpu.dma_semaphore, #tpu.memory_space<semaphore_mem>>) src(%dma_wait3A_24 : memref<101x128xf32, #tpu.memory_space<hbm>>) dst(%arg15 : memref<80x128xf32, #tpu.memory_space<vmem>>)
      "tpu.region"() ({
        %run_scoped3A = tpu.sem_alloc : memref<!tpu.dma_semaphore, #tpu.memory_space<semaphore_mem>>
        %dma_start3A_26 = arith.constant 0 : i32
        %dma_start3A_27 = tpu.memref_slice %arg12[%add3A_20, %dma_start3A_26] : memref<5120x128xf32, #tpu.memory_space<hbm>> -> memref<80x128xf32, #tpu.memory_space<hbm>>
        %dma_start3A_28 = arith.constant 0 : i32
        %dma_start3A_29 = tpu.memref_slice %arg12[%add3A_20, %dma_start3A_28] : memref<5120x128xf32, #tpu.memory_space<hbm>> -> memref<80x128xf32, #tpu.memory_space<hbm>>
        tpu.enqueue_dma source(%arg15 : memref<80x128xf32, #tpu.memory_space<vmem>>) target(%dma_start3A_29 : memref<80x128xf32, #tpu.memory_space<hbm>>) target_semaphore(%run_scoped3A : memref<!tpu.dma_semaphore, #tpu.memory_space<semaphore_mem>>)
        %dma_wait3A_30 = arith.constant 0 : i32
        %dma_wait3A_31 = tpu.memref_slice %arg12[%add3A_20, %dma_wait3A_30] : memref<5120x128xf32, #tpu.memory_space<hbm>> -> memref<80x128xf32, #tpu.memory_space<hbm>>
        %dma_wait3A_32 = arith.constant 0 : i32
        %dma_wait3A_33 = tpu.memref_slice %arg12[%add3A_20, %dma_wait3A_32] : memref<5120x128xf32, #tpu.memory_space<hbm>> -> memref<80x128xf32, #tpu.memory_space<hbm>>
        tpu.wait_dma2 semaphore(%run_scoped3A : memref<!tpu.dma_semaphore, #tpu.memory_space<semaphore_mem>>) src(%arg15 : memref<80x128xf32, #tpu.memory_space<vmem>>) dst(%dma_wait3A_33 : memref<80x128xf32, #tpu.memory_space<hbm>>)
        tpu.yield
      }) : () -> ()
      %scan3A_25 = arith.constant 0 : i32
      scf.yield %scan3A_25 : i32
    }
    %scan3A_6 = arith.constant 2 : i32
    %scan3A_7 = arith.constant 0 : i32
    %scan3A_8 = arith.constant 0 : i32
    %scan3A_9 = arith.constant 4 : i32
    %scan3A_10 = arith.addi %scan3A_8, %scan3A_9 : i32
    %scan3A_11 = arith.constant 1 : i32
    %scan3A_12 = scf.for %scan3A_14 = %scan3A_8 to %scan3A_10 step %scan3A_11 iter_args(%scan3A_15 = %scan3A_7) -> (i32)  : i32 {
      %mul3A_16 = arith.constant 320 : i32
      %mul3A_17 = arith.muli %add3A, %mul3A_16 : i32
      %mul3A_18 = arith.constant 80 : i32
      %mul3A_19 = arith.muli %scan3A_14, %mul3A_18 : i32
      %add3A_20 = arith.addi %mul3A_17, %mul3A_19 : i32
      "tpu.region"() ({
        %run_scoped3A = tpu.sem_alloc : memref<!tpu.dma_semaphore, #tpu.memory_space<semaphore_mem>>
        %dma_start3A_51 = tpu.memref_slice %arg3[%add3A_20] : memref<10240xi32, #tpu.memory_space<hbm>> -> memref<80xi32, #tpu.memory_space<hbm>>
        %dma_start3A_52 = tpu.memref_slice %arg3[%add3A_20] : memref<10240xi32, #tpu.memory_space<hbm>> -> memref<80xi32, #tpu.memory_space<hbm>>
        tpu.enqueue_dma source(%dma_start3A_52 : memref<80xi32, #tpu.memory_space<hbm>>) target(%arg16 : memref<80xi32, #tpu.memory_space<vmem>>) target_semaphore(%run_scoped3A : memref<!tpu.dma_semaphore, #tpu.memory_space<semaphore_mem>>)
        %dma_wait3A_53 = tpu.memref_slice %arg3[%add3A_20] : memref<10240xi32, #tpu.memory_space<hbm>> -> memref<80xi32, #tpu.memory_space<hbm>>
        %dma_wait3A_54 = tpu.memref_slice %arg3[%add3A_20] : memref<10240xi32, #tpu.memory_space<hbm>> -> memref<80xi32, #tpu.memory_space<hbm>>
        tpu.wait_dma2 semaphore(%run_scoped3A : memref<!tpu.dma_semaphore, #tpu.memory_space<semaphore_mem>>) src(%dma_wait3A_54 : memref<80xi32, #tpu.memory_space<hbm>>) dst(%arg16 : memref<80xi32, #tpu.memory_space<vmem>>)
        tpu.yield
      }) : () -> ()
      "tpu.region"() ({
        %run_scoped3A = tpu.sem_alloc : memref<!tpu.dma_semaphore, #tpu.memory_space<semaphore_mem>>
        %dma_start3A_51 = tpu.memref_slice %arg4[%add3A_20] : memref<10240xi32, #tpu.memory_space<hbm>> -> memref<80xi32, #tpu.memory_space<hbm>>
        %dma_start3A_52 = tpu.memref_slice %arg4[%add3A_20] : memref<10240xi32, #tpu.memory_space<hbm>> -> memref<80xi32, #tpu.memory_space<hbm>>
        tpu.enqueue_dma source(%dma_start3A_52 : memref<80xi32, #tpu.memory_space<hbm>>) target(%arg17 : memref<80xi32, #tpu.memory_space<vmem>>) target_semaphore(%run_scoped3A : memref<!tpu.dma_semaphore, #tpu.memory_space<semaphore_mem>>)
        %dma_wait3A_53 = tpu.memref_slice %arg4[%add3A_20] : memref<10240xi32, #tpu.memory_space<hbm>> -> memref<80xi32, #tpu.memory_space<hbm>>
        %dma_wait3A_54 = tpu.memref_slice %arg4[%add3A_20] : memref<10240xi32, #tpu.memory_space<hbm>> -> memref<80xi32, #tpu.memory_space<hbm>>
        tpu.wait_dma2 semaphore(%run_scoped3A : memref<!tpu.dma_semaphore, #tpu.memory_space<semaphore_mem>>) src(%dma_wait3A_54 : memref<80xi32, #tpu.memory_space<hbm>>) dst(%arg17 : memref<80xi32, #tpu.memory_space<vmem>>)
        tpu.yield
      }) : () -> ()
      "tpu.region"() ({
        %run_scoped3A = tpu.sem_alloc : memref<!tpu.dma_semaphore, #tpu.memory_space<semaphore_mem>>
        %dma_start3A_51 = tpu.memref_slice %arg5[%add3A_20] : memref<10240xi32, #tpu.memory_space<hbm>> -> memref<80xi32, #tpu.memory_space<hbm>>
        %dma_start3A_52 = tpu.memref_slice %arg5[%add3A_20] : memref<10240xi32, #tpu.memory_space<hbm>> -> memref<80xi32, #tpu.memory_space<hbm>>
        tpu.enqueue_dma source(%dma_start3A_52 : memref<80xi32, #tpu.memory_space<hbm>>) target(%arg18 : memref<80xi32, #tpu.memory_space<vmem>>) target_semaphore(%run_scoped3A : memref<!tpu.dma_semaphore, #tpu.memory_space<semaphore_mem>>)
        %dma_wait3A_53 = tpu.memref_slice %arg5[%add3A_20] : memref<10240xi32, #tpu.memory_space<hbm>> -> memref<80xi32, #tpu.memory_space<hbm>>
        %dma_wait3A_54 = tpu.memref_slice %arg5[%add3A_20] : memref<10240xi32, #tpu.memory_space<hbm>> -> memref<80xi32, #tpu.memory_space<hbm>>
        tpu.wait_dma2 semaphore(%run_scoped3A : memref<!tpu.dma_semaphore, #tpu.memory_space<semaphore_mem>>) src(%dma_wait3A_54 : memref<80xi32, #tpu.memory_space<hbm>>) dst(%arg18 : memref<80xi32, #tpu.memory_space<vmem>>)
        tpu.yield
      }) : () -> ()
      "tpu.region"() ({
        %run_scoped3A = tpu.sem_alloc : memref<!tpu.dma_semaphore, #tpu.memory_space<semaphore_mem>>
        %dma_start3A_51 = tpu.memref_slice %arg6[%add3A_20] : memref<10240xi32, #tpu.memory_space<hbm>> -> memref<80xi32, #tpu.memory_space<hbm>>
        %dma_start3A_52 = tpu.memref_slice %arg6[%add3A_20] : memref<10240xi32, #tpu.memory_space<hbm>> -> memref<80xi32, #tpu.memory_space<hbm>>
        tpu.enqueue_dma source(%dma_start3A_52 : memref<80xi32, #tpu.memory_space<hbm>>) target(%arg19 : memref<80xi32, #tpu.memory_space<vmem>>) target_semaphore(%run_scoped3A : memref<!tpu.dma_semaphore, #tpu.memory_space<semaphore_mem>>)
        %dma_wait3A_53 = tpu.memref_slice %arg6[%add3A_20] : memref<10240xi32, #tpu.memory_space<hbm>> -> memref<80xi32, #tpu.memory_space<hbm>>
        %dma_wait3A_54 = tpu.memref_slice %arg6[%add3A_20] : memref<10240xi32, #tpu.memory_space<hbm>> -> memref<80xi32, #tpu.memory_space<hbm>>
        tpu.wait_dma2 semaphore(%run_scoped3A : memref<!tpu.dma_semaphore, #tpu.memory_space<semaphore_mem>>) src(%dma_wait3A_54 : memref<80xi32, #tpu.memory_space<hbm>>) dst(%arg19 : memref<80xi32, #tpu.memory_space<vmem>>)
        tpu.yield
      }) : () -> ()
      %dma_start3A = arith.constant 0 : i32
      %dma_start3A_21 = arith.constant 0 : i32
      %dma_start3A_22 = tpu.memref_slice %arg8[%dma_start3A, %dma_start3A_21] : memref<2x128xf32, #tpu.memory_space<hbm>> -> memref<2x128xf32, #tpu.memory_space<hbm>>
      tpu.enqueue_indirect_dma source(%dma_start3A_22 : memref<2x128xf32, #tpu.memory_space<hbm>>) target(%arg20 : memref<80x128xf32, #tpu.memory_space<vmem>>) offsets(%arg16 : memref<80xi32, #tpu.memory_space<vmem>>) semaphore(%arg25 : memref<!tpu.dma_semaphore, #tpu.memory_space<semaphore_mem>>)
      %dma_start3A_23 = arith.constant 0 : i32
      %dma_start3A_24 = arith.constant 0 : i32
      %dma_start3A_25 = tpu.memref_slice %arg9[%dma_start3A_23, %dma_start3A_24] : memref<27x128xf32, #tpu.memory_space<hbm>> -> memref<27x128xf32, #tpu.memory_space<hbm>>
      tpu.enqueue_indirect_dma source(%dma_start3A_25 : memref<27x128xf32, #tpu.memory_space<hbm>>) target(%arg21 : memref<80x128xf32, #tpu.memory_space<vmem>>) offsets(%arg17 : memref<80xi32, #tpu.memory_space<vmem>>) semaphore(%arg25 : memref<!tpu.dma_semaphore, #tpu.memory_space<semaphore_mem>>)
      %dma_start3A_26 = arith.constant 0 : i32
      %dma_start3A_27 = arith.constant 0 : i32
      %dma_start3A_28 = tpu.memref_slice %arg10[%dma_start3A_26, %dma_start3A_27] : memref<231x128xf32, #tpu.memory_space<hbm>> -> memref<231x128xf32, #tpu.memory_space<hbm>>
      tpu.enqueue_indirect_dma source(%dma_start3A_28 : memref<231x128xf32, #tpu.memory_space<hbm>>) target(%arg22 : memref<80x128xf32, #tpu.memory_space<vmem>>) offsets(%arg18 : memref<80xi32, #tpu.memory_space<vmem>>) semaphore(%arg25 : memref<!tpu.dma_semaphore, #tpu.memory_space<semaphore_mem>>)
      %dma_start3A_29 = arith.constant 0 : i32
      %dma_start3A_30 = arith.constant 0 : i32
      %dma_start3A_31 = tpu.memref_slice %arg11[%dma_start3A_29, %dma_start3A_30] : memref<1000x128xf32, #tpu.memory_space<hbm>> -> memref<1000x128xf32, #tpu.memory_space<hbm>>
      tpu.enqueue_indirect_dma source(%dma_start3A_31 : memref<1000x128xf32, #tpu.memory_space<hbm>>) target(%arg23 : memref<80x128xf32, #tpu.memory_space<vmem>>) offsets(%arg19 : memref<80xi32, #tpu.memory_space<vmem>>) semaphore(%arg25 : memref<!tpu.dma_semaphore, #tpu.memory_space<semaphore_mem>>)
      %dma_wait3A = arith.constant 0 : i32
      %dma_wait3A_32 = arith.constant 0 : i32
      %dma_wait3A_33 = tpu.memref_slice %arg8[%dma_wait3A, %dma_wait3A_32] : memref<2x128xf32, #tpu.memory_space<hbm>> -> memref<2x128xf32, #tpu.memory_space<hbm>>
      tpu.wait_indirect_dma semaphore(%arg25 : memref<!tpu.dma_semaphore, #tpu.memory_space<semaphore_mem>>) src(%dma_wait3A_33 : memref<2x128xf32, #tpu.memory_space<hbm>>) dst(%arg20 : memref<80x128xf32, #tpu.memory_space<vmem>>)
      %dma_wait3A_34 = arith.constant 0 : i32
      %dma_wait3A_35 = arith.constant 0 : i32
      %dma_wait3A_36 = tpu.memref_slice %arg9[%dma_wait3A_34, %dma_wait3A_35] : memref<27x128xf32, #tpu.memory_space<hbm>> -> memref<27x128xf32, #tpu.memory_space<hbm>>
      tpu.wait_indirect_dma semaphore(%arg25 : memref<!tpu.dma_semaphore, #tpu.memory_space<semaphore_mem>>) src(%dma_wait3A_36 : memref<27x128xf32, #tpu.memory_space<hbm>>) dst(%arg21 : memref<80x128xf32, #tpu.memory_space<vmem>>)
      %dma_wait3A_37 = arith.constant 0 : i32
      %dma_wait3A_38 = arith.constant 0 : i32
      %dma_wait3A_39 = tpu.memref_slice %arg10[%dma_wait3A_37, %dma_wait3A_38] : memref<231x128xf32, #tpu.memory_space<hbm>> -> memref<231x128xf32, #tpu.memory_space<hbm>>
      tpu.wait_indirect_dma semaphore(%arg25 : memref<!tpu.dma_semaphore, #tpu.memory_space<semaphore_mem>>) src(%dma_wait3A_39 : memref<231x128xf32, #tpu.memory_space<hbm>>) dst(%arg22 : memref<80x128xf32, #tpu.memory_space<vmem>>)
      %dma_wait3A_40 = arith.constant 0 : i32
      %dma_wait3A_41 = arith.constant 0 : i32
      %dma_wait3A_42 = tpu.memref_slice %arg11[%dma_wait3A_40, %dma_wait3A_41] : memref<1000x128xf32, #tpu.memory_space<hbm>> -> memref<1000x128xf32, #tpu.memory_space<hbm>>
      tpu.wait_indirect_dma semaphore(%arg25 : memref<!tpu.dma_semaphore, #tpu.memory_space<semaphore_mem>>) src(%dma_wait3A_42 : memref<1000x128xf32, #tpu.memory_space<hbm>>) dst(%arg23 : memref<80x128xf32, #tpu.memory_space<vmem>>)
      %scan3A_43 = arith.constant 0 : i32
      %scan3A_44 = arith.constant 0 : i32
      %scan3A_45 = arith.constant 80 : i32
      %scan3A_46 = arith.addi %scan3A_44, %scan3A_45 : i32
      %scan3A_47 = arith.constant 1 : i32
      %scan3A_48 = scf.for %scan3A_51 = %scan3A_44 to %scan3A_46 step %scan3A_47 iter_args(%scan3A_52 = %scan3A_43) -> (i32)  : i32 {
        %get3A = arith.index_cast %scan3A_51 : i32 to index
        %get3A_53 = arith.constant 0 : index
        %get3A_54 = tpu.vector_load %arg20[%get3A, %get3A_53] {strides = array<i32>} : memref<80x128xf32, #tpu.memory_space<vmem>>, vector<1x16xf32>,
        %get3A_55 = vector.shape_cast %get3A_54 : vector<1x16xf32> to vector<16xf32>
        %get3A_56 = arith.index_cast %scan3A_51 : i32 to index
        %get3A_57 = arith.constant 0 : index
        %get3A_58 = tpu.vector_load %arg21[%get3A_56, %get3A_57] {strides = array<i32>} : memref<80x128xf32, #tpu.memory_space<vmem>>, vector<1x16xf32>,
        %get3A_59 = vector.shape_cast %get3A_58 : vector<1x16xf32> to vector<16xf32>
        %add3A_60 = arith.addf %get3A_55, %get3A_59 : vector<16xf32>
        %get3A_61 = arith.index_cast %scan3A_51 : i32 to index
        %get3A_62 = arith.constant 0 : index
        %get3A_63 = tpu.vector_load %arg22[%get3A_61, %get3A_62] {strides = array<i32>} : memref<80x128xf32, #tpu.memory_space<vmem>>, vector<1x16xf32>,
        %get3A_64 = vector.shape_cast %get3A_63 : vector<1x16xf32> to vector<16xf32>
        %add3A_65 = arith.addf %add3A_60, %get3A_64 : vector<16xf32>
        %get3A_66 = arith.index_cast %scan3A_51 : i32 to index
        %get3A_67 = arith.constant 0 : index
        %get3A_68 = tpu.vector_load %arg23[%get3A_66, %get3A_67] {strides = array<i32>} : memref<80x128xf32, #tpu.memory_space<vmem>>, vector<1x16xf32>,
        %get3A_69 = vector.shape_cast %get3A_68 : vector<1x16xf32> to vector<16xf32>
        %add3A_70 = arith.addf %add3A_65, %get3A_69 : vector<16xf32>
        %swap3A = arith.index_cast %scan3A_51 : i32 to index
        %swap3A_71 = arith.constant 0 : index
        %swap3A_72 = tpu.vector_load %arg24[%swap3A, %swap3A_71] {strides = array<i32>} : memref<80x16xf32, #tpu.memory_space<vmem>>, vector<1x16xf32>,
        %swap3A_73 = vector.shape_cast %swap3A_72 : vector<1x16xf32> to vector<16xf32>
        %swap3A_74 = vector.shape_cast %add3A_70 : vector<16xf32> to vector<1x16xf32>
        tpu.vector_store %arg24[%swap3A, %swap3A_71], %swap3A_74 {strides = array<i32>} : memref<80x16xf32, #tpu.memory_space<vmem>>, vector<1x16xf32>,
        %scan3A_75 = arith.constant 0 : i32
        scf.yield %scan3A_75 : i32
      }
      %scan3A_49 = arith.constant 80 : i32
      "tpu.region"() ({
        %run_scoped3A = tpu.sem_alloc : memref<!tpu.dma_semaphore, #tpu.memory_space<semaphore_mem>>
        %dma_start3A_51 = arith.constant 0 : i32
        %dma_start3A_52 = tpu.memref_slice %arg13[%add3A_20, %dma_start3A_51] : memref<10240x16xf32, #tpu.memory_space<hbm>> -> memref<80x16xf32, #tpu.memory_space<hbm>>
        %dma_start3A_53 = arith.constant 0 : i32
        %dma_start3A_54 = tpu.memref_slice %arg13[%add3A_20, %dma_start3A_53] : memref<10240x16xf32, #tpu.memory_space<hbm>> -> memref<80x16xf32, #tpu.memory_space<hbm>>
        tpu.enqueue_dma source(%arg24 : memref<80x16xf32, #tpu.memory_space<vmem>>) target(%dma_start3A_54 : memref<80x16xf32, #tpu.memory_space<hbm>>) target_semaphore(%run_scoped3A : memref<!tpu.dma_semaphore, #tpu.memory_space<semaphore_mem>>)
        %dma_wait3A_55 = arith.constant 0 : i32
        %dma_wait3A_56 = tpu.memref_slice %arg13[%add3A_20, %dma_wait3A_55] : memref<10240x16xf32, #tpu.memory_space<hbm>> -> memref<80x16xf32, #tpu.memory_space<hbm>>
        %dma_wait3A_57 = arith.constant 0 : i32
        %dma_wait3A_58 = tpu.memref_slice %arg13[%add3A_20, %dma_wait3A_57] : memref<10240x16xf32, #tpu.memory_space<hbm>> -> memref<80x16xf32, #tpu.memory_space<hbm>>
        tpu.wait_dma2 semaphore(%run_scoped3A : memref<!tpu.dma_semaphore, #tpu.memory_space<semaphore_mem>>) src(%arg24 : memref<80x16xf32, #tpu.memory_space<vmem>>) dst(%dma_wait3A_58 : memref<80x16xf32, #tpu.memory_space<hbm>>)
        tpu.yield
      }) : () -> ()
      %scan3A_50 = arith.constant 0 : i32
      scf.yield %scan3A_50 : i32
    }
    %scan3A_13 = arith.constant 4 : i32
    return
  }
}

module attributes {stable_mosaic.version = 14 : i64} {
  func.func @_inf_lin_body(%arg0: i32, %arg1: memref<1000x100xi32, #tpu.memory_space<vmem>>, %arg2: memref<1x21xf32, #tpu.memory_space<vmem>>, %arg3: memref<100x128xf32, #tpu.memory_space<vmem>>, %arg4: memref<1x128xf32, #tpu.memory_space<vmem>>, %arg5: memref<1000x128xf32, #tpu.memory_space<vmem>>) attributes {dimension_semantics = [#tpu.dimension_semantics<arbitrary>], iteration_bounds = array<i64: 5>, scalar_prefetch = 0 : i64, scratch_operands = 0 : i64, tpu.core_type = #tpu.core_type<tc>, window_params = [{transform_indices = @transform_0, window_bounds = array<i64: 1000, 100>}, {pipeline_mode = #tpu.pipeline_mode<synchronous>, transform_indices = @transform_1, window_bounds = array<i64: 1, 21>}, {pipeline_mode = #tpu.pipeline_mode<synchronous>, transform_indices = @transform_2, window_bounds = array<i64: 100, 128>}, {pipeline_mode = #tpu.pipeline_mode<synchronous>, transform_indices = @transform_3, window_bounds = array<i64: 1, 128>}, {transform_indices = @transform_4, window_bounds = array<i64: 1000, 128>}]} {
    %get3A = arith.constant 0 : index
    %get3A_0 = arith.constant 0 : index
    %get3A_1 = vector.load %arg1[%get3A, %get3A_0] : memref<1000x100xi32, #tpu.memory_space<vmem>>, vector<1000x100xi32>
    %broadcast_in_dim3A = arith.constant 0.000000e+00 : f32
    %broadcast_in_dim3A_2 = vector.broadcast %broadcast_in_dim3A : f32 to vector<1000x100xf32>
    %eq3A = arith.constant 0 : i32
    %eq3A_3 = vector.broadcast %eq3A : i32 to vector<1000x100xi32>
    %eq3A_4 = arith.cmpi eq, %get3A_1, %eq3A_3 : vector<1000x100xi32>
    %get3A_5 = arith.constant 0 : index
    %get3A_6 = arith.constant 0 : index
    %get3A_7 = vector.load %arg2[%get3A_5, %get3A_6] : memref<1x21xf32, #tpu.memory_space<vmem>>, vector<1x1xf32>
    %get3A_8 = vector.extract %get3A_7[0, 0] : f32 from vector<1x1xf32>
    %broadcast_in_dim3A_9 = vector.broadcast %get3A_8 : f32 to vector<1000x100xf32>
    %select_n3A = arith.select %eq3A_4, %broadcast_in_dim3A_9, %broadcast_in_dim3A_2 : vector<1000x100xi1>, vector<1000x100xf32>
    %eq3A_10 = arith.constant 1 : i32
    %eq3A_11 = vector.broadcast %eq3A_10 : i32 to vector<1000x100xi32>
    %eq3A_12 = arith.cmpi eq, %get3A_1, %eq3A_11 : vector<1000x100xi32>
    %get3A_13 = arith.constant 0 : index
    %get3A_14 = arith.constant 1 : index
    %get3A_15 = vector.load %arg2[%get3A_13, %get3A_14] : memref<1x21xf32, #tpu.memory_space<vmem>>, vector<1x1xf32>
    %get3A_16 = vector.extract %get3A_15[0, 0] : f32 from vector<1x1xf32>
    %broadcast_in_dim3A_17 = vector.broadcast %get3A_16 : f32 to vector<1000x100xf32>
    %select_n3A_18 = arith.select %eq3A_12, %broadcast_in_dim3A_17, %select_n3A : vector<1000x100xi1>, vector<1000x100xf32>
    %eq3A_19 = arith.constant 2 : i32
    %eq3A_20 = vector.broadcast %eq3A_19 : i32 to vector<1000x100xi32>
    %eq3A_21 = arith.cmpi eq, %get3A_1, %eq3A_20 : vector<1000x100xi32>
    %get3A_22 = arith.constant 0 : index
    %get3A_23 = arith.constant 2 : index
    %get3A_24 = vector.load %arg2[%get3A_22, %get3A_23] : memref<1x21xf32, #tpu.memory_space<vmem>>, vector<1x1xf32>
    %get3A_25 = vector.extract %get3A_24[0, 0] : f32 from vector<1x1xf32>
    %broadcast_in_dim3A_26 = vector.broadcast %get3A_25 : f32 to vector<1000x100xf32>
    %select_n3A_27 = arith.select %eq3A_21, %broadcast_in_dim3A_26, %select_n3A_18 : vector<1000x100xi1>, vector<1000x100xf32>
    %eq3A_28 = arith.constant 3 : i32
    %eq3A_29 = vector.broadcast %eq3A_28 : i32 to vector<1000x100xi32>
    %eq3A_30 = arith.cmpi eq, %get3A_1, %eq3A_29 : vector<1000x100xi32>
    %get3A_31 = arith.constant 0 : index
    %get3A_32 = arith.constant 3 : index
    %get3A_33 = vector.load %arg2[%get3A_31, %get3A_32] : memref<1x21xf32, #tpu.memory_space<vmem>>, vector<1x1xf32>
    %get3A_34 = vector.extract %get3A_33[0, 0] : f32 from vector<1x1xf32>
    %broadcast_in_dim3A_35 = vector.broadcast %get3A_34 : f32 to vector<1000x100xf32>
    %select_n3A_36 = arith.select %eq3A_30, %broadcast_in_dim3A_35, %select_n3A_27 : vector<1000x100xi1>, vector<1000x100xf32>
    %eq3A_37 = arith.constant 4 : i32
    %eq3A_38 = vector.broadcast %eq3A_37 : i32 to vector<1000x100xi32>
    %eq3A_39 = arith.cmpi eq, %get3A_1, %eq3A_38 : vector<1000x100xi32>
    %get3A_40 = arith.constant 0 : index
    %get3A_41 = arith.constant 4 : index
    %get3A_42 = vector.load %arg2[%get3A_40, %get3A_41] : memref<1x21xf32, #tpu.memory_space<vmem>>, vector<1x1xf32>
    %get3A_43 = vector.extract %get3A_42[0, 0] : f32 from vector<1x1xf32>
    %broadcast_in_dim3A_44 = vector.broadcast %get3A_43 : f32 to vector<1000x100xf32>
    %select_n3A_45 = arith.select %eq3A_39, %broadcast_in_dim3A_44, %select_n3A_36 : vector<1000x100xi1>, vector<1000x100xf32>
    %eq3A_46 = arith.constant 5 : i32
    %eq3A_47 = vector.broadcast %eq3A_46 : i32 to vector<1000x100xi32>
    %eq3A_48 = arith.cmpi eq, %get3A_1, %eq3A_47 : vector<1000x100xi32>
    %get3A_49 = arith.constant 0 : index
    %get3A_50 = arith.constant 5 : index
    %get3A_51 = vector.load %arg2[%get3A_49, %get3A_50] : memref<1x21xf32, #tpu.memory_space<vmem>>, vector<1x1xf32>
    %get3A_52 = vector.extract %get3A_51[0, 0] : f32 from vector<1x1xf32>
    %broadcast_in_dim3A_53 = vector.broadcast %get3A_52 : f32 to vector<1000x100xf32>
    %select_n3A_54 = arith.select %eq3A_48, %broadcast_in_dim3A_53, %select_n3A_45 : vector<1000x100xi1>, vector<1000x100xf32>
    %eq3A_55 = arith.constant 6 : i32
    %eq3A_56 = vector.broadcast %eq3A_55 : i32 to vector<1000x100xi32>
    %eq3A_57 = arith.cmpi eq, %get3A_1, %eq3A_56 : vector<1000x100xi32>
    %get3A_58 = arith.constant 0 : index
    %get3A_59 = arith.constant 6 : index
    %get3A_60 = vector.load %arg2[%get3A_58, %get3A_59] : memref<1x21xf32, #tpu.memory_space<vmem>>, vector<1x1xf32>
    %get3A_61 = vector.extract %get3A_60[0, 0] : f32 from vector<1x1xf32>
    %broadcast_in_dim3A_62 = vector.broadcast %get3A_61 : f32 to vector<1000x100xf32>
    %select_n3A_63 = arith.select %eq3A_57, %broadcast_in_dim3A_62, %select_n3A_54 : vector<1000x100xi1>, vector<1000x100xf32>
    %eq3A_64 = arith.constant 7 : i32
    %eq3A_65 = vector.broadcast %eq3A_64 : i32 to vector<1000x100xi32>
    %eq3A_66 = arith.cmpi eq, %get3A_1, %eq3A_65 : vector<1000x100xi32>
    %get3A_67 = arith.constant 0 : index
    %get3A_68 = arith.constant 7 : index
    %get3A_69 = vector.load %arg2[%get3A_67, %get3A_68] : memref<1x21xf32, #tpu.memory_space<vmem>>, vector<1x1xf32>
    %get3A_70 = vector.extract %get3A_69[0, 0] : f32 from vector<1x1xf32>
    %broadcast_in_dim3A_71 = vector.broadcast %get3A_70 : f32 to vector<1000x100xf32>
    %select_n3A_72 = arith.select %eq3A_66, %broadcast_in_dim3A_71, %select_n3A_63 : vector<1000x100xi1>, vector<1000x100xf32>
    %eq3A_73 = arith.constant 8 : i32
    %eq3A_74 = vector.broadcast %eq3A_73 : i32 to vector<1000x100xi32>
    %eq3A_75 = arith.cmpi eq, %get3A_1, %eq3A_74 : vector<1000x100xi32>
    %get3A_76 = arith.constant 0 : index
    %get3A_77 = arith.constant 8 : index
    %get3A_78 = vector.load %arg2[%get3A_76, %get3A_77] : memref<1x21xf32, #tpu.memory_space<vmem>>, vector<1x1xf32>
    %get3A_79 = vector.extract %get3A_78[0, 0] : f32 from vector<1x1xf32>
    %broadcast_in_dim3A_80 = vector.broadcast %get3A_79 : f32 to vector<1000x100xf32>
    %select_n3A_81 = arith.select %eq3A_75, %broadcast_in_dim3A_80, %select_n3A_72 : vector<1000x100xi1>, vector<1000x100xf32>
    %eq3A_82 = arith.constant 9 : i32
    %eq3A_83 = vector.broadcast %eq3A_82 : i32 to vector<1000x100xi32>
    %eq3A_84 = arith.cmpi eq, %get3A_1, %eq3A_83 : vector<1000x100xi32>
    %get3A_85 = arith.constant 0 : index
    %get3A_86 = arith.constant 9 : index
    %get3A_87 = vector.load %arg2[%get3A_85, %get3A_86] : memref<1x21xf32, #tpu.memory_space<vmem>>, vector<1x1xf32>
    %get3A_88 = vector.extract %get3A_87[0, 0] : f32 from vector<1x1xf32>
    %broadcast_in_dim3A_89 = vector.broadcast %get3A_88 : f32 to vector<1000x100xf32>
    %select_n3A_90 = arith.select %eq3A_84, %broadcast_in_dim3A_89, %select_n3A_81 : vector<1000x100xi1>, vector<1000x100xf32>
    %eq3A_91 = arith.constant 10 : i32
    %eq3A_92 = vector.broadcast %eq3A_91 : i32 to vector<1000x100xi32>
    %eq3A_93 = arith.cmpi eq, %get3A_1, %eq3A_92 : vector<1000x100xi32>
    %get3A_94 = arith.constant 0 : index
    %get3A_95 = arith.constant 10 : index
    %get3A_96 = vector.load %arg2[%get3A_94, %get3A_95] : memref<1x21xf32, #tpu.memory_space<vmem>>, vector<1x1xf32>
    %get3A_97 = vector.extract %get3A_96[0, 0] : f32 from vector<1x1xf32>
    %broadcast_in_dim3A_98 = vector.broadcast %get3A_97 : f32 to vector<1000x100xf32>
    %select_n3A_99 = arith.select %eq3A_93, %broadcast_in_dim3A_98, %select_n3A_90 : vector<1000x100xi1>, vector<1000x100xf32>
    %eq3A_100 = arith.constant 11 : i32
    %eq3A_101 = vector.broadcast %eq3A_100 : i32 to vector<1000x100xi32>
    %eq3A_102 = arith.cmpi eq, %get3A_1, %eq3A_101 : vector<1000x100xi32>
    %get3A_103 = arith.constant 0 : index
    %get3A_104 = arith.constant 11 : index
    %get3A_105 = vector.load %arg2[%get3A_103, %get3A_104] : memref<1x21xf32, #tpu.memory_space<vmem>>, vector<1x1xf32>
    %get3A_106 = vector.extract %get3A_105[0, 0] : f32 from vector<1x1xf32>
    %broadcast_in_dim3A_107 = vector.broadcast %get3A_106 : f32 to vector<1000x100xf32>
    %select_n3A_108 = arith.select %eq3A_102, %broadcast_in_dim3A_107, %select_n3A_99 : vector<1000x100xi1>, vector<1000x100xf32>
    %eq3A_109 = arith.constant 12 : i32
    %eq3A_110 = vector.broadcast %eq3A_109 : i32 to vector<1000x100xi32>
    %eq3A_111 = arith.cmpi eq, %get3A_1, %eq3A_110 : vector<1000x100xi32>
    %get3A_112 = arith.constant 0 : index
    %get3A_113 = arith.constant 12 : index
    %get3A_114 = vector.load %arg2[%get3A_112, %get3A_113] : memref<1x21xf32, #tpu.memory_space<vmem>>, vector<1x1xf32>
    %get3A_115 = vector.extract %get3A_114[0, 0] : f32 from vector<1x1xf32>
    %broadcast_in_dim3A_116 = vector.broadcast %get3A_115 : f32 to vector<1000x100xf32>
    %select_n3A_117 = arith.select %eq3A_111, %broadcast_in_dim3A_116, %select_n3A_108 : vector<1000x100xi1>, vector<1000x100xf32>
    %eq3A_118 = arith.constant 13 : i32
    %eq3A_119 = vector.broadcast %eq3A_118 : i32 to vector<1000x100xi32>
    %eq3A_120 = arith.cmpi eq, %get3A_1, %eq3A_119 : vector<1000x100xi32>
    %get3A_121 = arith.constant 0 : index
    %get3A_122 = arith.constant 13 : index
    %get3A_123 = vector.load %arg2[%get3A_121, %get3A_122] : memref<1x21xf32, #tpu.memory_space<vmem>>, vector<1x1xf32>
    %get3A_124 = vector.extract %get3A_123[0, 0] : f32 from vector<1x1xf32>
    %broadcast_in_dim3A_125 = vector.broadcast %get3A_124 : f32 to vector<1000x100xf32>
    %select_n3A_126 = arith.select %eq3A_120, %broadcast_in_dim3A_125, %select_n3A_117 : vector<1000x100xi1>, vector<1000x100xf32>
    %eq3A_127 = arith.constant 14 : i32
    %eq3A_128 = vector.broadcast %eq3A_127 : i32 to vector<1000x100xi32>
    %eq3A_129 = arith.cmpi eq, %get3A_1, %eq3A_128 : vector<1000x100xi32>
    %get3A_130 = arith.constant 0 : index
    %get3A_131 = arith.constant 14 : index
    %get3A_132 = vector.load %arg2[%get3A_130, %get3A_131] : memref<1x21xf32, #tpu.memory_space<vmem>>, vector<1x1xf32>
    %get3A_133 = vector.extract %get3A_132[0, 0] : f32 from vector<1x1xf32>
    %broadcast_in_dim3A_134 = vector.broadcast %get3A_133 : f32 to vector<1000x100xf32>
    %select_n3A_135 = arith.select %eq3A_129, %broadcast_in_dim3A_134, %select_n3A_126 : vector<1000x100xi1>, vector<1000x100xf32>
    %eq3A_136 = arith.constant 15 : i32
    %eq3A_137 = vector.broadcast %eq3A_136 : i32 to vector<1000x100xi32>
    %eq3A_138 = arith.cmpi eq, %get3A_1, %eq3A_137 : vector<1000x100xi32>
    %get3A_139 = arith.constant 0 : index
    %get3A_140 = arith.constant 15 : index
    %get3A_141 = vector.load %arg2[%get3A_139, %get3A_140] : memref<1x21xf32, #tpu.memory_space<vmem>>, vector<1x1xf32>
    %get3A_142 = vector.extract %get3A_141[0, 0] : f32 from vector<1x1xf32>
    %broadcast_in_dim3A_143 = vector.broadcast %get3A_142 : f32 to vector<1000x100xf32>
    %select_n3A_144 = arith.select %eq3A_138, %broadcast_in_dim3A_143, %select_n3A_135 : vector<1000x100xi1>, vector<1000x100xf32>
    %eq3A_145 = arith.constant 16 : i32
    %eq3A_146 = vector.broadcast %eq3A_145 : i32 to vector<1000x100xi32>
    %eq3A_147 = arith.cmpi eq, %get3A_1, %eq3A_146 : vector<1000x100xi32>
    %get3A_148 = arith.constant 0 : index
    %get3A_149 = arith.constant 16 : index
    %get3A_150 = vector.load %arg2[%get3A_148, %get3A_149] : memref<1x21xf32, #tpu.memory_space<vmem>>, vector<1x1xf32>
    %get3A_151 = vector.extract %get3A_150[0, 0] : f32 from vector<1x1xf32>
    %broadcast_in_dim3A_152 = vector.broadcast %get3A_151 : f32 to vector<1000x100xf32>
    %select_n3A_153 = arith.select %eq3A_147, %broadcast_in_dim3A_152, %select_n3A_144 : vector<1000x100xi1>, vector<1000x100xf32>
    %eq3A_154 = arith.constant 17 : i32
    %eq3A_155 = vector.broadcast %eq3A_154 : i32 to vector<1000x100xi32>
    %eq3A_156 = arith.cmpi eq, %get3A_1, %eq3A_155 : vector<1000x100xi32>
    %get3A_157 = arith.constant 0 : index
    %get3A_158 = arith.constant 17 : index
    %get3A_159 = vector.load %arg2[%get3A_157, %get3A_158] : memref<1x21xf32, #tpu.memory_space<vmem>>, vector<1x1xf32>
    %get3A_160 = vector.extract %get3A_159[0, 0] : f32 from vector<1x1xf32>
    %broadcast_in_dim3A_161 = vector.broadcast %get3A_160 : f32 to vector<1000x100xf32>
    %select_n3A_162 = arith.select %eq3A_156, %broadcast_in_dim3A_161, %select_n3A_153 : vector<1000x100xi1>, vector<1000x100xf32>
    %eq3A_163 = arith.constant 18 : i32
    %eq3A_164 = vector.broadcast %eq3A_163 : i32 to vector<1000x100xi32>
    %eq3A_165 = arith.cmpi eq, %get3A_1, %eq3A_164 : vector<1000x100xi32>
    %get3A_166 = arith.constant 0 : index
    %get3A_167 = arith.constant 18 : index
    %get3A_168 = vector.load %arg2[%get3A_166, %get3A_167] : memref<1x21xf32, #tpu.memory_space<vmem>>, vector<1x1xf32>
    %get3A_169 = vector.extract %get3A_168[0, 0] : f32 from vector<1x1xf32>
    %broadcast_in_dim3A_170 = vector.broadcast %get3A_169 : f32 to vector<1000x100xf32>
    %select_n3A_171 = arith.select %eq3A_165, %broadcast_in_dim3A_170, %select_n3A_162 : vector<1000x100xi1>, vector<1000x100xf32>
    %eq3A_172 = arith.constant 19 : i32
    %eq3A_173 = vector.broadcast %eq3A_172 : i32 to vector<1000x100xi32>
    %eq3A_174 = arith.cmpi eq, %get3A_1, %eq3A_173 : vector<1000x100xi32>
    %get3A_175 = arith.constant 0 : index
    %get3A_176 = arith.constant 19 : index
    %get3A_177 = vector.load %arg2[%get3A_175, %get3A_176] : memref<1x21xf32, #tpu.memory_space<vmem>>, vector<1x1xf32>
    %get3A_178 = vector.extract %get3A_177[0, 0] : f32 from vector<1x1xf32>
    %broadcast_in_dim3A_179 = vector.broadcast %get3A_178 : f32 to vector<1000x100xf32>
    %select_n3A_180 = arith.select %eq3A_174, %broadcast_in_dim3A_179, %select_n3A_171 : vector<1000x100xi1>, vector<1000x100xf32>
    %eq3A_181 = arith.constant 20 : i32
    %eq3A_182 = vector.broadcast %eq3A_181 : i32 to vector<1000x100xi32>
    %eq3A_183 = arith.cmpi eq, %get3A_1, %eq3A_182 : vector<1000x100xi32>
    %get3A_184 = arith.constant 0 : index
    %get3A_185 = arith.constant 20 : index
    %get3A_186 = vector.load %arg2[%get3A_184, %get3A_185] : memref<1x21xf32, #tpu.memory_space<vmem>>, vector<1x1xf32>
    %get3A_187 = vector.extract %get3A_186[0, 0] : f32 from vector<1x1xf32>
    %broadcast_in_dim3A_188 = vector.broadcast %get3A_187 : f32 to vector<1000x100xf32>
    %select_n3A_189 = arith.select %eq3A_183, %broadcast_in_dim3A_188, %select_n3A_180 : vector<1000x100xi1>, vector<1000x100xf32>
    %get3A_190 = arith.constant 0 : index
    %get3A_191 = arith.constant 0 : index
    %get3A_192 = vector.load %arg3[%get3A_190, %get3A_191] : memref<100x128xf32, #tpu.memory_space<vmem>>, vector<100x128xf32>
    %dot_general3A = arith.constant dense<0.000000e+00> : vector<1000x128xf32>
    %dot_general3A_193 = tpu.matmul %select_n3A_189, %get3A_192, %dot_general3A {dimension_numbers = #tpu.dot_dimension_numbers<[1], [0], [0], [1], [0, 0, 1, 1], [], []>, transpose_lhs_hint = false} : vector<1000x100xf32>, vector<100x128xf32>, vector<1000x128xf32> -> vector<1000x128xf32>
    %get3A_194 = arith.constant 0 : index
    %get3A_195 = arith.constant 0 : index
    %get3A_196 = vector.load %arg4[%get3A_194, %get3A_195] : memref<1x128xf32, #tpu.memory_space<vmem>>, vector<1x128xf32>
    %add3A = vector.broadcast %get3A_196 : vector<1x128xf32> to vector<1000x128xf32>
    %add3A_197 = arith.addf %dot_general3A_193, %add3A : vector<1000x128xf32>
    %swap3A = arith.constant 0 : index
    %swap3A_198 = arith.constant 0 : index
    %swap3A_199 = vector.load %arg5[%swap3A, %swap3A_198] : memref<1000x128xf32, #tpu.memory_space<vmem>>, vector<1000x128xf32>
    tpu.vector_store %arg5[%swap3A, %swap3A_198], %add3A_197 {strides = array<i32>} : memref<1000x128xf32, #tpu.memory_space<vmem>>, vector<1000x128xf32>,
    return
  }
  func.func @transform_0(%arg0: i32) -> (i32, i32) {
    %c0_i32 = arith.constant 0 : i32
    %c0_i32_0 = arith.constant 0 : i32
    return %arg0, %c0_i32 : i32, i32
  }
  func.func @transform_1(%arg0: i32) -> (i32, i32) {
    %c0_i32 = arith.constant 0 : i32
    %c0_i32_0 = arith.constant 0 : i32
    %c0_i32_1 = arith.constant 0 : i32
    return %c0_i32, %c0_i32_0 : i32, i32
  }
  func.func @transform_2(%arg0: i32) -> (i32, i32) {
    %c0_i32 = arith.constant 0 : i32
    %c0_i32_0 = arith.constant 0 : i32
    %c0_i32_1 = arith.constant 0 : i32
    return %c0_i32, %c0_i32_0 : i32, i32
  }
  func.func @transform_3(%arg0: i32) -> (i32, i32) {
    %c0_i32 = arith.constant 0 : i32
    %c0_i32_0 = arith.constant 0 : i32
    %c0_i32_1 = arith.constant 0 : i32
    return %c0_i32, %c0_i32_0 : i32, i32
  }
  func.func @transform_4(%arg0: i32) -> (i32, i32) {
    %c0_i32 = arith.constant 0 : i32
    %c0_i32_0 = arith.constant 0 : i32
    return %arg0, %c0_i32 : i32, i32
  }
}

module attributes {stable_mosaic.version = 14 : i64} {
  func.func @_dense_body(%arg0: i32, %arg1: memref<1024x128xf32, #tpu.memory_space<vmem>>, %arg2: memref<1024x16xf32, #tpu.memory_space<vmem>>, %arg3: memref<128x864xf32, #tpu.memory_space<vmem>>, %arg4: memref<16x864xf32, #tpu.memory_space<vmem>>, %arg5: memref<1x864xf32, #tpu.memory_space<vmem>>, %arg6: memref<288x128xf32, #tpu.memory_space<vmem>>, %arg7: memref<1x128xf32, #tpu.memory_space<vmem>>, %arg8: memref<1024x384xf32, #tpu.memory_space<vmem>>, %arg9: memref<1024x384xf32, #tpu.memory_space<vmem>>, %arg10: memref<1024x128xf32, #tpu.memory_space<vmem>>) attributes {dimension_semantics = [#tpu.dimension_semantics<arbitrary>], iteration_bounds = array<i64: 10>, scalar_prefetch = 0 : i64, scratch_operands = 0 : i64, tpu.core_type = #tpu.core_type<tc>, window_params = [{transform_indices = @transform_0, window_bounds = array<i64: 1024, 128>}, {transform_indices = @transform_1, window_bounds = array<i64: 1024, 16>}, {pipeline_mode = #tpu.pipeline_mode<synchronous>, transform_indices = @transform_2, window_bounds = array<i64: 128, 864>}, {pipeline_mode = #tpu.pipeline_mode<synchronous>, transform_indices = @transform_3, window_bounds = array<i64: 16, 864>}, {pipeline_mode = #tpu.pipeline_mode<synchronous>, transform_indices = @transform_4, window_bounds = array<i64: 1, 864>}, {pipeline_mode = #tpu.pipeline_mode<synchronous>, transform_indices = @transform_5, window_bounds = array<i64: 288, 128>}, {pipeline_mode = #tpu.pipeline_mode<synchronous>, transform_indices = @transform_6, window_bounds = array<i64: 1, 128>}, {transform_indices = @transform_7, window_bounds = array<i64: 1024, 384>}, {transform_indices = @transform_8, window_bounds = array<i64: 1024, 384>}, {transform_indices = @transform_9, window_bounds = array<i64: 1024, 128>}]} {
    %get3A = arith.constant 0 : index
    %get3A_0 = arith.constant 0 : index
    %get3A_1 = vector.load %arg1[%get3A, %get3A_0] : memref<1024x128xf32, #tpu.memory_space<vmem>>, vector<1024x128xf32>
    %get3A_2 = arith.constant 0 : index
    %get3A_3 = arith.constant 0 : index
    %get3A_4 = vector.load %arg3[%get3A_2, %get3A_3] : memref<128x864xf32, #tpu.memory_space<vmem>>, vector<128x864xf32>
    %dot_general3A = arith.constant dense<0.000000e+00> : vector<1024x864xf32>
    %dot_general3A_5 = tpu.matmul %get3A_1, %get3A_4, %dot_general3A {dimension_numbers = #tpu.dot_dimension_numbers<[1], [0], [0], [1], [0, 0, 1, 1], [], []>, transpose_lhs_hint = false} : vector<1024x128xf32>, vector<128x864xf32>, vector<1024x864xf32> -> vector<1024x864xf32>
    %get3A_6 = arith.constant 0 : index
    %get3A_7 = arith.constant 0 : index
    %get3A_8 = vector.load %arg2[%get3A_6, %get3A_7] : memref<1024x16xf32, #tpu.memory_space<vmem>>, vector<1024x16xf32>
    %get3A_9 = arith.constant 0 : index
    %get3A_10 = arith.constant 0 : index
    %get3A_11 = vector.load %arg4[%get3A_9, %get3A_10] : memref<16x864xf32, #tpu.memory_space<vmem>>, vector<16x864xf32>
    %dot_general3A_12 = arith.constant dense<0.000000e+00> : vector<1024x864xf32>
    %dot_general3A_13 = tpu.matmul %get3A_8, %get3A_11, %dot_general3A_12 {dimension_numbers = #tpu.dot_dimension_numbers<[1], [0], [0], [1], [0, 0, 1, 1], [], []>, transpose_lhs_hint = false} : vector<1024x16xf32>, vector<16x864xf32>, vector<1024x864xf32> -> vector<1024x864xf32>
    %add3A = arith.addf %dot_general3A_5, %dot_general3A_13 : vector<1024x864xf32>
    %get3A_14 = arith.constant 0 : index
    %get3A_15 = arith.constant 0 : index
    %get3A_16 = vector.load %arg5[%get3A_14, %get3A_15] : memref<1x864xf32, #tpu.memory_space<vmem>>, vector<1x864xf32>
    %add3A_17 = vector.broadcast %get3A_16 : vector<1x864xf32> to vector<1024x864xf32>
    %add3A_18 = arith.addf %add3A, %add3A_17 : vector<1024x864xf32>
    %broadcast_in_dim3A = arith.constant 0.000000e+00 : f32
    %broadcast_in_dim3A_19 = vector.broadcast %broadcast_in_dim3A : f32 to vector<1024x96xf32>
    %slice3A = vector.extract_strided_slice %add3A_18 {offsets = [0, 0], sizes = [1024, 288], strides = [1, 1]} : vector<1024x864xf32> to vector<1024x288xf32>
    %concatenate3A = tpu.concatenate %slice3A, %broadcast_in_dim3A_19 in 1 : vector<1024x288xf32>, vector<1024x96xf32> -> vector<1024x384xf32>
    %swap3A = arith.constant 0 : index
    %swap3A_20 = arith.constant 0 : index
    %swap3A_21 = vector.load %arg8[%swap3A, %swap3A_20] : memref<1024x384xf32, #tpu.memory_space<vmem>>, vector<1024x384xf32>
    tpu.vector_store %arg8[%swap3A, %swap3A_20], %concatenate3A {strides = array<i32>} : memref<1024x384xf32, #tpu.memory_space<vmem>>, vector<1024x384xf32>,
    %slice3A_22 = vector.extract_strided_slice %add3A_18 {offsets = [0, 288], sizes = [1024, 288], strides = [1, 1]} : vector<1024x864xf32> to vector<1024x288xf32>
    %concatenate3A_23 = tpu.concatenate %slice3A_22, %broadcast_in_dim3A_19 in 1 : vector<1024x288xf32>, vector<1024x96xf32> -> vector<1024x384xf32>
    %swap3A_24 = arith.constant 0 : index
    %swap3A_25 = arith.constant 0 : index
    %swap3A_26 = vector.load %arg9[%swap3A_24, %swap3A_25] : memref<1024x384xf32, #tpu.memory_space<vmem>>, vector<1024x384xf32>
    tpu.vector_store %arg9[%swap3A_24, %swap3A_25], %concatenate3A_23 {strides = array<i32>} : memref<1024x384xf32, #tpu.memory_space<vmem>>, vector<1024x384xf32>,
    %slice3A_27 = vector.extract_strided_slice %add3A_18 {offsets = [0, 576], sizes = [1024, 288], strides = [1, 1]} : vector<1024x864xf32> to vector<1024x288xf32>
    %max3A = arith.constant 0.000000e+00 : f32
    %max3A_28 = vector.broadcast %max3A : f32 to vector<1024x288xf32>
    %max3A_29 = arith.maximumf %slice3A_27, %max3A_28 : vector<1024x288xf32>
    %get3A_30 = arith.constant 0 : index
    %get3A_31 = arith.constant 0 : index
    %get3A_32 = vector.load %arg6[%get3A_30, %get3A_31] : memref<288x128xf32, #tpu.memory_space<vmem>>, vector<288x128xf32>
    %dot_general3A_33 = arith.constant dense<0.000000e+00> : vector<1024x128xf32>
    %dot_general3A_34 = tpu.matmul %max3A_29, %get3A_32, %dot_general3A_33 {dimension_numbers = #tpu.dot_dimension_numbers<[1], [0], [0], [1], [0, 0, 1, 1], [], []>, transpose_lhs_hint = false} : vector<1024x288xf32>, vector<288x128xf32>, vector<1024x128xf32> -> vector<1024x128xf32>
    %get3A_35 = arith.constant 0 : index
    %get3A_36 = arith.constant 0 : index
    %get3A_37 = vector.load %arg7[%get3A_35, %get3A_36] : memref<1x128xf32, #tpu.memory_space<vmem>>, vector<1x128xf32>
    %add3A_38 = vector.broadcast %get3A_37 : vector<1x128xf32> to vector<1024x128xf32>
    %add3A_39 = arith.addf %dot_general3A_34, %add3A_38 : vector<1024x128xf32>
    %mul3A = arith.constant 1024 : i32
    %mul3A_40 = arith.muli %arg0, %mul3A : i32
    %iota3A = tpu.iota {dimensions = array<i32: 0>} : vector<1024x1xi32>
    %add3A_41 = vector.broadcast %mul3A_40 : i32 to vector<1024x1xi32>
    %add3A_42 = arith.addi %add3A_41, %iota3A : vector<1024x1xi32>
    %lt3A = arith.constant 10000 : i32
    %lt3A_43 = vector.broadcast %lt3A : i32 to vector<1024x1xi32>
    %lt3A_44 = arith.cmpi slt, %add3A_42, %lt3A_43 : vector<1024x1xi32>
    %jit3A = arith.constant 0.000000e+00 : f32
    %broadcast_in_dim3A_45 = vector.shape_cast %lt3A_44 : vector<1024x1xi1> to vector<1024x1xi1>
    %broadcast_in_dim3A_46 = vector.broadcast %broadcast_in_dim3A_45 : vector<1024x1xi1> to vector<1024x128xi1>
    %broadcast_in_dim3A_47 = vector.broadcast %jit3A : f32 to vector<1024x128xf32>
    %select_n3A = arith.select %broadcast_in_dim3A_46, %add3A_39, %broadcast_in_dim3A_47 : vector<1024x128xi1>, vector<1024x128xf32>
    %swap3A_48 = arith.constant 0 : index
    %swap3A_49 = arith.constant 0 : index
    %swap3A_50 = vector.load %arg10[%swap3A_48, %swap3A_49] : memref<1024x128xf32, #tpu.memory_space<vmem>>, vector<1024x128xf32>
    tpu.vector_store %arg10[%swap3A_48, %swap3A_49], %select_n3A {strides = array<i32>} : memref<1024x128xf32, #tpu.memory_space<vmem>>, vector<1024x128xf32>,
    return
  }
  func.func @transform_0(%arg0: i32) -> (i32, i32) {
    %c0_i32 = arith.constant 0 : i32
    %c0_i32_0 = arith.constant 0 : i32
    return %arg0, %c0_i32 : i32, i32
  }
  func.func @transform_1(%arg0: i32) -> (i32, i32) {
    %c0_i32 = arith.constant 0 : i32
    %c0_i32_0 = arith.constant 0 : i32
    return %arg0, %c0_i32 : i32, i32
  }
  func.func @transform_2(%arg0: i32) -> (i32, i32) {
    %c0_i32 = arith.constant 0 : i32
    %c0_i32_0 = arith.constant 0 : i32
    %c0_i32_1 = arith.constant 0 : i32
    return %c0_i32, %c0_i32_0 : i32, i32
  }
  func.func @transform_3(%arg0: i32) -> (i32, i32) {
    %c0_i32 = arith.constant 0 : i32
    %c0_i32_0 = arith.constant 0 : i32
    %c0_i32_1 = arith.constant 0 : i32
    return %c0_i32, %c0_i32_0 : i32, i32
  }
  func.func @transform_4(%arg0: i32) -> (i32, i32) {
    %c0_i32 = arith.constant 0 : i32
    %c0_i32_0 = arith.constant 0 : i32
    %c0_i32_1 = arith.constant 0 : i32
    return %c0_i32, %c0_i32_0 : i32, i32
  }
  func.func @transform_5(%arg0: i32) -> (i32, i32) {
    %c0_i32 = arith.constant 0 : i32
    %c0_i32_0 = arith.constant 0 : i32
    %c0_i32_1 = arith.constant 0 : i32
    return %c0_i32, %c0_i32_0 : i32, i32
  }
  func.func @transform_6(%arg0: i32) -> (i32, i32) {
    %c0_i32 = arith.constant 0 : i32
    %c0_i32_0 = arith.constant 0 : i32
    %c0_i32_1 = arith.constant 0 : i32
    return %c0_i32, %c0_i32_0 : i32, i32
  }
  func.func @transform_7(%arg0: i32) -> (i32, i32) {
    %c0_i32 = arith.constant 0 : i32
    %c0_i32_0 = arith.constant 0 : i32
    return %arg0, %c0_i32 : i32, i32
  }
  func.func @transform_8(%arg0: i32) -> (i32, i32) {
    %c0_i32 = arith.constant 0 : i32
    %c0_i32_0 = arith.constant 0 : i32
    return %arg0, %c0_i32 : i32, i32
  }
  func.func @transform_9(%arg0: i32) -> (i32, i32) {
    %c0_i32 = arith.constant 0 : i32
    %c0_i32_0 = arith.constant 0 : i32
    return %arg0, %c0_i32 : i32, i32
  }
}

module attributes {stable_mosaic.version = 14 : i64} {
  func.func @_dense_agg_body(%arg0: i32, %arg1: memref<1024x128xf32, #tpu.memory_space<vmem>>, %arg2: memref<2x1024x128xf32, #tpu.memory_space<vmem>>, %arg3: memref<1024x16xf32, #tpu.memory_space<vmem>>, %arg4: memref<128x864xf32, #tpu.memory_space<vmem>>, %arg5: memref<16x864xf32, #tpu.memory_space<vmem>>, %arg6: memref<1x864xf32, #tpu.memory_space<vmem>>, %arg7: memref<288x128xf32, #tpu.memory_space<vmem>>, %arg8: memref<1x128xf32, #tpu.memory_space<vmem>>, %arg9: memref<1024x384xf32, #tpu.memory_space<vmem>>, %arg10: memref<1024x384xf32, #tpu.memory_space<vmem>>, %arg11: memref<1024x128xf32, #tpu.memory_space<vmem>>, %arg12: memref<1024x128xf32, #tpu.memory_space<vmem>>) attributes {dimension_semantics = [#tpu.dimension_semantics<arbitrary>], iteration_bounds = array<i64: 10>, scalar_prefetch = 0 : i64, scratch_operands = 0 : i64, tpu.core_type = #tpu.core_type<tc>, window_params = [{transform_indices = @transform_0, window_bounds = array<i64: 1024, 128>}, {transform_indices = @transform_1, window_bounds = array<i64: 2, 1024, 128>}, {transform_indices = @transform_2, window_bounds = array<i64: 1024, 16>}, {pipeline_mode = #tpu.pipeline_mode<synchronous>, transform_indices = @transform_3, window_bounds = array<i64: 128, 864>}, {pipeline_mode = #tpu.pipeline_mode<synchronous>, transform_indices = @transform_4, window_bounds = array<i64: 16, 864>}, {pipeline_mode = #tpu.pipeline_mode<synchronous>, transform_indices = @transform_5, window_bounds = array<i64: 1, 864>}, {pipeline_mode = #tpu.pipeline_mode<synchronous>, transform_indices = @transform_6, window_bounds = array<i64: 288, 128>}, {pipeline_mode = #tpu.pipeline_mode<synchronous>, transform_indices = @transform_7, window_bounds = array<i64: 1, 128>}, {transform_indices = @transform_8, window_bounds = array<i64: 1024, 384>}, {transform_indices = @transform_9, window_bounds = array<i64: 1024, 384>}, {transform_indices = @transform_10, window_bounds = array<i64: 1024, 128>}, {transform_indices = @transform_11, window_bounds = array<i64: 1024, 128>}]} {
    %get3A = arith.constant 0 : index
    %get3A_0 = arith.constant 0 : index
    %get3A_1 = vector.load %arg1[%get3A, %get3A_0] : memref<1024x128xf32, #tpu.memory_space<vmem>>, vector<1024x128xf32>
    %get3A_2 = arith.constant 0 : index
    %get3A_3 = arith.constant 0 : index
    %get3A_4 = arith.constant 0 : index
    %get3A_5 = vector.load %arg2[%get3A_2, %get3A_3, %get3A_4] : memref<2x1024x128xf32, #tpu.memory_space<vmem>>, vector<1x1024x128xf32>
    %get3A_6 = vector.shape_cast %get3A_5 : vector<1x1024x128xf32> to vector<1024x128xf32>
    %add3A = arith.addf %get3A_1, %get3A_6 : vector<1024x128xf32>
    %get3A_7 = arith.constant 1 : index
    %get3A_8 = arith.constant 0 : index
    %get3A_9 = arith.constant 0 : index
    %get3A_10 = vector.load %arg2[%get3A_7, %get3A_8, %get3A_9] : memref<2x1024x128xf32, #tpu.memory_space<vmem>>, vector<1x1024x128xf32>
    %get3A_11 = vector.shape_cast %get3A_10 : vector<1x1024x128xf32> to vector<1024x128xf32>
    %add3A_12 = arith.addf %add3A, %get3A_11 : vector<1024x128xf32>
    %max3A = arith.constant 0.000000e+00 : f32
    %max3A_13 = vector.broadcast %max3A : f32 to vector<1024x128xf32>
    %max3A_14 = arith.maximumf %add3A_12, %max3A_13 : vector<1024x128xf32>
    %swap3A = arith.constant 0 : index
    %swap3A_15 = arith.constant 0 : index
    %swap3A_16 = vector.load %arg12[%swap3A, %swap3A_15] : memref<1024x128xf32, #tpu.memory_space<vmem>>, vector<1024x128xf32>
    tpu.vector_store %arg12[%swap3A, %swap3A_15], %max3A_14 {strides = array<i32>} : memref<1024x128xf32, #tpu.memory_space<vmem>>, vector<1024x128xf32>,
    %get3A_17 = arith.constant 0 : index
    %get3A_18 = arith.constant 0 : index
    %get3A_19 = vector.load %arg4[%get3A_17, %get3A_18] : memref<128x864xf32, #tpu.memory_space<vmem>>, vector<128x864xf32>
    %dot_general3A = arith.constant dense<0.000000e+00> : vector<1024x864xf32>
    %dot_general3A_20 = tpu.matmul %max3A_14, %get3A_19, %dot_general3A {dimension_numbers = #tpu.dot_dimension_numbers<[1], [0], [0], [1], [0, 0, 1, 1], [], []>, transpose_lhs_hint = false} : vector<1024x128xf32>, vector<128x864xf32>, vector<1024x864xf32> -> vector<1024x864xf32>
    %get3A_21 = arith.constant 0 : index
    %get3A_22 = arith.constant 0 : index
    %get3A_23 = vector.load %arg3[%get3A_21, %get3A_22] : memref<1024x16xf32, #tpu.memory_space<vmem>>, vector<1024x16xf32>
    %get3A_24 = arith.constant 0 : index
    %get3A_25 = arith.constant 0 : index
    %get3A_26 = vector.load %arg5[%get3A_24, %get3A_25] : memref<16x864xf32, #tpu.memory_space<vmem>>, vector<16x864xf32>
    %dot_general3A_27 = arith.constant dense<0.000000e+00> : vector<1024x864xf32>
    %dot_general3A_28 = tpu.matmul %get3A_23, %get3A_26, %dot_general3A_27 {dimension_numbers = #tpu.dot_dimension_numbers<[1], [0], [0], [1], [0, 0, 1, 1], [], []>, transpose_lhs_hint = false} : vector<1024x16xf32>, vector<16x864xf32>, vector<1024x864xf32> -> vector<1024x864xf32>
    %add3A_29 = arith.addf %dot_general3A_20, %dot_general3A_28 : vector<1024x864xf32>
    %get3A_30 = arith.constant 0 : index
    %get3A_31 = arith.constant 0 : index
    %get3A_32 = vector.load %arg6[%get3A_30, %get3A_31] : memref<1x864xf32, #tpu.memory_space<vmem>>, vector<1x864xf32>
    %add3A_33 = vector.broadcast %get3A_32 : vector<1x864xf32> to vector<1024x864xf32>
    %add3A_34 = arith.addf %add3A_29, %add3A_33 : vector<1024x864xf32>
    %broadcast_in_dim3A = arith.constant 0.000000e+00 : f32
    %broadcast_in_dim3A_35 = vector.broadcast %broadcast_in_dim3A : f32 to vector<1024x96xf32>
    %slice3A = vector.extract_strided_slice %add3A_34 {offsets = [0, 0], sizes = [1024, 288], strides = [1, 1]} : vector<1024x864xf32> to vector<1024x288xf32>
    %concatenate3A = tpu.concatenate %slice3A, %broadcast_in_dim3A_35 in 1 : vector<1024x288xf32>, vector<1024x96xf32> -> vector<1024x384xf32>
    %swap3A_36 = arith.constant 0 : index
    %swap3A_37 = arith.constant 0 : index
    %swap3A_38 = vector.load %arg9[%swap3A_36, %swap3A_37] : memref<1024x384xf32, #tpu.memory_space<vmem>>, vector<1024x384xf32>
    tpu.vector_store %arg9[%swap3A_36, %swap3A_37], %concatenate3A {strides = array<i32>} : memref<1024x384xf32, #tpu.memory_space<vmem>>, vector<1024x384xf32>,
    %slice3A_39 = vector.extract_strided_slice %add3A_34 {offsets = [0, 288], sizes = [1024, 288], strides = [1, 1]} : vector<1024x864xf32> to vector<1024x288xf32>
    %concatenate3A_40 = tpu.concatenate %slice3A_39, %broadcast_in_dim3A_35 in 1 : vector<1024x288xf32>, vector<1024x96xf32> -> vector<1024x384xf32>
    %swap3A_41 = arith.constant 0 : index
    %swap3A_42 = arith.constant 0 : index
    %swap3A_43 = vector.load %arg10[%swap3A_41, %swap3A_42] : memref<1024x384xf32, #tpu.memory_space<vmem>>, vector<1024x384xf32>
    tpu.vector_store %arg10[%swap3A_41, %swap3A_42], %concatenate3A_40 {strides = array<i32>} : memref<1024x384xf32, #tpu.memory_space<vmem>>, vector<1024x384xf32>,
    %slice3A_44 = vector.extract_strided_slice %add3A_34 {offsets = [0, 576], sizes = [1024, 288], strides = [1, 1]} : vector<1024x864xf32> to vector<1024x288xf32>
    %max3A_45 = arith.constant 0.000000e+00 : f32
    %max3A_46 = vector.broadcast %max3A_45 : f32 to vector<1024x288xf32>
    %max3A_47 = arith.maximumf %slice3A_44, %max3A_46 : vector<1024x288xf32>
    %get3A_48 = arith.constant 0 : index
    %get3A_49 = arith.constant 0 : index
    %get3A_50 = vector.load %arg7[%get3A_48, %get3A_49] : memref<288x128xf32, #tpu.memory_space<vmem>>, vector<288x128xf32>
    %dot_general3A_51 = arith.constant dense<0.000000e+00> : vector<1024x128xf32>
    %dot_general3A_52 = tpu.matmul %max3A_47, %get3A_50, %dot_general3A_51 {dimension_numbers = #tpu.dot_dimension_numbers<[1], [0], [0], [1], [0, 0, 1, 1], [], []>, transpose_lhs_hint = false} : vector<1024x288xf32>, vector<288x128xf32>, vector<1024x128xf32> -> vector<1024x128xf32>
    %get3A_53 = arith.constant 0 : index
    %get3A_54 = arith.constant 0 : index
    %get3A_55 = vector.load %arg8[%get3A_53, %get3A_54] : memref<1x128xf32, #tpu.memory_space<vmem>>, vector<1x128xf32>
    %add3A_56 = vector.broadcast %get3A_55 : vector<1x128xf32> to vector<1024x128xf32>
    %add3A_57 = arith.addf %dot_general3A_52, %add3A_56 : vector<1024x128xf32>
    %mul3A = arith.constant 1024 : i32
    %mul3A_58 = arith.muli %arg0, %mul3A : i32
    %iota3A = tpu.iota {dimensions = array<i32: 0>} : vector<1024x1xi32>
    %add3A_59 = vector.broadcast %mul3A_58 : i32 to vector<1024x1xi32>
    %add3A_60 = arith.addi %add3A_59, %iota3A : vector<1024x1xi32>
    %lt3A = arith.constant 10000 : i32
    %lt3A_61 = vector.broadcast %lt3A : i32 to vector<1024x1xi32>
    %lt3A_62 = arith.cmpi slt, %add3A_60, %lt3A_61 : vector<1024x1xi32>
    %jit3A = arith.constant 0.000000e+00 : f32
    %broadcast_in_dim3A_63 = vector.shape_cast %lt3A_62 : vector<1024x1xi1> to vector<1024x1xi1>
    %broadcast_in_dim3A_64 = vector.broadcast %broadcast_in_dim3A_63 : vector<1024x1xi1> to vector<1024x128xi1>
    %broadcast_in_dim3A_65 = vector.broadcast %jit3A : f32 to vector<1024x128xf32>
    %select_n3A = arith.select %broadcast_in_dim3A_64, %add3A_57, %broadcast_in_dim3A_65 : vector<1024x128xi1>, vector<1024x128xf32>
    %swap3A_66 = arith.constant 0 : index
    %swap3A_67 = arith.constant 0 : index
    %swap3A_68 = vector.load %arg11[%swap3A_66, %swap3A_67] : memref<1024x128xf32, #tpu.memory_space<vmem>>, vector<1024x128xf32>
    tpu.vector_store %arg11[%swap3A_66, %swap3A_67], %select_n3A {strides = array<i32>} : memref<1024x128xf32, #tpu.memory_space<vmem>>, vector<1024x128xf32>,
    return
  }
  func.func @transform_0(%arg0: i32) -> (i32, i32) {
    %c0_i32 = arith.constant 0 : i32
    %c0_i32_0 = arith.constant 0 : i32
    return %arg0, %c0_i32 : i32, i32
  }
  func.func @transform_1(%arg0: i32) -> (i32, i32, i32) {
    %c0_i32 = arith.constant 0 : i32
    %c0_i32_0 = arith.constant 0 : i32
    %c0_i32_1 = arith.constant 0 : i32
    return %c0_i32, %arg0, %c0_i32_0 : i32, i32, i32
  }
  func.func @transform_2(%arg0: i32) -> (i32, i32) {
    %c0_i32 = arith.constant 0 : i32
    %c0_i32_0 = arith.constant 0 : i32
    return %arg0, %c0_i32 : i32, i32
  }
  func.func @transform_3(%arg0: i32) -> (i32, i32) {
    %c0_i32 = arith.constant 0 : i32
    %c0_i32_0 = arith.constant 0 : i32
    %c0_i32_1 = arith.constant 0 : i32
    return %c0_i32, %c0_i32_0 : i32, i32
  }
  func.func @transform_4(%arg0: i32) -> (i32, i32) {
    %c0_i32 = arith.constant 0 : i32
    %c0_i32_0 = arith.constant 0 : i32
    %c0_i32_1 = arith.constant 0 : i32
    return %c0_i32, %c0_i32_0 : i32, i32
  }
  func.func @transform_5(%arg0: i32) -> (i32, i32) {
    %c0_i32 = arith.constant 0 : i32
    %c0_i32_0 = arith.constant 0 : i32
    %c0_i32_1 = arith.constant 0 : i32
    return %c0_i32, %c0_i32_0 : i32, i32
  }
  func.func @transform_6(%arg0: i32) -> (i32, i32) {
    %c0_i32 = arith.constant 0 : i32
    %c0_i32_0 = arith.constant 0 : i32
    %c0_i32_1 = arith.constant 0 : i32
    return %c0_i32, %c0_i32_0 : i32, i32
  }
  func.func @transform_7(%arg0: i32) -> (i32, i32) {
    %c0_i32 = arith.constant 0 : i32
    %c0_i32_0 = arith.constant 0 : i32
    %c0_i32_1 = arith.constant 0 : i32
    return %c0_i32, %c0_i32_0 : i32, i32
  }
  func.func @transform_8(%arg0: i32) -> (i32, i32) {
    %c0_i32 = arith.constant 0 : i32
    %c0_i32_0 = arith.constant 0 : i32
    return %arg0, %c0_i32 : i32, i32
  }
  func.func @transform_9(%arg0: i32) -> (i32, i32) {
    %c0_i32 = arith.constant 0 : i32
    %c0_i32_0 = arith.constant 0 : i32
    return %arg0, %c0_i32 : i32, i32
  }
  func.func @transform_10(%arg0: i32) -> (i32, i32) {
    %c0_i32 = arith.constant 0 : i32
    %c0_i32_0 = arith.constant 0 : i32
    return %arg0, %c0_i32 : i32, i32
  }
  func.func @transform_11(%arg0: i32) -> (i32, i32) {
    %c0_i32 = arith.constant 0 : i32
    %c0_i32_0 = arith.constant 0 : i32
    return %arg0, %c0_i32 : i32, i32
  }
}

module attributes {stable_mosaic.version = 14 : i64} {
  func.func @_final_body(%arg0: i32, %arg1: memref<1000x2x128xf32, #tpu.memory_space<vmem>>, %arg2: memref<2x1000x2x128xf32, #tpu.memory_space<vmem>>, %arg3: memref<128x256xf32, #tpu.memory_space<vmem>>, %arg4: memref<1x256xf32, #tpu.memory_space<vmem>>, %arg5: memref<256x101xf32, #tpu.memory_space<vmem>>, %arg6: memref<1x101xf32, #tpu.memory_space<vmem>>, %arg7: memref<128x256xf32, #tpu.memory_space<vmem>>, %arg8: memref<1x256xf32, #tpu.memory_space<vmem>>, %arg9: memref<256x2100xf32, #tpu.memory_space<vmem>>, %arg10: memref<1x2100xf32, #tpu.memory_space<vmem>>, %arg11: memref<1000x101xf32, #tpu.memory_space<vmem>>, %arg12: memref<1000x2100xf32, #tpu.memory_space<vmem>>) attributes {dimension_semantics = [#tpu.dimension_semantics<arbitrary>], iteration_bounds = array<i64: 5>, scalar_prefetch = 0 : i64, scratch_operands = 0 : i64, tpu.core_type = #tpu.core_type<tc>, window_params = [{transform_indices = @transform_0, window_bounds = array<i64: 1000, 2, 128>}, {transform_indices = @transform_1, window_bounds = array<i64: 2, 1000, 2, 128>}, {pipeline_mode = #tpu.pipeline_mode<synchronous>, transform_indices = @transform_2, window_bounds = array<i64: 128, 256>}, {pipeline_mode = #tpu.pipeline_mode<synchronous>, transform_indices = @transform_3, window_bounds = array<i64: 1, 256>}, {pipeline_mode = #tpu.pipeline_mode<synchronous>, transform_indices = @transform_4, window_bounds = array<i64: 256, 101>}, {pipeline_mode = #tpu.pipeline_mode<synchronous>, transform_indices = @transform_5, window_bounds = array<i64: 1, 101>}, {pipeline_mode = #tpu.pipeline_mode<synchronous>, transform_indices = @transform_6, window_bounds = array<i64: 128, 256>}, {pipeline_mode = #tpu.pipeline_mode<synchronous>, transform_indices = @transform_7, window_bounds = array<i64: 1, 256>}, {pipeline_mode = #tpu.pipeline_mode<synchronous>, transform_indices = @transform_8, window_bounds = array<i64: 256, 2100>}, {pipeline_mode = #tpu.pipeline_mode<synchronous>, transform_indices = @transform_9, window_bounds = array<i64: 1, 2100>}, {transform_indices = @transform_10, window_bounds = array<i64: 1000, 101>}, {transform_indices = @transform_11, window_bounds = array<i64: 1000, 2100>}]} {
    %get3A = arith.constant 0 : index
    %get3A_0 = arith.constant 0 : index
    %get3A_1 = arith.constant 0 : index
    %get3A_2 = vector.load %arg1[%get3A, %get3A_0, %get3A_1] : memref<1000x2x128xf32, #tpu.memory_space<vmem>>, vector<1000x2x128xf32>
    %get3A_3 = arith.constant 0 : index
    %get3A_4 = arith.constant 0 : index
    %get3A_5 = arith.constant 0 : index
    %get3A_6 = arith.constant 0 : index
    %get3A_7 = vector.load %arg2[%get3A_3, %get3A_4, %get3A_5, %get3A_6] : memref<2x1000x2x128xf32, #tpu.memory_space<vmem>>, vector<1x1000x2x128xf32>
    %get3A_8 = vector.shape_cast %get3A_7 : vector<1x1000x2x128xf32> to vector<1000x2x128xf32>
    %add3A = arith.addf %get3A_2, %get3A_8 : vector<1000x2x128xf32>
    %get3A_9 = arith.constant 1 : index
    %get3A_10 = arith.constant 0 : index
    %get3A_11 = arith.constant 0 : index
    %get3A_12 = arith.constant 0 : index
    %get3A_13 = vector.load %arg2[%get3A_9, %get3A_10, %get3A_11, %get3A_12] : memref<2x1000x2x128xf32, #tpu.memory_space<vmem>>, vector<1x1000x2x128xf32>
    %get3A_14 = vector.shape_cast %get3A_13 : vector<1x1000x2x128xf32> to vector<1000x2x128xf32>
    %add3A_15 = arith.addf %add3A, %get3A_14 : vector<1000x2x128xf32>
    %max3A = arith.constant 0.000000e+00 : f32
    %max3A_16 = vector.broadcast %max3A : f32 to vector<1000x2x128xf32>
    %max3A_17 = arith.maximumf %add3A_15, %max3A_16 : vector<1000x2x128xf32>
    %slice3A = vector.extract_strided_slice %max3A_17 {offsets = [0, 0, 0], sizes = [1000, 1, 128], strides = [1, 1, 1]} : vector<1000x2x128xf32> to vector<1000x1x128xf32>
    %squeeze3A = vector.shape_cast %slice3A : vector<1000x1x128xf32> to vector<1000x128xf32>
    %slice3A_18 = vector.extract_strided_slice %max3A_17 {offsets = [0, 1, 0], sizes = [1000, 1, 128], strides = [1, 1, 1]} : vector<1000x2x128xf32> to vector<1000x1x128xf32>
    %squeeze3A_19 = vector.shape_cast %slice3A_18 : vector<1000x1x128xf32> to vector<1000x128xf32>
    %get3A_20 = arith.constant 0 : index
    %get3A_21 = arith.constant 0 : index
    %get3A_22 = vector.load %arg3[%get3A_20, %get3A_21] : memref<128x256xf32, #tpu.memory_space<vmem>>, vector<128x256xf32>
    %dot_general3A = arith.constant dense<0.000000e+00> : vector<1000x256xf32>
    %dot_general3A_23 = tpu.matmul %squeeze3A, %get3A_22, %dot_general3A {dimension_numbers = #tpu.dot_dimension_numbers<[1], [0], [0], [1], [0, 0, 1, 1], [], []>, transpose_lhs_hint = false} : vector<1000x128xf32>, vector<128x256xf32>, vector<1000x256xf32> -> vector<1000x256xf32>
    %get3A_24 = arith.constant 0 : index
    %get3A_25 = arith.constant 0 : index
    %get3A_26 = vector.load %arg4[%get3A_24, %get3A_25] : memref<1x256xf32, #tpu.memory_space<vmem>>, vector<1x256xf32>
    %add3A_27 = vector.broadcast %get3A_26 : vector<1x256xf32> to vector<1000x256xf32>
    %add3A_28 = arith.addf %dot_general3A_23, %add3A_27 : vector<1000x256xf32>
    %max3A_29 = arith.constant 0.000000e+00 : f32
    %max3A_30 = vector.broadcast %max3A_29 : f32 to vector<1000x256xf32>
    %max3A_31 = arith.maximumf %add3A_28, %max3A_30 : vector<1000x256xf32>
    %get3A_32 = arith.constant 0 : index
    %get3A_33 = arith.constant 0 : index
    %get3A_34 = vector.load %arg5[%get3A_32, %get3A_33] : memref<256x101xf32, #tpu.memory_space<vmem>>, vector<256x101xf32>
    %dot_general3A_35 = arith.constant dense<0.000000e+00> : vector<1000x101xf32>
    %dot_general3A_36 = tpu.matmul %max3A_31, %get3A_34, %dot_general3A_35 {dimension_numbers = #tpu.dot_dimension_numbers<[1], [0], [0], [1], [0, 0, 1, 1], [], []>, transpose_lhs_hint = false} : vector<1000x256xf32>, vector<256x101xf32>, vector<1000x101xf32> -> vector<1000x101xf32>
    %get3A_37 = arith.constant 0 : index
    %get3A_38 = arith.constant 0 : index
    %get3A_39 = vector.load %arg6[%get3A_37, %get3A_38] : memref<1x101xf32, #tpu.memory_space<vmem>>, vector<1x101xf32>
    %add3A_40 = vector.broadcast %get3A_39 : vector<1x101xf32> to vector<1000x101xf32>
    %add3A_41 = arith.addf %dot_general3A_36, %add3A_40 : vector<1000x101xf32>
    %swap3A = arith.constant 0 : index
    %swap3A_42 = arith.constant 0 : index
    %swap3A_43 = vector.load %arg11[%swap3A, %swap3A_42] : memref<1000x101xf32, #tpu.memory_space<vmem>>, vector<1000x101xf32>
    tpu.vector_store %arg11[%swap3A, %swap3A_42], %add3A_41 {strides = array<i32>} : memref<1000x101xf32, #tpu.memory_space<vmem>>, vector<1000x101xf32>,
    %get3A_44 = arith.constant 0 : index
    %get3A_45 = arith.constant 0 : index
    %get3A_46 = vector.load %arg7[%get3A_44, %get3A_45] : memref<128x256xf32, #tpu.memory_space<vmem>>, vector<128x256xf32>
    %dot_general3A_47 = arith.constant dense<0.000000e+00> : vector<1000x256xf32>
    %dot_general3A_48 = tpu.matmul %squeeze3A_19, %get3A_46, %dot_general3A_47 {dimension_numbers = #tpu.dot_dimension_numbers<[1], [0], [0], [1], [0, 0, 1, 1], [], []>, transpose_lhs_hint = false} : vector<1000x128xf32>, vector<128x256xf32>, vector<1000x256xf32> -> vector<1000x256xf32>
    %get3A_49 = arith.constant 0 : index
    %get3A_50 = arith.constant 0 : index
    %get3A_51 = vector.load %arg8[%get3A_49, %get3A_50] : memref<1x256xf32, #tpu.memory_space<vmem>>, vector<1x256xf32>
    %add3A_52 = vector.broadcast %get3A_51 : vector<1x256xf32> to vector<1000x256xf32>
    %add3A_53 = arith.addf %dot_general3A_48, %add3A_52 : vector<1000x256xf32>
    %max3A_54 = arith.constant 0.000000e+00 : f32
    %max3A_55 = vector.broadcast %max3A_54 : f32 to vector<1000x256xf32>
    %max3A_56 = arith.maximumf %add3A_53, %max3A_55 : vector<1000x256xf32>
    %get3A_57 = arith.constant 0 : index
    %get3A_58 = arith.constant 0 : index
    %get3A_59 = vector.load %arg9[%get3A_57, %get3A_58] : memref<256x2100xf32, #tpu.memory_space<vmem>>, vector<256x2100xf32>
    %dot_general3A_60 = arith.constant dense<0.000000e+00> : vector<1000x2100xf32>
    %dot_general3A_61 = tpu.matmul %max3A_56, %get3A_59, %dot_general3A_60 {dimension_numbers = #tpu.dot_dimension_numbers<[1], [0], [0], [1], [0, 0, 1, 1], [], []>, transpose_lhs_hint = false} : vector<1000x256xf32>, vector<256x2100xf32>, vector<1000x2100xf32> -> vector<1000x2100xf32>
    %get3A_62 = arith.constant 0 : index
    %get3A_63 = arith.constant 0 : index
    %get3A_64 = vector.load %arg10[%get3A_62, %get3A_63] : memref<1x2100xf32, #tpu.memory_space<vmem>>, vector<1x2100xf32>
    %add3A_65 = vector.broadcast %get3A_64 : vector<1x2100xf32> to vector<1000x2100xf32>
    %add3A_66 = arith.addf %dot_general3A_61, %add3A_65 : vector<1000x2100xf32>
    %swap3A_67 = arith.constant 0 : index
    %swap3A_68 = arith.constant 0 : index
    %swap3A_69 = vector.load %arg12[%swap3A_67, %swap3A_68] : memref<1000x2100xf32, #tpu.memory_space<vmem>>, vector<1000x2100xf32>
    tpu.vector_store %arg12[%swap3A_67, %swap3A_68], %add3A_66 {strides = array<i32>} : memref<1000x2100xf32, #tpu.memory_space<vmem>>, vector<1000x2100xf32>,
    return
  }
  func.func @transform_0(%arg0: i32) -> (i32, i32, i32) {
    %c0_i32 = arith.constant 0 : i32
    %c0_i32_0 = arith.constant 0 : i32
    %c0_i32_1 = arith.constant 0 : i32
    return %arg0, %c0_i32, %c0_i32_0 : i32, i32, i32
  }
  func.func @transform_1(%arg0: i32) -> (i32, i32, i32, i32) {
    %c0_i32 = arith.constant 0 : i32
    %c0_i32_0 = arith.constant 0 : i32
    %c0_i32_1 = arith.constant 0 : i32
    %c0_i32_2 = arith.constant 0 : i32
    return %c0_i32, %arg0, %c0_i32_0, %c0_i32_1 : i32, i32, i32, i32
  }
  func.func @transform_2(%arg0: i32) -> (i32, i32) {
    %c0_i32 = arith.constant 0 : i32
    %c0_i32_0 = arith.constant 0 : i32
    %c0_i32_1 = arith.constant 0 : i32
    return %c0_i32, %c0_i32_0 : i32, i32
  }
  func.func @transform_3(%arg0: i32) -> (i32, i32) {
    %c0_i32 = arith.constant 0 : i32
    %c0_i32_0 = arith.constant 0 : i32
    %c0_i32_1 = arith.constant 0 : i32
    return %c0_i32, %c0_i32_0 : i32, i32
  }
  func.func @transform_4(%arg0: i32) -> (i32, i32) {
    %c0_i32 = arith.constant 0 : i32
    %c0_i32_0 = arith.constant 0 : i32
    %c0_i32_1 = arith.constant 0 : i32
    return %c0_i32, %c0_i32_0 : i32, i32
  }
  func.func @transform_5(%arg0: i32) -> (i32, i32) {
    %c0_i32 = arith.constant 0 : i32
    %c0_i32_0 = arith.constant 0 : i32
    %c0_i32_1 = arith.constant 0 : i32
    return %c0_i32, %c0_i32_0 : i32, i32
  }
  func.func @transform_6(%arg0: i32) -> (i32, i32) {
    %c0_i32 = arith.constant 0 : i32
    %c0_i32_0 = arith.constant 0 : i32
    %c0_i32_1 = arith.constant 0 : i32
    return %c0_i32, %c0_i32_0 : i32, i32
  }
  func.func @transform_7(%arg0: i32) -> (i32, i32) {
    %c0_i32 = arith.constant 0 : i32
    %c0_i32_0 = arith.constant 0 : i32
    %c0_i32_1 = arith.constant 0 : i32
    return %c0_i32, %c0_i32_0 : i32, i32
  }
  func.func @transform_8(%arg0: i32) -> (i32, i32) {
    %c0_i32 = arith.constant 0 : i32
    %c0_i32_0 = arith.constant 0 : i32
    %c0_i32_1 = arith.constant 0 : i32
    return %c0_i32, %c0_i32_0 : i32, i32
  }
  func.func @transform_9(%arg0: i32) -> (i32, i32) {
    %c0_i32 = arith.constant 0 : i32
    %c0_i32_0 = arith.constant 0 : i32
    %c0_i32_1 = arith.constant 0 : i32
    return %c0_i32, %c0_i32_0 : i32, i32
  }
  func.func @transform_10(%arg0: i32) -> (i32, i32) {
    %c0_i32 = arith.constant 0 : i32
    %c0_i32_0 = arith.constant 0 : i32
    return %arg0, %c0_i32 : i32, i32
  }
  func.func @transform_11(%arg0: i32) -> (i32, i32) {
    %c0_i32 = arith.constant 0 : i32
    %c0_i32_0 = arith.constant 0 : i32
    return %arg0, %c0_i32 : i32, i32
  }
}

</mosaic_0001>

<sc_bundles>
// kernel: kernel.12.cloned.1.call-start
scs
__scs_entry_jumppad:
0x0: {  	(pc) =	sbr.rel $0x88, $3  }
0x1: {  	(tag) =	ssettag $0x0;
	lr =	simm.s32 $0x1  }
0x2: {  	[smem:$0x3F7A] =	sst lr;
	_ =	strace $0xD0000000  }
0x3: {  	_ = 	snop  }
0x4: {  	_ = 	snop  }
0x5: {  	_ = 	snop  }
0x6: {  	_ = 	snop  }
0x7: {  	_ = 	snop  }
__scs_overlays_trampoline_lowered:
0x8: {  	[smem:$0x3F89] =	sst s0  }
0x9: {  	[smem:$0x3F8A] =	sst s1  }
0xa: {  	[smem:$0x3F8B] =	sst s2  }
0xb: {  	[smem:$0x3F8C] =	sst s3  }
0xc: {  	[smem:$0x3F8D] =	sst s4  }
0xd: {  	[smem:$0x3F8E] =	sst s5  }
0xe: {  	[smem:$0x3F8F] =	sst s6  }
0xf: {  	[smem:$0x3F90] =	sst s7  }
0x10: {  	[smem:$0x3F91] =	sst s8  }
0x11: {  	[smem:$0x3F92] =	sst s9;
	s0 =	simm.s32 @!p0 $0x0  }
0x12: {  	s1 =	sld [smem:$0x3F78];
	s0 =	simm.s32 @p0 $0x1  }
0x13: {  	[smem:$0x3F93] =	sst s0;
	s0 =	simm.s32 @!p1 $0x0  }
0x14: {  	s2 =	sld [smem:$0x3F77];
	s0 =	simm.s32 @p1 $0x1  }
0x15: {  	[smem:$0x3F94] =	sst s0;
	s0 =	simm.s32 @!p2 $0x0  }
0x16: {  	s3 =	sld [smem:$0x3FDB];
	s0 =	simm.s32 @p2 $0x1  }
0x17: {  	s4 =	simm.s32 $0x1BF5;
	[smem:$0x3F96] =	sst s0  }
0x18: {  	s0 =	sld [smem:$0x3F79];
	_ =	swait.ge [sflag:s4], $0x0  }
0x19: {  	s7 =	sld [smem:$0x3F7A]  }
0x1a: {  	s8 =	sadd.s32 $0xFFFFE003, lr  }
0x1b: {  	s9 =	sadd.s32 $0xFFFFFEF7, lr;
	s5 =	simm.s32 $0xFFFFFFFF;
	p2 =	slt.u32 s8, $0xFFFFF086  }
0x1c: {  	p1 =	slt.u32 s9, $0xF7A;
	s5 =	simm.s32 @!p2 $0x0  }
0x1d: {  	s5 =	simm.s32 @p1 $0x1;
	p0 =	seq.s32 s7, s2  }
0x1e: {  	s7 =	smul.u32 @!p0 $0xF7A, s2;
	p2 =	seq.s32 @!p0 s5, $0x0  }
0x1f: {  	s9 =	smul.u32 $0xF7A, s1;
	s8 =	simm.s32 @!p0 $0x1BF5;
	p2 =	por !p2, p0  }
0x20: {  	[sflag:s8] =	ssyncset.s32 @!p0 $0xFFFFF086;
	s6 =	sadd.s32 @!p0 s3, s7;
	s7 =	simm.s32 @!p0 $0x108  }
0x21: {  	s3 =	sadd.s32 s3, s9;
	s6 =	sadd.s32 @!p0 $0x88, s6;
	s7 =	simm.s32 @p2 $0x1082  }
0x22: {  	[simem:s7], [sflag:s8] =	dma.local @!p0 [hbm:s6], $0xF7A  }
0x23: {  	s9 =	sor.u32 $0xD0000000, s2;
	s6 =	simm.s32 $0x108;
	_ =	swait.ge @!p0 [sflag:s8], $0x0  }
0x24: {  	s3 =	sadd.s32 $0x88, s3;
	s6 =	simm.s32 @!p1 $0x1082;
	[sflag:s4] =	ssyncset.s32 $0xFFFFF086  }
0x25: {  	[simem:s6], [sflag:s4] =	dma.local [hbm:s3], $0xF7A  }
0x26: {  	[smem:$0x3F7A] =	sst s1;
	(tag) =	ssettag s2;
	_ =	strace s9  }
0x27: {  	s1 =	sld [smem:$0x3F8A]  }
0x28: {  	s2 =	sld [smem:$0x3F8B]  }
0x29: {  	s4 =	sld [smem:$0x3F8D]  }
0x2a: {  	p0 =	seq.s32 s5, $0x0;
	s5 =	sld [smem:$0x3F8E]  }
0x2b: {  	s6 =	sld [smem:$0x3F8F]  }
0x2c: {  	s7 =	sld [smem:$0x3F90]  }
0x2d: {  	s3 =	simm.s32 $0x108;
	s8 =	sld [smem:$0x3F91]  }
0x2e: {  	s3 =	simm.s32 @!p0 $0x1082;
	s9 =	sld [smem:$0x3F92]  }
0x2f: {  	lr =	sadd.s32 s0, s3;
	s0 =	sld [smem:$0x3F89]  }
0x30: {  	s3 =	sld [smem:$0x3F8C]  }
0x31: {  	[smem:$0x3F95] =	sst s10  }
0x32: {  	s10 =	sld [smem:$0x3F93];
	_ =	sdelay $0x3  }
0x33: {  	p0 =	seq.s32 s10, $0x1;
	s10 =	sld [smem:$0x3F95];
	_ =	sdelay $0x3  }
0x34: {  	[smem:$0x3F95] =	sst s10  }
0x35: {  	s10 =	sld [smem:$0x3F94];
	_ =	sdelay $0x3  }
0x36: {  	p1 =	seq.s32 s10, $0x1;
	s10 =	sld [smem:$0x3F95];
	_ =	sdelay $0x3  }
0x37: {  	[smem:$0x3F95] =	sst s10  }
0x38: {  	s10 =	sld [smem:$0x3F96]  }
0x39: {  	_ = 	snop;
	(pc) =	sbr.ind lr, $3  }
0x3a: {  	_ = 	snop  }
0x3b: {  	_ = 	snop  }
0x3c: {  	p2 =	seq.s32 s10, $0x1;
	s10 =	sld [smem:$0x3F95]  }
0x3d: {  	_ =	shalt  }
0x3e: {  	_ =	shalt  }
0x3f: {  	_ =	shalt  }
0x40: {  	_ =	shalt  }
0x41: {  	_ =	shalt  }
0x42: {  	_ =	shalt  }
0x43: {  	_ =	shalt  }
0x44: {  	_ =	shalt  }
0x45: {  	_ =	shalt  }
0x46: {  	_ =	shalt  }
0x47: {  	_ =	shalt  }
0x48: {  	_ =	shalt  }
0x49: {  	_ =	shalt  }
0x4a: {  	_ =	shalt  }
0x4b: {  	_ =	shalt  }
0x4c: {  	_ =	shalt  }
0x4d: {  	_ =	shalt  }
0x4e: {  	_ =	shalt  }
0x4f: {  	_ =	shalt  }
0x50: {  	_ =	shalt  }
0x51: {  	_ =	shalt  }
0x52: {  	_ =	shalt  }
0x53: {  	_ =	shalt  }
0x54: {  	_ =	shalt  }
0x55: {  	_ =	shalt  }
0x56: {  	_ =	shalt  }
0x57: {  	_ =	shalt  }
0x58: {  	_ =	shalt  }
0x59: {  	_ =	shalt  }
0x5a: {  	_ =	shalt  }
0x5b: {  	_ =	shalt  }
0x5c: {  	_ =	shalt  }
0x5d: {  	_ =	shalt  }
0x5e: {  	_ =	shalt  }
0x5f: {  	_ =	shalt  }
0x60: {  	_ =	shalt  }
0x61: {  	_ =	shalt  }
0x62: {  	_ =	shalt  }
0x63: {  	_ =	shalt  }
0x64: {  	_ =	shalt  }
0x65: {  	_ =	shalt  }
0x66: {  	_ =	shalt  }
0x67: {  	_ =	shalt  }
0x68: {  	_ =	shalt  }
0x69: {  	_ =	shalt  }
0x6a: {  	_ =	shalt  }
0x6b: {  	_ =	shalt  }
0x6c: {  	_ =	shalt  }
0x6d: {  	_ =	shalt  }
0x6e: {  	_ =	shalt  }
0x6f: {  	_ =	shalt  }
0x70: {  	_ =	shalt  }
0x71: {  	_ =	shalt  }
0x72: {  	_ =	shalt  }
0x73: {  	_ =	shalt  }
0x74: {  	_ =	shalt  }
0x75: {  	_ =	shalt  }
0x76: {  	_ =	shalt  }
0x77: {  	_ =	shalt  }
0x78: {  	_ =	shalt  }
0x79: {  	_ =	shalt  }
0x7a: {  	_ =	shalt  }
0x7b: {  	_ =	shalt  }
0x7c: {  	_ =	shalt  }
0x7d: {  	_ =	shalt  }
0x7e: {  	_ =	shalt  }
0x7f: {  	_ =	shalt  }
0x80: {  	_ =	shalt  }
0x81: {  	_ =	shalt  }
0x82: {  	_ =	shalt  }
0x83: {  	_ =	shalt  }
0x84: {  	_ =	shalt  }
0x85: {  	_ =	shalt  }
0x86: {  	_ =	shalt  }
0x87: {  	_ =	shalt  }
.Lfunc_end0:
.L_simem_size_0:
called_computation.2_lowered:
.L_overlay_start_0:
0x88: {  	s2 =	sld [smem:$0x3FD9]  }
0x89: {  	s3 =	sld [smem:$0x3FFE];
	_ =	sdelay $0x1  }
0x8a: {  	s1 =	srdreg.scid  }
0x8b: {  	s0 =	sand.u32 $0x1, s1  }
0x8c: {  	s14 =	sshll.u32 s0, $0xA;
	s2 =	sadd.s32 s3, s2  }
0x8d: {  	s2 =	sadd.s32 s2, s14  }
0x8e: {  	[smem:$0x3FA1] =	sst s2  }
0x8f: {  	_ = 	snop  }
0x90: {  	s2 =	sld [smem:$0x3FD0];
	_ =	sdelay $0x2  }
0x91: {  	s15 =	simm.s32 $0xA;
	s4 =	simm.s32 $0x10  }
0x92: {  	[smem:s4], [sflag:s15] =	dma.local [hbm:s2], $0x1  }
0x93: {  	_ =	swait.eq [sflag:s15], $0x1  }
0x94: {  	[sflag:s15] =	ssyncset.done $0x0  }
0x95: {  	s16 =	sld [smem:$0x10];
	[sflag:s15] =	ssyncadd.s32 $0xFFFFFFFF  }
0x96: {  	s17 =	sld [smem:$0x11];
	(tm) =	ssettm $0x1  }
0x97: {  	s18 =	sld [smem:$0x3FFB];
	_ =	sdelay $0x3  }
0x98: {  	_ =	strace s18  }
0x99: {  	s4 =	sld [smem:$0x3FFC];
	_ =	sdelay $0x3  }
0x9a: {  	_ =	strace s4  }
0x9b: {  	s4 =	sld [smem:$0x3FFD];
	_ =	sdelay $0x3  }
0x9c: {  	_ =	strace s4  }
0x9d: {  	_ =	strace $0x8FFFFFFF  }
0x9e: {  	s19 =	sld [smem:$0x3FDB];
	_ =	sdelay $0x1  }
0x9f: {  	s5 =	simm.s32 $_scs_section_size  }
0xa0: {  	s6 =	simm.s32 $_size__tile_overlayer_lowered;
	s7 =	simm.s32 $_tile_overlayer_lowered  }
0xa1: {  	s22 =	simm.s32 $0x1BFF;
	s21 =	sshll.u32 s7, $0x1;
	s4 =	sadd.s32 s5, s19  }
0xa2: {  	s8 =	simm.s32 $0x0;
	s20 =	sshll.u32 s6, $0x1;
	s6 =	sadd.s32 s21, s4  }
0xa3: {  	[timem:s8], [sflag:s22] =	dma.local [hbm:s6], s20  }
0xa4: {  	_ =	swait.ge [sflag:s22], s20  }
0xa5: {  	s5 =	ssub.s32 $0x0, s20;
	[sflag:s22] =	ssyncset.done $0x0  }
0xa6: {  	[sflag:s22] =	ssyncadd.s32 s5;
	_ =	sdelay $0x1  }
0xa7: {  	s23 =	simm.s32 $0x1B8B  }
0xa8: {  	_ =	swait.ge [sflag:s23], $0x1  }
0xa9: {  	[sflag:s23] =	ssyncset.done $0x0  }
0xaa: {  	s25 =	simm.s32 $0x1B8E;
	s24 =	sld [smem:$0x3FFE];
	[sflag:s23] =	ssyncadd.s32 $0xFFFFFFFF  }
0xab: {  	s26 =	simm.s32 $execute0_lowered;
	[smem:$0x3FD2] =	sst s25  }
0xac: {  	s6 =	sshll.u32 s26, $0x1;
	_ =	strace $0x80000049;
	[dreg:$0x1] =	wrdreg $0xFFFFFFFF  }
0xad: {  	s28 =	simm.s32 $_size_execute0_lowered;
	s4 =	sadd.s32 s4, s6;
	[dreg:$0x0] =	wrdreg $0x0  }
0xae: {  	s6 =	sshll.u32 s28, $0x1;
	[dreg:$0x2] =	wrdreg s4  }
0xaf: {  	[dreg:$0x3] =	wrdreg s6  }
0xb0: {  	[dreg:$0x4] =	wrdreg $0xC0  }
0xb1: {  	_ =	task [dreg:s8], $0x5FFFF  }
0xb2: {  	[dreg:$0x1] =	wrdreg $0xFFFFFFFF  }
0xb3: {  	[dreg:$0x0] =	wrdreg $0x60  }
0xb4: {  	[dreg:$0x2] =	wrdreg s24  }
0xb5: {  	[dreg:$0x3] =	wrdreg s16  }
0xb6: {  	[dreg:$0x4] =	wrdreg s17  }
0xb7: {  	[dreg:$0x5] =	wrdreg $0xA3000  }
0xb8: {  	[dreg:$0x6] =	wrdreg $0x9  }
0xb9: {  	_ =	task.clear_ibuf [dreg:s8], $0x7FFFF;
	_ =	strace $0x90000049  }
0xba: {  	s29 =	simm.s32 $0x9;
	_ =	strace $0x8000004B  }
0xbb: {  	_ =	swait.ge [sflag:s29], $0x1  }
0xbc: {  	[sflag:s29] =	ssyncadd.s32 $0xFFFFFFFF  }
0xbd: {  	_ =	strace $0x9000004B  }
0xbe: {  	_ =	sfence  }
0xbf: {  	s30 =	sld [smem:$0x0];
	_ =	sdelay $0x2  }
0xc0: {  	s31 =	sshll.u32 s1, $0xD;
	s1 =	sshrl.u32 s1, $0x2  }
0xc1: {  	s3 =	sand.u32 $0x4000, s31;
	s1 =	sadd.s32 s1, s30  }
0xc2: {  	s0 =	sor.u32 s3, s0;
	s1 =	sshll.u32 s1, $0x11  }
0xc3: {  	s0 =	sor.u32 s1, s0  }
0xc4: {  	s0 =	sadd.s32 $0x8F2B, s0  }
0xc5: {  	[sflag:s0] =	ssyncadd.remote.s32 $0x1  }
0xc6: {  	_ =	sfence.sel $0xFFFF  }
0xc7: {  	[dreg:$0x0] =	wrdreg $0xFFFFFFFF;
	(pc) =	sbr.abs _section_cstart, $3  }
0xc8: {  	[dreg:$0x1] =	wrdreg $0xFFFFFFFF  }
0xc9: {  	_ =	task.clear_ibuf [dreg:s8], $0x2FFFF;
	_ =	strace $0x9FFFFFFF  }
0xca: {  	(tm) =	ssettm $0x7FFFFFFF  }
0xcb: {  	_ =	shalt  }
tec
execute0_lowered:
.L_overlay_start_1:
0x0: {  	(tag) =	ssettag $0x1  }
0x1: {  	s0 =	rddreg [dreg:$0x0]  }
0x2: {  	s2 =	rddreg [dreg:$0x2]  }
0x3: {  	s16 =	rddreg [dreg:$0x3];
	s1 =	simm.s32 $0x0;
	s15 =	srdreg.scid  }
0x4: {  	s28 =	simm.s32 $0x5500;
	s29 =	simm.s32 $0x5D00;
	s30 =	simm.s32 $0x6100  }
0x5: {  	[smem:$0x7FF] =	sst s1;
	s5 =	sadd.s32 $0x1FC00, s0;
	s6 =	sadd.s32 $0x24C00, s0  }
0x6: {  	s8 =	sadd.s32 $0x9CC00, s0;
	s3 =	sadd.s32 $0x1FA00, s0;
	s1 =	sand.u32 $0x1, s15  }
0x7: {  	s17 =	sadd.s32 $0x4800, s0;
	_ =	strace $0x8000004A;
	[dreg:$0x5] =	wrdreg s3  }
0x8: {  	s4 =	sadd.s32 $0x4A00, s0;
	s9 =	sadd.s32 $0xC4C00, s0;
	[dreg:$0x6] =	wrdreg s17  }
0x9: {  	s31 =	sadd.s32 $0x100, s2;
	s17 =	stileid.u32;
	s18 =	smul.u32 $0x140000, s1  }
0xa: {  	[dreg:$0x7] =	wrdreg s4;
	s19 =	ssub.s32 $0x2, s1;
	s7 =	smul.u32 $0x14000, s17  }
0xb: {  	s1 =	sshll.u32 s1, $0x4;
	s10 =	sshrl.u32 s19, $0x1;
	s11 =	smul.u32 $0x50000, s17  }
0xc: {  	s25 =	sshll.u32 s17, $0x6;
	s1 =	sor.u32 s17, s1;
	s4 =	ssub.s32 s19, s10  }
0xd: {  	s19 =	smul.u32 $0x1388, s1;
	s1 =	simm.s32 $0x28;
	s20 =	sadd.s32 s18, s7  }
0xe: {  	s12 =	sadd.s32 $0x4000, s7;
	s11 =	sshrl.u32 s11, $0x2;
	s22 =	sadd.s32 $0x8000, s7  }
0xf: {  	s23 =	sadd.s32 $0xC000, s7;
	s7 =	sadd.s32 $0x10000, s7;
	s10 =	sshrl.u32 s20, $0x3  }
0x10: {  	s13 =	sadd.s32 s18, s12;
	s14 =	sadd.s32 s18, s22;
	s15 =	sadd.s32 s18, s23  }
0x11: {  	s3 =	sadd.s32 s18, s7;
	s26 =	sadd.s32 s11, s16;
	s20 =	sadd.s32 $0x24D00, s0  }
0x12: {  	s11 =	smax.u32 s4, $0x1;
	s12 =	sadd.s32 s12, s16;
	s17 =	sadd.s32 s23, s16  }
0x13: {  	s7 =	sadd.s32 s7, s16;
	s10 =	sadd.s32 s9, s10;
	s21 =	sshrl.u32 s13, $0x3  }
0x14: {  	s14 =	sshrl.u32 s14, $0x3;
	s15 =	sshrl.u32 s15, $0x3;
	[dreg:$0xf] =	wrdreg s11  }
0x15: {  	s3 =	sshrl.u32 s3, $0x3;
	s18 =	sadd.s32 $0x4000, s26;
	[dreg:$0xd] =	wrdreg s26  }
0x16: {  	s0 =	sshrl.u32 s12, $0x3;
	s11 =	simm.s32 $0x6D00;
	s12 =	simm.s32 $0x0  }
0x17: {  	[dreg:$0x8] =	wrdreg s10;
	s10 =	sadd.s32 s9, s21;
	s14 =	sadd.s32 s9, s14  }
0x18: {  	v0 =	vimm.s32 $0xFEDCBA98;
	s24 =	sadd.s32 s9, s15;
	s3 =	sadd.s32 s9, s3;
	[dreg:$0x14] =	wrdreg s0  }
0x19: {  	v1 =	vimm.s32 $0x76543210;
	v2 =	vimm.s32 $0xBA98FEDC;
	v3 =	vimm.s32 $0x32107654;
	s15 =	sadd.s32 s22, s16;
	s4 =	sshrl.u32 s18, $0x3;
	[dreg:$0x9] =	wrdreg s10  }
0x1a: {  	v4 =	vimm.s32 $0xDCFE98BA;
	v6 =	vimm.s32 $0x54761032;
	s21 =	sadd.s32 $0x8000, s26;
	s22 =	sadd.s32 $0xC000, s26;
	[dreg:$0xa] =	wrdreg s14  }
0x1b: {  	v5 =	vlaneseq.u32;
	v7 =	vimm.s32 $0xEFCDAB89;
	v8 =	vimm.s32 $0x67452301;
	s9 =	sadd.s32 $0x10000, s26;
	s26 =	sshrl.u32 s7, $0x3;
	[dreg:$0xb] =	wrdreg s24  }
0x1c: {  	v0 =	vunpack.c.l.s4.s8 v0;
	v1 =	vunpack.c.l.s4.s8 v1;
	v2 =	vunpack.c.l.s4.s8 v2;
	s0 =	simm.s32 $0x2;
	s7 =	simm.s32 $0x80;
	[dreg:$0xc] =	wrdreg s3  }
0x1d: {  	v3 =	vunpack.c.l.s4.s8 v3;
	v4 =	vunpack.c.l.s4.s8 v4;
	v6 =	vunpack.c.l.s4.s8 v6;
	s18 =	simm.s32 $0x7500;
	s14 =	sor.u32 $0x1C02, s25;
	[dreg:$0x10] =	wrdreg s4  }
0x1e: {  	v7 =	vunpack.c.l.s4.s8 v7;
	v8 =	vunpack.c.l.s4.s8 v8;
	v0 =	vunpack.c.0.s8.s32 v0;
	s4 =	sshrl.u32 s21, $0x3;
	s23 =	sshrl.u32 s9, $0x3;
	[dreg:$0x17] =	wrdreg s26  }
0x1f: {  	v1 =	vunpack.c.0.s8.s32 v1;
	v2 =	vunpack.c.0.s8.s32 v2;
	v3 =	vunpack.c.0.s8.s32 v3;
	s24 =	sshrl.u32 s15, $0x3;
	s25 =	sshrl.u32 s17, $0x3;
	[dreg:$0x11] =	wrdreg s4  }
0x20: {  	v4 =	vunpack.c.0.s8.s32 v4;
	v6 =	vunpack.c.0.s8.s32 v6;
	v0 =	vand.u32 $0xF, v0;
	s26 =	simm.s32 $0x5100;
	s17 =	simm.s32 $0x6900;
	[dreg:$0x13] =	wrdreg s23  }
0x21: {  	vm0 =	vmmov $0xffff;
	v0 =	vcombine.low v0, v1;
	v1 =	vcombine.low v3, v2;
	s3 =	simm.s32 $0x7900;
	s9 =	simm.s32 $0x8D00;
	[dreg:$0x15] =	wrdreg s24  }
0x22: {  	v2 =	vcombine.low v6, v4;
	v6 =	vunpack.c.0.s8.s32 v7;
	v7 =	vunpack.c.0.s8.s32 v8;
	s4 =	sshrl.u32 s22, $0x3;
	[dreg:$0x16] =	wrdreg s25;
	s22 =	simm.s32 $0x3900  }
0x23: {  	vm1 =	vmmov $0xff;
	v9 =	vshrl.u32 v5, $0x3;
	v3 =	vand.u32 $0x7, v5;
	s23 =	simm.s32 $0x3D00;
	s24 =	simm.s32 $0x4500;
	[dreg:$0xe] =	wrdreg s14  }
0x24: {  	v4 =	vmul.u32 $0x8, v9;
	v5 =	vor.u32 $0x8, v5;
	v6 =	vcombine.low v7, v6;
	s25 =	simm.s32 $0x4900;
	[dreg:$0x12] =	wrdreg s4;
	s4 =	simm.s32 $0x1  }
.LBB2_1:
0x25: {  	[dreg:$0x18] =	wrdreg s12  }
0x26: {  	s10 =	rddreg [dreg:$0xd]  }
0x27: {  	s13 =	sshrl.u32 s10, $0x3;
	s10 =	rddreg [dreg:$0x7]  }
0x28: {  	[dreg:$0x19] =	wrdreg s13  }
0x29: {  	[spmem:s13], [sflag:s14] =	dma.local [hbm:s10], $0x800  }
0x2a: {  	_ =	swait.ge [sflag:s0], $0x800  }
0x2b: {  	[sflag:s0] =	ssyncset.done $0x0  }
0x2c: {  	s15 =	rddreg [dreg:$0x10];
	[sflag:s0] =	ssyncadd.s32 $0xFFFFF800  }
0x2d: {  	[spmem:s15], [sflag:s14] =	dma.local [hbm:s10], $0x800  }
0x2e: {  	_ =	swait.ge [sflag:s0], $0x800  }
0x2f: {  	[sflag:s0] =	ssyncset.done $0x0  }
0x30: {  	s16 =	rddreg [dreg:$0x11];
	[sflag:s0] =	ssyncadd.s32 $0xFFFFF800  }
0x31: {  	[spmem:s16], [sflag:s14] =	dma.local [hbm:s10], $0x800  }
0x32: {  	_ =	swait.ge [sflag:s0], $0x800  }
0x33: {  	[sflag:s0] =	ssyncset.done $0x0  }
0x34: {  	s21 =	rddreg [dreg:$0x12];
	[sflag:s0] =	ssyncadd.s32 $0xFFFFF800  }
0x35: {  	[spmem:s21], [sflag:s14] =	dma.local [hbm:s10], $0x800  }
0x36: {  	_ =	swait.ge [sflag:s0], $0x800  }
0x37: {  	[sflag:s0] =	ssyncset.done $0x0  }
0x38: {  	s13 =	rddreg [dreg:$0x13];
	[sflag:s0] =	ssyncadd.s32 $0xFFFFF800  }
0x39: {  	[spmem:s13], [sflag:s14] =	dma.local [hbm:s10], $0x800  }
0x3a: {  	_ =	swait.ge [sflag:s0], $0x800  }
0x3b: {  	s14 =	simm.s32 $0x0;
	[sflag:s0] =	ssyncset.done $0x0  }
0x3c: {  	s13 =	simm.s32 $0xA100;
	s15 =	rddreg [dreg:$0x5];
	[sflag:s0] =	ssyncadd.s32 $0xFFFFF800  }
0x3d: {  	[tilespmem:s13], [sflag:$0x2] =	stream.linear.gather [hbm4b:s15+s14], $0x180, $0x38;
	[tilespmem:$0x1E300] =	vst v63  }
0x3e: {  	_ =	swait.ge [sflag:s0], $0x180  }
0x3f: {  	[sflag:s0] =	ssyncset.done $0x0  }
0x40: {  	s21 =	simm.s32 $0xA280;
	s16 =	rddreg [dreg:$0x6];
	[sflag:s0] =	ssyncadd.s32 $0xFFFFFE80  }
0x41: {  	[tilespmem:s21], [sflag:$0x2] =	stream.linear.gather [hbm4b:s16+s14], $0x80, $0x38;
	[tilespmem:$0x1E300] =	vst v63  }
0x42: {  	_ =	swait.ge [sflag:s0], $0x80  }
0x43: {  	[sflag:s0] =	ssyncset.done $0x0  }
0x44: {  	[sflag:s0] =	ssyncadd.s32 $0xFFFFFF80  }
0x45: {  	[bflag:$0x0] =	sbarrier.arrive $0xFFFF  }
0x46: {  	v7 =	vld [tilespmem:$0xA100]  }
0x47: {  	v8 =	vld [tilespmem:$0xA110]  }
0x48: {  	v9 =	vld [tilespmem:$0xA120]  }
0x49: {  	v10 =	vld [tilespmem:$0xA130]  }
0x4a: {  	v11 =	vld [tilespmem:$0xA140]  }
0x4b: {  	v12 =	vld [tilespmem:$0xA150]  }
0x4c: {  	v13 =	vld [tilespmem:$0xA160]  }
0x4d: {  	v14 =	vld [tilespmem:$0xA170]  }
0x4e: {  	v15 =	vld [tilespmem:$0xA180]  }
0x4f: {  	v16 =	vld [tilespmem:$0xA190]  }
0x50: {  	v17 =	vld [tilespmem:$0xA1A0]  }
0x51: {  	v18 =	vld [tilespmem:$0xA1B0]  }
0x52: {  	v19 =	vld [tilespmem:$0xA1C0]  }
0x53: {  	v20 =	vld [tilespmem:$0xA1D0]  }
0x54: {  	v21 =	vld [tilespmem:$0xA1E0]  }
0x55: {  	v22 =	vld [tilespmem:$0xA1F0]  }
0x56: {  	v23 =	vld [tilespmem:$0xA200]  }
0x57: {  	v24 =	vld [tilespmem:$0xA210]  }
0x58: {  	s10 =	simm.s32 $0x0;
	v25 =	vld [tilespmem:$0xA280]  }
.LBB2_2:
0x59: {  	s12 =	smul.u32 $0x28, s10;
	_ =	sdelay $0x1  }
0x5a: {  	s12 =	sadd.s32 s19, s12  }
0x5b: {  	s13 =	sshrl.u32 s12, $0x3  }
0x5c: {  	s12 =	simm.s32 $0x0;
	s14 =	sadd.s32 s5, s13  }
0x5d: {  	[tilespmem:s12], [sflag:$0x2] =	stream.linear.gather [hbm4b:s14+s12], $0x28, $0x38;
	[tilespmem:$0x1E300] =	vst v63  }
0x5e: {  	_ =	swait.ge [sflag:s0], $0x28  }
0x5f: {  	[sflag:s0] =	ssyncset.done $0x0  }
0x60: {  	[sflag:s0] =	ssyncadd.s32 $0xFFFFFFD8  }
0x61: {  	s21 =	rddreg [dreg:$0x1]  }
0x62: {  	s13 =	sadd.s32 s21, s13  }
0x63: {  	[tilespmem:s7], [sflag:$0x2] =	stream.linear.gather [hbm4b:s13+s12], $0x28, $0x38;
	[tilespmem:$0x1E300] =	vst v63  }
0x64: {  	_ =	swait.ge [sflag:s0], $0x28  }
0x65: {  	[sflag:s0] =	ssyncset.done $0x0  }
0x66: {  	[sflag:s0] =	ssyncadd.s32 $0xFFFFFFD8  }
0x67: {  	v26 =	vld [tilespmem:$0x80];
	_ =	sdelay $0x4  }
0x68: {  	v27 =	vshrl.u32 v26, $0x3  }
0x69: {  	v27 =	vmul.u32 $0x18, v27  }
0x6a: {  	v26 =	vand.u32 $0x7, v26  }
0x6b: {  	v26 =	vor.u32 v26, v27  }
0x6c: {  	v27 =	vperm.xlane v26, v3;
	_ =	sdelay $0x1  }
0x6d: {  	v27 =	vadd.s32 v4, v27;
	_ =	sdelay $0x1  }
0x6e: {  	v26 =	vperm.xlane v26, v5;
	_ =	sdelay $0x1  }
0x6f: {  	s15 =	simm.s32 $0x100;
	v26 =	vadd.s32 v4, v26  }
0x70: {  	[tilespmem:s15], [sflag:$0x1] =	stream.indirect_vreg.gather [hbm4b:s2+s12], $0x80, v27, vm0, $0xb8;
	[tilespmem:$0x1E300] =	vst v63  }
0x71: {  	s16 =	simm.s32 $0x900  }
0x72: {  	[tilespmem:s16], [sflag:$0x1] =	stream.indirect_vreg.gather [hbm4b:s31+s12], $0x80, v27, vm1, $0xb8;
	[tilespmem:$0x1E300] =	vst v63  }
0x73: {  	s21 =	simm.s32 $0xD00  }
0x74: {  	[tilespmem:s21], [sflag:$0x1] =	stream.indirect_vreg.gather [hbm4b:s2+s12], $0x80, v26, vm0, $0xb8;
	[tilespmem:$0x1E300] =	vst v63  }
0x75: {  	s14 =	simm.s32 $0x1500  }
0x76: {  	[tilespmem:s14], [sflag:$0x1] =	stream.indirect_vreg.gather [hbm4b:s31+s12], $0x80, v26, vm1, $0xb8;
	[tilespmem:$0x1E300] =	vst v63  }
0x77: {  	v26 =	vld [tilespmem:$0x90];
	_ =	sdelay $0x4  }
0x78: {  	v27 =	vshrl.u32 v26, $0x3  }
0x79: {  	v27 =	vmul.u32 $0x18, v27  }
0x7a: {  	v26 =	vand.u32 $0x7, v26  }
0x7b: {  	v26 =	vor.u32 v26, v27  }
0x7c: {  	v27 =	vperm.xlane v26, v3;
	_ =	sdelay $0x1  }
0x7d: {  	v27 =	vadd.s32 v4, v27;
	_ =	sdelay $0x1  }
0x7e: {  	v26 =	vperm.xlane v26, v5;
	_ =	sdelay $0x1  }
0x7f: {  	s15 =	simm.s32 $0x1900;
	v26 =	vadd.s32 v4, v26  }
0x80: {  	[tilespmem:s15], [sflag:$0x1] =	stream.indirect_vreg.gather [hbm4b:s2+s12], $0x80, v27, vm0, $0xb8;
	[tilespmem:$0x1E300] =	vst v63  }
0x81: {  	s16 =	simm.s32 $0x2100  }
0x82: {  	[tilespmem:s16], [sflag:$0x1] =	stream.indirect_vreg.gather [hbm4b:s31+s12], $0x80, v27, vm1, $0xb8;
	[tilespmem:$0x1E300] =	vst v63  }
0x83: {  	s21 =	simm.s32 $0x2500  }
0x84: {  	[tilespmem:s21], [sflag:$0x1] =	stream.indirect_vreg.gather [hbm4b:s2+s12], $0x80, v26, vm0, $0xb8;
	[tilespmem:$0x1E300] =	vst v63  }
0x85: {  	s14 =	simm.s32 $0x2D00  }
0x86: {  	[tilespmem:s14], [sflag:$0x1] =	stream.indirect_vreg.gather [hbm4b:s31+s12], $0x80, v26, vm1, $0xb8;
	[tilespmem:$0x1E300] =	vst v63  }
0x87: {  	v26 =	vld.msk [tilespmem:$0xA0], $0xff;
	_ =	sdelay $0x4  }
0x88: {  	v27 =	vshrl.u32 v26, $0x3  }
0x89: {  	v27 =	vmul.u32 $0x18, v27  }
0x8a: {  	v26 =	vand.u32 $0x7, v26  }
0x8b: {  	v26 =	vor.u32 v26, v27  }
0x8c: {  	v26 =	vperm.xlane v26, v3;
	_ =	sdelay $0x1  }
0x8d: {  	v26 =	vadd.s32 v4, v26;
	_ =	sdelay $0x3  }
0x8e: {  	s15 =	simm.s32 $0x3100  }
0x8f: {  	[tilespmem:s15], [sflag:$0x1] =	stream.indirect_vreg.gather [hbm4b:s2+s12], $0x80, v26, vm0, $0xb8;
	[tilespmem:$0x1E300] =	vst v63  }
0x90: {  	_ = 	snop  }
0x91: {  	[tilespmem:s22], [sflag:$0x1] =	stream.indirect_vreg.gather [hbm4b:s31+s12], $0x80, v26, vm1, $0xb8;
	[tilespmem:$0x1E300] =	vst v63  }
0x92: {  	v26 =	vld [tilespmem:$0x0];
	_ =	sdelay $0x4  }
0x93: {  	v27 =	vshrl.u32 v26, $0x3  }
0x94: {  	v27 =	vmul.u32 $0x18, v27  }
0x95: {  	v26 =	vand.u32 $0x7, v26  }
0x96: {  	v26 =	vor.u32 v26, v27  }
0x97: {  	v27 =	vperm.xlane v26, v3;
	_ =	sdelay $0x1  }
0x98: {  	v27 =	vadd.s32 v4, v27;
	_ =	sdelay $0x1  }
0x99: {  	v26 =	vperm.xlane v26, v5;
	_ =	sdelay $0x1  }
0x9a: {  	v26 =	vadd.s32 v4, v26  }
0x9b: {  	[tilespmem:s23], [sflag:$0x1] =	stream.indirect_vreg.gather [hbm4b:s6+s12], $0x80, v27, vm0, $0xb8;
	[tilespmem:$0x1E300] =	vst v63  }
0x9c: {  	_ = 	snop  }
0x9d: {  	[tilespmem:s24], [sflag:$0x1] =	stream.indirect_vreg.gather [hbm4b:s20+s12], $0x80, v27, vm1, $0xb8;
	[tilespmem:$0x1E300] =	vst v63  }
0x9e: {  	_ = 	snop  }
0x9f: {  	[tilespmem:s25], [sflag:$0x1] =	stream.indirect_vreg.gather [hbm4b:s6+s12], $0x80, v26, vm0, $0xb8;
	[tilespmem:$0x1E300] =	vst v63  }
0xa0: {  	_ = 	snop  }
0xa1: {  	[tilespmem:s26], [sflag:$0x1] =	stream.indirect_vreg.gather [hbm4b:s20+s12], $0x80, v26, vm1, $0xb8;
	[tilespmem:$0x1E300] =	vst v63  }
0xa2: {  	v26 =	vld [tilespmem:$0x10];
	_ =	sdelay $0x4  }
0xa3: {  	v27 =	vshrl.u32 v26, $0x3  }
0xa4: {  	v27 =	vmul.u32 $0x18, v27  }
0xa5: {  	v26 =	vand.u32 $0x7, v26  }
0xa6: {  	v26 =	vor.u32 v26, v27  }
0xa7: {  	v27 =	vperm.xlane v26, v3;
	_ =	sdelay $0x1  }
0xa8: {  	v27 =	vadd.s32 v4, v27;
	_ =	sdelay $0x1  }
0xa9: {  	v26 =	vperm.xlane v26, v5;
	_ =	sdelay $0x1  }
0xaa: {  	v26 =	vadd.s32 v4, v26  }
0xab: {  	[tilespmem:s28], [sflag:$0x1] =	stream.indirect_vreg.gather [hbm4b:s6+s12], $0x80, v27, vm0, $0xb8;
	[tilespmem:$0x1E300] =	vst v63  }
0xac: {  	_ = 	snop  }
0xad: {  	[tilespmem:s29], [sflag:$0x1] =	stream.indirect_vreg.gather [hbm4b:s20+s12], $0x80, v27, vm1, $0xb8;
	[tilespmem:$0x1E300] =	vst v63  }
0xae: {  	_ = 	snop  }
0xaf: {  	[tilespmem:s30], [sflag:$0x1] =	stream.indirect_vreg.gather [hbm4b:s6+s12], $0x80, v26, vm0, $0xb8;
	[tilespmem:$0x1E300] =	vst v63  }
0xb0: {  	_ = 	snop  }
0xb1: {  	[tilespmem:s17], [sflag:$0x1] =	stream.indirect_vreg.gather [hbm4b:s20+s12], $0x80, v26, vm1, $0xb8;
	[tilespmem:$0x1E300] =	vst v63  }
0xb2: {  	v26 =	vld.msk [tilespmem:$0x20], $0xff;
	_ =	sdelay $0x4  }
0xb3: {  	v27 =	vshrl.u32 v26, $0x3  }
0xb4: {  	v27 =	vmul.u32 $0x18, v27  }
0xb5: {  	v26 =	vand.u32 $0x7, v26  }
0xb6: {  	v26 =	vor.u32 v26, v27  }
0xb7: {  	v26 =	vperm.xlane v26, v3;
	_ =	sdelay $0x1  }
0xb8: {  	v26 =	vadd.s32 v4, v26;
	_ =	sdelay $0x4  }
0xb9: {  	[tilespmem:s11], [sflag:$0x1] =	stream.indirect_vreg.gather [hbm4b:s6+s12], $0x80, v26, vm0, $0xb8;
	[tilespmem:$0x1E300] =	vst v63  }
0xba: {  	_ = 	snop  }
0xbb: {  	[tilespmem:s18], [sflag:$0x1] =	stream.indirect_vreg.gather [hbm4b:s20+s12], $0x80, v26, vm1, $0xb8;
	[tilespmem:$0x1E300] =	vst v63  }
0xbc: {  	_ = 	snop  }
0xbd: {  	[tilespmem:s3], [sflag:$0x1] =	stream.indirect.gather [hbm4b:s8+s1], $0x80, s12, s1, $0xb8;
	[tilespmem:$0x1E300] =	vst v63  }
0xbe: {  	_ =	swait.ge [sflag:s4], $0x3C00  }
0xbf: {  	[sflag:s4] =	ssyncset.done $0x0  }
0xc0: {  	[sflag:s4] =	ssyncadd.s32 $0xFFFFC400  }
0xc1: {  	_ =	swait.ge [sflag:s4], $0x3C00  }
0xc2: {  	[sflag:s4] =	ssyncset.done $0x0  }
0xc3: {  	s16 =	simm.s32 $0x0;
	[sflag:s4] =	ssyncadd.s32 $0xFFFFC400  }
0xc4: {  	s13 =	smul.u32 $0xC00, s16;
	_ =	swait.ge [sflag:s4], $0x1400  }
0xc5: {  	s12 =	sand.u32 $0x380, s12;
	[sflag:s4] =	ssyncset.done $0x0  }
0xc6: {  	s12 =	sor.u32 s12, s13;
	[sflag:s4] =	ssyncadd.s32 $0xFFFFEC00  }
0xc7: {  	v26 =	vld [tilespmem:s12+$0x3D10]  }
0xc8: {  	v27 =	vld [tilespmem:s12+$0x110]  }
0xc9: {  	v28 =	vld [tilespmem:s12+$0x100]  }
0xca: {  	v29 =	vld [tilespmem:s12+$0x3D00]  }
0xcb: {  	v30 =	vld [tilespmem:s12+$0x3D20]  }
0xcc: {  	v31 =	vld [tilespmem:s12+$0x120]  }
0xcd: {  	v32 =	vld [tilespmem:s12+$0x3D30]  }
0xce: {  	v33 =	vld [tilespmem:s12+$0x130]  }
0xcf: {  	v34 =	vld [tilespmem:s12+$0x3D40];
	v28 =	vadd.f32 v29, v28;
	v26 =	vadd.f32 v26, v27  }
0xd0: {  	v27 =	vld [tilespmem:s12+$0x140]  }
0xd1: {  	v62 =	vld [tilespmem:s12+$0x3D50];
	v30 =	vadd.f32 v30, v31;
	v28 =	vmax.f32 v28, $0.0e+00;
	v26 =	vmax.f32 v26, $0.0e+00  }
0xd2: {  	v63 =	vld [tilespmem:s12+$0x150];
	v28 =	vmul.f32 v28, v7;
	v26 =	vmul.f32 v26, v8  }
0xd3: {  	v35 =	vld [tilespmem:s12+$0x3D60];
	v32 =	vadd.f32 v32, v33;
	v30 =	vmax.f32 v30, $0.0e+00  }
0xd4: {  	v36 =	vld [tilespmem:s12+$0x160];
	v37 =	vmul.f32 v30, v9;
	v26 =	vadd.f32 v26, v28  }
0xd5: {  	v39 =	vld [tilespmem:s12+$0x170];
	v38 =	vmax.f32 v32, $0.0e+00;
	v27 =	vadd.f32 v34, v27  }
0xd6: {  	v41 =	vld [tilespmem:s12+$0x3D70];
	v40 =	vmul.f32 v38, v10;
	v26 =	vadd.f32 v37, v26  }
0xd7: {  	v42 =	vld [tilespmem:s12+$0x4100];
	v29 =	vadd.f32 v62, v63;
	v27 =	vmax.f32 v27, $0.0e+00  }
0xd8: {  	v43 =	vld [tilespmem:s12+$0x500];
	v27 =	vmul.f32 v27, v11;
	v26 =	vadd.f32 v40, v26  }
0xd9: {  	v44 =	vld [tilespmem:s12+$0x4110];
	v33 =	vadd.f32 v35, v36;
	v29 =	vmax.f32 v29, $0.0e+00  }
0xda: {  	v45 =	vld [tilespmem:s12+$0x510];
	v26 =	vadd.f32 v27, v26;
	v27 =	vmul.f32 v29, v12  }
0xdb: {  	v46 =	vld [tilespmem:s12+$0x4120];
	v33 =	vmax.f32 v33, $0.0e+00;
	v30 =	vadd.f32 v41, v39  }
0xdc: {  	v47 =	vld [tilespmem:s12+$0x520];
	v26 =	vadd.f32 v27, v26;
	v27 =	vmul.f32 v33, v13  }
0xdd: {  	v48 =	vld [tilespmem:s12+$0x4130];
	v30 =	vmax.f32 v30, $0.0e+00;
	v28 =	vadd.f32 v42, v43  }
0xde: {  	v49 =	vld [tilespmem:s12+$0x530];
	v26 =	vadd.f32 v27, v26;
	v27 =	vmul.f32 v30, v14  }
0xdf: {  	v50 =	vld [tilespmem:s12+$0x4140];
	v28 =	vmax.f32 v28, $0.0e+00;
	v29 =	vadd.f32 v44, v45  }
0xe0: {  	v51 =	vld [tilespmem:s12+$0x540];
	v26 =	vadd.f32 v27, v26;
	v27 =	vmul.f32 v28, v15  }
0xe1: {  	v52 =	vld [tilespmem:s12+$0x4150];
	v32 =	vadd.f32 v46, v47;
	v29 =	vmax.f32 v29, $0.0e+00  }
0xe2: {  	v53 =	vld [tilespmem:s12+$0x550];
	v26 =	vadd.f32 v27, v26;
	v27 =	vmul.f32 v29, v16  }
0xe3: {  	v54 =	vld [tilespmem:s12+$0x4160];
	v32 =	vmax.f32 v32, $0.0e+00;
	v30 =	vadd.f32 v48, v49  }
0xe4: {  	v55 =	vld [tilespmem:s12+$0x560];
	v26 =	vadd.f32 v27, v26;
	v27 =	vmul.f32 v32, v17  }
0xe5: {  	v56 =	vld [tilespmem:s12+$0x4170];
	v30 =	vmax.f32 v30, $0.0e+00;
	v28 =	vadd.f32 v50, v51  }
0xe6: {  	v57 =	vld [tilespmem:s12+$0x570];
	v26 =	vadd.f32 v27, v26;
	v27 =	vmul.f32 v30, v18  }
0xe7: {  	v58 =	vld [tilespmem:s12+$0x4500];
	v28 =	vmax.f32 v28, $0.0e+00;
	v29 =	vadd.f32 v52, v53  }
0xe8: {  	v59 =	vld [tilespmem:s12+$0x900];
	v26 =	vadd.f32 v27, v26;
	v27 =	vmul.f32 v28, v19  }
0xe9: {  	v60 =	vld [tilespmem:s12+$0x4510];
	v31 =	vadd.f32 v54, v55;
	v29 =	vmax.f32 v29, $0.0e+00  }
0xea: {  	v61 =	vld [tilespmem:s12+$0x910];
	v26 =	vadd.f32 v27, v26;
	v27 =	vmul.f32 v29, v20  }
0xeb: {  	v31 =	vmax.f32 v31, $0.0e+00;
	v30 =	vadd.f32 v56, v57  }
0xec: {  	v26 =	vadd.f32 v27, v26;
	v27 =	vmul.f32 v31, v21  }
0xed: {  	v30 =	vmax.f32 v30, $0.0e+00;
	v28 =	vadd.f32 v58, v59  }
0xee: {  	v26 =	vadd.f32 v27, v26;
	v27 =	vmul.f32 v30, v22  }
0xef: {  	v28 =	vmax.f32 v28, $0.0e+00;
	v29 =	vadd.f32 v60, v61  }
0xf0: {  	v26 =	vadd.f32 v27, v26;
	v27 =	vmul.f32 v28, v23  }
0xf1: {  	v62 =	vmax.f32 v29, $0.0e+00  }
0xf2: {  	v26 =	vadd.f32 v27, v26;
	v27 =	vmul.f32 v62, v24;
	_ =	sdelay $0x1  }
0xf3: {  	v26 =	vadd.f32 v27, v26;
	_ =	sdelay $0x1  }
0xf4: {  	v27 =	vperm.xlane v26, v0;
	_ =	sdelay $0x1  }
0xf5: {  	v26 =	vadd.f32 v26, v27;
	_ =	sdelay $0x1  }
0xf6: {  	v27 =	vperm.xlane v26, v1;
	_ =	sdelay $0x1  }
0xf7: {  	v26 =	vadd.f32 v26, v27;
	_ =	sdelay $0x1  }
0xf8: {  	v27 =	vperm.xlane v26, v2;
	_ =	sdelay $0x1  }
0xf9: {  	v26 =	vadd.f32 v26, v27;
	_ =	sdelay $0x1  }
0xfa: {  	s12 =	simm.s32 $0x7940;
	v27 =	vperm.xlane v26, v6  }
0xfb: {  	v63 =	vld [tilespmem:s12+$0xFFFFFFC0]  }
0xfc: {  	v26 =	vadd.f32 v26, v27;
	_ =	sdelay $0x1  }
0xfd: {  	v26 =	vadd.f32 v26, v25;
	_ =	sdelay $0x1  }
0xfe: {  	v27 =	vmul.f32 v26, v63  }
0xff: {  	s13 =	simm.s32 $0x8D40  }
0x100: {  	[tilespmem:s13+$0xFFFFFFC0] =	vst v27  }
0x101: {  	v27 =	vld [tilespmem:s12+$0xFFFFFFD0];
	_ =	sdelay $0x4  }
0x102: {  	v27 =	vmul.f32 v26, v27;
	_ =	sdelay $0x1  }
0x103: {  	[tilespmem:s13+$0xFFFFFFD0] =	vst v27  }
0x104: {  	v27 =	vld [tilespmem:s12+$0xFFFFFFE0];
	_ =	sdelay $0x4  }
0x105: {  	v27 =	vmul.f32 v26, v27;
	_ =	sdelay $0x1  }
0x106: {  	[tilespmem:s13+$0xFFFFFFE0] =	vst v27  }
0x107: {  	v27 =	vld [tilespmem:s12+$0xFFFFFFF0];
	_ =	sdelay $0x4  }
0x108: {  	v27 =	vmul.f32 v27, v26;
	_ =	sdelay $0x1  }
0x109: {  	[tilespmem:s13+$0xFFFFFFF0] =	vst v27  }
0x10a: {  	v27 =	vld [tilespmem:s12+$0x0];
	_ =	sdelay $0x4  }
0x10b: {  	v27 =	vmul.f32 v27, v26;
	_ =	sdelay $0x1  }
0x10c: {  	[tilespmem:s13+$0x0] =	vst v27  }
0x10d: {  	v27 =	vld [tilespmem:s12+$0x10];
	_ =	sdelay $0x4  }
0x10e: {  	v27 =	vmul.f32 v27, v26;
	_ =	sdelay $0x1  }
0x10f: {  	[tilespmem:s13+$0x10] =	vst v27  }
0x110: {  	v27 =	vld [tilespmem:s12+$0x20];
	_ =	sdelay $0x4  }
0x111: {  	v27 =	vmul.f32 v27, v26;
	_ =	sdelay $0x1  }
0x112: {  	[tilespmem:s13+$0x20] =	vst v27  }
0x113: {  	v27 =	vld [tilespmem:s12+$0x30];
	_ =	sdelay $0x3  }
0x114: {  	s21 =	simm.s32 $0x0  }
0x115: {  	s14 =	simm.s32 $0x80;
	s15 =	smul.u32 $0xC00, s21;
	v26 =	vmul.f32 v27, v26  }
0x116: {  	s16 =	sand.u32 $0x380, s14  }
0x117: {  	s16 =	sor.u32 s16, s15;
	[tilespmem:s13+$0x30] =	vst v26  }
0x118: {  	s15 =	simm.s32 $0x2;
	v26 =	vld [tilespmem:s16+$0x3D10]  }
.LBB2_3:
0x119: {  	p0 =	sne.s32 s15, $0x27;
	v27 =	vld [tilespmem:s16+$0x110]  }
0x11a: {  	v28 =	vld [tilespmem:s16+$0x100]  }
0x11b: {  	v29 =	vld [tilespmem:s16+$0x3D00]  }
0x11c: {  	v30 =	vld [tilespmem:s16+$0x3D20]  }
0x11d: {  	v31 =	vld [tilespmem:s16+$0x120]  }
0x11e: {  	v32 =	vld [tilespmem:s16+$0x3D30]  }
0x11f: {  	v33 =	vld [tilespmem:s16+$0x130]  }
0x120: {  	v34 =	vld [tilespmem:s16+$0x3D40]  }
0x121: {  	v26 =	vadd.f32 v26, v27;
	v28 =	vadd.f32 v29, v28;
	v27 =	vld [tilespmem:s16+$0x140]  }
0x122: {  	v29 =	vld [tilespmem:s16+$0x3D50]  }
0x123: {  	v26 =	vmax.f32 v26, $0.0e+00;
	v28 =	vmax.f32 v28, $0.0e+00;
	v30 =	vadd.f32 v30, v31;
	v31 =	vld [tilespmem:s16+$0x150]  }
0x124: {  	v26 =	vmul.f32 v26, v8;
	v28 =	vmul.f32 v28, v7;
	v35 =	vld [tilespmem:s16+$0x3D60]  }
0x125: {  	s12 =	sadd.s32 $0x80, s12;
	v30 =	vmax.f32 v30, $0.0e+00;
	v32 =	vadd.f32 v32, v33;
	v33 =	vld [tilespmem:s16+$0x160]  }
0x126: {  	v28 =	vadd.f32 v26, v28;
	v30 =	vmul.f32 v30, v9;
	v26 =	vld [tilespmem:s12+$0xFFFFFFC0]  }
0x127: {  	v32 =	vmax.f32 v32, $0.0e+00;
	v27 =	vadd.f32 v34, v27;
	v34 =	vld [tilespmem:s16+$0x170]  }
0x128: {  	v28 =	vadd.f32 v30, v28;
	v30 =	vmul.f32 v32, v10;
	v32 =	vld [tilespmem:s16+$0x3D70]  }
0x129: {  	v27 =	vmax.f32 v27, $0.0e+00;
	v29 =	vadd.f32 v29, v31;
	v31 =	vld [tilespmem:s16+$0x4100]  }
0x12a: {  	v28 =	vadd.f32 v30, v28;
	v27 =	vmul.f32 v27, v11;
	v30 =	vld [tilespmem:s16+$0x500]  }
0x12b: {  	v29 =	vmax.f32 v29, $0.0e+00;
	v33 =	vadd.f32 v35, v33;
	v35 =	vld [tilespmem:s16+$0x4110]  }
0x12c: {  	v27 =	vadd.f32 v27, v28;
	v28 =	vmul.f32 v29, v12;
	v29 =	vld [tilespmem:s16+$0x510]  }
0x12d: {  	v33 =	vmax.f32 v33, $0.0e+00;
	v32 =	vadd.f32 v32, v34;
	v34 =	vld [tilespmem:s16+$0x4120]  }
0x12e: {  	v27 =	vadd.f32 v28, v27;
	v28 =	vmul.f32 v33, v13;
	v33 =	vld [tilespmem:s16+$0x520]  }
0x12f: {  	v32 =	vmax.f32 v32, $0.0e+00;
	v30 =	vadd.f32 v31, v30;
	v31 =	vld [tilespmem:s16+$0x4130]  }
0x130: {  	v27 =	vadd.f32 v28, v27;
	v28 =	vmul.f32 v32, v14;
	v32 =	vld [tilespmem:s16+$0x530]  }
0x131: {  	v30 =	vmax.f32 v30, $0.0e+00;
	v29 =	vadd.f32 v35, v29;
	v35 =	vld [tilespmem:s16+$0x4140]  }
0x132: {  	v27 =	vadd.f32 v28, v27;
	v28 =	vmul.f32 v30, v15;
	v30 =	vld [tilespmem:s16+$0x540]  }
0x133: {  	v29 =	vmax.f32 v29, $0.0e+00;
	v33 =	vadd.f32 v34, v33;
	v34 =	vld [tilespmem:s16+$0x4150]  }
0x134: {  	v27 =	vadd.f32 v28, v27;
	v28 =	vmul.f32 v29, v16;
	v29 =	vld [tilespmem:s16+$0x550]  }
0x135: {  	v33 =	vmax.f32 v33, $0.0e+00;
	v31 =	vadd.f32 v31, v32;
	v32 =	vld [tilespmem:s16+$0x4160]  }
0x136: {  	v27 =	vadd.f32 v28, v27;
	v28 =	vmul.f32 v33, v17;
	v33 =	vld [tilespmem:s16+$0x560]  }
0x137: {  	v31 =	vmax.f32 v31, $0.0e+00;
	v30 =	vadd.f32 v35, v30;
	v35 =	vld [tilespmem:s16+$0x4170]  }
0x138: {  	v27 =	vadd.f32 v28, v27;
	v28 =	vmul.f32 v31, v18;
	v31 =	vld [tilespmem:s16+$0x570]  }
0x139: {  	v30 =	vmax.f32 v30, $0.0e+00;
	v29 =	vadd.f32 v34, v29;
	v34 =	vld [tilespmem:s16+$0x4500]  }
0x13a: {  	v27 =	vadd.f32 v28, v27;
	v28 =	vmul.f32 v30, v19;
	v30 =	vld [tilespmem:s16+$0x900]  }
0x13b: {  	v29 =	vmax.f32 v29, $0.0e+00;
	v32 =	vadd.f32 v32, v33;
	v33 =	vld [tilespmem:s16+$0x4510]  }
0x13c: {  	v27 =	vadd.f32 v28, v27;
	v28 =	vmul.f32 v29, v20;
	v29 =	vld [tilespmem:s16+$0x910]  }
0x13d: {  	v32 =	vmax.f32 v32, $0.0e+00;
	v31 =	vadd.f32 v35, v31  }
0x13e: {  	v27 =	vadd.f32 v28, v27;
	v28 =	vmul.f32 v32, v21  }
0x13f: {  	v31 =	vmax.f32 v31, $0.0e+00;
	v30 =	vadd.f32 v34, v30  }
0x140: {  	v27 =	vadd.f32 v28, v27;
	v28 =	vmul.f32 v31, v22  }
0x141: {  	v30 =	vmax.f32 v30, $0.0e+00;
	v29 =	vadd.f32 v33, v29  }
0x142: {  	v27 =	vadd.f32 v28, v27;
	v28 =	vmul.f32 v30, v23  }
0x143: {  	v29 =	vmax.f32 v29, $0.0e+00  }
0x144: {  	v27 =	vadd.f32 v28, v27;
	v28 =	vmul.f32 v29, v24;
	_ =	sdelay $0x1  }
0x145: {  	v27 =	vadd.f32 v28, v27;
	_ =	sdelay $0x1  }
0x146: {  	v28 =	vperm.xlane v27, v0;
	_ =	sdelay $0x1  }
0x147: {  	v27 =	vadd.f32 v27, v28;
	_ =	sdelay $0x1  }
0x148: {  	v28 =	vperm.xlane v27, v1;
	_ =	sdelay $0x1  }
0x149: {  	v27 =	vadd.f32 v27, v28;
	_ =	sdelay $0x1  }
0x14a: {  	v28 =	vperm.xlane v27, v2;
	_ =	sdelay $0x1  }
0x14b: {  	v27 =	vadd.f32 v27, v28;
	_ =	sdelay $0x1  }
0x14c: {  	v28 =	vperm.xlane v27, v6;
	_ =	sdelay $0x1  }
0x14d: {  	v27 =	vadd.f32 v27, v28;
	_ =	sdelay $0x1  }
0x14e: {  	v27 =	vadd.f32 v27, v25;
	_ =	sdelay $0x1  }
0x14f: {  	v26 =	vmul.f32 v27, v26  }
0x150: {  	s13 =	sadd.s32 $0x80, s13  }
0x151: {  	[tilespmem:s13+$0xFFFFFFC0] =	vst v26  }
0x152: {  	v26 =	vld [tilespmem:s12+$0xFFFFFFD0];
	_ =	sdelay $0x4  }
0x153: {  	v26 =	vmul.f32 v27, v26;
	_ =	sdelay $0x1  }
0x154: {  	[tilespmem:s13+$0xFFFFFFD0] =	vst v26  }
0x155: {  	v26 =	vld [tilespmem:s12+$0xFFFFFFE0];
	_ =	sdelay $0x4  }
0x156: {  	v26 =	vmul.f32 v27, v26;
	_ =	sdelay $0x1  }
0x157: {  	[tilespmem:s13+$0xFFFFFFE0] =	vst v26  }
0x158: {  	v26 =	vld [tilespmem:s12+$0xFFFFFFF0];
	_ =	sdelay $0x4  }
0x159: {  	v26 =	vmul.f32 v26, v27;
	_ =	sdelay $0x1  }
0x15a: {  	[tilespmem:s13+$0xFFFFFFF0] =	vst v26  }
0x15b: {  	v26 =	vld [tilespmem:s12+$0x0];
	_ =	sdelay $0x4  }
0x15c: {  	v26 =	vmul.f32 v26, v27;
	_ =	sdelay $0x1  }
0x15d: {  	[tilespmem:s13+$0x0] =	vst v26  }
0x15e: {  	v26 =	vld [tilespmem:s12+$0x10];
	_ =	sdelay $0x4  }
0x15f: {  	v26 =	vmul.f32 v26, v27;
	_ =	sdelay $0x1  }
0x160: {  	[tilespmem:s13+$0x10] =	vst v26  }
0x161: {  	v26 =	vld [tilespmem:s12+$0x20];
	_ =	sdelay $0x4  }
0x162: {  	v26 =	vmul.f32 v26, v27;
	_ =	sdelay $0x1  }
0x163: {  	[tilespmem:s13+$0x20] =	vst v26  }
0x164: {  	v26 =	vld [tilespmem:s12+$0x30];
	_ =	sdelay $0x3  }
.Ltmp0:
0x165: {  	s16 =	sshrl.u32 s15, $0x3;
	(pc) =	sbr.rel @p0 .LBB2_3-.Ltmp0, $4  }
0x166: {  	s14 =	sadd.s32 $0x80, s14;
	s16 =	smul.u32 $0xC00, s16;
	v26 =	vmul.f32 v26, v27  }
0x167: {  	s21 =	sand.u32 $0x380, s14  }
0x168: {  	s16 =	sor.u32 s21, s16;
	[tilespmem:s13+$0x30] =	vst v26  }
0x169: {  	s15 =	sadd.s32 $0x1, s15;
	v26 =	vld [tilespmem:s16+$0x3D10]  }
0x16a: {  	v27 =	vld [tilespmem:s16+$0x110]  }
0x16b: {  	v28 =	vld [tilespmem:s16+$0x100]  }
0x16c: {  	v29 =	vld [tilespmem:s16+$0x3D00]  }
0x16d: {  	v30 =	vld [tilespmem:s16+$0x3D20]  }
0x16e: {  	v31 =	vld [tilespmem:s16+$0x120]  }
0x16f: {  	v32 =	vld [tilespmem:s16+$0x3D30]  }
0x170: {  	v33 =	vld [tilespmem:s16+$0x130]  }
0x171: {  	v34 =	vld [tilespmem:s16+$0x3D40];
	v28 =	vadd.f32 v29, v28;
	v26 =	vadd.f32 v26, v27  }
0x172: {  	v27 =	vld [tilespmem:s16+$0x140]  }
0x173: {  	v62 =	vld [tilespmem:s16+$0x3D50];
	v30 =	vadd.f32 v30, v31;
	v28 =	vmax.f32 v28, $0.0e+00;
	v26 =	vmax.f32 v26, $0.0e+00  }
0x174: {  	v63 =	vld [tilespmem:s16+$0x150];
	v28 =	vmul.f32 v28, v7;
	v26 =	vmul.f32 v26, v8  }
0x175: {  	v35 =	vld [tilespmem:s16+$0x3D60];
	v32 =	vadd.f32 v32, v33;
	v30 =	vmax.f32 v30, $0.0e+00  }
0x176: {  	v36 =	vld [tilespmem:s16+$0x160];
	v37 =	vmul.f32 v30, v9;
	v26 =	vadd.f32 v26, v28  }
0x177: {  	v39 =	vld [tilespmem:s16+$0x170];
	v38 =	vmax.f32 v32, $0.0e+00;
	v27 =	vadd.f32 v34, v27  }
0x178: {  	v41 =	vld [tilespmem:s16+$0x3D70];
	v40 =	vmul.f32 v38, v10;
	v26 =	vadd.f32 v37, v26  }
0x179: {  	v42 =	vld [tilespmem:s16+$0x4100];
	v29 =	vadd.f32 v62, v63;
	v27 =	vmax.f32 v27, $0.0e+00  }
0x17a: {  	v43 =	vld [tilespmem:s16+$0x500];
	v27 =	vmul.f32 v27, v11;
	v26 =	vadd.f32 v40, v26  }
0x17b: {  	v44 =	vld [tilespmem:s16+$0x4110];
	v33 =	vadd.f32 v35, v36;
	v29 =	vmax.f32 v29, $0.0e+00  }
0x17c: {  	v45 =	vld [tilespmem:s16+$0x510];
	v26 =	vadd.f32 v27, v26;
	v27 =	vmul.f32 v29, v12  }
0x17d: {  	v46 =	vld [tilespmem:s16+$0x4120];
	v33 =	vmax.f32 v33, $0.0e+00;
	v30 =	vadd.f32 v41, v39  }
0x17e: {  	v47 =	vld [tilespmem:s16+$0x520];
	v26 =	vadd.f32 v27, v26;
	v27 =	vmul.f32 v33, v13  }
0x17f: {  	v48 =	vld [tilespmem:s16+$0x4130];
	v30 =	vmax.f32 v30, $0.0e+00;
	v28 =	vadd.f32 v42, v43  }
0x180: {  	v49 =	vld [tilespmem:s16+$0x530];
	v26 =	vadd.f32 v27, v26;
	v27 =	vmul.f32 v30, v14  }
0x181: {  	v50 =	vld [tilespmem:s16+$0x4140];
	v28 =	vmax.f32 v28, $0.0e+00;
	v29 =	vadd.f32 v44, v45  }
0x182: {  	v51 =	vld [tilespmem:s16+$0x540];
	v26 =	vadd.f32 v27, v26;
	v27 =	vmul.f32 v28, v15  }
0x183: {  	v52 =	vld [tilespmem:s16+$0x4150];
	v32 =	vadd.f32 v46, v47;
	v29 =	vmax.f32 v29, $0.0e+00  }
0x184: {  	v53 =	vld [tilespmem:s16+$0x550];
	v26 =	vadd.f32 v27, v26;
	v27 =	vmul.f32 v29, v16  }
0x185: {  	v54 =	vld [tilespmem:s16+$0x4160];
	v32 =	vmax.f32 v32, $0.0e+00;
	v30 =	vadd.f32 v48, v49  }
0x186: {  	v55 =	vld [tilespmem:s16+$0x560];
	v26 =	vadd.f32 v27, v26;
	v27 =	vmul.f32 v32, v17  }
0x187: {  	v56 =	vld [tilespmem:s16+$0x4170];
	v30 =	vmax.f32 v30, $0.0e+00;
	v28 =	vadd.f32 v50, v51  }
0x188: {  	v57 =	vld [tilespmem:s16+$0x570];
	v26 =	vadd.f32 v27, v26;
	v27 =	vmul.f32 v30, v18  }
0x189: {  	v58 =	vld [tilespmem:s16+$0x4500];
	v28 =	vmax.f32 v28, $0.0e+00;
	v29 =	vadd.f32 v52, v53  }
0x18a: {  	v59 =	vld [tilespmem:s16+$0x900];
	v26 =	vadd.f32 v27, v26;
	v27 =	vmul.f32 v28, v19  }
0x18b: {  	v60 =	vld [tilespmem:s16+$0x4510];
	v31 =	vadd.f32 v54, v55;
	v29 =	vmax.f32 v29, $0.0e+00  }
0x18c: {  	v61 =	vld [tilespmem:s16+$0x910];
	v26 =	vadd.f32 v27, v26;
	v27 =	vmul.f32 v29, v20  }
0x18d: {  	v31 =	vmax.f32 v31, $0.0e+00;
	v30 =	vadd.f32 v56, v57  }
0x18e: {  	v26 =	vadd.f32 v27, v26;
	v27 =	vmul.f32 v31, v21  }
0x18f: {  	v30 =	vmax.f32 v30, $0.0e+00;
	v28 =	vadd.f32 v58, v59  }
0x190: {  	v26 =	vadd.f32 v27, v26;
	v27 =	vmul.f32 v30, v22  }
0x191: {  	v28 =	vmax.f32 v28, $0.0e+00;
	v29 =	vadd.f32 v60, v61  }
0x192: {  	v26 =	vadd.f32 v27, v26;
	v27 =	vmul.f32 v28, v23  }
0x193: {  	v62 =	vmax.f32 v29, $0.0e+00  }
0x194: {  	v26 =	vadd.f32 v27, v26;
	v27 =	vmul.f32 v62, v24;
	_ =	sdelay $0x1  }
0x195: {  	v26 =	vadd.f32 v27, v26;
	_ =	sdelay $0x1  }
0x196: {  	v27 =	vperm.xlane v26, v0;
	_ =	sdelay $0x1  }
0x197: {  	v26 =	vadd.f32 v26, v27;
	_ =	sdelay $0x1  }
0x198: {  	v27 =	vperm.xlane v26, v1;
	_ =	sdelay $0x1  }
0x199: {  	v26 =	vadd.f32 v26, v27;
	_ =	sdelay $0x1  }
0x19a: {  	v27 =	vperm.xlane v26, v2;
	_ =	sdelay $0x1  }
0x19b: {  	v26 =	vadd.f32 v26, v27;
	_ =	sdelay $0x1  }
0x19c: {  	s12 =	sadd.s32 $0x80, s12;
	v27 =	vperm.xlane v26, v6  }
0x19d: {  	v63 =	vld [tilespmem:s12+$0xFFFFFFC0]  }
0x19e: {  	v26 =	vadd.f32 v26, v27;
	_ =	sdelay $0x1  }
0x19f: {  	v26 =	vadd.f32 v26, v25;
	_ =	sdelay $0x1  }
0x1a0: {  	v27 =	vmul.f32 v26, v63  }
0x1a1: {  	s13 =	sadd.s32 $0x80, s13  }
0x1a2: {  	[tilespmem:s13+$0xFFFFFFC0] =	vst v27  }
0x1a3: {  	v27 =	vld [tilespmem:s12+$0xFFFFFFD0];
	_ =	sdelay $0x4  }
0x1a4: {  	v27 =	vmul.f32 v26, v27;
	_ =	sdelay $0x1  }
0x1a5: {  	[tilespmem:s13+$0xFFFFFFD0] =	vst v27  }
0x1a6: {  	v27 =	vld [tilespmem:s12+$0xFFFFFFE0];
	_ =	sdelay $0x4  }
0x1a7: {  	v27 =	vmul.f32 v26, v27;
	_ =	sdelay $0x1  }
0x1a8: {  	[tilespmem:s13+$0xFFFFFFE0] =	vst v27  }
0x1a9: {  	v27 =	vld [tilespmem:s12+$0xFFFFFFF0];
	_ =	sdelay $0x4  }
0x1aa: {  	v27 =	vmul.f32 v27, v26;
	_ =	sdelay $0x1  }
0x1ab: {  	[tilespmem:s13+$0xFFFFFFF0] =	vst v27  }
0x1ac: {  	v27 =	vld [tilespmem:s12+$0x0];
	_ =	sdelay $0x4  }
0x1ad: {  	v27 =	vmul.f32 v27, v26;
	_ =	sdelay $0x1  }
0x1ae: {  	[tilespmem:s13+$0x0] =	vst v27  }
0x1af: {  	v27 =	vld [tilespmem:s12+$0x10];
	_ =	sdelay $0x4  }
0x1b0: {  	v27 =	vmul.f32 v27, v26;
	_ =	sdelay $0x1  }
0x1b1: {  	[tilespmem:s13+$0x10] =	vst v27  }
0x1b2: {  	v27 =	vld [tilespmem:s12+$0x20];
	_ =	sdelay $0x4  }
0x1b3: {  	v27 =	vmul.f32 v27, v26;
	_ =	sdelay $0x1  }
0x1b4: {  	[tilespmem:s13+$0x20] =	vst v27  }
0x1b5: {  	v27 =	vld [tilespmem:s12+$0x30];
	_ =	sdelay $0x4  }
0x1b6: {  	s10 =	sadd.s32 $0x1, s10;
	v26 =	vmul.f32 v27, v26  }
0x1b7: {  	p0 =	sne.s32 s10, $0x7D  }
.Ltmp1:
0x1b8: {  	s21 =	rddreg [dreg:$0x3];
	[tilespmem:s13+$0x30] =	vst v26;
	(pc) =	sbr.rel @p0 .LBB2_2-.Ltmp1, $4  }
0x1b9: {  	[spmem:s21] =	stream.indirect.scatter.add.f32 [tilespmem:s9], [sflag:$0x2], $0x80, s7, s1, $0xb8;
	[tilespmem:$0x1E300] =	vst v63  }
0x1ba: {  	_ =	swait.ge [sflag:s0], $0x1400  }
0x1bb: {  	[sflag:s0] =	ssyncset.done $0x0  }
0x1bc: {  	[sflag:s0] =	ssyncadd.s32 $0xFFFFEC00  }
0x1bd: {  	[bflag:$0x0] =	sbarrier.arrive $0xFFFF  }
0x1be: {  	s10 =	rddreg [dreg:$0x8]  }
0x1bf: {  	s14 =	rddreg [dreg:$0xe]  }
0x1c0: {  	s12 =	rddreg [dreg:$0x19]  }
0x1c1: {  	[hbm:s10], [sflag:s14] =	dma.local [spmem:s12], $0x800  }
0x1c2: {  	_ =	swait.ge [sflag:s0], $0x800  }
0x1c3: {  	[sflag:s0] =	ssyncset.done $0x0;
	s16 =	rddreg [dreg:$0x9]  }
0x1c4: {  	s21 =	rddreg [dreg:$0x14];
	[sflag:s0] =	ssyncadd.s32 $0xFFFFF800  }
0x1c5: {  	[hbm:s16], [sflag:s14] =	dma.local [spmem:s21], $0x800  }
0x1c6: {  	_ =	swait.ge [sflag:s0], $0x800  }
0x1c7: {  	[sflag:s0] =	ssyncset.done $0x0;
	s13 =	rddreg [dreg:$0xa]  }
0x1c8: {  	s15 =	rddreg [dreg:$0x15];
	[sflag:s0] =	ssyncadd.s32 $0xFFFFF800  }
0x1c9: {  	[hbm:s13], [sflag:s14] =	dma.local [spmem:s15], $0x800  }
0x1ca: {  	_ =	swait.ge [sflag:s0], $0x800  }
0x1cb: {  	[sflag:s0] =	ssyncset.done $0x0;
	s16 =	rddreg [dreg:$0xb]  }
0x1cc: {  	s21 =	rddreg [dreg:$0x16];
	[sflag:s0] =	ssyncadd.s32 $0xFFFFF800  }
0x1cd: {  	[hbm:s16], [sflag:s14] =	dma.local [spmem:s21], $0x800  }
0x1ce: {  	_ =	swait.ge [sflag:s0], $0x800  }
0x1cf: {  	[sflag:s0] =	ssyncset.done $0x0;
	s13 =	rddreg [dreg:$0xc]  }
0x1d0: {  	s15 =	rddreg [dreg:$0x17];
	[sflag:s0] =	ssyncadd.s32 $0xFFFFF800  }
0x1d1: {  	[hbm:s13], [sflag:s14] =	dma.local [spmem:s15], $0x800  }
0x1d2: {  	_ =	swait.ge [sflag:s0], $0x800  }
0x1d3: {  	s16 =	rddreg [dreg:$0x18]  }
0x1d4: {  	s21 =	rddreg [dreg:$0xf];
	s12 =	sadd.s32 $0x1, s16  }
0x1d5: {  	p0 =	sne.s32 s12, s21  }
.Ltmp2:
0x1d6: {  	_ = 	snop;
	(pc) =	sbr.rel @p0 .LBB2_1-.Ltmp2, $3  }
0x1d7: {  	_ =	sdelay $0x1  }
0x1d8: {  	[sflag:s0] =	ssyncset.done $0x0  }
0x1d9: {  	[sflag:s0] =	ssyncadd.s32 $0xFFFFF800  }
0x1da: {  	_ =	sfence.sel $0x180000  }
0x1db: {  	[bflag:$0x0] =	sbarrier.arrive $0xFFFF  }
0x1dc: {  	_ =	strace $0x9000004A  }
0x1dd: {  	s0 =	stileid.u32;
	[bflag:$0x2] =	sbarrier.arrive $0xFFFF  }
0x1de: {  	p0 =	sne.s32 s0, $0x0;
	s0 =	rddreg [dreg:$0x4]  }
0x1df: {  	s0 =	sadd.s32 @!p0 $0x100000, s0  }
0x1e0: {  	[sflag:s0] =	ssyncadd.tile.s32 @!p0 $0x1;
	_ =	shalt  }
.Lfunc_end2:
_tile_overlayer_lowered:
.L_overlay_start_2:
0x1e1: {  	(tag) =	ssettag $0x2  }
0x1e2: {  	s0 =	rddreg [dreg:$0x0];
	s2 =	stileid.u32  }
0x1e3: {  	s1 =	rddreg [dreg:$0x1];
	p0 =	sne.s32 s2, $0x0  }
0x1e4: {  	s3 =	rddreg [dreg:$0x2];
	[bflag:$0x3] =	sbarrier.arrive $0xFFFF;
	s2 =	simm.s32 @!p0 $0x1C02  }
0x1e5: {  	[timem:s3], [sflag:s2] =	dma.local @!p0 [hbm:s0], s1  }
0x1e6: {  	s0 =	simm.s32 @!p0 $0x2  }
0x1e7: {  	_ =	swait.ge @!p0 [sflag:s0], s1  }
0x1e8: {  	s1 =	ssub.s32 @!p0 $0x0, s1;
	[sflag:s0] =	ssyncset.done @!p0 $0x0  }
0x1e9: {  	[sflag:s0] =	ssyncadd.s32 @!p0 s1  }
0x1ea: {  	[bflag:$0x3] =	sbarrier.arrive $0xFFFF  }
0x1eb: {  	_ =	shalt  }

// kernel: kernel.15.cloned.1.call-start
scs
__scs_entry_jumppad:
0x0: {  	(pc) =	sbr.rel $0x88, $3  }
0x1: {  	(tag) =	ssettag $0x0;
	lr =	simm.s32 $0x1  }
0x2: {  	[smem:$0x3F7A] =	sst lr;
	_ =	strace $0xD0000000  }
0x3: {  	_ = 	snop  }
0x4: {  	_ = 	snop  }
0x5: {  	_ = 	snop  }
0x6: {  	_ = 	snop  }
0x7: {  	_ = 	snop  }
__scs_overlays_trampoline_lowered:
0x8: {  	[smem:$0x3F89] =	sst s0  }
0x9: {  	[smem:$0x3F8A] =	sst s1  }
0xa: {  	[smem:$0x3F8B] =	sst s2  }
0xb: {  	[smem:$0x3F8C] =	sst s3  }
0xc: {  	[smem:$0x3F8D] =	sst s4  }
0xd: {  	[smem:$0x3F8E] =	sst s5  }
0xe: {  	[smem:$0x3F8F] =	sst s6  }
0xf: {  	[smem:$0x3F90] =	sst s7  }
0x10: {  	[smem:$0x3F91] =	sst s8  }
0x11: {  	[smem:$0x3F92] =	sst s9;
	s0 =	simm.s32 @!p0 $0x0  }
0x12: {  	s1 =	sld [smem:$0x3F78];
	s0 =	simm.s32 @p0 $0x1  }
0x13: {  	[smem:$0x3F93] =	sst s0;
	s0 =	simm.s32 @!p1 $0x0  }
0x14: {  	s2 =	sld [smem:$0x3F77];
	s0 =	simm.s32 @p1 $0x1  }
0x15: {  	[smem:$0x3F94] =	sst s0;
	s0 =	simm.s32 @!p2 $0x0  }
0x16: {  	s3 =	sld [smem:$0x3FDB];
	s0 =	simm.s32 @p2 $0x1  }
0x17: {  	s4 =	simm.s32 $0x1BF5;
	[smem:$0x3F96] =	sst s0  }
0x18: {  	s0 =	sld [smem:$0x3F79];
	_ =	swait.ge [sflag:s4], $0x0  }
0x19: {  	s7 =	sld [smem:$0x3F7A]  }
0x1a: {  	s8 =	sadd.s32 $0xFFFFE003, lr  }
0x1b: {  	s9 =	sadd.s32 $0xFFFFFEF7, lr;
	s5 =	simm.s32 $0xFFFFFFFF;
	p2 =	slt.u32 s8, $0xFFFFF086  }
0x1c: {  	p1 =	slt.u32 s9, $0xF7A;
	s5 =	simm.s32 @!p2 $0x0  }
0x1d: {  	s5 =	simm.s32 @p1 $0x1;
	p0 =	seq.s32 s7, s2  }
0x1e: {  	s7 =	smul.u32 @!p0 $0xF7A, s2;
	p2 =	seq.s32 @!p0 s5, $0x0  }
0x1f: {  	s9 =	smul.u32 $0xF7A, s1;
	s8 =	simm.s32 @!p0 $0x1BF5;
	p2 =	por !p2, p0  }
0x20: {  	[sflag:s8] =	ssyncset.s32 @!p0 $0xFFFFF086;
	s6 =	sadd.s32 @!p0 s3, s7;
	s7 =	simm.s32 @!p0 $0x108  }
0x21: {  	s3 =	sadd.s32 s3, s9;
	s6 =	sadd.s32 @!p0 $0x88, s6;
	s7 =	simm.s32 @p2 $0x1082  }
0x22: {  	[simem:s7], [sflag:s8] =	dma.local @!p0 [hbm:s6], $0xF7A  }
0x23: {  	s9 =	sor.u32 $0xD0000000, s2;
	s6 =	simm.s32 $0x108;
	_ =	swait.ge @!p0 [sflag:s8], $0x0  }
0x24: {  	s3 =	sadd.s32 $0x88, s3;
	s6 =	simm.s32 @!p1 $0x1082;
	[sflag:s4] =	ssyncset.s32 $0xFFFFF086  }
0x25: {  	[simem:s6], [sflag:s4] =	dma.local [hbm:s3], $0xF7A  }
0x26: {  	[smem:$0x3F7A] =	sst s1;
	(tag) =	ssettag s2;
	_ =	strace s9  }
0x27: {  	s1 =	sld [smem:$0x3F8A]  }
0x28: {  	s2 =	sld [smem:$0x3F8B]  }
0x29: {  	s4 =	sld [smem:$0x3F8D]  }
0x2a: {  	p0 =	seq.s32 s5, $0x0;
	s5 =	sld [smem:$0x3F8E]  }
0x2b: {  	s6 =	sld [smem:$0x3F8F]  }
0x2c: {  	s7 =	sld [smem:$0x3F90]  }
0x2d: {  	s3 =	simm.s32 $0x108;
	s8 =	sld [smem:$0x3F91]  }
0x2e: {  	s3 =	simm.s32 @!p0 $0x1082;
	s9 =	sld [smem:$0x3F92]  }
0x2f: {  	lr =	sadd.s32 s0, s3;
	s0 =	sld [smem:$0x3F89]  }
0x30: {  	s3 =	sld [smem:$0x3F8C]  }
0x31: {  	[smem:$0x3F95] =	sst s10  }
0x32: {  	s10 =	sld [smem:$0x3F93];
	_ =	sdelay $0x3  }
0x33: {  	p0 =	seq.s32 s10, $0x1;
	s10 =	sld [smem:$0x3F95];
	_ =	sdelay $0x3  }
0x34: {  	[smem:$0x3F95] =	sst s10  }
0x35: {  	s10 =	sld [smem:$0x3F94];
	_ =	sdelay $0x3  }
0x36: {  	p1 =	seq.s32 s10, $0x1;
	s10 =	sld [smem:$0x3F95];
	_ =	sdelay $0x3  }
0x37: {  	[smem:$0x3F95] =	sst s10  }
0x38: {  	s10 =	sld [smem:$0x3F96]  }
0x39: {  	_ = 	snop;
	(pc) =	sbr.ind lr, $3  }
0x3a: {  	_ = 	snop  }
0x3b: {  	_ = 	snop  }
0x3c: {  	p2 =	seq.s32 s10, $0x1;
	s10 =	sld [smem:$0x3F95]  }
0x3d: {  	_ =	shalt  }
0x3e: {  	_ =	shalt  }
0x3f: {  	_ =	shalt  }
0x40: {  	_ =	shalt  }
0x41: {  	_ =	shalt  }
0x42: {  	_ =	shalt  }
0x43: {  	_ =	shalt  }
0x44: {  	_ =	shalt  }
0x45: {  	_ =	shalt  }
0x46: {  	_ =	shalt  }
0x47: {  	_ =	shalt  }
0x48: {  	_ =	shalt  }
0x49: {  	_ =	shalt  }
0x4a: {  	_ =	shalt  }
0x4b: {  	_ =	shalt  }
0x4c: {  	_ =	shalt  }
0x4d: {  	_ =	shalt  }
0x4e: {  	_ =	shalt  }
0x4f: {  	_ =	shalt  }
0x50: {  	_ =	shalt  }
0x51: {  	_ =	shalt  }
0x52: {  	_ =	shalt  }
0x53: {  	_ =	shalt  }
0x54: {  	_ =	shalt  }
0x55: {  	_ =	shalt  }
0x56: {  	_ =	shalt  }
0x57: {  	_ =	shalt  }
0x58: {  	_ =	shalt  }
0x59: {  	_ =	shalt  }
0x5a: {  	_ =	shalt  }
0x5b: {  	_ =	shalt  }
0x5c: {  	_ =	shalt  }
0x5d: {  	_ =	shalt  }
0x5e: {  	_ =	shalt  }
0x5f: {  	_ =	shalt  }
0x60: {  	_ =	shalt  }
0x61: {  	_ =	shalt  }
0x62: {  	_ =	shalt  }
0x63: {  	_ =	shalt  }
0x64: {  	_ =	shalt  }
0x65: {  	_ =	shalt  }
0x66: {  	_ =	shalt  }
0x67: {  	_ =	shalt  }
0x68: {  	_ =	shalt  }
0x69: {  	_ =	shalt  }
0x6a: {  	_ =	shalt  }
0x6b: {  	_ =	shalt  }
0x6c: {  	_ =	shalt  }
0x6d: {  	_ =	shalt  }
0x6e: {  	_ =	shalt  }
0x6f: {  	_ =	shalt  }
0x70: {  	_ =	shalt  }
0x71: {  	_ =	shalt  }
0x72: {  	_ =	shalt  }
0x73: {  	_ =	shalt  }
0x74: {  	_ =	shalt  }
0x75: {  	_ =	shalt  }
0x76: {  	_ =	shalt  }
0x77: {  	_ =	shalt  }
0x78: {  	_ =	shalt  }
0x79: {  	_ =	shalt  }
0x7a: {  	_ =	shalt  }
0x7b: {  	_ =	shalt  }
0x7c: {  	_ =	shalt  }
0x7d: {  	_ =	shalt  }
0x7e: {  	_ =	shalt  }
0x7f: {  	_ =	shalt  }
0x80: {  	_ =	shalt  }
0x81: {  	_ =	shalt  }
0x82: {  	_ =	shalt  }
0x83: {  	_ =	shalt  }
0x84: {  	_ =	shalt  }
0x85: {  	_ =	shalt  }
0x86: {  	_ =	shalt  }
0x87: {  	_ =	shalt  }
.Lfunc_end0:
.L_simem_size_0:
called_computation.3_lowered:
.L_overlay_start_0:
0x88: {  	s2 =	sld [smem:$0x3FD9]  }
0x89: {  	s3 =	sld [smem:$0x3FFE];
	_ =	sdelay $0x1  }
0x8a: {  	s1 =	srdreg.scid  }
0x8b: {  	s0 =	sand.u32 $0x1, s1  }
0x8c: {  	s14 =	sshll.u32 s0, $0xA;
	s2 =	sadd.s32 s3, s2  }
0x8d: {  	s2 =	sadd.s32 s2, s14  }
0x8e: {  	[smem:$0x3FA1] =	sst s2  }
0x8f: {  	_ = 	snop  }
0x90: {  	s2 =	sld [smem:$0x3FD0];
	_ =	sdelay $0x2  }
0x91: {  	s15 =	simm.s32 $0xA;
	s4 =	simm.s32 $0x10  }
0x92: {  	[smem:s4], [sflag:s15] =	dma.local [hbm:s2], $0x1  }
0x93: {  	_ =	swait.eq [sflag:s15], $0x1  }
0x94: {  	[sflag:s15] =	ssyncset.done $0x0  }
0x95: {  	s16 =	sld [smem:$0x10];
	[sflag:s15] =	ssyncadd.s32 $0xFFFFFFFF  }
0x96: {  	s17 =	sld [smem:$0x11];
	(tm) =	ssettm $0x1  }
0x97: {  	s18 =	sld [smem:$0x3FFB];
	_ =	sdelay $0x3  }
0x98: {  	_ =	strace s18  }
0x99: {  	s4 =	sld [smem:$0x3FFC];
	_ =	sdelay $0x3  }
0x9a: {  	_ =	strace s4  }
0x9b: {  	s4 =	sld [smem:$0x3FFD];
	_ =	sdelay $0x3  }
0x9c: {  	_ =	strace s4  }
0x9d: {  	_ =	strace $0x8FFFFFFF  }
0x9e: {  	s19 =	sld [smem:$0x3FDB];
	_ =	sdelay $0x1  }
0x9f: {  	s5 =	simm.s32 $_scs_section_size  }
0xa0: {  	s6 =	simm.s32 $_size__tile_overlayer_lowered;
	s7 =	simm.s32 $_tile_overlayer_lowered  }
0xa1: {  	s22 =	simm.s32 $0x1BFF;
	s21 =	sshll.u32 s7, $0x1;
	s4 =	sadd.s32 s5, s19  }
0xa2: {  	s8 =	simm.s32 $0x0;
	s20 =	sshll.u32 s6, $0x1;
	s6 =	sadd.s32 s21, s4  }
0xa3: {  	[timem:s8], [sflag:s22] =	dma.local [hbm:s6], s20  }
0xa4: {  	_ =	swait.ge [sflag:s22], s20  }
0xa5: {  	s5 =	ssub.s32 $0x0, s20;
	[sflag:s22] =	ssyncset.done $0x0  }
0xa6: {  	[sflag:s22] =	ssyncadd.s32 s5;
	_ =	sdelay $0x1  }
0xa7: {  	s23 =	simm.s32 $0x1B8B  }
0xa8: {  	_ =	swait.ge [sflag:s23], $0x1  }
0xa9: {  	[sflag:s23] =	ssyncset.done $0x0  }
0xaa: {  	s25 =	simm.s32 $0x1B8E;
	s24 =	sld [smem:$0x3FFE];
	[sflag:s23] =	ssyncadd.s32 $0xFFFFFFFF  }
0xab: {  	s26 =	simm.s32 $execute0_lowered;
	[smem:$0x3FD2] =	sst s25  }
0xac: {  	s6 =	sshll.u32 s26, $0x1;
	_ =	strace $0x8000004C;
	[dreg:$0x1] =	wrdreg $0xFFFFFFFF  }
0xad: {  	s28 =	simm.s32 $_size_execute0_lowered;
	s4 =	sadd.s32 s4, s6;
	[dreg:$0x0] =	wrdreg $0x0  }
0xae: {  	s6 =	sshll.u32 s28, $0x1;
	[dreg:$0x2] =	wrdreg s4  }
0xaf: {  	[dreg:$0x3] =	wrdreg s6  }
0xb0: {  	[dreg:$0x4] =	wrdreg $0xC0  }
0xb1: {  	_ =	task [dreg:s8], $0x5FFFF  }
0xb2: {  	[dreg:$0x1] =	wrdreg $0xFFFFFFFF  }
0xb3: {  	[dreg:$0x0] =	wrdreg $0x60  }
0xb4: {  	[dreg:$0x2] =	wrdreg s24  }
0xb5: {  	[dreg:$0x3] =	wrdreg s16  }
0xb6: {  	[dreg:$0x4] =	wrdreg s17  }
0xb7: {  	[dreg:$0x5] =	wrdreg $0xA3000  }
0xb8: {  	[dreg:$0x6] =	wrdreg $0x9  }
0xb9: {  	_ =	task.clear_ibuf [dreg:s8], $0x7FFFF;
	_ =	strace $0x9000004C  }
0xba: {  	s29 =	simm.s32 $0x9;
	_ =	strace $0x8000004E  }
0xbb: {  	_ =	swait.ge [sflag:s29], $0x1  }
0xbc: {  	[sflag:s29] =	ssyncadd.s32 $0xFFFFFFFF  }
0xbd: {  	_ =	strace $0x9000004E  }
0xbe: {  	_ =	sfence  }
0xbf: {  	s30 =	sld [smem:$0x0];
	_ =	sdelay $0x2  }
0xc0: {  	s31 =	sshll.u32 s1, $0xD;
	s1 =	sshrl.u32 s1, $0x2  }
0xc1: {  	s3 =	sand.u32 $0x4000, s31;
	s1 =	sadd.s32 s1, s30  }
0xc2: {  	s0 =	sor.u32 s3, s0;
	s1 =	sshll.u32 s1, $0x11  }
0xc3: {  	s0 =	sor.u32 s1, s0  }
0xc4: {  	s0 =	sadd.s32 $0x8F2B, s0  }
0xc5: {  	[sflag:s0] =	ssyncadd.remote.s32 $0x1  }
0xc6: {  	_ =	sfence.sel $0xFFFF  }
0xc7: {  	[dreg:$0x0] =	wrdreg $0xFFFFFFFF;
	(pc) =	sbr.abs _section_cstart, $3  }
0xc8: {  	[dreg:$0x1] =	wrdreg $0xFFFFFFFF  }
0xc9: {  	_ =	task.clear_ibuf [dreg:s8], $0x2FFFF;
	_ =	strace $0x9FFFFFFF  }
0xca: {  	(tm) =	ssettm $0x7FFFFFFF  }
0xcb: {  	_ =	shalt  }
tec
execute0_lowered:
.L_overlay_start_1:
0x0: {  	(tag) =	ssettag $0x1  }
0x1: {  	s0 =	rddreg [dreg:$0x0]  }
0x2: {  	s2 =	rddreg [dreg:$0x2]  }
0x3: {  	s16 =	rddreg [dreg:$0x3];
	s1 =	simm.s32 $0x0;
	s15 =	srdreg.scid  }
0x4: {  	s28 =	simm.s32 $0x5500;
	s29 =	simm.s32 $0x5D00;
	s30 =	simm.s32 $0x6100  }
0x5: {  	[smem:$0x7FF] =	sst s1;
	s5 =	sadd.s32 $0x1FC00, s0;
	s6 =	sadd.s32 $0x24C00, s0  }
0x6: {  	s8 =	sadd.s32 $0x9CC00, s0;
	s3 =	sadd.s32 $0x5400, s0;
	s1 =	sand.u32 $0x1, s15  }
0x7: {  	s17 =	sadd.s32 $0x4800, s0;
	_ =	strace $0x8000004D;
	[dreg:$0x5] =	wrdreg s3  }
0x8: {  	s4 =	sadd.s32 $0x4A00, s0;
	s9 =	sadd.s32 $0xC4C00, s0;
	[dreg:$0x6] =	wrdreg s17  }
0x9: {  	s31 =	sadd.s32 $0x100, s2;
	s17 =	stileid.u32;
	s18 =	smul.u32 $0x140000, s1  }
0xa: {  	[dreg:$0x7] =	wrdreg s4;
	s19 =	ssub.s32 $0x2, s1;
	s7 =	smul.u32 $0x14000, s17  }
0xb: {  	s1 =	sshll.u32 s1, $0x4;
	s10 =	sshrl.u32 s19, $0x1;
	s11 =	smul.u32 $0x50000, s17  }
0xc: {  	s25 =	sshll.u32 s17, $0x6;
	s1 =	sor.u32 s17, s1;
	s4 =	ssub.s32 s19, s10  }
0xd: {  	s19 =	smul.u32 $0x1388, s1;
	s1 =	simm.s32 $0x28;
	s20 =	sadd.s32 s18, s7  }
0xe: {  	s12 =	sadd.s32 $0x4000, s7;
	s11 =	sshrl.u32 s11, $0x2;
	s22 =	sadd.s32 $0x8000, s7  }
0xf: {  	s23 =	sadd.s32 $0xC000, s7;
	s7 =	sadd.s32 $0x10000, s7;
	s10 =	sshrl.u32 s20, $0x3  }
0x10: {  	s13 =	sadd.s32 s18, s12;
	s14 =	sadd.s32 s18, s22;
	s15 =	sadd.s32 s18, s23  }
0x11: {  	s3 =	sadd.s32 s18, s7;
	s26 =	sadd.s32 s11, s16;
	s20 =	sadd.s32 $0x24D00, s0  }
0x12: {  	s11 =	smax.u32 s4, $0x1;
	s12 =	sadd.s32 s12, s16;
	s17 =	sadd.s32 s23, s16  }
0x13: {  	s7 =	sadd.s32 s7, s16;
	s10 =	sadd.s32 s9, s10;
	s21 =	sshrl.u32 s13, $0x3  }
0x14: {  	s14 =	sshrl.u32 s14, $0x3;
	s15 =	sshrl.u32 s15, $0x3;
	[dreg:$0xf] =	wrdreg s11  }
0x15: {  	s3 =	sshrl.u32 s3, $0x3;
	s18 =	sadd.s32 $0x4000, s26;
	[dreg:$0xd] =	wrdreg s26  }
0x16: {  	s0 =	sshrl.u32 s12, $0x3;
	s11 =	simm.s32 $0x6D00;
	s12 =	simm.s32 $0x0  }
0x17: {  	[dreg:$0x8] =	wrdreg s10;
	s10 =	sadd.s32 s9, s21;
	s14 =	sadd.s32 s9, s14  }
0x18: {  	v0 =	vimm.s32 $0xFEDCBA98;
	s24 =	sadd.s32 s9, s15;
	s3 =	sadd.s32 s9, s3;
	[dreg:$0x14] =	wrdreg s0  }
0x19: {  	v1 =	vimm.s32 $0x76543210;
	v2 =	vimm.s32 $0xBA98FEDC;
	v3 =	vimm.s32 $0x32107654;
	s15 =	sadd.s32 s22, s16;
	s4 =	sshrl.u32 s18, $0x3;
	[dreg:$0x9] =	wrdreg s10  }
0x1a: {  	v4 =	vimm.s32 $0xDCFE98BA;
	v6 =	vimm.s32 $0x54761032;
	s21 =	sadd.s32 $0x8000, s26;
	s22 =	sadd.s32 $0xC000, s26;
	[dreg:$0xa] =	wrdreg s14  }
0x1b: {  	v5 =	vlaneseq.u32;
	v7 =	vimm.s32 $0xEFCDAB89;
	v8 =	vimm.s32 $0x67452301;
	s9 =	sadd.s32 $0x10000, s26;
	s26 =	sshrl.u32 s7, $0x3;
	[dreg:$0xb] =	wrdreg s24  }
0x1c: {  	v0 =	vunpack.c.l.s4.s8 v0;
	v1 =	vunpack.c.l.s4.s8 v1;
	v2 =	vunpack.c.l.s4.s8 v2;
	s0 =	simm.s32 $0x2;
	s7 =	simm.s32 $0x80;
	[dreg:$0xc] =	wrdreg s3  }
0x1d: {  	v3 =	vunpack.c.l.s4.s8 v3;
	v4 =	vunpack.c.l.s4.s8 v4;
	v6 =	vunpack.c.l.s4.s8 v6;
	s18 =	simm.s32 $0x7500;
	s14 =	sor.u32 $0x1C02, s25;
	[dreg:$0x10] =	wrdreg s4  }
0x1e: {  	v7 =	vunpack.c.l.s4.s8 v7;
	v8 =	vunpack.c.l.s4.s8 v8;
	v0 =	vunpack.c.0.s8.s32 v0;
	s4 =	sshrl.u32 s21, $0x3;
	s23 =	sshrl.u32 s9, $0x3;
	[dreg:$0x17] =	wrdreg s26  }
0x1f: {  	v1 =	vunpack.c.0.s8.s32 v1;
	v2 =	vunpack.c.0.s8.s32 v2;
	v3 =	vunpack.c.0.s8.s32 v3;
	s24 =	sshrl.u32 s15, $0x3;
	s25 =	sshrl.u32 s17, $0x3;
	[dreg:$0x11] =	wrdreg s4  }
0x20: {  	v4 =	vunpack.c.0.s8.s32 v4;
	v6 =	vunpack.c.0.s8.s32 v6;
	v0 =	vand.u32 $0xF, v0;
	s26 =	simm.s32 $0x5100;
	s17 =	simm.s32 $0x6900;
	[dreg:$0x13] =	wrdreg s23  }
0x21: {  	vm0 =	vmmov $0xffff;
	v0 =	vcombine.low v0, v1;
	v1 =	vcombine.low v3, v2;
	s3 =	simm.s32 $0x7900;
	s9 =	simm.s32 $0x8D00;
	[dreg:$0x15] =	wrdreg s24  }
0x22: {  	v2 =	vcombine.low v6, v4;
	v6 =	vunpack.c.0.s8.s32 v7;
	v7 =	vunpack.c.0.s8.s32 v8;
	s4 =	sshrl.u32 s22, $0x3;
	[dreg:$0x16] =	wrdreg s25;
	s22 =	simm.s32 $0x3900  }
0x23: {  	vm1 =	vmmov $0xff;
	v9 =	vshrl.u32 v5, $0x3;
	v3 =	vand.u32 $0x7, v5;
	s23 =	simm.s32 $0x3D00;
	s24 =	simm.s32 $0x4500;
	[dreg:$0xe] =	wrdreg s14  }
0x24: {  	v4 =	vmul.u32 $0x8, v9;
	v5 =	vor.u32 $0x8, v5;
	v6 =	vcombine.low v7, v6;
	s25 =	simm.s32 $0x4900;
	[dreg:$0x12] =	wrdreg s4;
	s4 =	simm.s32 $0x1  }
.LBB2_1:
0x25: {  	[dreg:$0x18] =	wrdreg s12  }
0x26: {  	s10 =	rddreg [dreg:$0xd]  }
0x27: {  	s13 =	sshrl.u32 s10, $0x3;
	s10 =	rddreg [dreg:$0x7]  }
0x28: {  	[dreg:$0x19] =	wrdreg s13  }
0x29: {  	[spmem:s13], [sflag:s14] =	dma.local [hbm:s10], $0x800  }
0x2a: {  	_ =	swait.ge [sflag:s0], $0x800  }
0x2b: {  	[sflag:s0] =	ssyncset.done $0x0  }
0x2c: {  	s15 =	rddreg [dreg:$0x10];
	[sflag:s0] =	ssyncadd.s32 $0xFFFFF800  }
0x2d: {  	[spmem:s15], [sflag:s14] =	dma.local [hbm:s10], $0x800  }
0x2e: {  	_ =	swait.ge [sflag:s0], $0x800  }
0x2f: {  	[sflag:s0] =	ssyncset.done $0x0  }
0x30: {  	s16 =	rddreg [dreg:$0x11];
	[sflag:s0] =	ssyncadd.s32 $0xFFFFF800  }
0x31: {  	[spmem:s16], [sflag:s14] =	dma.local [hbm:s10], $0x800  }
0x32: {  	_ =	swait.ge [sflag:s0], $0x800  }
0x33: {  	[sflag:s0] =	ssyncset.done $0x0  }
0x34: {  	s21 =	rddreg [dreg:$0x12];
	[sflag:s0] =	ssyncadd.s32 $0xFFFFF800  }
0x35: {  	[spmem:s21], [sflag:s14] =	dma.local [hbm:s10], $0x800  }
0x36: {  	_ =	swait.ge [sflag:s0], $0x800  }
0x37: {  	[sflag:s0] =	ssyncset.done $0x0  }
0x38: {  	s13 =	rddreg [dreg:$0x13];
	[sflag:s0] =	ssyncadd.s32 $0xFFFFF800  }
0x39: {  	[spmem:s13], [sflag:s14] =	dma.local [hbm:s10], $0x800  }
0x3a: {  	_ =	swait.ge [sflag:s0], $0x800  }
0x3b: {  	s14 =	simm.s32 $0x0;
	[sflag:s0] =	ssyncset.done $0x0  }
0x3c: {  	s13 =	simm.s32 $0xA100;
	s15 =	rddreg [dreg:$0x5];
	[sflag:s0] =	ssyncadd.s32 $0xFFFFF800  }
0x3d: {  	[tilespmem:s13], [sflag:$0x2] =	stream.linear.gather [hbm4b:s15+s14], $0x180, $0x38;
	[tilespmem:$0x1E300] =	vst v63  }
0x3e: {  	_ =	swait.ge [sflag:s0], $0x180  }
0x3f: {  	[sflag:s0] =	ssyncset.done $0x0  }
0x40: {  	s21 =	simm.s32 $0xA280;
	s16 =	rddreg [dreg:$0x6];
	[sflag:s0] =	ssyncadd.s32 $0xFFFFFE80  }
0x41: {  	[tilespmem:s21], [sflag:$0x2] =	stream.linear.gather [hbm4b:s16+s14], $0x80, $0x38;
	[tilespmem:$0x1E300] =	vst v63  }
0x42: {  	_ =	swait.ge [sflag:s0], $0x80  }
0x43: {  	[sflag:s0] =	ssyncset.done $0x0  }
0x44: {  	[sflag:s0] =	ssyncadd.s32 $0xFFFFFF80  }
0x45: {  	[bflag:$0x0] =	sbarrier.arrive $0xFFFF  }
0x46: {  	v7 =	vld [tilespmem:$0xA100]  }
0x47: {  	v8 =	vld [tilespmem:$0xA110]  }
0x48: {  	v9 =	vld [tilespmem:$0xA120]  }
0x49: {  	v10 =	vld [tilespmem:$0xA130]  }
0x4a: {  	v11 =	vld [tilespmem:$0xA140]  }
0x4b: {  	v12 =	vld [tilespmem:$0xA150]  }
0x4c: {  	v13 =	vld [tilespmem:$0xA160]  }
0x4d: {  	v14 =	vld [tilespmem:$0xA170]  }
0x4e: {  	v15 =	vld [tilespmem:$0xA180]  }
0x4f: {  	v16 =	vld [tilespmem:$0xA190]  }
0x50: {  	v17 =	vld [tilespmem:$0xA1A0]  }
0x51: {  	v18 =	vld [tilespmem:$0xA1B0]  }
0x52: {  	v19 =	vld [tilespmem:$0xA1C0]  }
0x53: {  	v20 =	vld [tilespmem:$0xA1D0]  }
0x54: {  	v21 =	vld [tilespmem:$0xA1E0]  }
0x55: {  	v22 =	vld [tilespmem:$0xA1F0]  }
0x56: {  	v23 =	vld [tilespmem:$0xA200]  }
0x57: {  	v24 =	vld [tilespmem:$0xA210]  }
0x58: {  	s10 =	simm.s32 $0x0;
	v25 =	vld [tilespmem:$0xA280]  }
.LBB2_2:
0x59: {  	s12 =	smul.u32 $0x28, s10;
	_ =	sdelay $0x1  }
0x5a: {  	s12 =	sadd.s32 s19, s12  }
0x5b: {  	s13 =	sshrl.u32 s12, $0x3  }
0x5c: {  	s12 =	simm.s32 $0x0;
	s14 =	sadd.s32 s5, s13  }
0x5d: {  	[tilespmem:s12], [sflag:$0x2] =	stream.linear.gather [hbm4b:s14+s12], $0x28, $0x38;
	[tilespmem:$0x1E300] =	vst v63  }
0x5e: {  	_ =	swait.ge [sflag:s0], $0x28  }
0x5f: {  	[sflag:s0] =	ssyncset.done $0x0  }
0x60: {  	[sflag:s0] =	ssyncadd.s32 $0xFFFFFFD8  }
0x61: {  	s21 =	rddreg [dreg:$0x1]  }
0x62: {  	s13 =	sadd.s32 s21, s13  }
0x63: {  	[tilespmem:s7], [sflag:$0x2] =	stream.linear.gather [hbm4b:s13+s12], $0x28, $0x38;
	[tilespmem:$0x1E300] =	vst v63  }
0x64: {  	_ =	swait.ge [sflag:s0], $0x28  }
0x65: {  	[sflag:s0] =	ssyncset.done $0x0  }
0x66: {  	[sflag:s0] =	ssyncadd.s32 $0xFFFFFFD8  }
0x67: {  	v26 =	vld [tilespmem:$0x80];
	_ =	sdelay $0x4  }
0x68: {  	v27 =	vshrl.u32 v26, $0x3  }
0x69: {  	v27 =	vmul.u32 $0x18, v27  }
0x6a: {  	v26 =	vand.u32 $0x7, v26  }
0x6b: {  	v26 =	vor.u32 v26, v27  }
0x6c: {  	v27 =	vperm.xlane v26, v3;
	_ =	sdelay $0x1  }
0x6d: {  	v27 =	vadd.s32 v4, v27;
	_ =	sdelay $0x1  }
0x6e: {  	v26 =	vperm.xlane v26, v5;
	_ =	sdelay $0x1  }
0x6f: {  	s15 =	simm.s32 $0x100;
	v26 =	vadd.s32 v4, v26  }
0x70: {  	[tilespmem:s15], [sflag:$0x1] =	stream.indirect_vreg.gather [hbm4b:s2+s12], $0x80, v27, vm0, $0xb8;
	[tilespmem:$0x1E300] =	vst v63  }
0x71: {  	s16 =	simm.s32 $0x900  }
0x72: {  	[tilespmem:s16], [sflag:$0x1] =	stream.indirect_vreg.gather [hbm4b:s31+s12], $0x80, v27, vm1, $0xb8;
	[tilespmem:$0x1E300] =	vst v63  }
0x73: {  	s21 =	simm.s32 $0xD00  }
0x74: {  	[tilespmem:s21], [sflag:$0x1] =	stream.indirect_vreg.gather [hbm4b:s2+s12], $0x80, v26, vm0, $0xb8;
	[tilespmem:$0x1E300] =	vst v63  }
0x75: {  	s14 =	simm.s32 $0x1500  }
0x76: {  	[tilespmem:s14], [sflag:$0x1] =	stream.indirect_vreg.gather [hbm4b:s31+s12], $0x80, v26, vm1, $0xb8;
	[tilespmem:$0x1E300] =	vst v63  }
0x77: {  	v26 =	vld [tilespmem:$0x90];
	_ =	sdelay $0x4  }
0x78: {  	v27 =	vshrl.u32 v26, $0x3  }
0x79: {  	v27 =	vmul.u32 $0x18, v27  }
0x7a: {  	v26 =	vand.u32 $0x7, v26  }
0x7b: {  	v26 =	vor.u32 v26, v27  }
0x7c: {  	v27 =	vperm.xlane v26, v3;
	_ =	sdelay $0x1  }
0x7d: {  	v27 =	vadd.s32 v4, v27;
	_ =	sdelay $0x1  }
0x7e: {  	v26 =	vperm.xlane v26, v5;
	_ =	sdelay $0x1  }
0x7f: {  	s15 =	simm.s32 $0x1900;
	v26 =	vadd.s32 v4, v26  }
0x80: {  	[tilespmem:s15], [sflag:$0x1] =	stream.indirect_vreg.gather [hbm4b:s2+s12], $0x80, v27, vm0, $0xb8;
	[tilespmem:$0x1E300] =	vst v63  }
0x81: {  	s16 =	simm.s32 $0x2100  }
0x82: {  	[tilespmem:s16], [sflag:$0x1] =	stream.indirect_vreg.gather [hbm4b:s31+s12], $0x80, v27, vm1, $0xb8;
	[tilespmem:$0x1E300] =	vst v63  }
0x83: {  	s21 =	simm.s32 $0x2500  }
0x84: {  	[tilespmem:s21], [sflag:$0x1] =	stream.indirect_vreg.gather [hbm4b:s2+s12], $0x80, v26, vm0, $0xb8;
	[tilespmem:$0x1E300] =	vst v63  }
0x85: {  	s14 =	simm.s32 $0x2D00  }
0x86: {  	[tilespmem:s14], [sflag:$0x1] =	stream.indirect_vreg.gather [hbm4b:s31+s12], $0x80, v26, vm1, $0xb8;
	[tilespmem:$0x1E300] =	vst v63  }
0x87: {  	v26 =	vld.msk [tilespmem:$0xA0], $0xff;
	_ =	sdelay $0x4  }
0x88: {  	v27 =	vshrl.u32 v26, $0x3  }
0x89: {  	v27 =	vmul.u32 $0x18, v27  }
0x8a: {  	v26 =	vand.u32 $0x7, v26  }
0x8b: {  	v26 =	vor.u32 v26, v27  }
0x8c: {  	v26 =	vperm.xlane v26, v3;
	_ =	sdelay $0x1  }
0x8d: {  	v26 =	vadd.s32 v4, v26;
	_ =	sdelay $0x3  }
0x8e: {  	s15 =	simm.s32 $0x3100  }
0x8f: {  	[tilespmem:s15], [sflag:$0x1] =	stream.indirect_vreg.gather [hbm4b:s2+s12], $0x80, v26, vm0, $0xb8;
	[tilespmem:$0x1E300] =	vst v63  }
0x90: {  	_ = 	snop  }
0x91: {  	[tilespmem:s22], [sflag:$0x1] =	stream.indirect_vreg.gather [hbm4b:s31+s12], $0x80, v26, vm1, $0xb8;
	[tilespmem:$0x1E300] =	vst v63  }
0x92: {  	v26 =	vld [tilespmem:$0x0];
	_ =	sdelay $0x4  }
0x93: {  	v27 =	vshrl.u32 v26, $0x3  }
0x94: {  	v27 =	vmul.u32 $0x18, v27  }
0x95: {  	v26 =	vand.u32 $0x7, v26  }
0x96: {  	v26 =	vor.u32 v26, v27  }
0x97: {  	v27 =	vperm.xlane v26, v3;
	_ =	sdelay $0x1  }
0x98: {  	v27 =	vadd.s32 v4, v27;
	_ =	sdelay $0x1  }
0x99: {  	v26 =	vperm.xlane v26, v5;
	_ =	sdelay $0x1  }
0x9a: {  	v26 =	vadd.s32 v4, v26  }
0x9b: {  	[tilespmem:s23], [sflag:$0x1] =	stream.indirect_vreg.gather [hbm4b:s6+s12], $0x80, v27, vm0, $0xb8;
	[tilespmem:$0x1E300] =	vst v63  }
0x9c: {  	_ = 	snop  }
0x9d: {  	[tilespmem:s24], [sflag:$0x1] =	stream.indirect_vreg.gather [hbm4b:s20+s12], $0x80, v27, vm1, $0xb8;
	[tilespmem:$0x1E300] =	vst v63  }
0x9e: {  	_ = 	snop  }
0x9f: {  	[tilespmem:s25], [sflag:$0x1] =	stream.indirect_vreg.gather [hbm4b:s6+s12], $0x80, v26, vm0, $0xb8;
	[tilespmem:$0x1E300] =	vst v63  }
0xa0: {  	_ = 	snop  }
0xa1: {  	[tilespmem:s26], [sflag:$0x1] =	stream.indirect_vreg.gather [hbm4b:s20+s12], $0x80, v26, vm1, $0xb8;
	[tilespmem:$0x1E300] =	vst v63  }
0xa2: {  	v26 =	vld [tilespmem:$0x10];
	_ =	sdelay $0x4  }
0xa3: {  	v27 =	vshrl.u32 v26, $0x3  }
0xa4: {  	v27 =	vmul.u32 $0x18, v27  }
0xa5: {  	v26 =	vand.u32 $0x7, v26  }
0xa6: {  	v26 =	vor.u32 v26, v27  }
0xa7: {  	v27 =	vperm.xlane v26, v3;
	_ =	sdelay $0x1  }
0xa8: {  	v27 =	vadd.s32 v4, v27;
	_ =	sdelay $0x1  }
0xa9: {  	v26 =	vperm.xlane v26, v5;
	_ =	sdelay $0x1  }
0xaa: {  	v26 =	vadd.s32 v4, v26  }
0xab: {  	[tilespmem:s28], [sflag:$0x1] =	stream.indirect_vreg.gather [hbm4b:s6+s12], $0x80, v27, vm0, $0xb8;
	[tilespmem:$0x1E300] =	vst v63  }
0xac: {  	_ = 	snop  }
0xad: {  	[tilespmem:s29], [sflag:$0x1] =	stream.indirect_vreg.gather [hbm4b:s20+s12], $0x80, v27, vm1, $0xb8;
	[tilespmem:$0x1E300] =	vst v63  }
0xae: {  	_ = 	snop  }
0xaf: {  	[tilespmem:s30], [sflag:$0x1] =	stream.indirect_vreg.gather [hbm4b:s6+s12], $0x80, v26, vm0, $0xb8;
	[tilespmem:$0x1E300] =	vst v63  }
0xb0: {  	_ = 	snop  }
0xb1: {  	[tilespmem:s17], [sflag:$0x1] =	stream.indirect_vreg.gather [hbm4b:s20+s12], $0x80, v26, vm1, $0xb8;
	[tilespmem:$0x1E300] =	vst v63  }
0xb2: {  	v26 =	vld.msk [tilespmem:$0x20], $0xff;
	_ =	sdelay $0x4  }
0xb3: {  	v27 =	vshrl.u32 v26, $0x3  }
0xb4: {  	v27 =	vmul.u32 $0x18, v27  }
0xb5: {  	v26 =	vand.u32 $0x7, v26  }
0xb6: {  	v26 =	vor.u32 v26, v27  }
0xb7: {  	v26 =	vperm.xlane v26, v3;
	_ =	sdelay $0x1  }
0xb8: {  	v26 =	vadd.s32 v4, v26;
	_ =	sdelay $0x4  }
0xb9: {  	[tilespmem:s11], [sflag:$0x1] =	stream.indirect_vreg.gather [hbm4b:s6+s12], $0x80, v26, vm0, $0xb8;
	[tilespmem:$0x1E300] =	vst v63  }
0xba: {  	_ = 	snop  }
0xbb: {  	[tilespmem:s18], [sflag:$0x1] =	stream.indirect_vreg.gather [hbm4b:s20+s12], $0x80, v26, vm1, $0xb8;
	[tilespmem:$0x1E300] =	vst v63  }
0xbc: {  	_ = 	snop  }
0xbd: {  	[tilespmem:s3], [sflag:$0x1] =	stream.indirect.gather [hbm4b:s8+s1], $0x80, s12, s1, $0xb8;
	[tilespmem:$0x1E300] =	vst v63  }
0xbe: {  	_ =	swait.ge [sflag:s4], $0x3C00  }
0xbf: {  	[sflag:s4] =	ssyncset.done $0x0  }
0xc0: {  	[sflag:s4] =	ssyncadd.s32 $0xFFFFC400  }
0xc1: {  	_ =	swait.ge [sflag:s4], $0x3C00  }
0xc2: {  	[sflag:s4] =	ssyncset.done $0x0  }
0xc3: {  	s16 =	simm.s32 $0x0;
	[sflag:s4] =	ssyncadd.s32 $0xFFFFC400  }
0xc4: {  	s13 =	smul.u32 $0xC00, s16;
	_ =	swait.ge [sflag:s4], $0x1400  }
0xc5: {  	s12 =	sand.u32 $0x380, s12;
	[sflag:s4] =	ssyncset.done $0x0  }
0xc6: {  	s12 =	sor.u32 s12, s13;
	[sflag:s4] =	ssyncadd.s32 $0xFFFFEC00  }
0xc7: {  	v26 =	vld [tilespmem:s12+$0x3D10]  }
0xc8: {  	v27 =	vld [tilespmem:s12+$0x110]  }
0xc9: {  	v28 =	vld [tilespmem:s12+$0x100]  }
0xca: {  	v29 =	vld [tilespmem:s12+$0x3D00]  }
0xcb: {  	v30 =	vld [tilespmem:s12+$0x3D20]  }
0xcc: {  	v31 =	vld [tilespmem:s12+$0x120]  }
0xcd: {  	v32 =	vld [tilespmem:s12+$0x3D30]  }
0xce: {  	v33 =	vld [tilespmem:s12+$0x130]  }
0xcf: {  	v34 =	vld [tilespmem:s12+$0x3D40];
	v28 =	vadd.f32 v29, v28;
	v26 =	vadd.f32 v26, v27  }
0xd0: {  	v27 =	vld [tilespmem:s12+$0x140]  }
0xd1: {  	v62 =	vld [tilespmem:s12+$0x3D50];
	v30 =	vadd.f32 v30, v31;
	v28 =	vmax.f32 v28, $0.0e+00;
	v26 =	vmax.f32 v26, $0.0e+00  }
0xd2: {  	v63 =	vld [tilespmem:s12+$0x150];
	v28 =	vmul.f32 v28, v7;
	v26 =	vmul.f32 v26, v8  }
0xd3: {  	v35 =	vld [tilespmem:s12+$0x3D60];
	v32 =	vadd.f32 v32, v33;
	v30 =	vmax.f32 v30, $0.0e+00  }
0xd4: {  	v36 =	vld [tilespmem:s12+$0x160];
	v37 =	vmul.f32 v30, v9;
	v26 =	vadd.f32 v26, v28  }
0xd5: {  	v39 =	vld [tilespmem:s12+$0x170];
	v38 =	vmax.f32 v32, $0.0e+00;
	v27 =	vadd.f32 v34, v27  }
0xd6: {  	v41 =	vld [tilespmem:s12+$0x3D70];
	v40 =	vmul.f32 v38, v10;
	v26 =	vadd.f32 v37, v26  }
0xd7: {  	v42 =	vld [tilespmem:s12+$0x4100];
	v29 =	vadd.f32 v62, v63;
	v27 =	vmax.f32 v27, $0.0e+00  }
0xd8: {  	v43 =	vld [tilespmem:s12+$0x500];
	v27 =	vmul.f32 v27, v11;
	v26 =	vadd.f32 v40, v26  }
0xd9: {  	v44 =	vld [tilespmem:s12+$0x4110];
	v33 =	vadd.f32 v35, v36;
	v29 =	vmax.f32 v29, $0.0e+00  }
0xda: {  	v45 =	vld [tilespmem:s12+$0x510];
	v26 =	vadd.f32 v27, v26;
	v27 =	vmul.f32 v29, v12  }
0xdb: {  	v46 =	vld [tilespmem:s12+$0x4120];
	v33 =	vmax.f32 v33, $0.0e+00;
	v30 =	vadd.f32 v41, v39  }
0xdc: {  	v47 =	vld [tilespmem:s12+$0x520];
	v26 =	vadd.f32 v27, v26;
	v27 =	vmul.f32 v33, v13  }
0xdd: {  	v48 =	vld [tilespmem:s12+$0x4130];
	v30 =	vmax.f32 v30, $0.0e+00;
	v28 =	vadd.f32 v42, v43  }
0xde: {  	v49 =	vld [tilespmem:s12+$0x530];
	v26 =	vadd.f32 v27, v26;
	v27 =	vmul.f32 v30, v14  }
0xdf: {  	v50 =	vld [tilespmem:s12+$0x4140];
	v28 =	vmax.f32 v28, $0.0e+00;
	v29 =	vadd.f32 v44, v45  }
0xe0: {  	v51 =	vld [tilespmem:s12+$0x540];
	v26 =	vadd.f32 v27, v26;
	v27 =	vmul.f32 v28, v15  }
0xe1: {  	v52 =	vld [tilespmem:s12+$0x4150];
	v32 =	vadd.f32 v46, v47;
	v29 =	vmax.f32 v29, $0.0e+00  }
0xe2: {  	v53 =	vld [tilespmem:s12+$0x550];
	v26 =	vadd.f32 v27, v26;
	v27 =	vmul.f32 v29, v16  }
0xe3: {  	v54 =	vld [tilespmem:s12+$0x4160];
	v32 =	vmax.f32 v32, $0.0e+00;
	v30 =	vadd.f32 v48, v49  }
0xe4: {  	v55 =	vld [tilespmem:s12+$0x560];
	v26 =	vadd.f32 v27, v26;
	v27 =	vmul.f32 v32, v17  }
0xe5: {  	v56 =	vld [tilespmem:s12+$0x4170];
	v30 =	vmax.f32 v30, $0.0e+00;
	v28 =	vadd.f32 v50, v51  }
0xe6: {  	v57 =	vld [tilespmem:s12+$0x570];
	v26 =	vadd.f32 v27, v26;
	v27 =	vmul.f32 v30, v18  }
0xe7: {  	v58 =	vld [tilespmem:s12+$0x4500];
	v28 =	vmax.f32 v28, $0.0e+00;
	v29 =	vadd.f32 v52, v53  }
0xe8: {  	v59 =	vld [tilespmem:s12+$0x900];
	v26 =	vadd.f32 v27, v26;
	v27 =	vmul.f32 v28, v19  }
0xe9: {  	v60 =	vld [tilespmem:s12+$0x4510];
	v31 =	vadd.f32 v54, v55;
	v29 =	vmax.f32 v29, $0.0e+00  }
0xea: {  	v61 =	vld [tilespmem:s12+$0x910];
	v26 =	vadd.f32 v27, v26;
	v27 =	vmul.f32 v29, v20  }
0xeb: {  	v31 =	vmax.f32 v31, $0.0e+00;
	v30 =	vadd.f32 v56, v57  }
0xec: {  	v26 =	vadd.f32 v27, v26;
	v27 =	vmul.f32 v31, v21  }
0xed: {  	v30 =	vmax.f32 v30, $0.0e+00;
	v28 =	vadd.f32 v58, v59  }
0xee: {  	v26 =	vadd.f32 v27, v26;
	v27 =	vmul.f32 v30, v22  }
0xef: {  	v28 =	vmax.f32 v28, $0.0e+00;
	v29 =	vadd.f32 v60, v61  }
0xf0: {  	v26 =	vadd.f32 v27, v26;
	v27 =	vmul.f32 v28, v23  }
0xf1: {  	v62 =	vmax.f32 v29, $0.0e+00  }
0xf2: {  	v26 =	vadd.f32 v27, v26;
	v27 =	vmul.f32 v62, v24;
	_ =	sdelay $0x1  }
0xf3: {  	v26 =	vadd.f32 v27, v26;
	_ =	sdelay $0x1  }
0xf4: {  	v27 =	vperm.xlane v26, v0;
	_ =	sdelay $0x1  }
0xf5: {  	v26 =	vadd.f32 v26, v27;
	_ =	sdelay $0x1  }
0xf6: {  	v27 =	vperm.xlane v26, v1;
	_ =	sdelay $0x1  }
0xf7: {  	v26 =	vadd.f32 v26, v27;
	_ =	sdelay $0x1  }
0xf8: {  	v27 =	vperm.xlane v26, v2;
	_ =	sdelay $0x1  }
0xf9: {  	v26 =	vadd.f32 v26, v27;
	_ =	sdelay $0x1  }
0xfa: {  	s12 =	simm.s32 $0x7940;
	v27 =	vperm.xlane v26, v6  }
0xfb: {  	v63 =	vld [tilespmem:s12+$0xFFFFFFC0]  }
0xfc: {  	v26 =	vadd.f32 v26, v27;
	_ =	sdelay $0x1  }
0xfd: {  	v26 =	vadd.f32 v26, v25;
	_ =	sdelay $0x1  }
0xfe: {  	v27 =	vmul.f32 v26, v63  }
0xff: {  	s13 =	simm.s32 $0x8D40  }
0x100: {  	[tilespmem:s13+$0xFFFFFFC0] =	vst v27  }
0x101: {  	v27 =	vld [tilespmem:s12+$0xFFFFFFD0];
	_ =	sdelay $0x4  }
0x102: {  	v27 =	vmul.f32 v26, v27;
	_ =	sdelay $0x1  }
0x103: {  	[tilespmem:s13+$0xFFFFFFD0] =	vst v27  }
0x104: {  	v27 =	vld [tilespmem:s12+$0xFFFFFFE0];
	_ =	sdelay $0x4  }
0x105: {  	v27 =	vmul.f32 v26, v27;
	_ =	sdelay $0x1  }
0x106: {  	[tilespmem:s13+$0xFFFFFFE0] =	vst v27  }
0x107: {  	v27 =	vld [tilespmem:s12+$0xFFFFFFF0];
	_ =	sdelay $0x4  }
0x108: {  	v27 =	vmul.f32 v27, v26;
	_ =	sdelay $0x1  }
0x109: {  	[tilespmem:s13+$0xFFFFFFF0] =	vst v27  }
0x10a: {  	v27 =	vld [tilespmem:s12+$0x0];
	_ =	sdelay $0x4  }
0x10b: {  	v27 =	vmul.f32 v27, v26;
	_ =	sdelay $0x1  }
0x10c: {  	[tilespmem:s13+$0x0] =	vst v27  }
0x10d: {  	v27 =	vld [tilespmem:s12+$0x10];
	_ =	sdelay $0x4  }
0x10e: {  	v27 =	vmul.f32 v27, v26;
	_ =	sdelay $0x1  }
0x10f: {  	[tilespmem:s13+$0x10] =	vst v27  }
0x110: {  	v27 =	vld [tilespmem:s12+$0x20];
	_ =	sdelay $0x4  }
0x111: {  	v27 =	vmul.f32 v27, v26;
	_ =	sdelay $0x1  }
0x112: {  	[tilespmem:s13+$0x20] =	vst v27  }
0x113: {  	v27 =	vld [tilespmem:s12+$0x30];
	_ =	sdelay $0x3  }
0x114: {  	s21 =	simm.s32 $0x0  }
0x115: {  	s14 =	simm.s32 $0x80;
	s15 =	smul.u32 $0xC00, s21;
	v26 =	vmul.f32 v27, v26  }
0x116: {  	s16 =	sand.u32 $0x380, s14  }
0x117: {  	s16 =	sor.u32 s16, s15;
	[tilespmem:s13+$0x30] =	vst v26  }
0x118: {  	s15 =	simm.s32 $0x2;
	v26 =	vld [tilespmem:s16+$0x3D10]  }
.LBB2_3:
0x119: {  	p0 =	sne.s32 s15, $0x27;
	v27 =	vld [tilespmem:s16+$0x110]  }
0x11a: {  	v28 =	vld [tilespmem:s16+$0x100]  }
0x11b: {  	v29 =	vld [tilespmem:s16+$0x3D00]  }
0x11c: {  	v30 =	vld [tilespmem:s16+$0x3D20]  }
0x11d: {  	v31 =	vld [tilespmem:s16+$0x120]  }
0x11e: {  	v32 =	vld [tilespmem:s16+$0x3D30]  }
0x11f: {  	v33 =	vld [tilespmem:s16+$0x130]  }
0x120: {  	v34 =	vld [tilespmem:s16+$0x3D40]  }
0x121: {  	v26 =	vadd.f32 v26, v27;
	v28 =	vadd.f32 v29, v28;
	v27 =	vld [tilespmem:s16+$0x140]  }
0x122: {  	v29 =	vld [tilespmem:s16+$0x3D50]  }
0x123: {  	v26 =	vmax.f32 v26, $0.0e+00;
	v28 =	vmax.f32 v28, $0.0e+00;
	v30 =	vadd.f32 v30, v31;
	v31 =	vld [tilespmem:s16+$0x150]  }
0x124: {  	v26 =	vmul.f32 v26, v8;
	v28 =	vmul.f32 v28, v7;
	v35 =	vld [tilespmem:s16+$0x3D60]  }
0x125: {  	s12 =	sadd.s32 $0x80, s12;
	v30 =	vmax.f32 v30, $0.0e+00;
	v32 =	vadd.f32 v32, v33;
	v33 =	vld [tilespmem:s16+$0x160]  }
0x126: {  	v28 =	vadd.f32 v26, v28;
	v30 =	vmul.f32 v30, v9;
	v26 =	vld [tilespmem:s12+$0xFFFFFFC0]  }
0x127: {  	v32 =	vmax.f32 v32, $0.0e+00;
	v27 =	vadd.f32 v34, v27;
	v34 =	vld [tilespmem:s16+$0x170]  }
0x128: {  	v28 =	vadd.f32 v30, v28;
	v30 =	vmul.f32 v32, v10;
	v32 =	vld [tilespmem:s16+$0x3D70]  }
0x129: {  	v27 =	vmax.f32 v27, $0.0e+00;
	v29 =	vadd.f32 v29, v31;
	v31 =	vld [tilespmem:s16+$0x4100]  }
0x12a: {  	v28 =	vadd.f32 v30, v28;
	v27 =	vmul.f32 v27, v11;
	v30 =	vld [tilespmem:s16+$0x500]  }
0x12b: {  	v29 =	vmax.f32 v29, $0.0e+00;
	v33 =	vadd.f32 v35, v33;
	v35 =	vld [tilespmem:s16+$0x4110]  }
0x12c: {  	v27 =	vadd.f32 v27, v28;
	v28 =	vmul.f32 v29, v12;
	v29 =	vld [tilespmem:s16+$0x510]  }
0x12d: {  	v33 =	vmax.f32 v33, $0.0e+00;
	v32 =	vadd.f32 v32, v34;
	v34 =	vld [tilespmem:s16+$0x4120]  }
0x12e: {  	v27 =	vadd.f32 v28, v27;
	v28 =	vmul.f32 v33, v13;
	v33 =	vld [tilespmem:s16+$0x520]  }
0x12f: {  	v32 =	vmax.f32 v32, $0.0e+00;
	v30 =	vadd.f32 v31, v30;
	v31 =	vld [tilespmem:s16+$0x4130]  }
0x130: {  	v27 =	vadd.f32 v28, v27;
	v28 =	vmul.f32 v32, v14;
	v32 =	vld [tilespmem:s16+$0x530]  }
0x131: {  	v30 =	vmax.f32 v30, $0.0e+00;
	v29 =	vadd.f32 v35, v29;
	v35 =	vld [tilespmem:s16+$0x4140]  }
0x132: {  	v27 =	vadd.f32 v28, v27;
	v28 =	vmul.f32 v30, v15;
	v30 =	vld [tilespmem:s16+$0x540]  }
0x133: {  	v29 =	vmax.f32 v29, $0.0e+00;
	v33 =	vadd.f32 v34, v33;
	v34 =	vld [tilespmem:s16+$0x4150]  }
0x134: {  	v27 =	vadd.f32 v28, v27;
	v28 =	vmul.f32 v29, v16;
	v29 =	vld [tilespmem:s16+$0x550]  }
0x135: {  	v33 =	vmax.f32 v33, $0.0e+00;
	v31 =	vadd.f32 v31, v32;
	v32 =	vld [tilespmem:s16+$0x4160]  }
0x136: {  	v27 =	vadd.f32 v28, v27;
	v28 =	vmul.f32 v33, v17;
	v33 =	vld [tilespmem:s16+$0x560]  }
0x137: {  	v31 =	vmax.f32 v31, $0.0e+00;
	v30 =	vadd.f32 v35, v30;
	v35 =	vld [tilespmem:s16+$0x4170]  }
0x138: {  	v27 =	vadd.f32 v28, v27;
	v28 =	vmul.f32 v31, v18;
	v31 =	vld [tilespmem:s16+$0x570]  }
0x139: {  	v30 =	vmax.f32 v30, $0.0e+00;
	v29 =	vadd.f32 v34, v29;
	v34 =	vld [tilespmem:s16+$0x4500]  }
0x13a: {  	v27 =	vadd.f32 v28, v27;
	v28 =	vmul.f32 v30, v19;
	v30 =	vld [tilespmem:s16+$0x900]  }
0x13b: {  	v29 =	vmax.f32 v29, $0.0e+00;
	v32 =	vadd.f32 v32, v33;
	v33 =	vld [tilespmem:s16+$0x4510]  }
0x13c: {  	v27 =	vadd.f32 v28, v27;
	v28 =	vmul.f32 v29, v20;
	v29 =	vld [tilespmem:s16+$0x910]  }
0x13d: {  	v32 =	vmax.f32 v32, $0.0e+00;
	v31 =	vadd.f32 v35, v31  }
0x13e: {  	v27 =	vadd.f32 v28, v27;
	v28 =	vmul.f32 v32, v21  }
0x13f: {  	v31 =	vmax.f32 v31, $0.0e+00;
	v30 =	vadd.f32 v34, v30  }
0x140: {  	v27 =	vadd.f32 v28, v27;
	v28 =	vmul.f32 v31, v22  }
0x141: {  	v30 =	vmax.f32 v30, $0.0e+00;
	v29 =	vadd.f32 v33, v29  }
0x142: {  	v27 =	vadd.f32 v28, v27;
	v28 =	vmul.f32 v30, v23  }
0x143: {  	v29 =	vmax.f32 v29, $0.0e+00  }
0x144: {  	v27 =	vadd.f32 v28, v27;
	v28 =	vmul.f32 v29, v24;
	_ =	sdelay $0x1  }
0x145: {  	v27 =	vadd.f32 v28, v27;
	_ =	sdelay $0x1  }
0x146: {  	v28 =	vperm.xlane v27, v0;
	_ =	sdelay $0x1  }
0x147: {  	v27 =	vadd.f32 v27, v28;
	_ =	sdelay $0x1  }
0x148: {  	v28 =	vperm.xlane v27, v1;
	_ =	sdelay $0x1  }
0x149: {  	v27 =	vadd.f32 v27, v28;
	_ =	sdelay $0x1  }
0x14a: {  	v28 =	vperm.xlane v27, v2;
	_ =	sdelay $0x1  }
0x14b: {  	v27 =	vadd.f32 v27, v28;
	_ =	sdelay $0x1  }
0x14c: {  	v28 =	vperm.xlane v27, v6;
	_ =	sdelay $0x1  }
0x14d: {  	v27 =	vadd.f32 v27, v28;
	_ =	sdelay $0x1  }
0x14e: {  	v27 =	vadd.f32 v27, v25;
	_ =	sdelay $0x1  }
0x14f: {  	v26 =	vmul.f32 v27, v26  }
0x150: {  	s13 =	sadd.s32 $0x80, s13  }
0x151: {  	[tilespmem:s13+$0xFFFFFFC0] =	vst v26  }
0x152: {  	v26 =	vld [tilespmem:s12+$0xFFFFFFD0];
	_ =	sdelay $0x4  }
0x153: {  	v26 =	vmul.f32 v27, v26;
	_ =	sdelay $0x1  }
0x154: {  	[tilespmem:s13+$0xFFFFFFD0] =	vst v26  }
0x155: {  	v26 =	vld [tilespmem:s12+$0xFFFFFFE0];
	_ =	sdelay $0x4  }
0x156: {  	v26 =	vmul.f32 v27, v26;
	_ =	sdelay $0x1  }
0x157: {  	[tilespmem:s13+$0xFFFFFFE0] =	vst v26  }
0x158: {  	v26 =	vld [tilespmem:s12+$0xFFFFFFF0];
	_ =	sdelay $0x4  }
0x159: {  	v26 =	vmul.f32 v26, v27;
	_ =	sdelay $0x1  }
0x15a: {  	[tilespmem:s13+$0xFFFFFFF0] =	vst v26  }
0x15b: {  	v26 =	vld [tilespmem:s12+$0x0];
	_ =	sdelay $0x4  }
0x15c: {  	v26 =	vmul.f32 v26, v27;
	_ =	sdelay $0x1  }
0x15d: {  	[tilespmem:s13+$0x0] =	vst v26  }
0x15e: {  	v26 =	vld [tilespmem:s12+$0x10];
	_ =	sdelay $0x4  }
0x15f: {  	v26 =	vmul.f32 v26, v27;
	_ =	sdelay $0x1  }
0x160: {  	[tilespmem:s13+$0x10] =	vst v26  }
0x161: {  	v26 =	vld [tilespmem:s12+$0x20];
	_ =	sdelay $0x4  }
0x162: {  	v26 =	vmul.f32 v26, v27;
	_ =	sdelay $0x1  }
0x163: {  	[tilespmem:s13+$0x20] =	vst v26  }
0x164: {  	v26 =	vld [tilespmem:s12+$0x30];
	_ =	sdelay $0x3  }
.Ltmp0:
0x165: {  	s16 =	sshrl.u32 s15, $0x3;
	(pc) =	sbr.rel @p0 .LBB2_3-.Ltmp0, $4  }
0x166: {  	s14 =	sadd.s32 $0x80, s14;
	s16 =	smul.u32 $0xC00, s16;
	v26 =	vmul.f32 v26, v27  }
0x167: {  	s21 =	sand.u32 $0x380, s14  }
0x168: {  	s16 =	sor.u32 s21, s16;
	[tilespmem:s13+$0x30] =	vst v26  }
0x169: {  	s15 =	sadd.s32 $0x1, s15;
	v26 =	vld [tilespmem:s16+$0x3D10]  }
0x16a: {  	v27 =	vld [tilespmem:s16+$0x110]  }
0x16b: {  	v28 =	vld [tilespmem:s16+$0x100]  }
0x16c: {  	v29 =	vld [tilespmem:s16+$0x3D00]  }
0x16d: {  	v30 =	vld [tilespmem:s16+$0x3D20]  }
0x16e: {  	v31 =	vld [tilespmem:s16+$0x120]  }
0x16f: {  	v32 =	vld [tilespmem:s16+$0x3D30]  }
0x170: {  	v33 =	vld [tilespmem:s16+$0x130]  }
0x171: {  	v34 =	vld [tilespmem:s16+$0x3D40];
	v28 =	vadd.f32 v29, v28;
	v26 =	vadd.f32 v26, v27  }
0x172: {  	v27 =	vld [tilespmem:s16+$0x140]  }
0x173: {  	v62 =	vld [tilespmem:s16+$0x3D50];
	v30 =	vadd.f32 v30, v31;
	v28 =	vmax.f32 v28, $0.0e+00;
	v26 =	vmax.f32 v26, $0.0e+00  }
0x174: {  	v63 =	vld [tilespmem:s16+$0x150];
	v28 =	vmul.f32 v28, v7;
	v26 =	vmul.f32 v26, v8  }
0x175: {  	v35 =	vld [tilespmem:s16+$0x3D60];
	v32 =	vadd.f32 v32, v33;
	v30 =	vmax.f32 v30, $0.0e+00  }
0x176: {  	v36 =	vld [tilespmem:s16+$0x160];
	v37 =	vmul.f32 v30, v9;
	v26 =	vadd.f32 v26, v28  }
0x177: {  	v39 =	vld [tilespmem:s16+$0x170];
	v38 =	vmax.f32 v32, $0.0e+00;
	v27 =	vadd.f32 v34, v27  }
0x178: {  	v41 =	vld [tilespmem:s16+$0x3D70];
	v40 =	vmul.f32 v38, v10;
	v26 =	vadd.f32 v37, v26  }
0x179: {  	v42 =	vld [tilespmem:s16+$0x4100];
	v29 =	vadd.f32 v62, v63;
	v27 =	vmax.f32 v27, $0.0e+00  }
0x17a: {  	v43 =	vld [tilespmem:s16+$0x500];
	v27 =	vmul.f32 v27, v11;
	v26 =	vadd.f32 v40, v26  }
0x17b: {  	v44 =	vld [tilespmem:s16+$0x4110];
	v33 =	vadd.f32 v35, v36;
	v29 =	vmax.f32 v29, $0.0e+00  }
0x17c: {  	v45 =	vld [tilespmem:s16+$0x510];
	v26 =	vadd.f32 v27, v26;
	v27 =	vmul.f32 v29, v12  }
0x17d: {  	v46 =	vld [tilespmem:s16+$0x4120];
	v33 =	vmax.f32 v33, $0.0e+00;
	v30 =	vadd.f32 v41, v39  }
0x17e: {  	v47 =	vld [tilespmem:s16+$0x520];
	v26 =	vadd.f32 v27, v26;
	v27 =	vmul.f32 v33, v13  }
0x17f: {  	v48 =	vld [tilespmem:s16+$0x4130];
	v30 =	vmax.f32 v30, $0.0e+00;
	v28 =	vadd.f32 v42, v43  }
0x180: {  	v49 =	vld [tilespmem:s16+$0x530];
	v26 =	vadd.f32 v27, v26;
	v27 =	vmul.f32 v30, v14  }
0x181: {  	v50 =	vld [tilespmem:s16+$0x4140];
	v28 =	vmax.f32 v28, $0.0e+00;
	v29 =	vadd.f32 v44, v45  }
0x182: {  	v51 =	vld [tilespmem:s16+$0x540];
	v26 =	vadd.f32 v27, v26;
	v27 =	vmul.f32 v28, v15  }
0x183: {  	v52 =	vld [tilespmem:s16+$0x4150];
	v32 =	vadd.f32 v46, v47;
	v29 =	vmax.f32 v29, $0.0e+00  }
0x184: {  	v53 =	vld [tilespmem:s16+$0x550];
	v26 =	vadd.f32 v27, v26;
	v27 =	vmul.f32 v29, v16  }
0x185: {  	v54 =	vld [tilespmem:s16+$0x4160];
	v32 =	vmax.f32 v32, $0.0e+00;
	v30 =	vadd.f32 v48, v49  }
0x186: {  	v55 =	vld [tilespmem:s16+$0x560];
	v26 =	vadd.f32 v27, v26;
	v27 =	vmul.f32 v32, v17  }
0x187: {  	v56 =	vld [tilespmem:s16+$0x4170];
	v30 =	vmax.f32 v30, $0.0e+00;
	v28 =	vadd.f32 v50, v51  }
0x188: {  	v57 =	vld [tilespmem:s16+$0x570];
	v26 =	vadd.f32 v27, v26;
	v27 =	vmul.f32 v30, v18  }
0x189: {  	v58 =	vld [tilespmem:s16+$0x4500];
	v28 =	vmax.f32 v28, $0.0e+00;
	v29 =	vadd.f32 v52, v53  }
0x18a: {  	v59 =	vld [tilespmem:s16+$0x900];
	v26 =	vadd.f32 v27, v26;
	v27 =	vmul.f32 v28, v19  }
0x18b: {  	v60 =	vld [tilespmem:s16+$0x4510];
	v31 =	vadd.f32 v54, v55;
	v29 =	vmax.f32 v29, $0.0e+00  }
0x18c: {  	v61 =	vld [tilespmem:s16+$0x910];
	v26 =	vadd.f32 v27, v26;
	v27 =	vmul.f32 v29, v20  }
0x18d: {  	v31 =	vmax.f32 v31, $0.0e+00;
	v30 =	vadd.f32 v56, v57  }
0x18e: {  	v26 =	vadd.f32 v27, v26;
	v27 =	vmul.f32 v31, v21  }
0x18f: {  	v30 =	vmax.f32 v30, $0.0e+00;
	v28 =	vadd.f32 v58, v59  }
0x190: {  	v26 =	vadd.f32 v27, v26;
	v27 =	vmul.f32 v30, v22  }
0x191: {  	v28 =	vmax.f32 v28, $0.0e+00;
	v29 =	vadd.f32 v60, v61  }
0x192: {  	v26 =	vadd.f32 v27, v26;
	v27 =	vmul.f32 v28, v23  }
0x193: {  	v62 =	vmax.f32 v29, $0.0e+00  }
0x194: {  	v26 =	vadd.f32 v27, v26;
	v27 =	vmul.f32 v62, v24;
	_ =	sdelay $0x1  }
0x195: {  	v26 =	vadd.f32 v27, v26;
	_ =	sdelay $0x1  }
0x196: {  	v27 =	vperm.xlane v26, v0;
	_ =	sdelay $0x1  }
0x197: {  	v26 =	vadd.f32 v26, v27;
	_ =	sdelay $0x1  }
0x198: {  	v27 =	vperm.xlane v26, v1;
	_ =	sdelay $0x1  }
0x199: {  	v26 =	vadd.f32 v26, v27;
	_ =	sdelay $0x1  }
0x19a: {  	v27 =	vperm.xlane v26, v2;
	_ =	sdelay $0x1  }
0x19b: {  	v26 =	vadd.f32 v26, v27;
	_ =	sdelay $0x1  }
0x19c: {  	s12 =	sadd.s32 $0x80, s12;
	v27 =	vperm.xlane v26, v6  }
0x19d: {  	v63 =	vld [tilespmem:s12+$0xFFFFFFC0]  }
0x19e: {  	v26 =	vadd.f32 v26, v27;
	_ =	sdelay $0x1  }
0x19f: {  	v26 =	vadd.f32 v26, v25;
	_ =	sdelay $0x1  }
0x1a0: {  	v27 =	vmul.f32 v26, v63  }
0x1a1: {  	s13 =	sadd.s32 $0x80, s13  }
0x1a2: {  	[tilespmem:s13+$0xFFFFFFC0] =	vst v27  }
0x1a3: {  	v27 =	vld [tilespmem:s12+$0xFFFFFFD0];
	_ =	sdelay $0x4  }
0x1a4: {  	v27 =	vmul.f32 v26, v27;
	_ =	sdelay $0x1  }
0x1a5: {  	[tilespmem:s13+$0xFFFFFFD0] =	vst v27  }
0x1a6: {  	v27 =	vld [tilespmem:s12+$0xFFFFFFE0];
	_ =	sdelay $0x4  }
0x1a7: {  	v27 =	vmul.f32 v26, v27;
	_ =	sdelay $0x1  }
0x1a8: {  	[tilespmem:s13+$0xFFFFFFE0] =	vst v27  }
0x1a9: {  	v27 =	vld [tilespmem:s12+$0xFFFFFFF0];
	_ =	sdelay $0x4  }
0x1aa: {  	v27 =	vmul.f32 v27, v26;
	_ =	sdelay $0x1  }
0x1ab: {  	[tilespmem:s13+$0xFFFFFFF0] =	vst v27  }
0x1ac: {  	v27 =	vld [tilespmem:s12+$0x0];
	_ =	sdelay $0x4  }
0x1ad: {  	v27 =	vmul.f32 v27, v26;
	_ =	sdelay $0x1  }
0x1ae: {  	[tilespmem:s13+$0x0] =	vst v27  }
0x1af: {  	v27 =	vld [tilespmem:s12+$0x10];
	_ =	sdelay $0x4  }
0x1b0: {  	v27 =	vmul.f32 v27, v26;
	_ =	sdelay $0x1  }
0x1b1: {  	[tilespmem:s13+$0x10] =	vst v27  }
0x1b2: {  	v27 =	vld [tilespmem:s12+$0x20];
	_ =	sdelay $0x4  }
0x1b3: {  	v27 =	vmul.f32 v27, v26;
	_ =	sdelay $0x1  }
0x1b4: {  	[tilespmem:s13+$0x20] =	vst v27  }
0x1b5: {  	v27 =	vld [tilespmem:s12+$0x30];
	_ =	sdelay $0x4  }
0x1b6: {  	s10 =	sadd.s32 $0x1, s10;
	v26 =	vmul.f32 v27, v26  }
0x1b7: {  	p0 =	sne.s32 s10, $0x7D  }
.Ltmp1:
0x1b8: {  	s21 =	rddreg [dreg:$0x3];
	[tilespmem:s13+$0x30] =	vst v26;
	(pc) =	sbr.rel @p0 .LBB2_2-.Ltmp1, $4  }
0x1b9: {  	[spmem:s21] =	stream.indirect.scatter.add.f32 [tilespmem:s9], [sflag:$0x2], $0x80, s7, s1, $0xb8;
	[tilespmem:$0x1E300] =	vst v63  }
0x1ba: {  	_ =	swait.ge [sflag:s0], $0x1400  }
0x1bb: {  	[sflag:s0] =	ssyncset.done $0x0  }
0x1bc: {  	[sflag:s0] =	ssyncadd.s32 $0xFFFFEC00  }
0x1bd: {  	[bflag:$0x0] =	sbarrier.arrive $0xFFFF  }
0x1be: {  	s10 =	rddreg [dreg:$0x8]  }
0x1bf: {  	s14 =	rddreg [dreg:$0xe]  }
0x1c0: {  	s12 =	rddreg [dreg:$0x19]  }
0x1c1: {  	[hbm:s10], [sflag:s14] =	dma.local [spmem:s12], $0x800  }
0x1c2: {  	_ =	swait.ge [sflag:s0], $0x800  }
0x1c3: {  	[sflag:s0] =	ssyncset.done $0x0;
	s16 =	rddreg [dreg:$0x9]  }
0x1c4: {  	s21 =	rddreg [dreg:$0x14];
	[sflag:s0] =	ssyncadd.s32 $0xFFFFF800  }
0x1c5: {  	[hbm:s16], [sflag:s14] =	dma.local [spmem:s21], $0x800  }
0x1c6: {  	_ =	swait.ge [sflag:s0], $0x800  }
0x1c7: {  	[sflag:s0] =	ssyncset.done $0x0;
	s13 =	rddreg [dreg:$0xa]  }
0x1c8: {  	s15 =	rddreg [dreg:$0x15];
	[sflag:s0] =	ssyncadd.s32 $0xFFFFF800  }
0x1c9: {  	[hbm:s13], [sflag:s14] =	dma.local [spmem:s15], $0x800  }
0x1ca: {  	_ =	swait.ge [sflag:s0], $0x800  }
0x1cb: {  	[sflag:s0] =	ssyncset.done $0x0;
	s16 =	rddreg [dreg:$0xb]  }
0x1cc: {  	s21 =	rddreg [dreg:$0x16];
	[sflag:s0] =	ssyncadd.s32 $0xFFFFF800  }
0x1cd: {  	[hbm:s16], [sflag:s14] =	dma.local [spmem:s21], $0x800  }
0x1ce: {  	_ =	swait.ge [sflag:s0], $0x800  }
0x1cf: {  	[sflag:s0] =	ssyncset.done $0x0;
	s13 =	rddreg [dreg:$0xc]  }
0x1d0: {  	s15 =	rddreg [dreg:$0x17];
	[sflag:s0] =	ssyncadd.s32 $0xFFFFF800  }
0x1d1: {  	[hbm:s13], [sflag:s14] =	dma.local [spmem:s15], $0x800  }
0x1d2: {  	_ =	swait.ge [sflag:s0], $0x800  }
0x1d3: {  	s16 =	rddreg [dreg:$0x18]  }
0x1d4: {  	s21 =	rddreg [dreg:$0xf];
	s12 =	sadd.s32 $0x1, s16  }
0x1d5: {  	p0 =	sne.s32 s12, s21  }
.Ltmp2:
0x1d6: {  	_ = 	snop;
	(pc) =	sbr.rel @p0 .LBB2_1-.Ltmp2, $3  }
0x1d7: {  	_ =	sdelay $0x1  }
0x1d8: {  	[sflag:s0] =	ssyncset.done $0x0  }
0x1d9: {  	[sflag:s0] =	ssyncadd.s32 $0xFFFFF800  }
0x1da: {  	_ =	sfence.sel $0x180000  }
0x1db: {  	[bflag:$0x0] =	sbarrier.arrive $0xFFFF  }
0x1dc: {  	_ =	strace $0x9000004D  }
0x1dd: {  	s0 =	stileid.u32;
	[bflag:$0x2] =	sbarrier.arrive $0xFFFF  }
0x1de: {  	p0 =	sne.s32 s0, $0x0;
	s0 =	rddreg [dreg:$0x4]  }
0x1df: {  	s0 =	sadd.s32 @!p0 $0x100000, s0  }
0x1e0: {  	[sflag:s0] =	ssyncadd.tile.s32 @!p0 $0x1;
	_ =	shalt  }
.Lfunc_end2:
_tile_overlayer_lowered:
.L_overlay_start_2:
0x1e1: {  	(tag) =	ssettag $0x2  }
0x1e2: {  	s0 =	rddreg [dreg:$0x0];
	s2 =	stileid.u32  }
0x1e3: {  	s1 =	rddreg [dreg:$0x1];
	p0 =	sne.s32 s2, $0x0  }
0x1e4: {  	s3 =	rddreg [dreg:$0x2];
	[bflag:$0x3] =	sbarrier.arrive $0xFFFF;
	s2 =	simm.s32 @!p0 $0x1C02  }
0x1e5: {  	[timem:s3], [sflag:s2] =	dma.local @!p0 [hbm:s0], s1  }
0x1e6: {  	s0 =	simm.s32 @!p0 $0x2  }
0x1e7: {  	_ =	swait.ge @!p0 [sflag:s0], s1  }
0x1e8: {  	s1 =	ssub.s32 @!p0 $0x0, s1;
	[sflag:s0] =	ssyncset.done @!p0 $0x0  }
0x1e9: {  	[sflag:s0] =	ssyncadd.s32 @!p0 s1  }
0x1ea: {  	[bflag:$0x3] =	sbarrier.arrive $0xFFFF  }
0x1eb: {  	_ =	shalt  }

// kernel: kernel.9.cloned.1.call-start
scs
__scs_entry_jumppad:
0x0: {  	(pc) =	sbr.rel $0x88, $3  }
0x1: {  	(tag) =	ssettag $0x0;
	lr =	simm.s32 $0x1  }
0x2: {  	[smem:$0x3F7A] =	sst lr;
	_ =	strace $0xD0000000  }
0x3: {  	_ = 	snop  }
0x4: {  	_ = 	snop  }
0x5: {  	_ = 	snop  }
0x6: {  	_ = 	snop  }
0x7: {  	_ = 	snop  }
__scs_overlays_trampoline_lowered:
0x8: {  	[smem:$0x3F89] =	sst s0  }
0x9: {  	[smem:$0x3F8A] =	sst s1  }
0xa: {  	[smem:$0x3F8B] =	sst s2  }
0xb: {  	[smem:$0x3F8C] =	sst s3  }
0xc: {  	[smem:$0x3F8D] =	sst s4  }
0xd: {  	[smem:$0x3F8E] =	sst s5  }
0xe: {  	[smem:$0x3F8F] =	sst s6  }
0xf: {  	[smem:$0x3F90] =	sst s7  }
0x10: {  	[smem:$0x3F91] =	sst s8  }
0x11: {  	[smem:$0x3F92] =	sst s9;
	s0 =	simm.s32 @!p0 $0x0  }
0x12: {  	s1 =	sld [smem:$0x3F78];
	s0 =	simm.s32 @p0 $0x1  }
0x13: {  	[smem:$0x3F93] =	sst s0;
	s0 =	simm.s32 @!p1 $0x0  }
0x14: {  	s2 =	sld [smem:$0x3F77];
	s0 =	simm.s32 @p1 $0x1  }
0x15: {  	[smem:$0x3F94] =	sst s0;
	s0 =	simm.s32 @!p2 $0x0  }
0x16: {  	s3 =	sld [smem:$0x3FDB];
	s0 =	simm.s32 @p2 $0x1  }
0x17: {  	s4 =	simm.s32 $0x1BF5;
	[smem:$0x3F96] =	sst s0  }
0x18: {  	s0 =	sld [smem:$0x3F79];
	_ =	swait.ge [sflag:s4], $0x0  }
0x19: {  	s7 =	sld [smem:$0x3F7A]  }
0x1a: {  	s8 =	sadd.s32 $0xFFFFE003, lr  }
0x1b: {  	s9 =	sadd.s32 $0xFFFFFEF7, lr;
	s5 =	simm.s32 $0xFFFFFFFF;
	p2 =	slt.u32 s8, $0xFFFFF086  }
0x1c: {  	p1 =	slt.u32 s9, $0xF7A;
	s5 =	simm.s32 @!p2 $0x0  }
0x1d: {  	s5 =	simm.s32 @p1 $0x1;
	p0 =	seq.s32 s7, s2  }
0x1e: {  	s7 =	smul.u32 @!p0 $0xF7A, s2;
	p2 =	seq.s32 @!p0 s5, $0x0  }
0x1f: {  	s9 =	smul.u32 $0xF7A, s1;
	s8 =	simm.s32 @!p0 $0x1BF5;
	p2 =	por !p2, p0  }
0x20: {  	[sflag:s8] =	ssyncset.s32 @!p0 $0xFFFFF086;
	s6 =	sadd.s32 @!p0 s3, s7;
	s7 =	simm.s32 @!p0 $0x108  }
0x21: {  	s3 =	sadd.s32 s3, s9;
	s6 =	sadd.s32 @!p0 $0x88, s6;
	s7 =	simm.s32 @p2 $0x1082  }
0x22: {  	[simem:s7], [sflag:s8] =	dma.local @!p0 [hbm:s6], $0xF7A  }
0x23: {  	s9 =	sor.u32 $0xD0000000, s2;
	s6 =	simm.s32 $0x108;
	_ =	swait.ge @!p0 [sflag:s8], $0x0  }
0x24: {  	s3 =	sadd.s32 $0x88, s3;
	s6 =	simm.s32 @!p1 $0x1082;
	[sflag:s4] =	ssyncset.s32 $0xFFFFF086  }
0x25: {  	[simem:s6], [sflag:s4] =	dma.local [hbm:s3], $0xF7A  }
0x26: {  	[smem:$0x3F7A] =	sst s1;
	(tag) =	ssettag s2;
	_ =	strace s9  }
0x27: {  	s1 =	sld [smem:$0x3F8A]  }
0x28: {  	s2 =	sld [smem:$0x3F8B]  }
0x29: {  	s4 =	sld [smem:$0x3F8D]  }
0x2a: {  	p0 =	seq.s32 s5, $0x0;
	s5 =	sld [smem:$0x3F8E]  }
0x2b: {  	s6 =	sld [smem:$0x3F8F]  }
0x2c: {  	s7 =	sld [smem:$0x3F90]  }
0x2d: {  	s3 =	simm.s32 $0x108;
	s8 =	sld [smem:$0x3F91]  }
0x2e: {  	s3 =	simm.s32 @!p0 $0x1082;
	s9 =	sld [smem:$0x3F92]  }
0x2f: {  	lr =	sadd.s32 s0, s3;
	s0 =	sld [smem:$0x3F89]  }
0x30: {  	s3 =	sld [smem:$0x3F8C]  }
0x31: {  	[smem:$0x3F95] =	sst s10  }
0x32: {  	s10 =	sld [smem:$0x3F93];
	_ =	sdelay $0x3  }
0x33: {  	p0 =	seq.s32 s10, $0x1;
	s10 =	sld [smem:$0x3F95];
	_ =	sdelay $0x3  }
0x34: {  	[smem:$0x3F95] =	sst s10  }
0x35: {  	s10 =	sld [smem:$0x3F94];
	_ =	sdelay $0x3  }
0x36: {  	p1 =	seq.s32 s10, $0x1;
	s10 =	sld [smem:$0x3F95];
	_ =	sdelay $0x3  }
0x37: {  	[smem:$0x3F95] =	sst s10  }
0x38: {  	s10 =	sld [smem:$0x3F96]  }
0x39: {  	_ = 	snop;
	(pc) =	sbr.ind lr, $3  }
0x3a: {  	_ = 	snop  }
0x3b: {  	_ = 	snop  }
0x3c: {  	p2 =	seq.s32 s10, $0x1;
	s10 =	sld [smem:$0x3F95]  }
0x3d: {  	_ =	shalt  }
0x3e: {  	_ =	shalt  }
0x3f: {  	_ =	shalt  }
0x40: {  	_ =	shalt  }
0x41: {  	_ =	shalt  }
0x42: {  	_ =	shalt  }
0x43: {  	_ =	shalt  }
0x44: {  	_ =	shalt  }
0x45: {  	_ =	shalt  }
0x46: {  	_ =	shalt  }
0x47: {  	_ =	shalt  }
0x48: {  	_ =	shalt  }
0x49: {  	_ =	shalt  }
0x4a: {  	_ =	shalt  }
0x4b: {  	_ =	shalt  }
0x4c: {  	_ =	shalt  }
0x4d: {  	_ =	shalt  }
0x4e: {  	_ =	shalt  }
0x4f: {  	_ =	shalt  }
0x50: {  	_ =	shalt  }
0x51: {  	_ =	shalt  }
0x52: {  	_ =	shalt  }
0x53: {  	_ =	shalt  }
0x54: {  	_ =	shalt  }
0x55: {  	_ =	shalt  }
0x56: {  	_ =	shalt  }
0x57: {  	_ =	shalt  }
0x58: {  	_ =	shalt  }
0x59: {  	_ =	shalt  }
0x5a: {  	_ =	shalt  }
0x5b: {  	_ =	shalt  }
0x5c: {  	_ =	shalt  }
0x5d: {  	_ =	shalt  }
0x5e: {  	_ =	shalt  }
0x5f: {  	_ =	shalt  }
0x60: {  	_ =	shalt  }
0x61: {  	_ =	shalt  }
0x62: {  	_ =	shalt  }
0x63: {  	_ =	shalt  }
0x64: {  	_ =	shalt  }
0x65: {  	_ =	shalt  }
0x66: {  	_ =	shalt  }
0x67: {  	_ =	shalt  }
0x68: {  	_ =	shalt  }
0x69: {  	_ =	shalt  }
0x6a: {  	_ =	shalt  }
0x6b: {  	_ =	shalt  }
0x6c: {  	_ =	shalt  }
0x6d: {  	_ =	shalt  }
0x6e: {  	_ =	shalt  }
0x6f: {  	_ =	shalt  }
0x70: {  	_ =	shalt  }
0x71: {  	_ =	shalt  }
0x72: {  	_ =	shalt  }
0x73: {  	_ =	shalt  }
0x74: {  	_ =	shalt  }
0x75: {  	_ =	shalt  }
0x76: {  	_ =	shalt  }
0x77: {  	_ =	shalt  }
0x78: {  	_ =	shalt  }
0x79: {  	_ =	shalt  }
0x7a: {  	_ =	shalt  }
0x7b: {  	_ =	shalt  }
0x7c: {  	_ =	shalt  }
0x7d: {  	_ =	shalt  }
0x7e: {  	_ =	shalt  }
0x7f: {  	_ =	shalt  }
0x80: {  	_ =	shalt  }
0x81: {  	_ =	shalt  }
0x82: {  	_ =	shalt  }
0x83: {  	_ =	shalt  }
0x84: {  	_ =	shalt  }
0x85: {  	_ =	shalt  }
0x86: {  	_ =	shalt  }
0x87: {  	_ =	shalt  }
.Lfunc_end0:
.L_simem_size_0:
called_computation.1_lowered:
.L_overlay_start_0:
0x88: {  	s2 =	sld [smem:$0x3FD9]  }
0x89: {  	s3 =	sld [smem:$0x3FFE];
	_ =	sdelay $0x1  }
0x8a: {  	s1 =	srdreg.scid  }
0x8b: {  	s0 =	sand.u32 $0x1, s1  }
0x8c: {  	s14 =	sshll.u32 s0, $0xA;
	s2 =	sadd.s32 s3, s2  }
0x8d: {  	s2 =	sadd.s32 s2, s14  }
0x8e: {  	[smem:$0x3FA1] =	sst s2  }
0x8f: {  	_ = 	snop  }
0x90: {  	s2 =	sld [smem:$0x3FD0];
	_ =	sdelay $0x2  }
0x91: {  	s4 =	simm.s32 $0xA;
	s5 =	simm.s32 $0x10;
	s15 =	sld [smem:$0x3FA3]  }
0x92: {  	[smem:s5], [sflag:s4] =	dma.local [hbm:s2], $0x1  }
0x93: {  	_ =	swait.eq [sflag:s4], $0x1  }
0x94: {  	[sflag:s4] =	ssyncset.done $0x0  }
0x95: {  	[sflag:s4] =	ssyncadd.s32 $0xFFFFFFFF  }
0x96: {  	s16 =	sld [smem:$0x11];
	(tm) =	ssettm $0x1  }
0x97: {  	s17 =	sld [smem:$0x3FFB];
	_ =	sdelay $0x3  }
0x98: {  	_ =	strace s17  }
0x99: {  	s4 =	sld [smem:$0x3FFC];
	_ =	sdelay $0x3  }
0x9a: {  	_ =	strace s4  }
0x9b: {  	s4 =	sld [smem:$0x3FFD];
	_ =	sdelay $0x3  }
0x9c: {  	_ =	strace s4  }
0x9d: {  	_ =	strace $0x8FFFFFFF  }
0x9e: {  	s18 =	sld [smem:$0x3FDB];
	_ =	sdelay $0x1  }
0x9f: {  	s19 =	simm.s32 $_scs_section_size  }
0xa0: {  	s6 =	simm.s32 $_size__tile_overlayer_lowered;
	s7 =	simm.s32 $_tile_overlayer_lowered  }
0xa1: {  	s22 =	simm.s32 $0x1BFF;
	s21 =	sshll.u32 s7, $0x1;
	s4 =	sadd.s32 s19, s18  }
0xa2: {  	s8 =	simm.s32 $0x0;
	s20 =	sshll.u32 s6, $0x1;
	s6 =	sadd.s32 s21, s4  }
0xa3: {  	[timem:s8], [sflag:s22] =	dma.local [hbm:s6], s20  }
0xa4: {  	_ =	swait.ge [sflag:s22], s20  }
0xa5: {  	s5 =	ssub.s32 $0x0, s20;
	[sflag:s22] =	ssyncset.done $0x0  }
0xa6: {  	[sflag:s22] =	ssyncadd.s32 s5;
	_ =	sdelay $0x1  }
0xa7: {  	s23 =	simm.s32 $0x1B8B  }
0xa8: {  	_ =	swait.ge [sflag:s23], $0x1  }
0xa9: {  	[sflag:s23] =	ssyncset.done $0x0  }
0xaa: {  	s25 =	simm.s32 $0x1B8E;
	s24 =	sld [smem:$0x3FFE];
	[sflag:s23] =	ssyncadd.s32 $0xFFFFFFFF  }
0xab: {  	s26 =	simm.s32 $execute0_lowered;
	[smem:$0x3FD2] =	sst s25  }
0xac: {  	s6 =	sshll.u32 s26, $0x1;
	_ =	strace $0x80000046;
	[dreg:$0x1] =	wrdreg $0xFFFFFFFF  }
0xad: {  	s28 =	simm.s32 $_size_execute0_lowered;
	s4 =	sadd.s32 s4, s6;
	[dreg:$0x0] =	wrdreg $0x0  }
0xae: {  	s6 =	sshll.u32 s28, $0x1;
	[dreg:$0x2] =	wrdreg s4  }
0xaf: {  	[dreg:$0x3] =	wrdreg s6  }
0xb0: {  	[dreg:$0x4] =	wrdreg $0xC0  }
0xb1: {  	_ =	task [dreg:s8], $0x5FFFF  }
0xb2: {  	[dreg:$0x1] =	wrdreg $0xFFFFFFFF  }
0xb3: {  	[dreg:$0x0] =	wrdreg $0x60  }
0xb4: {  	[dreg:$0x2] =	wrdreg s24  }
0xb5: {  	[dreg:$0x3] =	wrdreg s15  }
0xb6: {  	[dreg:$0x4] =	wrdreg s16  }
0xb7: {  	[dreg:$0x5] =	wrdreg $0x9  }
0xb8: {  	_ =	task.clear_ibuf [dreg:s8], $0x6FFFF;
	_ =	strace $0x90000046  }
0xb9: {  	s29 =	simm.s32 $0x9;
	_ =	strace $0x80000048  }
0xba: {  	_ =	swait.ge [sflag:s29], $0x1  }
0xbb: {  	[sflag:s29] =	ssyncadd.s32 $0xFFFFFFFF  }
0xbc: {  	_ =	strace $0x90000048  }
0xbd: {  	_ =	sfence  }
0xbe: {  	s30 =	sld [smem:$0x0];
	_ =	sdelay $0x2  }
0xbf: {  	s31 =	sshll.u32 s1, $0xD;
	s1 =	sshrl.u32 s1, $0x2  }
0xc0: {  	s3 =	sand.u32 $0x4000, s31;
	s1 =	sadd.s32 s1, s30  }
0xc1: {  	s0 =	sor.u32 s3, s0;
	s1 =	sshll.u32 s1, $0x11  }
0xc2: {  	s0 =	sor.u32 s1, s0  }
0xc3: {  	s0 =	sadd.s32 $0x8F2B, s0  }
0xc4: {  	[sflag:s0] =	ssyncadd.remote.s32 $0x1  }
0xc5: {  	_ =	sfence.sel $0xFFFF  }
0xc6: {  	[dreg:$0x0] =	wrdreg $0xFFFFFFFF;
	(pc) =	sbr.abs _section_cstart, $3  }
0xc7: {  	[dreg:$0x1] =	wrdreg $0xFFFFFFFF  }
0xc8: {  	_ =	task.clear_ibuf [dreg:s8], $0x2FFFF;
	_ =	strace $0x9FFFFFFF  }
0xc9: {  	(tm) =	ssettm $0x7FFFFFFF  }
tec
execute0_lowered:
.L_overlay_start_1:
0x0: {  	(tag) =	ssettag $0x1  }
0x1: {  	s0 =	rddreg [dreg:$0x0]  }
0x2: {  	s2 =	rddreg [dreg:$0x2];
	s3 =	simm.s32 $0x0  }
0x3: {  	s6 =	srdreg.scid;
	s11 =	stileid.u32;
	s19 =	simm.s32 $0x2  }
0x4: {  	s20 =	simm.s32 $0x50;
	s21 =	simm.s32 $0x80;
	s22 =	simm.s32 $0x1  }
0x5: {  	s23 =	simm.s32 $0x2880;
	s28 =	simm.s32 $0x2A80;
	s29 =	simm.s32 $0x5280  }
0x6: {  	s30 =	simm.s32 $0x7A80;
	s31 =	simm.s32 $0xA280;
	[smem:$0x7FF] =	sst s3  }
0x7: {  	s1 =	sadd.s32 $0x5200, s0;
	s4 =	sadd.s32 $0x4C00, s0;
	s5 =	sadd.s32 $0x5600, s0  }
0x8: {  	s7 =	sadd.s32 $0x5C00, s0;
	s8 =	sadd.s32 $0x6200, s0;
	s9 =	sadd.s32 $0x4800, s0  }
0x9: {  	s10 =	sadd.s32 $0x4A00, s0;
	s6 =	sand.u32 $0x1, s6;
	s12 =	sshll.u32 s11, $0x1  }
0xa: {  	s11 =	sadd.s32 $0x6800, s0;
	s13 =	ssub.s32 $0x2, s6;
	s6 =	sor.u32 s6, s12  }
0xb: {  	_ =	strace $0x80000047;
	s14 =	sshrl.u32 s13, $0x1;
	s15 =	smul.u32 $0xA0, s6  }
0xc: {  	s12 =	sadd.s32 $0x7800, s0;
	s14 =	ssub.s32 s13, s14;
	s13 =	smul.u32 $0x140, s6  }
0xd: {  	s6 =	smul.u32 $0xA00, s6;
	s16 =	sshrl.u32 s15, $0x3;
	s14 =	smax.u32 s14, $0x1  }
0xe: {  	s0 =	sadd.s32 $0xB800, s0;
	[dreg:$0x4] =	wrdreg s14;
	s24 =	sadd.s32 s1, s16  }
0xf: {  	s15 =	sadd.s32 $0x50, s15;
	s6 =	sadd.s32 s0, s6;
	[dreg:$0x5] =	wrdreg s24  }
0x10: {  	s25 =	sshrl.u32 s15, $0x3;
	s26 =	sshll.u32 s15, $0x4;
	[dreg:$0x6] =	wrdreg s6  }
0x11: {  	s1 =	sadd.s32 s1, s25;
	s0 =	sadd.s32 s0, s26;
	s24 =	simm.s32 $0x2900  }
0x12: {  	s25 =	simm.s32 $0x2980;
	s26 =	simm.s32 $0x2A00;
	[dreg:$0x7] =	wrdreg s1  }
0x13: {  	s6 =	simm.s32 $0x0;
	[dreg:$0x8] =	wrdreg s0;
	s0 =	simm.s32 $0xCA80  }
.LBB2_1:
0x14: {  	s1 =	rddreg [dreg:$0x5]  }
0x15: {  	[tilespmem:s3], [sflag:$0x2] =	stream.linear.gather [hbm4b:s1+s3], $0x50, $0x38;
	[tilespmem:$0xF280] =	vst v63  }
0x16: {  	_ =	swait.ge [sflag:s19], $0x50  }
0x17: {  	[sflag:s19] =	ssyncset.done $0x0  }
0x18: {  	[sflag:s19] =	ssyncadd.s32 $0xFFFFFFB0  }
0x19: {  	s16 =	rddreg [dreg:$0x1]  }
0x1a: {  	[tilespmem:s21], [sflag:$0x1] =	stream.indirect.gather [hbm4b:s16+s20], $0x80, s3, s20, $0xb8;
	[tilespmem:$0xF280] =	vst v63  }
0x1b: {  	_ =	swait.ge [sflag:s22], $0x2800  }
0x1c: {  	[sflag:s22] =	ssyncset.done $0x0  }
0x1d: {  	s14 =	rddreg [dreg:$0x6];
	[sflag:s22] =	ssyncadd.s32 $0xFFFFD800  }
0x1e: {  	[hbm4b:s14+s3] =	stream.linear.scatter [tilespmem:s21], [sflag:$0x2], $0x2800, $0x38;
	[tilespmem:$0xF280] =	vst v63  }
0x1f: {  	_ =	swait.ge [sflag:s19], $0x2800  }
0x20: {  	[sflag:s19] =	ssyncset.done $0x0  }
0x21: {  	s17 =	rddreg [dreg:$0x7];
	[sflag:s19] =	ssyncadd.s32 $0xFFFFD800  }
0x22: {  	[tilespmem:s3], [sflag:$0x2] =	stream.linear.gather [hbm4b:s17+s3], $0x50, $0x38;
	[tilespmem:$0xF280] =	vst v63  }
0x23: {  	_ =	swait.ge [sflag:s19], $0x50  }
0x24: {  	[sflag:s19] =	ssyncset.done $0x0  }
0x25: {  	[sflag:s19] =	ssyncadd.s32 $0xFFFFFFB0  }
0x26: {  	[tilespmem:s21], [sflag:$0x1] =	stream.indirect.gather [hbm4b:s16+s20], $0x80, s3, s20, $0xb8;
	[tilespmem:$0xF280] =	vst v63  }
0x27: {  	_ =	swait.ge [sflag:s22], $0x2800  }
0x28: {  	[sflag:s22] =	ssyncset.done $0x0  }
0x29: {  	s18 =	rddreg [dreg:$0x8];
	[sflag:s22] =	ssyncadd.s32 $0xFFFFD800  }
0x2a: {  	[hbm4b:s18+s3] =	stream.linear.scatter [tilespmem:s21], [sflag:$0x2], $0x2800, $0x38;
	[tilespmem:$0xF280] =	vst v63  }
0x2b: {  	_ =	swait.ge [sflag:s19], $0x2800  }
0x2c: {  	[sflag:s19] =	ssyncset.done $0x0  }
0x2d: {  	s1 =	simm.s32 $0x0;
	[sflag:s19] =	ssyncadd.s32 $0xFFFFD800  }
.LBB2_2:
0x2e: {  	s14 =	smul.u32 $0x50, s1;
	_ =	sdelay $0x1  }
0x2f: {  	s14 =	sadd.s32 s13, s14  }
0x30: {  	s15 =	sshrl.u32 s14, $0x3  }
0x31: {  	s17 =	simm.s32 $0x0;
	s16 =	sadd.s32 s4, s15  }
0x32: {  	[tilespmem:s23], [sflag:$0x2] =	stream.linear.gather [hbm4b:s16+s17], $0x50, $0x38;
	[tilespmem:$0xF280] =	vst v63  }
0x33: {  	_ =	swait.ge [sflag:s19], $0x50  }
0x34: {  	[sflag:s19] =	ssyncset.done $0x0  }
0x35: {  	s18 =	sadd.s32 s5, s15;
	[sflag:s19] =	ssyncadd.s32 $0xFFFFFFB0  }
0x36: {  	[tilespmem:s24], [sflag:$0x2] =	stream.linear.gather [hbm4b:s18+s17], $0x50, $0x38;
	[tilespmem:$0xF280] =	vst v63  }
0x37: {  	_ =	swait.ge [sflag:s19], $0x50  }
0x38: {  	[sflag:s19] =	ssyncset.done $0x0  }
0x39: {  	s18 =	sadd.s32 s7, s15;
	[sflag:s19] =	ssyncadd.s32 $0xFFFFFFB0  }
0x3a: {  	[tilespmem:s25], [sflag:$0x2] =	stream.linear.gather [hbm4b:s18+s17], $0x50, $0x38;
	[tilespmem:$0xF280] =	vst v63  }
0x3b: {  	_ =	swait.ge [sflag:s19], $0x50  }
0x3c: {  	[sflag:s19] =	ssyncset.done $0x0  }
0x3d: {  	s15 =	sadd.s32 s8, s15;
	[sflag:s19] =	ssyncadd.s32 $0xFFFFFFB0  }
0x3e: {  	[tilespmem:s26], [sflag:$0x2] =	stream.linear.gather [hbm4b:s15+s17], $0x50, $0x38;
	[tilespmem:$0xF280] =	vst v63  }
0x3f: {  	_ =	swait.ge [sflag:s19], $0x50  }
0x40: {  	[sflag:s19] =	ssyncset.done $0x0  }
0x41: {  	[sflag:s19] =	ssyncadd.s32 $0xFFFFFFB0  }
0x42: {  	[tilespmem:s28], [sflag:$0x1] =	stream.indirect.gather [hbm4b:s9+s20], $0x80, s23, s20, $0xb8;
	[tilespmem:$0xF280] =	vst v63  }
0x43: {  	_ = 	snop  }
0x44: {  	[tilespmem:s29], [sflag:$0x1] =	stream.indirect.gather [hbm4b:s10+s20], $0x80, s24, s20, $0xb8;
	[tilespmem:$0xF280] =	vst v63  }
0x45: {  	_ = 	snop  }
0x46: {  	[tilespmem:s30], [sflag:$0x1] =	stream.indirect.gather [hbm4b:s11+s20], $0x80, s25, s20, $0xb8;
	[tilespmem:$0xF280] =	vst v63  }
0x47: {  	_ = 	snop  }
0x48: {  	[tilespmem:s31], [sflag:$0x1] =	stream.indirect.gather [hbm4b:s12+s20], $0x80, s26, s20, $0xb8;
	[tilespmem:$0xF280] =	vst v63  }
0x49: {  	_ =	swait.ge [sflag:s22], $0x2800  }
0x4a: {  	[sflag:s22] =	ssyncset.done $0x0  }
0x4b: {  	[sflag:s22] =	ssyncadd.s32 $0xFFFFD800  }
0x4c: {  	_ =	swait.ge [sflag:s22], $0x2800  }
0x4d: {  	[sflag:s22] =	ssyncset.done $0x0  }
0x4e: {  	[sflag:s22] =	ssyncadd.s32 $0xFFFFD800  }
0x4f: {  	_ =	swait.ge [sflag:s22], $0x2800  }
0x50: {  	[sflag:s22] =	ssyncset.done $0x0  }
0x51: {  	[sflag:s22] =	ssyncadd.s32 $0xFFFFD800  }
0x52: {  	_ =	swait.ge [sflag:s22], $0x2800  }
0x53: {  	[sflag:s22] =	ssyncset.done $0x0  }
0x54: {  	s15 =	simm.s32 $0x0;
	[sflag:s22] =	ssyncadd.s32 $0xFFFFD800  }
0x55: {  	v0 =	vld [tilespmem:s15+$0x2A80]  }
0x56: {  	v1 =	vld [tilespmem:s15+$0x5280];
	_ =	sdelay $0x1  }
0x57: {  	v2 =	vld [tilespmem:s15+$0x7A80];
	_ =	sdelay $0x2  }
0x58: {  	s16 =	simm.s32 $0x80;
	v3 =	vld [tilespmem:s15+$0xA280];
	v1 =	vadd.f32 v1, v0  }
0x59: {  	v0 =	vld [tilespmem:s16+$0x2A80]  }
0x5a: {  	v4 =	vadd.f32 v2, v1;
	v2 =	vld [tilespmem:s16+$0x5280];
	_ =	sdelay $0x1  }
0x5b: {  	v1 =	vld [tilespmem:s16+$0x7A80]  }
0x5c: {  	s17 =	simm.s32 $0x400;
	v3 =	vadd.f32 v3, v4  }
.LBB2_3:
0x5d: {  	s18 =	sshra.s32 s17, $0x2;
	v4 =	vld [tilespmem:s16+$0xA280];
	p0 =	sne.s32 s17, $0x9E00  }
.Ltmp0:
0x5e: {  	s17 =	sadd.s32 $0x200, s17;
	v5 =	vadd.f32 v2, v0;
	v0 =	vld [tilespmem:s18+$0x2A80];
	[tilespmem:s15+$0xCA80] =	vst v3;
	(pc) =	sbr.rel @p0 .LBB2_3-.Ltmp0, $4  }
0x5f: {  	s15 =	smov.u32 s16;
	s16 =	smov.u32 s18;
	v2 =	vld [tilespmem:s18+$0x5280]  }
0x60: {  	v3 =	vadd.f32 v1, v5  }
0x61: {  	v1 =	vld [tilespmem:s16+$0x7A80]  }
0x62: {  	v3 =	vadd.f32 v4, v3  }
0x63: {  	v4 =	vld [tilespmem:s16+$0xA280]  }
0x64: {  	v0 =	vadd.f32 v2, v0;
	_ =	sdelay $0x1  }
0x65: {  	v0 =	vadd.f32 v1, v0;
	_ =	sdelay $0x1  }
0x66: {  	s1 =	sadd.s32 $0x1, s1;
	v0 =	vadd.f32 v4, v0  }
0x67: {  	s14 =	sshll.u32 s14, $0x4;
	[tilespmem:s15+$0xCA80] =	vst v3;
	p0 =	sne.s32 s1, $0x4  }
.Ltmp1:
0x68: {  	s14 =	sadd.s32 s2, s14;
	[tilespmem:s16+$0xCA80] =	vst v0;
	(pc) =	sbr.rel @p0 .LBB2_2-.Ltmp1, $4  }
0x69: {  	[hbm4b:s14+s3] =	stream.linear.scatter [tilespmem:s0], [sflag:$0x2], $0x2800, $0x38;
	[tilespmem:$0xF280] =	vst v63  }
0x6a: {  	_ =	swait.ge [sflag:s19], $0x2800  }
0x6b: {  	[sflag:s19] =	ssyncset.done $0x0  }
0x6c: {  	[sflag:s19] =	ssyncadd.s32 $0xFFFFD800  }
0x6d: {  	s6 =	sadd.s32 $0x1, s6;
	s1 =	rddreg [dreg:$0x4]  }
0x6e: {  	p0 =	sne.s32 s6, s1  }
.Ltmp2:
0x6f: {  	_ = 	snop;
	(pc) =	sbr.rel @p0 .LBB2_1-.Ltmp2, $1  }
0x70: {  	_ =	sdelay $0x3  }
0x71: {  	_ =	sfence.sel $0x180000  }
0x72: {  	[bflag:$0x0] =	sbarrier.arrive $0xFFFF  }
0x73: {  	_ =	strace $0x90000047  }
0x74: {  	s0 =	stileid.u32;
	[bflag:$0x2] =	sbarrier.arrive $0xFFFF  }
0x75: {  	p0 =	sne.s32 s0, $0x0;
	s0 =	rddreg [dreg:$0x3]  }
0x76: {  	s0 =	sadd.s32 @!p0 $0x100000, s0  }
0x77: {  	[sflag:s0] =	ssyncadd.tile.s32 @!p0 $0x1;
	_ =	shalt  }
.Lfunc_end2:
_tile_overlayer_lowered:
.L_overlay_start_2:
0x78: {  	(tag) =	ssettag $0x2  }
0x79: {  	s0 =	rddreg [dreg:$0x0];
	s2 =	stileid.u32  }
0x7a: {  	s1 =	rddreg [dreg:$0x1];
	p0 =	sne.s32 s2, $0x0  }
0x7b: {  	s3 =	rddreg [dreg:$0x2];
	[bflag:$0x3] =	sbarrier.arrive $0xFFFF;
	s2 =	simm.s32 @!p0 $0x1C02  }
0x7c: {  	[timem:s3], [sflag:s2] =	dma.local @!p0 [hbm:s0], s1  }
0x7d: {  	s0 =	simm.s32 @!p0 $0x2  }
0x7e: {  	_ =	swait.ge @!p0 [sflag:s0], s1  }
0x7f: {  	s1 =	ssub.s32 @!p0 $0x0, s1;
	[sflag:s0] =	ssyncset.done @!p0 $0x0  }
0x80: {  	[sflag:s0] =	ssyncadd.s32 @!p0 s1  }
0x81: {  	[bflag:$0x3] =	sbarrier.arrive $0xFFFF  }
0x82: {  	_ =	shalt  }

// kernel: sparse-core-data-format-call.cloned.1.call-start
scs
called_computation_lowered:
.L_overlay_start_0:
0x0: {  	s2 =	sld [smem:$0x3FD9]  }
0x1: {  	s3 =	sld [smem:$0x3FFE];
	_ =	sdelay $0x1  }
0x2: {  	s1 =	srdreg.scid  }
0x3: {  	s0 =	sand.u32 $0x1, s1  }
0x4: {  	s15 =	sshll.u32 s0, $0xA;
	s2 =	sadd.s32 s3, s2  }
0x5: {  	s2 =	sadd.s32 s2, s15  }
0x6: {  	[smem:$0x3FA1] =	sst s2  }
0x7: {  	_ = 	snop  }
0x8: {  	s2 =	sld [smem:$0x3FD0];
	_ =	sdelay $0x2  }
0x9: {  	s16 =	simm.s32 $0xA;
	s4 =	simm.s32 $0x10  }
0xa: {  	[smem:s4], [sflag:s16] =	dma.local [hbm:s2], $0x1  }
0xb: {  	_ =	swait.eq [sflag:s16], $0x1  }
0xc: {  	[sflag:s16] =	ssyncset.done $0x0  }
0xd: {  	[sflag:s16] =	ssyncadd.s32 $0xFFFFFFFF  }
0xe: {  	s17 =	sld [smem:$0x11];
	(tm) =	ssettm $0x1  }
0xf: {  	s18 =	sld [smem:$0x3FFB];
	_ =	sdelay $0x3  }
0x10: {  	_ =	strace s18  }
0x11: {  	s3 =	sld [smem:$0x3FFC];
	_ =	sdelay $0x3  }
0x12: {  	_ =	strace s3  }
0x13: {  	s3 =	sld [smem:$0x3FFD];
	_ =	sdelay $0x3  }
0x14: {  	_ =	strace s3  }
0x15: {  	_ =	strace $0x8FFFFFFF  }
0x16: {  	s19 =	sld [smem:$0x3FDB];
	_ =	sdelay $0x1  }
0x17: {  	s20 =	simm.s32 $_scs_section_size  }
0x18: {  	s5 =	simm.s32 $_size__tile_overlayer_lowered;
	s6 =	simm.s32 $_tile_overlayer_lowered  }
0x19: {  	s23 =	simm.s32 $0x1BFF;
	s22 =	sshll.u32 s6, $0x1;
	s3 =	sadd.s32 s20, s19  }
0x1a: {  	s7 =	simm.s32 $0x0;
	s21 =	sshll.u32 s5, $0x1;
	s5 =	sadd.s32 s22, s3  }
0x1b: {  	[timem:s7], [sflag:s23] =	dma.local [hbm:s5], s21  }
0x1c: {  	_ =	swait.ge [sflag:s23], s21  }
0x1d: {  	s4 =	ssub.s32 $0x0, s21;
	[sflag:s23] =	ssyncset.done $0x0  }
0x1e: {  	[sflag:s23] =	ssyncadd.s32 s4;
	_ =	sdelay $0x1  }
0x1f: {  	s24 =	simm.s32 $0x1B8B  }
0x20: {  	_ =	swait.ge [sflag:s24], $0x1  }
0x21: {  	[sflag:s24] =	ssyncset.done $0x0  }
0x22: {  	s26 =	simm.s32 $0x1B8E;
	s25 =	sld [smem:$0x3FFE];
	[sflag:s24] =	ssyncadd.s32 $0xFFFFFFFF  }
0x23: {  	s27 =	simm.s32 $execute0_lowered;
	[smem:$0x3FD2] =	sst s26  }
0x24: {  	s5 =	sshll.u32 s27, $0x1;
	_ =	strace $0x8000004F;
	[dreg:$0x1] =	wrdreg $0xFFFFFFFF  }
0x25: {  	s28 =	simm.s32 $_size_execute0_lowered;
	s3 =	sadd.s32 s3, s5;
	[dreg:$0x0] =	wrdreg $0x0  }
0x26: {  	s5 =	sshll.u32 s28, $0x1;
	[dreg:$0x2] =	wrdreg s3  }
0x27: {  	[dreg:$0x3] =	wrdreg s5  }
0x28: {  	[dreg:$0x4] =	wrdreg $0xC0  }
0x29: {  	_ =	task [dreg:s7], $0x5FFFF  }
0x2a: {  	[dreg:$0x1] =	wrdreg $0xFFFFFFFF  }
0x2b: {  	[dreg:$0x0] =	wrdreg $0x60  }
0x2c: {  	[dreg:$0x2] =	wrdreg s25  }
0x2d: {  	[dreg:$0x3] =	wrdreg s17  }
0x2e: {  	[dreg:$0x4] =	wrdreg $0x9  }
0x2f: {  	_ =	task.clear_ibuf [dreg:s7], $0x5FFFF;
	_ =	strace $0x9000004F  }
0x30: {  	s29 =	simm.s32 $0x9;
	_ =	strace $0x80000051  }
0x31: {  	_ =	swait.ge [sflag:s29], $0x1  }
0x32: {  	[sflag:s29] =	ssyncadd.s32 $0xFFFFFFFF  }
0x33: {  	_ =	strace $0x90000051  }
0x34: {  	_ =	sfence  }
0x35: {  	s30 =	sld [smem:$0x0];
	_ =	sdelay $0x2  }
0x36: {  	s31 =	sshll.u32 s1, $0xD;
	s1 =	sshrl.u32 s1, $0x2  }
0x37: {  	s3 =	sand.u32 $0x4000, s31;
	s1 =	sadd.s32 s1, s30  }
0x38: {  	s0 =	sor.u32 s3, s0;
	s1 =	sshll.u32 s1, $0x11  }
0x39: {  	s0 =	sor.u32 s1, s0  }
0x3a: {  	s0 =	sadd.s32 $0x8F2B, s0  }
0x3b: {  	[sflag:s0] =	ssyncadd.remote.s32 $0x1  }
0x3c: {  	_ =	sfence.sel $0xFFFF  }
0x3d: {  	[dreg:$0x0] =	wrdreg $0xFFFFFFFF;
	(pc) =	sbr.abs _section_cstart, $3  }
0x3e: {  	[dreg:$0x1] =	wrdreg $0xFFFFFFFF  }
0x3f: {  	_ =	task.clear_ibuf [dreg:s7], $0x2FFFF;
	_ =	strace $0x9FFFFFFF  }
0x40: {  	(tm) =	ssettm $0x7FFFFFFF  }
0x41: {  	_ =	shalt  }
tec
execute0_lowered:
.L_overlay_start_1:
0x0: {  	(tag) =	ssettag $0x1  }
0x1: {  	s0 =	srdreg.scid  }
0x2: {  	s2 =	stileid.u32;
	s1 =	rddreg [dreg:$0x0]  }
0x3: {  	_ =	strace $0x80000050;
	s3 =	simm.s32 $0x1;
	s31 =	simm.s32 $0x2  }
0x4: {  	s17 =	simm.s32 $0x0;
	s19 =	simm.s32 $0x0;
	s18 =	simm.s32 $0x0  }
0x5: {  	s10 =	simm.s32 $0x0;
	s11 =	simm.s32 $0x0;
	s0 =	sshll.u32 s0, $0x3  }
0x6: {  	s13 =	simm.s32 $0x0;
	s6 =	sshll.u32 s2, $0x3;
	s9 =	sand.u32 $0x8, s0  }
0x7: {  	s12 =	simm.s32 $0x0;
	s0 =	ssub.s32 $0x64, s6;
	s30 =	ssub.s32 $0x10, s9  }
0x8: {  	s16 =	simm.s32 $0x0;
	p0 =	sgt.s32 s0, $0x0;
	s2 =	sshrl.u32 s30, $0x4  }
0x9: {  	s21 =	sadd.s32 $0x14D400, s1;
	s0 =	simm.s32 @!p0 $0x0;
	s2 =	smul.u32 $0x14, s2  }
.Ltmp0:
0xa: {  	[dreg:$0x3] =	wrdreg s6;
	s0 =	sand.u32 $0x7C, s0;
	(pc) =	sbr.rel .LBB1_1-.Ltmp0, $4  }
0xb: {  	[dreg:$0x6] =	wrdreg s21;
	p0 =	seq.s32 s0, $0x0;
	s20 =	sadd.s32 $0x14, s2  }
0xc: {  	[sflag:s3] =	ssyncpa.u1 $0x0;
	[dreg:$0x4] =	wrdreg s9;
	s20 =	simm.s32 @p0 $0x0  }
0xd: {  	[sflag:s31] =	ssyncpa.u1 $0x0;
	s22 =	sor.u32 $0x1, s20;
	[dreg:$0x5] =	wrdreg s20  }
0xe: {  	s15 =	smov.u32 s6;
	s14 =	smov.u32 s9;
	[dreg:$0x7] =	wrdreg s22  }
.LBB1_14:
0xf: {  	s0 =	sshrl.u32 s13, $0x3;
	s1 =	sshll.u32 s10, $0x3  }
0x10: {  	s2 =	sand.u32 $0x7F, s10;
	s3 =	sshll.u32 s13, $0x7;
	p0 =	sgt.s32 s11, $0xD  }
0x11: {  	s0 =	smul.u32 $0xA000, s0;
	s8 =	sand.u32 $0x380, s3;
	s3 =	smov.u32 s11  }
0x12: {  	s25 =	smul.u32 $0x10400, s11;
	s1 =	sand.u32 $0xFFFFFC00, s1;
	s3 =	simm.s32 @!p0 $0xD  }
0x13: {  	p0 =	sgt.s32 s13, $0x60;
	s0 =	sadd.s32 s0, s1;
	s1 =	sor.u32 s8, s2  }
0x14: {  	s2 =	smov.u32 s13;
	s3 =	sadd.s32 s22, s3;
	s1 =	sor.u32 s0, s1  }
0x15: {  	s2 =	simm.s32 @!p0 $0x60;
	s0 =	smulhi.u32 $0xCCCCCCCD, s0;
	s4 =	sadd.s32 $0xFFFFFFF3, s3  }
0x16: {  	s3 =	ssub.s32 $0x15, s3;
	s2 =	sadd.s32 s20, s2;
	p0 =	sgt.s32 s4, $0x7  }
0x17: {  	s20 =	smulhi.u32 $0xCCCCCCCD, s1;
	s9 =	sadd.s32 $0xFFFFFFA0, s2;
	s3 =	simm.s32 @p0 $0x0  }
0x18: {  	s2 =	ssub.s32 $0x68, s2;
	s0 =	sshrl.u32 s0, $0xC;
	p0 =	sgt.s32 s9, $0x7  }
0x19: {  	s24 =	smulhi.u32 $0x2762763, s0;
	s2 =	simm.s32 @p0 $0x0  }
0x1a: {  	s26 =	rddreg [dreg:$0x1];
	s29 =	sor.u32 $0x8000, s23;
	s2 =	smul.u32 s2, s3  }
0x1b: {  	s6 =	rddreg [dreg:$0x3];
	s22 =	sshrl.u32 s20, $0xC;
	s4 =	smul.u32 $0x68, s24  }
0x1c: {  	s31 =	simm.s32 $0x82000;
	s9 =	rddreg [dreg:$0x4];
	s3 =	smul.u32 $0x1400, s22  }
0x1d: {  	s20 =	rddreg [dreg:$0x5];
	s2 =	smul.u32 s21, s2;
	s0 =	ssub.s32 s0, s4  }
0x1e: {  	s22 =	rddreg [dreg:$0x7];
	s1 =	ssub.s32 s1, s3;
	s0 =	smul.u32 $0x280, s0  }
0x1f: {  	s3 =	sadd.s32 s26, s25;
	s21 =	rddreg [dreg:$0x6];
	s27 =	sand.u32 $0x7, s1  }
0x20: {  	s1 =	sshrl.u32 s1, $0x3;
	s28 =	sshll.u32 s27, $0x12;
	s0 =	sadd.s32 s0, s3  }
0x21: {  	s2 =	sand.u32 $0x3FFFFFFF, s2;
	s30 =	sor.u32 $0x800, s28;
	s0 =	sadd.s32 s1, s0  }
0x22: {  	[hbm4b:s0+s30] =	stream.strided.scatter [tilespmem:s29], [sflag:$0x2], s2, s31, s30, $0x38;
	[tilespmem:$0x10000] =	vst v63  }
.LBB1_15:
0x23: {  	p0 =	slt.u32 s16, $0x2  }
0x24: {  	s0 =	smov.u32 s19;
	p1 =	sgt.s32 @!p0 s19, $0xD  }
0x25: {  	s2 =	smov.u32 s18;
	s1 =	sshra.s32 @!p0 s19, $0x1F;
	p1 =	por !p1, p0  }
0x26: {  	s1 =	sand.u32 @!p0 s1, s19;
	s0 =	simm.s32 @p1 $0xD;
	p1 =	sgt.s32 @!p0 s18, $0x60  }
0x27: {  	s3 =	sshra.s32 @!p0 s18, $0x1F;
	p1 =	por !p1, p0;
	s0 =	ssub.s32 @!p0 s0, s1  }
0x28: {  	s1 =	sand.u32 @!p0 s3, s18;
	s2 =	simm.s32 @p1 $0x60;
	s3 =	sadd.s32 @!p0 $0xFFFFFFF3, s0  }
0x29: {  	p1 =	sgt.s32 @!p0 s17, $0x1300;
	s1 =	ssub.s32 @!p0 s2, s1;
	p2 =	sgt.s32 @!p0 s3, $0x7  }
0x2a: {  	p1 =	por !p1, p0;
	s3 =	smov.u32 s17;
	s2 =	sadd.s32 @!p0 $0xFFFFFFA0, s1  }
0x2b: {  	s3 =	simm.s32 @p1 $0x1300;
	p1 =	sgt.s32 @!p0 s2, $0x7;
	s2 =	sshra.s32 @!p0 s17, $0x1F  }
0x2c: {  	s0 =	ssub.s32 @!p0 $0x15, s0;
	p2 =	por !p2, p0;
	s2 =	sand.u32 @!p0 s2, s17  }
0x2d: {  	s1 =	ssub.s32 @!p0 $0x68, s1;
	p1 =	por !p1, p0;
	s2 =	ssub.s32 @!p0 s3, s2  }
0x2e: {  	s0 =	simm.s32 @!p2 $0x0;
	s1 =	simm.s32 @!p1 $0x0;
	s3 =	sadd.s32 @!p0 $0xFFFFED00, s2  }
0x2f: {  	s4 =	smov.u32 s14;
	s0 =	smul.u32 @!p0 s1, s0;
	p1 =	sgt.s32 @!p0 s3, $0xFF  }
0x30: {  	s1 =	ssub.s32 @!p0 $0x1400, s2;
	s2 =	sadd.s32 $0x100, s12;
	p1 =	por !p1, p0  }
0x31: {  	s3 =	sadd.s32 $0x10, s14;
	s1 =	simm.s32 @!p1 $0x0;
	p1 =	sgt.s32 s2, $0x1387  }
0x32: {  	s0 =	smul.u32 @!p0 s1, s0;
	s4 =	smov.u32 @p1 s3  }
0x33: {  	s1 =	sadd.s32 $0x80, s15;
	s3 =	smov.u32 s15;
	p2 =	sgt.s32 s4, $0x14  }
0x34: {  	s19 =	smov.u32 s11;
	s3 =	smov.u32 @p2 s1  }
0x35: {  	s11 =	smov.u32 s14;
	s2 =	simm.s32 @p1 $0x0;
	p1 =	sgt.s32 s3, $0x63  }
0x36: {  	s18 =	smov.u32 s13;
	s3 =	smov.u32 @p1 s6;
	p1 =	sne.s32 s16, s22  }
.Ltmp1:
0x37: {  	s13 =	smov.u32 s15;
	s17 =	smov.u32 s10;
	(pc) =	sbr.rel @!p1 .LBB1_16-.Ltmp1, $4  }
0x38: {  	s10 =	smov.u32 s12;
	s0 =	sand.u32 @!p0 $0x3FFFFFFF, s0;
	s1 =	simm.s32 @!p0 $0x2  }
0x39: {  	s12 =	smov.u32 s2;
	s4 =	smov.u32 @p2 s9;
	_ =	swait.ge @!p0 [sflag:s1], s0  }
0x3a: {  	s0 =	ssub.s32 @!p0 $0x0, s0;
	s14 =	smov.u32 s4;
	[sflag:s1] =	ssyncset.done @!p0 $0x0  }
0x3b: {  	s16 =	sadd.s32 $0x1, s16;
	[sflag:s1] =	ssyncadd.s32 @!p0 s0;
	s15 =	smov.u32 s3  }
.LBB1_1:
0x3c: {  	p0 =	sge.u32 s16, s20  }
0x3d: {  	s4 =	smov.u32 s15;
	s0 =	sshrl.u32 @!p0 s14, $0x3  }
0x3e: {  	s7 =	smov.u32 s14;
	s1 =	sshll.u32 @!p0 s12, $0x3;
	s0 =	smul.u32 @!p0 $0xA000, s0  }
0x3f: {  	s2 =	sand.u32 @!p0 $0x7F, s12;
	p1 =	sgt.s32 @!p0 s15, $0x5C;
	s1 =	sand.u32 @!p0 $0xFFFFFC00, s1  }
0x40: {  	p1 =	por !p1, p0;
	s0 =	sadd.s32 @!p0 s0, s1;
	s1 =	sshll.u32 @!p0 s14, $0x7  }
0x41: {  	s5 =	sshra.s32 @!p0 s15, $0x1F;
	s4 =	simm.s32 @p1 $0x5C;
	s1 =	sand.u32 @!p0 $0x380, s1  }
0x42: {  	p1 =	sgt.s32 @!p0 s14, $0x10;
	s1 =	sor.u32 @!p0 s2, s1;
	s2 =	sand.u32 @!p0 s5, s15  }
0x43: {  	s8 =	sshra.s32 @!p0 s14, $0x1F;
	p1 =	por !p1, p0;
	s2 =	ssub.s32 @!p0 s4, s2  }
0x44: {  	s7 =	simm.s32 @p1 $0x10;
	p1 =	sgt.s32 @!p0 s12, $0x1300;
	s4 =	sadd.s32 @!p0 $0xFFFFFFA4, s2  }
0x45: {  	s5 =	smulhi.u32 @!p0 $0xCCCCCCCD, s0;
	p2 =	sgt.s32 @!p0 s4, $0x7;
	s4 =	sand.u32 @!p0 s8, s14  }
0x46: {  	p1 =	por !p1, p0;
	s2 =	ssub.s32 @!p0 $0x64, s2;
	s4 =	ssub.s32 @!p0 s7, s4  }
0x47: {  	s8 =	smov.u32 s12;
	p2 =	por !p2, p0;
	s7 =	sadd.s32 @!p0 $0xFFFFFFF0, s4  }
0x48: {  	s8 =	simm.s32 @p1 $0x1300;
	p1 =	sgt.s32 @!p0 s7, $0x7;
	s7 =	sshra.s32 @!p0 s12, $0x1F  }
0x49: {  	s4 =	ssub.s32 @!p0 $0x18, s4;
	p1 =	por !p1, p0;
	s7 =	sand.u32 @!p0 s7, s12  }
0x4a: {  	s2 =	simm.s32 @!p2 $0x0;
	s7 =	ssub.s32 @!p0 s8, s7;
	s4 =	simm.s32 @!p1 $0x0  }
0x4b: {  	s5 =	sshrl.u32 @!p0 s5, $0xC;
	s2 =	smul.u32 @!p0 s2, s4;
	s4 =	sadd.s32 @!p0 $0xFFFFED00, s7  }
0x4c: {  	s0 =	sor.u32 @!p0 s0, s1;
	s1 =	smulhi.u32 @!p0 $0xAAAAAAB, s5;
	p1 =	sgt.s32 @!p0 s4, $0xFF  }
0x4d: {  	s7 =	ssub.s32 @!p0 $0x1400, s7;
	s4 =	smulhi.u32 @!p0 $0xCCCCCCCD, s0;
	p1 =	por !p1, p0  }
0x4e: {  	s1 =	smul.u32 @!p0 $0x18, s1;
	s7 =	simm.s32 @!p1 $0x0  }
0x4f: {  	s4 =	sshrl.u32 @!p0 s4, $0xC;
	s2 =	smul.u32 @!p0 s7, s2  }
0x50: {  	s31 =	sadd.s32 $0xFFFFFFFF, s16;
	s7 =	sxor.u32 @!p0 $0xFFFFFFFF, s16;
	s4 =	smul.u32 @!p0 $0x1400, s4  }
0x51: {  	s1 =	ssub.s32 @!p0 s5, s1;
	s5 =	smul.u32 @!p0 $0x3C00, s15;
	s7 =	sshll.u32 @!p0 s7, $0xE  }
0x52: {  	s1 =	smul.u32 @!p0 $0x280, s1;
	s7 =	sand.u32 @!p0 $0x4000, s7;
	s0 =	ssub.s32 @!p0 s0, s4  }
0x53: {  	s2 =	sand.u32 @!p0 $0x3FFFFFFF, s2;
	s4 =	sadd.s32 @!p0 s21, s5;
	s5 =	sand.u32 @!p0 $0x7, s0  }
0x54: {  	s0 =	sshrl.u32 @!p0 s0, $0x3;
	s1 =	sadd.s32 @!p0 s1, s4;
	s4 =	sshll.u32 @!p0 s5, $0x12  }
0x55: {  	s0 =	sadd.s32 @!p0 s0, s1;
	s1 =	sor.u32 @!p0 $0x800, s4;
	s4 =	simm.s32 @!p0 $0x1E000  }
0x56: {  	[tilespmem:s7], [sflag:$0x1] =	stream.strided.gather @!p0 [hbm4b:s0+s1], s2, s4, s1, $0x38;
	[tilespmem:$0x10000] =	vst v63  }
0x57: {  	p0 =	sge.u32 s31, s20  }
.Ltmp2:
0x58: {  	_ = 	snop;
	(pc) =	sbr.rel @p0 .LBB1_15-.Ltmp2, $1  }
0x59: {  	_ =	sdelay $0x3  }
0x5a: {  	s0 =	ssub.s32 $0x0, s13;
	s1 =	sshra.s32 s13, $0x1F;
	p0 =	sgt.s32 s13, $0x5C  }
0x5b: {  	s2 =	smov.u32 s13;
	s23 =	ssub.s32 $0x0, s11;
	s4 =	sshra.s32 s11, $0x1F  }
0x5c: {  	s5 =	smov.u32 s11;
	s20 =	sand.u32 s0, s1;
	s2 =	simm.s32 @!p0 $0x5C  }
0x5d: {  	s26 =	sshra.s32 s10, $0x1F;
	p0 =	sgt.s32 s11, $0x10;
	s0 =	sadd.s32 s20, s2  }
0x5e: {  	s5 =	simm.s32 @!p0 $0x10;
	p0 =	sgt.s32 s10, $0x1300;
	s22 =	sadd.s32 $0xFFFFFFA4, s0  }
0x5f: {  	s2 =	smov.u32 s10;
	p1 =	sgt.s32 s22, $0x7;
	s22 =	sand.u32 s23, s4  }
0x60: {  	s27 =	sand.u32 s26, s10;
	s2 =	simm.s32 @!p0 $0x1300;
	s24 =	sadd.s32 s22, s5  }
0x61: {  	s0 =	ssub.s32 $0x64, s0;
	s2 =	ssub.s32 s2, s27;
	s25 =	sadd.s32 $0xFFFFFFF0, s24  }
0x62: {  	s0 =	simm.s32 @p1 $0x0;
	s1 =	ssub.s32 $0x18, s24;
	p0 =	sgt.s32 s25, $0x7  }
0x63: {  	s28 =	sadd.s32 $0xFFFFED00, s2;
	s21 =	ssub.s32 $0x1400, s2;
	s1 =	simm.s32 @p0 $0x0  }
0x64: {  	p0 =	sgt.s32 s28, $0xFF;
	s0 =	smul.u32 s0, s1;
	s1 =	sadd.s32 $0x8, s13  }
0x65: {  	s2 =	sadd.s32 $0x8, s11;
	s21 =	simm.s32 @p0 $0x0;
	p0 =	slt.s32 s1, $0x64  }
0x66: {  	s1 =	simm.s32 @!p0 $0x64;
	p0 =	slt.s32 s2, $0x15  }
0x67: {  	s24 =	ssub.s32 s1, s13;
	s2 =	simm.s32 @!p0 $0x15  }
0x68: {  	s25 =	ssub.s32 s2, s11;
	p0 =	slt.s32 s24, $0x1  }
0x69: {  	p1 =	slt.s32 @!p0 s25, $0x1  }
0x6a: {  	s0 =	smul.u32 s21, s0;
	p1 =	por p0, p1  }
.Ltmp3:
0x6b: {  	_ = 	snop;
	(pc) =	sbr.rel @p1 .LBB1_14-.Ltmp3, $4  }
0x6c: {  	s30 =	simm.s32 $0x1;
	s0 =	sand.u32 $0x3FFFFFFF, s0  }
0x6d: {  	_ =	swait.ge [sflag:s30], s0  }
0x6e: {  	s31 =	sshll.u32 s16, $0xE;
	s29 =	ssub.s32 $0x0, s0;
	[sflag:s30] =	ssyncset.done $0x0  }
0x6f: {  	s23 =	sand.u32 $0x4000, s31;
	[sflag:s30] =	ssyncadd.s32 s29  }
0x70: {  	s0 =	sadd.s32 $0x100, s10  }
0x71: {  	p1 =	slt.s32 s0, $0x1388  }
.Ltmp4:
0x72: {  	s0 =	simm.s32 @!p1 $0x1388;
	(pc) =	sbr.rel .LBB1_4-.Ltmp4, $4  }
0x73: {  	s0 =	ssub.s32 s0, s10  }
0x74: {  	s28 =	sor.u32 @!p0 $0x8000, s23;
	s30 =	simm.s32 $0x0;
	s0 =	sadd.s32 $0xF, s0  }
0x75: {  	s26 =	sand.u32 $0xFFFFFFF0, s0;
	s1 =	sshll.u32 s0, $0x3;
	s27 =	sand.u32 @!p0 $0xFFFFFF00, s0  }
0x76: {  	p0 =	slt.s32 s0, $0x100;
	s29 =	sand.u32 $0xFFFFF800, s1;
	p1 =	sge.s32 s27, s26  }
.LBB1_13:
0x77: {  	s30 =	sadd.s32 $0x1, s30  }
0x78: {  	p2 =	sne.s32 s30, s24  }
.Ltmp5:
0x79: {  	_ = 	snop;
	(pc) =	sbr.rel @!p2 .LBB1_14-.Ltmp5, $1  }
0x7a: {  	_ =	sdelay $0x3  }
.LBB1_4:
.Ltmp6:
0x7b: {  	(pc) =	sbr.rel .LBB1_5-.Ltmp6, $4  }
0x7c: {  	s0 =	sshll.u32 s30, $0xD;
	s1 =	sshll.u32 s30, $0x7  }
0x7d: {  	s0 =	sshra.s32 s0, $0x2;
	s9 =	sand.u32 $0x300, s1;
	s2 =	sand.u32 $0x380, s1  }
0x7e: {  	s4 =	sand.u32 $0x80, s1;
	s31 =	sadd.s32 s0, s23;
	s0 =	sadd.s32 s9, s28  }
0x7f: {  	s1 =	sadd.s32 s2, s28;
	s0 =	sadd.s32 s4, s0;
	s4 =	simm.s32 $0x0  }
.LBB1_12:
0x80: {  	s4 =	sadd.s32 $0x1, s4  }
0x81: {  	p2 =	sne.s32 s4, s25  }
.Ltmp7:
0x82: {  	_ = 	snop;
	(pc) =	sbr.rel @!p2 .LBB1_13-.Ltmp7, $1  }
0x83: {  	_ =	sdelay $0x3  }
.LBB1_5:
.Ltmp8:
0x84: {  	(pc) =	sbr.rel @p0 .LBB1_9-.Ltmp8, $2  }
0x85: {  	_ =	sdelay $0x2  }
0x86: {  	s5 =	sshll.u32 s4, $0x7;
	s9 =	sshll.u32 s4, $0xD  }
0x87: {  	s2 =	sand.u32 $0x380, s5  }
0x88: {  	s8 =	sadd.s32 s2, s31  }
0x89: {  	v0 =	vld [tilespmem:s8+$0x440]  }
0x8a: {  	v1 =	vld [tilespmem:s8+$0x0]  }
0x8b: {  	v2 =	vld [tilespmem:s8+$0x10]  }
0x8c: {  	s7 =	sshra.s32 s9, $0x2;
	v3 =	vld [tilespmem:s8+$0x470]  }
0x8d: {  	s7 =	sadd.s32 s7, s1;
	v4 =	vld [tilespmem:s8+$0x460]  }
0x8e: {  	v5 =	vld [tilespmem:s8+$0x20];
	[tilespmem:s7+$0x440] =	vst v0  }
0x8f: {  	v6 =	vld [tilespmem:s8+$0x70];
	[tilespmem:s7+$0x0] =	vst v1  }
0x90: {  	[tilespmem:s7+$0x10] =	vst v2;
	v2 =	vld [tilespmem:s8+$0x40]  }
0x91: {  	v0 =	vld [tilespmem:s8+$0x30];
	[tilespmem:s7+$0x470] =	vst v3  }
0x92: {  	v3 =	vld [tilespmem:s8+$0x400];
	[tilespmem:s7+$0x460] =	vst v4  }
0x93: {  	p2 =	sgt.s32 s27, $0x100;
	[tilespmem:s7+$0x20] =	vst v5;
	v5 =	vld [tilespmem:s8+$0x410]  }
.Ltmp9:
0x94: {  	v1 =	vld [tilespmem:s8+$0x420];
	[tilespmem:s7+$0x70] =	vst v6;
	(pc) =	sbr.rel @!p2 .LBB1_8-.Ltmp9, $4  }
0x95: {  	[tilespmem:s7+$0x40] =	vst v2;
	v2 =	vld [tilespmem:s8+$0x430]  }
0x96: {  	[tilespmem:s7+$0x30] =	vst v0;
	v0 =	vld [tilespmem:s8+$0x60]  }
0x97: {  	[tilespmem:s7+$0x400] =	vst v3;
	v3 =	vld [tilespmem:s8+$0x450]  }
0x98: {  	s2 =	simm.s32 $0x100;
	v4 =	vld [tilespmem:s8+$0x50];
	[tilespmem:s7+$0x410] =	vst v5  }
.LBB1_7:
0x99: {  	v5 =	vld [tilespmem:s8+$0x440];
	s2 =	sadd.s32 $0x100, s2;
	[tilespmem:s7+$0x420] =	vst v1  }
0x9a: {  	v1 =	vld [tilespmem:s8+$0x0];
	p2 =	slt.s32 s2, s27;
	[tilespmem:s7+$0x430] =	vst v2  }
0x9b: {  	v2 =	vld [tilespmem:s8+$0x10];
	[tilespmem:s7+$0x60] =	vst v0  }
0x9c: {  	v0 =	vld [tilespmem:s8+$0x470];
	[tilespmem:s7+$0x450] =	vst v3  }
0x9d: {  	v3 =	vld [tilespmem:s8+$0x460];
	[tilespmem:s7+$0x50] =	vst v4  }
0x9e: {  	v4 =	vld [tilespmem:s8+$0x20];
	[tilespmem:s7+$0x440] =	vst v5  }
0x9f: {  	[tilespmem:s7+$0x0] =	vst v1;
	v1 =	vld [tilespmem:s8+$0x30]  }
0xa0: {  	[tilespmem:s7+$0x10] =	vst v2;
	v2 =	vld [tilespmem:s8+$0x40]  }
0xa1: {  	v5 =	vld [tilespmem:s8+$0x70];
	[tilespmem:s7+$0x470] =	vst v0  }
0xa2: {  	v6 =	vld [tilespmem:s8+$0x400];
	[tilespmem:s7+$0x460] =	vst v3  }
0xa3: {  	[tilespmem:s7+$0x20] =	vst v4;
	v7 =	vld [tilespmem:s8+$0x410]  }
.Ltmp10:
0xa4: {  	[tilespmem:s7+$0x30] =	vst v1;
	v1 =	vld [tilespmem:s8+$0x420];
	(pc) =	sbr.rel @p2 .LBB1_7-.Ltmp10, $4  }
0xa5: {  	[tilespmem:s7+$0x40] =	vst v2;
	v2 =	vld [tilespmem:s8+$0x430]  }
0xa6: {  	v0 =	vld [tilespmem:s8+$0x60];
	[tilespmem:s7+$0x70] =	vst v5  }
0xa7: {  	[tilespmem:s7+$0x400] =	vst v6;
	v3 =	vld [tilespmem:s8+$0x450]  }
0xa8: {  	v4 =	vld [tilespmem:s8+$0x50];
	[tilespmem:s7+$0x410] =	vst v7  }
.LBB1_8:
0xa9: {  	[tilespmem:s7+$0x420] =	vst v1  }
0xaa: {  	[tilespmem:s7+$0x430] =	vst v2  }
0xab: {  	[tilespmem:s7+$0x60] =	vst v0  }
0xac: {  	[tilespmem:s7+$0x450] =	vst v3  }
0xad: {  	[tilespmem:s7+$0x50] =	vst v4  }
.LBB1_9:
.Ltmp11:
0xae: {  	(pc) =	sbr.rel @p1 .LBB1_12-.Ltmp11, $1  }
0xaf: {  	_ =	sdelay $0x3  }
0xb0: {  	s2 =	sand.u32 $0x300, s5;
	s7 =	sshra.s32 s9, $0x2  }
0xb1: {  	s8 =	sand.u32 $0x80, s5;
	s2 =	sadd.s32 s2, s31;
	s5 =	sadd.s32 s7, s0  }
0xb2: {  	s7 =	smov.u32 s29;
	s2 =	sadd.s32 s8, s2;
	s8 =	smov.u32 s27  }
.LBB1_11:
0xb3: {  	s9 =	sand.u32 $0x400, s7  }
0xb4: {  	s3 =	sand.u32 $0x70, s8;
	s6 =	sadd.s32 s9, s2  }
0xb5: {  	s8 =	sadd.s32 $0x10, s8;
	s6 =	sadd.s32 s3, s6  }
0xb6: {  	p2 =	slt.s32 s8, s26;
	v0 =	vld [tilespmem:s6+$0x0]  }
.Ltmp12:
0xb7: {  	_ = 	snop;
	(pc) =	sbr.rel @p2 .LBB1_11-.Ltmp12, $4  }
0xb8: {  	_ = 	snop  }
0xb9: {  	s9 =	sadd.s32 s9, s5  }
0xba: {  	s3 =	sadd.s32 s3, s9  }
0xbb: {  	s7 =	sadd.s32 $0x80, s7;
	[tilespmem:s3+$0x0] =	vst v0  }
.Ltmp13:
0xbc: {  	_ = 	snop;
	(pc) =	sbr.rel .LBB1_12-.Ltmp13, $1  }
0xbd: {  	_ =	sdelay $0x3  }
.LBB1_16:
0xbe: {  	_ =	sfence.sel $0x180000  }
0xbf: {  	s0 =	simm.s32 $0x1;
	[bflag:$0x0] =	sbarrier.arrive $0xFFFF  }
0xc0: {  	s30 =	simm.s32 $0x2;
	[sflag:s0] =	ssyncpa.u1 $0x1  }
0xc1: {  	[sflag:s30] =	ssyncpa.u1 $0x1  }
0xc2: {  	_ =	strace $0x90000050  }
0xc3: {  	s31 =	stileid.u32;
	[bflag:$0x2] =	sbarrier.arrive $0xFFFF  }
0xc4: {  	p0 =	sne.s32 s31, $0x0;
	s0 =	rddreg [dreg:$0x2]  }
0xc5: {  	s0 =	sadd.s32 @!p0 $0x100000, s0  }
0xc6: {  	[sflag:s0] =	ssyncadd.tile.s32 @!p0 $0x1;
	_ =	shalt  }
.Lfunc_end1:
_tile_overlayer_lowered:
.L_overlay_start_2:
0xc7: {  	(tag) =	ssettag $0x2  }
0xc8: {  	s0 =	rddreg [dreg:$0x0];
	s2 =	stileid.u32  }
0xc9: {  	s1 =	rddreg [dreg:$0x1];
	p0 =	sne.s32 s2, $0x0  }
0xca: {  	s3 =	rddreg [dreg:$0x2];
	[bflag:$0x3] =	sbarrier.arrive $0xFFFF;
	s2 =	simm.s32 @!p0 $0x1C01  }
0xcb: {  	[timem:s3], [sflag:s2] =	dma.local @!p0 [hbm:s0], s1  }
0xcc: {  	s0 =	simm.s32 @!p0 $0x1  }
0xcd: {  	_ =	swait.ge @!p0 [sflag:s0], s1  }
0xce: {  	s1 =	ssub.s32 @!p0 $0x0, s1;
	[sflag:s0] =	ssyncset.done @!p0 $0x0  }
0xcf: {  	[sflag:s0] =	ssyncadd.s32 @!p0 s1  }
0xd0: {  	[bflag:$0x3] =	sbarrier.arrive $0xFFFF  }
0xd1: {  	_ =	shalt  }

</sc_bundles>
